<compile_context>
chip_gen: v7x
topology: tpu7x:2x2x1
jax: 0.10.2.dev20260603
libtpu: 0.0.44.dev20260713+nightly
codegen_flags: <defaults>
</compile_context>

<pallas_src>
import jax
import jax.numpy as jnp
from jax import lax
from jax.experimental import pallas as pl
from jax.experimental.pallas import tpu as pltpu
from jax.experimental.pallas import tpu_sc as plsc

N_NODES = 10000
N_EDGES = 320000
D_FEAT = 128
D_EDGE = 16
HIDDEN = 64

NC = 2
NS = 16
FG = D_EDGE // NC
BATCH = 128
NB = N_EDGES // BATCH
CHUNK_B = 16
N_CHUNKS = 10
N_PAD = 10240

_sc_mesh = plsc.VectorSubcoreMesh(core_axis_name="c", subcore_axis_name="s",
                                  num_cores=NC, num_subcores=NS)


NROW = FG * N_PAD // BATCH
RPT = NROW // NS


def _segment_sum_body(attr_hbm, idx_hbm, out_hbm, idx_c, vals_c, table, ident,
                      zbuf, acc_sh, sems):
    cid = lax.axis_index("c")
    sid = lax.axis_index("s")

    iota16 = lax.iota(jnp.int32, 16)
    zeros16f = jnp.zeros((16,), jnp.float32)

    @plsc.parallel_loop(0, 5)
    def _ident(t):
        for j in range(8):
            ident[t, pl.ds(j * 16, 16)] = iota16 + (t * 128 + j * 16)

    @plsc.parallel_loop(0, RPT)
    def _zb(r):
        for j in range(8):
            zbuf[r, pl.ds(j * 16, 16)] = zeros16f

    pltpu.sync_copy(zbuf, acc_sh.at[pl.ds(sid * RPT, RPT)])

    nb = jnp.where(sid < 4, 157, 156)
    base = 156 * sid + jnp.minimum(sid, 4)

    def cb0_of(k):
        return jnp.minimum(base + k * CHUNK_B, NB - CHUNK_B)

    def issue(k, b):
        cb0 = cb0_of(k)
        pltpu.async_copy(idx_hbm.at[pl.ds(cb0, CHUNK_B), 0], idx_c.at[b],
                         sems.at[b])
        pltpu.async_copy(attr_hbm.at[cid, pl.ds(cb0, CHUNK_B)], vals_c.at[b],
                         sems.at[b])

    for b in range(2):
        issue(b, b)

    @plsc.parallel_loop(0, NROW)
    def _zero(kz):
        for j in range(8):
            table[kz, pl.ds(j * 16, 16)] = zeros16f

    @pl.loop(0, N_CHUNKS // 2)
    def _ring(kk):
        for b in range(2):
            k = kk * 2 + b
            cb0 = cb0_of(k)
            pltpu.make_async_copy(idx_hbm.at[pl.ds(cb0, CHUNK_B), 0],
                                  idx_c.at[b], sems.at[b]).wait()
            pltpu.make_async_copy(attr_hbm.at[cid, pl.ds(cb0, CHUNK_B)],
                                  vals_c.at[b], sems.at[b]).wait()
            d0 = base + k * CHUNK_B - cb0
            vb = jnp.minimum(nb - k * CHUNK_B, CHUNK_B)

            @plsc.parallel_loop(0, vb)
            def _batch(bi):
                off = d0 + bi
                for j2 in range(BATCH // 16):
                    idxv = idx_c[b, off, pl.ds(j2 * 16, 16)]
                    row0 = lax.shift_right_logical(idxv, 7)
                    colv = lax.bitwise_and(idxv, 127)
                    for f in range(FG):
                        valv = vals_c[b, off, f, pl.ds(j2 * 16, 16)]
                        plsc.addupdate_scatter(
                            table, [row0 + (f * (N_PAD // BATCH)), colv], valv)

            @pl.when(k + 2 < N_CHUNKS)
            def _():
                issue(k + 2, b)

    plsc.subcore_barrier()
    for t in range(NROW // BATCH):
        pltpu.sync_copy(table.at[pl.ds(t * BATCH, BATCH)],
                        acc_sh.at[ident.at[t]], add=True)
    plsc.subcore_barrier()
    pltpu.sync_copy(acc_sh.at[pl.ds(sid * RPT, RPT)],
                    out_hbm.at[cid, pl.ds(sid * RPT, RPT)])


_segment_sum_sc = pl.kernel(
    _segment_sum_body,
    out_type=jax.ShapeDtypeStruct((NC, NROW, BATCH), jnp.float32),
    mesh=_sc_mesh,
    scratch_types=[
        pltpu.VMEM((2, CHUNK_B, BATCH), jnp.int32),
        pltpu.VMEM((2, CHUNK_B, FG, BATCH), jnp.float32),
        pltpu.VMEM((NROW, BATCH), jnp.float32),
        pltpu.VMEM((NROW // BATCH, BATCH), jnp.int32),
        pltpu.VMEM((RPT, BATCH), jnp.float32),
        pltpu.VMEM_SHARED((NROW, BATCH), jnp.float32),
        pltpu.SemaphoreType.DMA((2,)),
    ],
    compiler_params=pltpu.CompilerParams(use_tc_tiling_on_sc=False,
                                         needs_layout_passes=False),
)


ROW_BLK = 2048
LB = ROW_BLK // BATCH


def _xw_body(x_ref, w1a_ref, b1_ref, t_ref):
    t_ref[...] = jnp.dot(x_ref[...], w1a_ref[...],
                         preferred_element_type=jnp.float32) + b1_ref[...]


def _xw_tc(x, W1a, b1):
    grid = (pl.cdiv(N_NODES, ROW_BLK),)
    return pl.pallas_call(
        _xw_body,
        grid=grid,
        in_specs=[
            pl.BlockSpec((ROW_BLK, D_FEAT), lambda i: (i, 0)),
            pl.BlockSpec((D_FEAT, HIDDEN), lambda i: (0, 0)),
            pl.BlockSpec((1, HIDDEN), lambda i: (0, 0)),
        ],
        out_specs=pl.BlockSpec((ROW_BLK, HIDDEN), lambda i: (i, 0)),
        out_shape=jax.ShapeDtypeStruct((N_NODES, HIDDEN), jnp.float32),
    )(x, W1a, b1)


def _mlp_body(t_ref, p_ref, w1b0_ref, w1b1_ref, w2_ref,
              b2_ref, w3_ref, b3col_ref, o_ref):
    agg0 = jnp.concatenate([p_ref[0, :, a, :] for a in range(LB)], axis=1)
    agg1 = jnp.concatenate([p_ref[1, :, a, :] for a in range(LB)], axis=1)
    dn = (((0,), (0,)), ((), ()))
    h = t_ref[...]
    h = h + lax.dot_general(agg0, w1b0_ref[...], dn,
                            preferred_element_type=jnp.float32)
    h = h + lax.dot_general(agg1, w1b1_ref[...], dn,
                            preferred_element_type=jnp.float32)
    h = jnp.where(h >= 0, h, 0.01 * h)
    h = jnp.dot(h, w2_ref[...], preferred_element_type=jnp.float32) + b2_ref[...]
    h = jnp.where(h >= 0, h, 0.01 * h)
    oT = lax.dot_general(w3_ref[...], h, (((0,), (1,)), ((), ())),
                         preferred_element_type=jnp.float32)
    o_ref[...] = oT + b3col_ref[...]


def _node_mlp_tc(t1, partials5, W1b0, W1b1, W2, b2, W3, b3col):
    grid = (pl.cdiv(N_NODES, ROW_BLK),)
    return pl.pallas_call(
        _mlp_body,
        grid=grid,
        in_specs=[
            pl.BlockSpec((ROW_BLK, HIDDEN), lambda i: (i, 0)),
            pl.BlockSpec((NC, FG, LB, BATCH), lambda i: (0, 0, i, 0)),
            pl.BlockSpec((FG, HIDDEN), lambda i: (0, 0)),
            pl.BlockSpec((FG, HIDDEN), lambda i: (0, 0)),
            pl.BlockSpec((HIDDEN, HIDDEN), lambda i: (0, 0)),
            pl.BlockSpec((1, HIDDEN), lambda i: (0, 0)),
            pl.BlockSpec((HIDDEN, HIDDEN), lambda i: (0, 0)),
            pl.BlockSpec((HIDDEN, 1), lambda i: (0, 0)),
        ],
        out_specs=pl.BlockSpec((HIDDEN, ROW_BLK), lambda i: (0, i)),
        out_shape=jax.ShapeDtypeStruct((HIDDEN, N_NODES), jnp.float32),
    )(t1, partials5, W1b0, W1b1, W2, b2, W3, b3col)


def kernel(x, edge_index, edge_attr, u, batch, W1, b1, W2, b2, W3, b3):
    attr4 = edge_attr.T.reshape(NC, FG, NB, BATCH).transpose(0, 2, 1, 3)
    idx3 = edge_index.astype(jnp.int32).reshape(2, NB, BATCH).transpose(1, 0, 2)

    partials5 = _segment_sum_sc(attr4, idx3).reshape(
        NC, FG, N_PAD // BATCH, BATCH)

    t1 = _xw_tc(x, W1[:D_FEAT], b1.reshape(1, HIDDEN))

    outT = _node_mlp_tc(
        t1, partials5,
        W1[D_FEAT:D_FEAT + FG], W1[D_FEAT + FG:],
        W2, b2.reshape(1, HIDDEN),
        W3, b3.reshape(HIDDEN, 1),
    )
    return outT.T

# --- scband reference (transcript-rebuilt; emitter-appended) ---
"""Pipeline reference for scband-node-mlp-1-82918638616880 (READ-ONLY COPY).

The authoritative reference and input builder live on the scoring server;
editing this copy changes nothing except your own understanding.
"""

import jax, jax.numpy as jnp
import numpy as np

N_NODES = 10000
N_EDGES = 320000
D_FEAT = 128
D_EDGE = 16
HIDDEN = 64


def setup_inputs(seed: int = 0) -> dict:
    key = jax.random.key(seed)
    ks = jax.random.split(key, 12)
    x = jax.random.normal(ks[0], (N_NODES, D_FEAT), dtype=jnp.float32)
    edge_index = jax.random.randint(ks[1], (2, N_EDGES), 0, N_NODES, dtype=jnp.int64)
    edge_attr = jax.random.normal(ks[2], (N_EDGES, D_EDGE), dtype=jnp.float32)
    u = jnp.zeros((1, 16), dtype=jnp.float32)
    batch = jnp.zeros((N_NODES,), dtype=jnp.int64)
    d_in = D_FEAT + D_EDGE
    # Linear params stored as [in, out] (apply as x @ W + b)
    W1 = jax.random.normal(ks[3], (d_in, HIDDEN), dtype=jnp.float32) / np.sqrt(d_in)
    b1 = jnp.zeros((HIDDEN,), dtype=jnp.float32)
    W2 = jax.random.normal(ks[4], (HIDDEN, HIDDEN), dtype=jnp.float32) / np.sqrt(HIDDEN)
    b2 = jnp.zeros((HIDDEN,), dtype=jnp.float32)
    W3 = jax.random.normal(ks[5], (HIDDEN, HIDDEN), dtype=jnp.float32) / np.sqrt(HIDDEN)
    b3 = jnp.zeros((HIDDEN,), dtype=jnp.float32)
    return {"x": x, "edge_index": edge_index, "edge_attr": edge_attr, "u": u,
            "batch": batch, "W1": W1, "b1": b1, "W2": W2, "b2": b2, "W3": W3, "b3": b3}


def reference(x, edge_index, edge_attr, u, batch, W1, b1, W2, b2, W3, b3):
    # scatter_add of edge_attr into per-node slots keyed by source node (row)
    row = edge_index[0]
    agg = jax.ops.segment_sum(edge_attr, row, num_segments=x.shape[0])
    out = jnp.concatenate([x, agg], axis=1)
    # node_mlp_1: Linear -> Dropout(p=0, identity) -> LeakyReLU -> Linear -> Dropout -> LeakyReLU -> Linear
    h = jax.nn.leaky_relu(out @ W1 + b1, negative_slope=0.01)
    h = jax.nn.leaky_relu(h @ W2 + b2, negative_slope=0.01)
    h = h @ W3 + b3
    return h

if __name__ == "__main__":
    import jax
    _d = setup_inputs()
    print(jax.jit(kernel)(*tuple(_d.values())))

</pallas_src>

<mosaic_0001>
#map = affine_map<(d0, d1) -> (0, 0, 0, 0)>
#map1 = affine_map<(d0, d1) -> (0, 0, 0)>
module attributes {stable_mosaic.version = 14 : i64} {
  func.func @_segment_sum_body(%arg0: i32, %arg1: i32, %arg2: memref<2x2500x8x128xf32, #tpu.memory_space<hbm>>, %arg3: memref<2500x2x128xi32, #tpu.memory_space<hbm>>, %arg4: memref<2x640x128xf32, #tpu.memory_space<hbm>>, %arg5: memref<2x16x128xi32, #tpu.memory_space<vmem>>, %arg6: memref<2x16x8x128xf32, #tpu.memory_space<vmem>>, %arg7: memref<640x128xf32, #tpu.memory_space<vmem>>, %arg8: memref<5x128xi32, #tpu.memory_space<vmem>>, %arg9: memref<40x128xf32, #tpu.memory_space<vmem>>, %arg10: memref<640x128xf32, #tpu.memory_space<vmem_shared>>, %arg11: memref<2x!tpu.dma_semaphore, #tpu.memory_space<semaphore_mem>>) attributes {dimension_semantics = [#tpu.dimension_semantics<core_parallel>, #tpu.dimension_semantics<subcore_parallel>], iteration_bounds = array<i64: 2, 16>, scalar_prefetch = 0 : i64, scratch_operands = 7 : i64, tpu.core_type = #tpu.core_type<sc_vector_subcore>, window_params = [{transform_indices = #map}, {transform_indices = #map1}, {transform_indices = #map1}]} {
    %iota3A = tpu.iota {dimensions = array<i32: 0>} : vector<16xi32>
    %broadcast_in_dim3A = arith.constant 0.000000e+00 : f32
    %broadcast_in_dim3A_0 = vector.broadcast %broadcast_in_dim3A : f32 to vector<16xf32>
    %parallel_loop3A = arith.constant 0 : i32
    %parallel_loop3A_1 = arith.constant 5 : i32
    %parallel_loop3A_2 = arith.constant 1 : i32
    scf.for %parallel_loop3A_117 = %parallel_loop3A to %parallel_loop3A_1 step %parallel_loop3A_2  : i32 {
      %parallel_loop3A_118 = arith.constant 128 : i32
      %parallel_loop3A_119 = arith.muli %parallel_loop3A_117, %parallel_loop3A_118 : i32
      %parallel_loop3A_120 = arith.constant 0 : i32
      %parallel_loop3A_121 = arith.addi %parallel_loop3A_119, %parallel_loop3A_120 : i32
      %parallel_loop3A_122 = vector.broadcast %parallel_loop3A_121 : i32 to vector<16xi32>
      %parallel_loop3A_123 = arith.addi %iota3A, %parallel_loop3A_122 : vector<16xi32>
      %parallel_loop3A_124 = arith.index_cast %parallel_loop3A_117 : i32 to index
      %parallel_loop3A_125 = arith.constant 0 : index
      %parallel_loop3A_126 = tpu.vector_load %arg8[%parallel_loop3A_124, %parallel_loop3A_125] {strides = array<i32>} : memref<5x128xi32, #tpu.memory_space<vmem>>, vector<16xi32>,
      tpu.vector_store %arg8[%parallel_loop3A_124, %parallel_loop3A_125], %parallel_loop3A_123 {strides = array<i32>} : memref<5x128xi32, #tpu.memory_space<vmem>>, vector<16xi32>,
      %parallel_loop3A_127 = arith.constant 128 : i32
      %parallel_loop3A_128 = arith.muli %parallel_loop3A_117, %parallel_loop3A_127 : i32
      %parallel_loop3A_129 = arith.constant 16 : i32
      %parallel_loop3A_130 = arith.addi %parallel_loop3A_128, %parallel_loop3A_129 : i32
      %parallel_loop3A_131 = vector.broadcast %parallel_loop3A_130 : i32 to vector<16xi32>
      %parallel_loop3A_132 = arith.addi %iota3A, %parallel_loop3A_131 : vector<16xi32>
      %parallel_loop3A_133 = arith.index_cast %parallel_loop3A_117 : i32 to index
      %parallel_loop3A_134 = arith.constant 16 : index
      %parallel_loop3A_135 = tpu.vector_load %arg8[%parallel_loop3A_133, %parallel_loop3A_134] {strides = array<i32>} : memref<5x128xi32, #tpu.memory_space<vmem>>, vector<16xi32>,
      tpu.vector_store %arg8[%parallel_loop3A_133, %parallel_loop3A_134], %parallel_loop3A_132 {strides = array<i32>} : memref<5x128xi32, #tpu.memory_space<vmem>>, vector<16xi32>,
      %parallel_loop3A_136 = arith.constant 128 : i32
      %parallel_loop3A_137 = arith.muli %parallel_loop3A_117, %parallel_loop3A_136 : i32
      %parallel_loop3A_138 = arith.constant 32 : i32
      %parallel_loop3A_139 = arith.addi %parallel_loop3A_137, %parallel_loop3A_138 : i32
      %parallel_loop3A_140 = vector.broadcast %parallel_loop3A_139 : i32 to vector<16xi32>
      %parallel_loop3A_141 = arith.addi %iota3A, %parallel_loop3A_140 : vector<16xi32>
      %parallel_loop3A_142 = arith.index_cast %parallel_loop3A_117 : i32 to index
      %parallel_loop3A_143 = arith.constant 32 : index
      %parallel_loop3A_144 = tpu.vector_load %arg8[%parallel_loop3A_142, %parallel_loop3A_143] {strides = array<i32>} : memref<5x128xi32, #tpu.memory_space<vmem>>, vector<16xi32>,
      tpu.vector_store %arg8[%parallel_loop3A_142, %parallel_loop3A_143], %parallel_loop3A_141 {strides = array<i32>} : memref<5x128xi32, #tpu.memory_space<vmem>>, vector<16xi32>,
      %parallel_loop3A_145 = arith.constant 128 : i32
      %parallel_loop3A_146 = arith.muli %parallel_loop3A_117, %parallel_loop3A_145 : i32
      %parallel_loop3A_147 = arith.constant 48 : i32
      %parallel_loop3A_148 = arith.addi %parallel_loop3A_146, %parallel_loop3A_147 : i32
      %parallel_loop3A_149 = vector.broadcast %parallel_loop3A_148 : i32 to vector<16xi32>
      %parallel_loop3A_150 = arith.addi %iota3A, %parallel_loop3A_149 : vector<16xi32>
      %parallel_loop3A_151 = arith.index_cast %parallel_loop3A_117 : i32 to index
      %parallel_loop3A_152 = arith.constant 48 : index
      %parallel_loop3A_153 = tpu.vector_load %arg8[%parallel_loop3A_151, %parallel_loop3A_152] {strides = array<i32>} : memref<5x128xi32, #tpu.memory_space<vmem>>, vector<16xi32>,
      tpu.vector_store %arg8[%parallel_loop3A_151, %parallel_loop3A_152], %parallel_loop3A_150 {strides = array<i32>} : memref<5x128xi32, #tpu.memory_space<vmem>>, vector<16xi32>,
      %parallel_loop3A_154 = arith.constant 128 : i32
      %parallel_loop3A_155 = arith.muli %parallel_loop3A_117, %parallel_loop3A_154 : i32
      %parallel_loop3A_156 = arith.constant 64 : i32
      %parallel_loop3A_157 = arith.addi %parallel_loop3A_155, %parallel_loop3A_156 : i32
      %parallel_loop3A_158 = vector.broadcast %parallel_loop3A_157 : i32 to vector<16xi32>
      %parallel_loop3A_159 = arith.addi %iota3A, %parallel_loop3A_158 : vector<16xi32>
      %parallel_loop3A_160 = arith.index_cast %parallel_loop3A_117 : i32 to index
      %parallel_loop3A_161 = arith.constant 64 : index
      %parallel_loop3A_162 = tpu.vector_load %arg8[%parallel_loop3A_160, %parallel_loop3A_161] {strides = array<i32>} : memref<5x128xi32, #tpu.memory_space<vmem>>, vector<16xi32>,
      tpu.vector_store %arg8[%parallel_loop3A_160, %parallel_loop3A_161], %parallel_loop3A_159 {strides = array<i32>} : memref<5x128xi32, #tpu.memory_space<vmem>>, vector<16xi32>,
      %parallel_loop3A_163 = arith.constant 128 : i32
      %parallel_loop3A_164 = arith.muli %parallel_loop3A_117, %parallel_loop3A_163 : i32
      %parallel_loop3A_165 = arith.constant 80 : i32
      %parallel_loop3A_166 = arith.addi %parallel_loop3A_164, %parallel_loop3A_165 : i32
      %parallel_loop3A_167 = vector.broadcast %parallel_loop3A_166 : i32 to vector<16xi32>
      %parallel_loop3A_168 = arith.addi %iota3A, %parallel_loop3A_167 : vector<16xi32>
      %parallel_loop3A_169 = arith.index_cast %parallel_loop3A_117 : i32 to index
      %parallel_loop3A_170 = arith.constant 80 : index
      %parallel_loop3A_171 = tpu.vector_load %arg8[%parallel_loop3A_169, %parallel_loop3A_170] {strides = array<i32>} : memref<5x128xi32, #tpu.memory_space<vmem>>, vector<16xi32>,
      tpu.vector_store %arg8[%parallel_loop3A_169, %parallel_loop3A_170], %parallel_loop3A_168 {strides = array<i32>} : memref<5x128xi32, #tpu.memory_space<vmem>>, vector<16xi32>,
      %parallel_loop3A_172 = arith.constant 128 : i32
      %parallel_loop3A_173 = arith.muli %parallel_loop3A_117, %parallel_loop3A_172 : i32
      %parallel_loop3A_174 = arith.constant 96 : i32
      %parallel_loop3A_175 = arith.addi %parallel_loop3A_173, %parallel_loop3A_174 : i32
      %parallel_loop3A_176 = vector.broadcast %parallel_loop3A_175 : i32 to vector<16xi32>
      %parallel_loop3A_177 = arith.addi %iota3A, %parallel_loop3A_176 : vector<16xi32>
      %parallel_loop3A_178 = arith.index_cast %parallel_loop3A_117 : i32 to index
      %parallel_loop3A_179 = arith.constant 96 : index
      %parallel_loop3A_180 = tpu.vector_load %arg8[%parallel_loop3A_178, %parallel_loop3A_179] {strides = array<i32>} : memref<5x128xi32, #tpu.memory_space<vmem>>, vector<16xi32>,
      tpu.vector_store %arg8[%parallel_loop3A_178, %parallel_loop3A_179], %parallel_loop3A_177 {strides = array<i32>} : memref<5x128xi32, #tpu.memory_space<vmem>>, vector<16xi32>,
      %parallel_loop3A_181 = arith.constant 128 : i32
      %parallel_loop3A_182 = arith.muli %parallel_loop3A_117, %parallel_loop3A_181 : i32
      %parallel_loop3A_183 = arith.constant 112 : i32
      %parallel_loop3A_184 = arith.addi %parallel_loop3A_182, %parallel_loop3A_183 : i32
      %parallel_loop3A_185 = vector.broadcast %parallel_loop3A_184 : i32 to vector<16xi32>
      %parallel_loop3A_186 = arith.addi %iota3A, %parallel_loop3A_185 : vector<16xi32>
      %parallel_loop3A_187 = arith.index_cast %parallel_loop3A_117 : i32 to index
      %parallel_loop3A_188 = arith.constant 112 : index
      %parallel_loop3A_189 = tpu.vector_load %arg8[%parallel_loop3A_187, %parallel_loop3A_188] {strides = array<i32>} : memref<5x128xi32, #tpu.memory_space<vmem>>, vector<16xi32>,
      tpu.vector_store %arg8[%parallel_loop3A_187, %parallel_loop3A_188], %parallel_loop3A_186 {strides = array<i32>} : memref<5x128xi32, #tpu.memory_space<vmem>>, vector<16xi32>,
    } {sc.loop_unroll_factor = 1 : i64, sc.parallel_access}
    %parallel_loop3A_3 = arith.constant 0 : i32
    %parallel_loop3A_4 = arith.constant 40 : i32
    %parallel_loop3A_5 = arith.constant 1 : i32
    scf.for %parallel_loop3A_117 = %parallel_loop3A_3 to %parallel_loop3A_4 step %parallel_loop3A_5  : i32 {
      %parallel_loop3A_118 = arith.index_cast %parallel_loop3A_117 : i32 to index
      %parallel_loop3A_119 = arith.constant 0 : index
      %parallel_loop3A_120 = tpu.vector_load %arg9[%parallel_loop3A_118, %parallel_loop3A_119] {strides = array<i32>} : memref<40x128xf32, #tpu.memory_space<vmem>>, vector<16xf32>,
      tpu.vector_store %arg9[%parallel_loop3A_118, %parallel_loop3A_119], %broadcast_in_dim3A_0 {strides = array<i32>} : memref<40x128xf32, #tpu.memory_space<vmem>>, vector<16xf32>,
      %parallel_loop3A_121 = arith.index_cast %parallel_loop3A_117 : i32 to index
      %parallel_loop3A_122 = arith.constant 16 : index
      %parallel_loop3A_123 = tpu.vector_load %arg9[%parallel_loop3A_121, %parallel_loop3A_122] {strides = array<i32>} : memref<40x128xf32, #tpu.memory_space<vmem>>, vector<16xf32>,
      tpu.vector_store %arg9[%parallel_loop3A_121, %parallel_loop3A_122], %broadcast_in_dim3A_0 {strides = array<i32>} : memref<40x128xf32, #tpu.memory_space<vmem>>, vector<16xf32>,
      %parallel_loop3A_124 = arith.index_cast %parallel_loop3A_117 : i32 to index
      %parallel_loop3A_125 = arith.constant 32 : index
      %parallel_loop3A_126 = tpu.vector_load %arg9[%parallel_loop3A_124, %parallel_loop3A_125] {strides = array<i32>} : memref<40x128xf32, #tpu.memory_space<vmem>>, vector<16xf32>,
      tpu.vector_store %arg9[%parallel_loop3A_124, %parallel_loop3A_125], %broadcast_in_dim3A_0 {strides = array<i32>} : memref<40x128xf32, #tpu.memory_space<vmem>>, vector<16xf32>,
      %parallel_loop3A_127 = arith.index_cast %parallel_loop3A_117 : i32 to index
      %parallel_loop3A_128 = arith.constant 48 : index
      %parallel_loop3A_129 = tpu.vector_load %arg9[%parallel_loop3A_127, %parallel_loop3A_128] {strides = array<i32>} : memref<40x128xf32, #tpu.memory_space<vmem>>, vector<16xf32>,
      tpu.vector_store %arg9[%parallel_loop3A_127, %parallel_loop3A_128], %broadcast_in_dim3A_0 {strides = array<i32>} : memref<40x128xf32, #tpu.memory_space<vmem>>, vector<16xf32>,
      %parallel_loop3A_130 = arith.index_cast %parallel_loop3A_117 : i32 to index
      %parallel_loop3A_131 = arith.constant 64 : index
      %parallel_loop3A_132 = tpu.vector_load %arg9[%parallel_loop3A_130, %parallel_loop3A_131] {strides = array<i32>} : memref<40x128xf32, #tpu.memory_space<vmem>>, vector<16xf32>,
      tpu.vector_store %arg9[%parallel_loop3A_130, %parallel_loop3A_131], %broadcast_in_dim3A_0 {strides = array<i32>} : memref<40x128xf32, #tpu.memory_space<vmem>>, vector<16xf32>,
      %parallel_loop3A_133 = arith.index_cast %parallel_loop3A_117 : i32 to index
      %parallel_loop3A_134 = arith.constant 80 : index
      %parallel_loop3A_135 = tpu.vector_load %arg9[%parallel_loop3A_133, %parallel_loop3A_134] {strides = array<i32>} : memref<40x128xf32, #tpu.memory_space<vmem>>, vector<16xf32>,
      tpu.vector_store %arg9[%parallel_loop3A_133, %parallel_loop3A_134], %broadcast_in_dim3A_0 {strides = array<i32>} : memref<40x128xf32, #tpu.memory_space<vmem>>, vector<16xf32>,
      %parallel_loop3A_136 = arith.index_cast %parallel_loop3A_117 : i32 to index
      %parallel_loop3A_137 = arith.constant 96 : index
      %parallel_loop3A_138 = tpu.vector_load %arg9[%parallel_loop3A_136, %parallel_loop3A_137] {strides = array<i32>} : memref<40x128xf32, #tpu.memory_space<vmem>>, vector<16xf32>,
      tpu.vector_store %arg9[%parallel_loop3A_136, %parallel_loop3A_137], %broadcast_in_dim3A_0 {strides = array<i32>} : memref<40x128xf32, #tpu.memory_space<vmem>>, vector<16xf32>,
      %parallel_loop3A_139 = arith.index_cast %parallel_loop3A_117 : i32 to index
      %parallel_loop3A_140 = arith.constant 112 : index
      %parallel_loop3A_141 = tpu.vector_load %arg9[%parallel_loop3A_139, %parallel_loop3A_140] {strides = array<i32>} : memref<40x128xf32, #tpu.memory_space<vmem>>, vector<16xf32>,
      tpu.vector_store %arg9[%parallel_loop3A_139, %parallel_loop3A_140], %broadcast_in_dim3A_0 {strides = array<i32>} : memref<40x128xf32, #tpu.memory_space<vmem>>, vector<16xf32>,
    } {sc.loop_unroll_factor = 1 : i64, sc.parallel_access}
    %mul3A = arith.constant 40 : i32
    %mul3A_6 = arith.muli %arg1, %mul3A : i32
    "tpu.region"() ({
      %run_scoped3A_117 = tpu.sem_alloc : memref<!tpu.dma_semaphore, #tpu.memory_space<semaphore_mem>>
      %dma_start3A_118 = arith.constant 0 : i32
      %dma_start3A_119 = tpu.memref_slice %arg10[%mul3A_6, %dma_start3A_118] : memref<640x128xf32, #tpu.memory_space<vmem_shared>> -> memref<40x128xf32, #tpu.memory_space<vmem_shared>>
      %dma_start3A_120 = arith.constant 0 : i32
      %dma_start3A_121 = tpu.memref_slice %arg10[%mul3A_6, %dma_start3A_120] : memref<640x128xf32, #tpu.memory_space<vmem_shared>> -> memref<40x128xf32, #tpu.memory_space<vmem_shared>>
      tpu.enqueue_dma source(%arg9 : memref<40x128xf32, #tpu.memory_space<vmem>>) target(%dma_start3A_121 : memref<40x128xf32, #tpu.memory_space<vmem_shared>>) target_semaphore(%run_scoped3A_117 : memref<!tpu.dma_semaphore, #tpu.memory_space<semaphore_mem>>)
      %dma_wait3A = arith.constant 0 : i32
      %dma_wait3A_122 = tpu.memref_slice %arg10[%mul3A_6, %dma_wait3A] : memref<640x128xf32, #tpu.memory_space<vmem_shared>> -> memref<40x128xf32, #tpu.memory_space<vmem_shared>>
      %dma_wait3A_123 = arith.constant 0 : i32
      %dma_wait3A_124 = tpu.memref_slice %arg10[%mul3A_6, %dma_wait3A_123] : memref<640x128xf32, #tpu.memory_space<vmem_shared>> -> memref<40x128xf32, #tpu.memory_space<vmem_shared>>
      tpu.wait_dma2 semaphore(%run_scoped3A_117 : memref<!tpu.dma_semaphore, #tpu.memory_space<semaphore_mem>>) src(%arg9 : memref<40x128xf32, #tpu.memory_space<vmem>>) dst(%dma_wait3A_124 : memref<40x128xf32, #tpu.memory_space<vmem_shared>>)
      tpu.yield
    }) : () -> ()
    %lt3A = arith.constant 4 : i32
    %lt3A_7 = arith.cmpi slt, %arg1, %lt3A : i32
    %jit3A = arith.constant 157 : i32
    %jit3A_8 = arith.constant 156 : i32
    %select_n3A = arith.select %lt3A_7, %jit3A, %jit3A_8 : i32
    %mul3A_9 = arith.constant 156 : i32
    %mul3A_10 = arith.muli %mul3A_9, %arg1 : i32
    %min3A = arith.constant 4 : i32
    %min3A_11 = arith.minsi %arg1, %min3A : i32
    %add3A = arith.addi %mul3A_10, %min3A_11 : i32
    %add3A_12 = arith.constant 0 : i32
    %add3A_13 = arith.addi %add3A, %add3A_12 : i32
    %min3A_14 = arith.constant 2484 : i32
    %min3A_15 = arith.minsi %add3A_13, %min3A_14 : i32
    %dma_start3A = arith.constant 0 : i32
    %dma_start3A_16 = arith.constant 0 : i32
    %dma_start3A_17 = arith.constant 0 : i32
    %dma_start3A_18 = arith.constant 0 : i32
    %dma_start3A_19 = arith.constant 0 : i32
    %dma_start3A_20 = tpu.memref_slice %arg5[%dma_start3A_16, %dma_start3A_18, %dma_start3A_19] : memref<2x16x128xi32, #tpu.memory_space<vmem>> -> memref<1x16x128xi32, #tpu.memory_space<vmem>>
    %dma_start3A_21 = tpu.memref_squeeze %dma_start3A_20 : memref<1x16x128xi32, #tpu.memory_space<vmem>> -> memref<16x128xi32, #tpu.memory_space<vmem>>
    %dma_start3A_22 = arith.constant 0 : i32
    %dma_start3A_23 = tpu.memref_slice %arg3[%min3A_15, %dma_start3A, %dma_start3A_22] : memref<2500x2x128xi32, #tpu.memory_space<hbm>> -> memref<16x1x128xi32, #tpu.memory_space<hbm>>
    %dma_start3A_24 = tpu.memref_squeeze %dma_start3A_23 : memref<16x1x128xi32, #tpu.memory_space<hbm>> -> memref<16x128xi32, #tpu.memory_space<hbm>>
    %dma_start3A_25 = tpu.memref_slice %arg11[%dma_start3A_17] : memref<2x!tpu.dma_semaphore, #tpu.memory_space<semaphore_mem>> -> memref<1x!tpu.dma_semaphore, #tpu.memory_space<semaphore_mem>>
    %dma_start3A_26 = tpu.memref_squeeze %dma_start3A_25 : memref<1x!tpu.dma_semaphore, #tpu.memory_space<semaphore_mem>> -> memref<!tpu.dma_semaphore, #tpu.memory_space<semaphore_mem>>
    %dma_start3A_27 = arith.constant 0 : i32
    %dma_start3A_28 = arith.constant 0 : i32
    %dma_start3A_29 = tpu.memref_slice %arg5[%dma_start3A_16, %dma_start3A_27, %dma_start3A_28] : memref<2x16x128xi32, #tpu.memory_space<vmem>> -> memref<1x16x128xi32, #tpu.memory_space<vmem>>
    %dma_start3A_30 = tpu.memref_squeeze %dma_start3A_29 : memref<1x16x128xi32, #tpu.memory_space<vmem>> -> memref<16x128xi32, #tpu.memory_space<vmem>>
    %dma_start3A_31 = arith.constant 0 : i32
    %dma_start3A_32 = tpu.memref_slice %arg3[%min3A_15, %dma_start3A, %dma_start3A_31] : memref<2500x2x128xi32, #tpu.memory_space<hbm>> -> memref<16x1x128xi32, #tpu.memory_space<hbm>>
    %dma_start3A_33 = tpu.memref_squeeze %dma_start3A_32 : memref<16x1x128xi32, #tpu.memory_space<hbm>> -> memref<16x128xi32, #tpu.memory_space<hbm>>
    tpu.enqueue_dma source(%dma_start3A_33 : memref<16x128xi32, #tpu.memory_space<hbm>>) target(%dma_start3A_30 : memref<16x128xi32, #tpu.memory_space<vmem>>) target_semaphore(%dma_start3A_26 : memref<!tpu.dma_semaphore, #tpu.memory_space<semaphore_mem>>)
    %dma_start3A_34 = arith.constant 0 : i32
    %dma_start3A_35 = arith.constant 0 : i32
    %dma_start3A_36 = arith.constant 0 : i32
    %dma_start3A_37 = arith.constant 0 : i32
    %dma_start3A_38 = arith.constant 0 : i32
    %dma_start3A_39 = tpu.memref_slice %arg6[%dma_start3A_34, %dma_start3A_36, %dma_start3A_37, %dma_start3A_38] : memref<2x16x8x128xf32, #tpu.memory_space<vmem>> -> memref<1x16x8x128xf32, #tpu.memory_space<vmem>>
    %dma_start3A_40 = tpu.memref_squeeze %dma_start3A_39 : memref<1x16x8x128xf32, #tpu.memory_space<vmem>> -> memref<16x8x128xf32, #tpu.memory_space<vmem>>
    %dma_start3A_41 = arith.constant 0 : i32
    %dma_start3A_42 = arith.constant 0 : i32
    %dma_start3A_43 = tpu.memref_slice %arg2[%arg0, %min3A_15, %dma_start3A_41, %dma_start3A_42] : memref<2x2500x8x128xf32, #tpu.memory_space<hbm>> -> memref<1x16x8x128xf32, #tpu.memory_space<hbm>>
    %dma_start3A_44 = tpu.memref_squeeze %dma_start3A_43 : memref<1x16x8x128xf32, #tpu.memory_space<hbm>> -> memref<16x8x128xf32, #tpu.memory_space<hbm>>
    %dma_start3A_45 = tpu.memref_slice %arg11[%dma_start3A_35] : memref<2x!tpu.dma_semaphore, #tpu.memory_space<semaphore_mem>> -> memref<1x!tpu.dma_semaphore, #tpu.memory_space<semaphore_mem>>
    %dma_start3A_46 = tpu.memref_squeeze %dma_start3A_45 : memref<1x!tpu.dma_semaphore, #tpu.memory_space<semaphore_mem>> -> memref<!tpu.dma_semaphore, #tpu.memory_space<semaphore_mem>>
    %dma_start3A_47 = arith.constant 0 : i32
    %dma_start3A_48 = arith.constant 0 : i32
    %dma_start3A_49 = arith.constant 0 : i32
    %dma_start3A_50 = tpu.memref_slice %arg6[%dma_start3A_34, %dma_start3A_47, %dma_start3A_48, %dma_start3A_49] : memref<2x16x8x128xf32, #tpu.memory_space<vmem>> -> memref<1x16x8x128xf32, #tpu.memory_space<vmem>>
    %dma_start3A_51 = tpu.memref_squeeze %dma_start3A_50 : memref<1x16x8x128xf32, #tpu.memory_space<vmem>> -> memref<16x8x128xf32, #tpu.memory_space<vmem>>
    %dma_start3A_52 = arith.constant 0 : i32
    %dma_start3A_53 = arith.constant 0 : i32
    %dma_start3A_54 = tpu.memref_slice %arg2[%arg0, %min3A_15, %dma_start3A_52, %dma_start3A_53] : memref<2x2500x8x128xf32, #tpu.memory_space<hbm>> -> memref<1x16x8x128xf32, #tpu.memory_space<hbm>>
    %dma_start3A_55 = tpu.memref_squeeze %dma_start3A_54 : memref<1x16x8x128xf32, #tpu.memory_space<hbm>> -> memref<16x8x128xf32, #tpu.memory_space<hbm>>
    tpu.enqueue_dma source(%dma_start3A_55 : memref<16x8x128xf32, #tpu.memory_space<hbm>>) target(%dma_start3A_51 : memref<16x8x128xf32, #tpu.memory_space<vmem>>) target_semaphore(%dma_start3A_46 : memref<!tpu.dma_semaphore, #tpu.memory_space<semaphore_mem>>)
    %add3A_56 = arith.constant 16 : i32
    %add3A_57 = arith.addi %add3A, %add3A_56 : i32
    %min3A_58 = arith.constant 2484 : i32
    %min3A_59 = arith.minsi %add3A_57, %min3A_58 : i32
    %dma_start3A_60 = arith.constant 0 : i32
    %dma_start3A_61 = arith.constant 1 : i32
    %dma_start3A_62 = arith.constant 1 : i32
    %dma_start3A_63 = arith.constant 0 : i32
    %dma_start3A_64 = arith.constant 0 : i32
    %dma_start3A_65 = tpu.memref_slice %arg5[%dma_start3A_61, %dma_start3A_63, %dma_start3A_64] : memref<2x16x128xi32, #tpu.memory_space<vmem>> -> memref<1x16x128xi32, #tpu.memory_space<vmem>>
    %dma_start3A_66 = tpu.memref_squeeze %dma_start3A_65 : memref<1x16x128xi32, #tpu.memory_space<vmem>> -> memref<16x128xi32, #tpu.memory_space<vmem>>
    %dma_start3A_67 = arith.constant 0 : i32
    %dma_start3A_68 = tpu.memref_slice %arg3[%min3A_59, %dma_start3A_60, %dma_start3A_67] : memref<2500x2x128xi32, #tpu.memory_space<hbm>> -> memref<16x1x128xi32, #tpu.memory_space<hbm>>
    %dma_start3A_69 = tpu.memref_squeeze %dma_start3A_68 : memref<16x1x128xi32, #tpu.memory_space<hbm>> -> memref<16x128xi32, #tpu.memory_space<hbm>>
    %dma_start3A_70 = tpu.memref_slice %arg11[%dma_start3A_62] : memref<2x!tpu.dma_semaphore, #tpu.memory_space<semaphore_mem>> -> memref<1x!tpu.dma_semaphore, #tpu.memory_space<semaphore_mem>>
    %dma_start3A_71 = tpu.memref_squeeze %dma_start3A_70 : memref<1x!tpu.dma_semaphore, #tpu.memory_space<semaphore_mem>> -> memref<!tpu.dma_semaphore, #tpu.memory_space<semaphore_mem>>
    %dma_start3A_72 = arith.constant 0 : i32
    %dma_start3A_73 = arith.constant 0 : i32
    %dma_start3A_74 = tpu.memref_slice %arg5[%dma_start3A_61, %dma_start3A_72, %dma_start3A_73] : memref<2x16x128xi32, #tpu.memory_space<vmem>> -> memref<1x16x128xi32, #tpu.memory_space<vmem>>
    %dma_start3A_75 = tpu.memref_squeeze %dma_start3A_74 : memref<1x16x128xi32, #tpu.memory_space<vmem>> -> memref<16x128xi32, #tpu.memory_space<vmem>>
    %dma_start3A_76 = arith.constant 0 : i32
    %dma_start3A_77 = tpu.memref_slice %arg3[%min3A_59, %dma_start3A_60, %dma_start3A_76] : memref<2500x2x128xi32, #tpu.memory_space<hbm>> -> memref<16x1x128xi32, #tpu.memory_space<hbm>>
    %dma_start3A_78 = tpu.memref_squeeze %dma_start3A_77 : memref<16x1x128xi32, #tpu.memory_space<hbm>> -> memref<16x128xi32, #tpu.memory_space<hbm>>
    tpu.enqueue_dma source(%dma_start3A_78 : memref<16x128xi32, #tpu.memory_space<hbm>>) target(%dma_start3A_75 : memref<16x128xi32, #tpu.memory_space<vmem>>) target_semaphore(%dma_start3A_71 : memref<!tpu.dma_semaphore, #tpu.memory_space<semaphore_mem>>)
    %dma_start3A_79 = arith.constant 1 : i32
    %dma_start3A_80 = arith.constant 1 : i32
    %dma_start3A_81 = arith.constant 0 : i32
    %dma_start3A_82 = arith.constant 0 : i32
    %dma_start3A_83 = arith.constant 0 : i32
    %dma_start3A_84 = tpu.memref_slice %arg6[%dma_start3A_79, %dma_start3A_81, %dma_start3A_82, %dma_start3A_83] : memref<2x16x8x128xf32, #tpu.memory_space<vmem>> -> memref<1x16x8x128xf32, #tpu.memory_space<vmem>>
    %dma_start3A_85 = tpu.memref_squeeze %dma_start3A_84 : memref<1x16x8x128xf32, #tpu.memory_space<vmem>> -> memref<16x8x128xf32, #tpu.memory_space<vmem>>
    %dma_start3A_86 = arith.constant 0 : i32
    %dma_start3A_87 = arith.constant 0 : i32
    %dma_start3A_88 = tpu.memref_slice %arg2[%arg0, %min3A_59, %dma_start3A_86, %dma_start3A_87] : memref<2x2500x8x128xf32, #tpu.memory_space<hbm>> -> memref<1x16x8x128xf32, #tpu.memory_space<hbm>>
    %dma_start3A_89 = tpu.memref_squeeze %dma_start3A_88 : memref<1x16x8x128xf32, #tpu.memory_space<hbm>> -> memref<16x8x128xf32, #tpu.memory_space<hbm>>
    %dma_start3A_90 = tpu.memref_slice %arg11[%dma_start3A_80] : memref<2x!tpu.dma_semaphore, #tpu.memory_space<semaphore_mem>> -> memref<1x!tpu.dma_semaphore, #tpu.memory_space<semaphore_mem>>
    %dma_start3A_91 = tpu.memref_squeeze %dma_start3A_90 : memref<1x!tpu.dma_semaphore, #tpu.memory_space<semaphore_mem>> -> memref<!tpu.dma_semaphore, #tpu.memory_space<semaphore_mem>>
    %dma_start3A_92 = arith.constant 0 : i32
    %dma_start3A_93 = arith.constant 0 : i32
    %dma_start3A_94 = arith.constant 0 : i32
    %dma_start3A_95 = tpu.memref_slice %arg6[%dma_start3A_79, %dma_start3A_92, %dma_start3A_93, %dma_start3A_94] : memref<2x16x8x128xf32, #tpu.memory_space<vmem>> -> memref<1x16x8x128xf32, #tpu.memory_space<vmem>>
    %dma_start3A_96 = tpu.memref_squeeze %dma_start3A_95 : memref<1x16x8x128xf32, #tpu.memory_space<vmem>> -> memref<16x8x128xf32, #tpu.memory_space<vmem>>
    %dma_start3A_97 = arith.constant 0 : i32
    %dma_start3A_98 = arith.constant 0 : i32
    %dma_start3A_99 = tpu.memref_slice %arg2[%arg0, %min3A_59, %dma_start3A_97, %dma_start3A_98] : memref<2x2500x8x128xf32, #tpu.memory_space<hbm>> -> memref<1x16x8x128xf32, #tpu.memory_space<hbm>>
    %dma_start3A_100 = tpu.memref_squeeze %dma_start3A_99 : memref<1x16x8x128xf32, #tpu.memory_space<hbm>> -> memref<16x8x128xf32, #tpu.memory_space<hbm>>
    tpu.enqueue_dma source(%dma_start3A_100 : memref<16x8x128xf32, #tpu.memory_space<hbm>>) target(%dma_start3A_96 : memref<16x8x128xf32, #tpu.memory_space<vmem>>) target_semaphore(%dma_start3A_91 : memref<!tpu.dma_semaphore, #tpu.memory_space<semaphore_mem>>)
    %parallel_loop3A_101 = arith.constant 0 : i32
    %parallel_loop3A_102 = arith.constant 640 : i32
    %parallel_loop3A_103 = arith.constant 1 : i32
    scf.for %parallel_loop3A_117 = %parallel_loop3A_101 to %parallel_loop3A_102 step %parallel_loop3A_103  : i32 {
      %parallel_loop3A_118 = arith.index_cast %parallel_loop3A_117 : i32 to index
      %parallel_loop3A_119 = arith.constant 0 : index
      %parallel_loop3A_120 = tpu.vector_load %arg7[%parallel_loop3A_118, %parallel_loop3A_119] {strides = array<i32>} : memref<640x128xf32, #tpu.memory_space<vmem>>, vector<16xf32>,
      tpu.vector_store %arg7[%parallel_loop3A_118, %parallel_loop3A_119], %broadcast_in_dim3A_0 {strides = array<i32>} : memref<640x128xf32, #tpu.memory_space<vmem>>, vector<16xf32>,
      %parallel_loop3A_121 = arith.index_cast %parallel_loop3A_117 : i32 to index
      %parallel_loop3A_122 = arith.constant 16 : index
      %parallel_loop3A_123 = tpu.vector_load %arg7[%parallel_loop3A_121, %parallel_loop3A_122] {strides = array<i32>} : memref<640x128xf32, #tpu.memory_space<vmem>>, vector<16xf32>,
      tpu.vector_store %arg7[%parallel_loop3A_121, %parallel_loop3A_122], %broadcast_in_dim3A_0 {strides = array<i32>} : memref<640x128xf32, #tpu.memory_space<vmem>>, vector<16xf32>,
      %parallel_loop3A_124 = arith.index_cast %parallel_loop3A_117 : i32 to index
      %parallel_loop3A_125 = arith.constant 32 : index
      %parallel_loop3A_126 = tpu.vector_load %arg7[%parallel_loop3A_124, %parallel_loop3A_125] {strides = array<i32>} : memref<640x128xf32, #tpu.memory_space<vmem>>, vector<16xf32>,
      tpu.vector_store %arg7[%parallel_loop3A_124, %parallel_loop3A_125], %broadcast_in_dim3A_0 {strides = array<i32>} : memref<640x128xf32, #tpu.memory_space<vmem>>, vector<16xf32>,
      %parallel_loop3A_127 = arith.index_cast %parallel_loop3A_117 : i32 to index
      %parallel_loop3A_128 = arith.constant 48 : index
      %parallel_loop3A_129 = tpu.vector_load %arg7[%parallel_loop3A_127, %parallel_loop3A_128] {strides = array<i32>} : memref<640x128xf32, #tpu.memory_space<vmem>>, vector<16xf32>,
      tpu.vector_store %arg7[%parallel_loop3A_127, %parallel_loop3A_128], %broadcast_in_dim3A_0 {strides = array<i32>} : memref<640x128xf32, #tpu.memory_space<vmem>>, vector<16xf32>,
      %parallel_loop3A_130 = arith.index_cast %parallel_loop3A_117 : i32 to index
      %parallel_loop3A_131 = arith.constant 64 : index
      %parallel_loop3A_132 = tpu.vector_load %arg7[%parallel_loop3A_130, %parallel_loop3A_131] {strides = array<i32>} : memref<640x128xf32, #tpu.memory_space<vmem>>, vector<16xf32>,
      tpu.vector_store %arg7[%parallel_loop3A_130, %parallel_loop3A_131], %broadcast_in_dim3A_0 {strides = array<i32>} : memref<640x128xf32, #tpu.memory_space<vmem>>, vector<16xf32>,
      %parallel_loop3A_133 = arith.index_cast %parallel_loop3A_117 : i32 to index
      %parallel_loop3A_134 = arith.constant 80 : index
      %parallel_loop3A_135 = tpu.vector_load %arg7[%parallel_loop3A_133, %parallel_loop3A_134] {strides = array<i32>} : memref<640x128xf32, #tpu.memory_space<vmem>>, vector<16xf32>,
      tpu.vector_store %arg7[%parallel_loop3A_133, %parallel_loop3A_134], %broadcast_in_dim3A_0 {strides = array<i32>} : memref<640x128xf32, #tpu.memory_space<vmem>>, vector<16xf32>,
      %parallel_loop3A_136 = arith.index_cast %parallel_loop3A_117 : i32 to index
      %parallel_loop3A_137 = arith.constant 96 : index
      %parallel_loop3A_138 = tpu.vector_load %arg7[%parallel_loop3A_136, %parallel_loop3A_137] {strides = array<i32>} : memref<640x128xf32, #tpu.memory_space<vmem>>, vector<16xf32>,
      tpu.vector_store %arg7[%parallel_loop3A_136, %parallel_loop3A_137], %broadcast_in_dim3A_0 {strides = array<i32>} : memref<640x128xf32, #tpu.memory_space<vmem>>, vector<16xf32>,
      %parallel_loop3A_139 = arith.index_cast %parallel_loop3A_117 : i32 to index
      %parallel_loop3A_140 = arith.constant 112 : index
      %parallel_loop3A_141 = tpu.vector_load %arg7[%parallel_loop3A_139, %parallel_loop3A_140] {strides = array<i32>} : memref<640x128xf32, #tpu.memory_space<vmem>>, vector<16xf32>,
      tpu.vector_store %arg7[%parallel_loop3A_139, %parallel_loop3A_140], %broadcast_in_dim3A_0 {strides = array<i32>} : memref<640x128xf32, #tpu.memory_space<vmem>>, vector<16xf32>,
    } {sc.loop_unroll_factor = 1 : i64, sc.parallel_access}
    %scan3A = arith.constant 0 : i32
    %scan3A_104 = arith.constant 5 : i32
    %scan3A_105 = arith.addi %scan3A, %scan3A_104 : i32
    %scan3A_106 = arith.constant 1 : i32
    scf.for %scan3A_117 = %scan3A to %scan3A_105 step %scan3A_106  : i32 {
      %mul3A_118 = arith.constant 1 : i32
      %mul3A_119 = arith.muli %scan3A_117, %mul3A_118 : i32
      %add3A_120 = arith.constant 0 : i32
      %add3A_121 = arith.addi %add3A_120, %mul3A_119 : i32
      %mul3A_122 = arith.constant 2 : i32
      %mul3A_123 = arith.muli %add3A_121, %mul3A_122 : i32
      %add3A_124 = arith.constant 0 : i32
      %add3A_125 = arith.addi %mul3A_123, %add3A_124 : i32
      %mul3A_126 = arith.constant 16 : i32
      %mul3A_127 = arith.muli %add3A_125, %mul3A_126 : i32
      %add3A_128 = arith.addi %add3A, %mul3A_127 : i32
      %min3A_129 = arith.constant 2484 : i32
      %min3A_130 = arith.minsi %add3A_128, %min3A_129 : i32
      %dma_wait3A = arith.constant 0 : i32
      %dma_wait3A_131 = arith.constant 0 : i32
      %dma_wait3A_132 = arith.constant 0 : i32
      %dma_wait3A_133 = arith.constant 0 : i32
      %dma_wait3A_134 = arith.constant 0 : i32
      %dma_wait3A_135 = tpu.memref_slice %arg5[%dma_wait3A_131, %dma_wait3A_133, %dma_wait3A_134] : memref<2x16x128xi32, #tpu.memory_space<vmem>> -> memref<1x16x128xi32, #tpu.memory_space<vmem>>
      %dma_wait3A_136 = tpu.memref_squeeze %dma_wait3A_135 : memref<1x16x128xi32, #tpu.memory_space<vmem>> -> memref<16x128xi32, #tpu.memory_space<vmem>>
      %dma_wait3A_137 = arith.constant 0 : i32
      %dma_wait3A_138 = tpu.memref_slice %arg3[%min3A_130, %dma_wait3A, %dma_wait3A_137] : memref<2500x2x128xi32, #tpu.memory_space<hbm>> -> memref<16x1x128xi32, #tpu.memory_space<hbm>>
      %dma_wait3A_139 = tpu.memref_squeeze %dma_wait3A_138 : memref<16x1x128xi32, #tpu.memory_space<hbm>> -> memref<16x128xi32, #tpu.memory_space<hbm>>
      %dma_wait3A_140 = tpu.memref_slice %arg11[%dma_wait3A_132] : memref<2x!tpu.dma_semaphore, #tpu.memory_space<semaphore_mem>> -> memref<1x!tpu.dma_semaphore, #tpu.memory_space<semaphore_mem>>
      %dma_wait3A_141 = tpu.memref_squeeze %dma_wait3A_140 : memref<1x!tpu.dma_semaphore, #tpu.memory_space<semaphore_mem>> -> memref<!tpu.dma_semaphore, #tpu.memory_space<semaphore_mem>>
      %dma_wait3A_142 = arith.constant 0 : i32
      %dma_wait3A_143 = arith.constant 0 : i32
      %dma_wait3A_144 = tpu.memref_slice %arg5[%dma_wait3A_131, %dma_wait3A_142, %dma_wait3A_143] : memref<2x16x128xi32, #tpu.memory_space<vmem>> -> memref<1x16x128xi32, #tpu.memory_space<vmem>>
      %dma_wait3A_145 = tpu.memref_squeeze %dma_wait3A_144 : memref<1x16x128xi32, #tpu.memory_space<vmem>> -> memref<16x128xi32, #tpu.memory_space<vmem>>
      %dma_wait3A_146 = arith.constant 0 : i32
      %dma_wait3A_147 = tpu.memref_slice %arg3[%min3A_130, %dma_wait3A, %dma_wait3A_146] : memref<2500x2x128xi32, #tpu.memory_space<hbm>> -> memref<16x1x128xi32, #tpu.memory_space<hbm>>
      %dma_wait3A_148 = tpu.memref_squeeze %dma_wait3A_147 : memref<16x1x128xi32, #tpu.memory_space<hbm>> -> memref<16x128xi32, #tpu.memory_space<hbm>>
      tpu.wait_dma2 semaphore(%dma_wait3A_141 : memref<!tpu.dma_semaphore, #tpu.memory_space<semaphore_mem>>) src(%dma_wait3A_148 : memref<16x128xi32, #tpu.memory_space<hbm>>) dst(%dma_wait3A_145 : memref<16x128xi32, #tpu.memory_space<vmem>>)
      %dma_wait3A_149 = arith.constant 0 : i32
      %dma_wait3A_150 = arith.constant 0 : i32
      %dma_wait3A_151 = arith.constant 0 : i32
      %dma_wait3A_152 = arith.constant 0 : i32
      %dma_wait3A_153 = arith.constant 0 : i32
      %dma_wait3A_154 = tpu.memref_slice %arg6[%dma_wait3A_149, %dma_wait3A_151, %dma_wait3A_152, %dma_wait3A_153] : memref<2x16x8x128xf32, #tpu.memory_space<vmem>> -> memref<1x16x8x128xf32, #tpu.memory_space<vmem>>
      %dma_wait3A_155 = tpu.memref_squeeze %dma_wait3A_154 : memref<1x16x8x128xf32, #tpu.memory_space<vmem>> -> memref<16x8x128xf32, #tpu.memory_space<vmem>>
      %dma_wait3A_156 = arith.constant 0 : i32
      %dma_wait3A_157 = arith.constant 0 : i32
      %dma_wait3A_158 = tpu.memref_slice %arg2[%arg0, %min3A_130, %dma_wait3A_156, %dma_wait3A_157] : memref<2x2500x8x128xf32, #tpu.memory_space<hbm>> -> memref<1x16x8x128xf32, #tpu.memory_space<hbm>>
      %dma_wait3A_159 = tpu.memref_squeeze %dma_wait3A_158 : memref<1x16x8x128xf32, #tpu.memory_space<hbm>> -> memref<16x8x128xf32, #tpu.memory_space<hbm>>
      %dma_wait3A_160 = tpu.memref_slice %arg11[%dma_wait3A_150] : memref<2x!tpu.dma_semaphore, #tpu.memory_space<semaphore_mem>> -> memref<1x!tpu.dma_semaphore, #tpu.memory_space<semaphore_mem>>
      %dma_wait3A_161 = tpu.memref_squeeze %dma_wait3A_160 : memref<1x!tpu.dma_semaphore, #tpu.memory_space<semaphore_mem>> -> memref<!tpu.dma_semaphore, #tpu.memory_space<semaphore_mem>>
      %dma_wait3A_162 = arith.constant 0 : i32
      %dma_wait3A_163 = arith.constant 0 : i32
      %dma_wait3A_164 = arith.constant 0 : i32
      %dma_wait3A_165 = tpu.memref_slice %arg6[%dma_wait3A_149, %dma_wait3A_162, %dma_wait3A_163, %dma_wait3A_164] : memref<2x16x8x128xf32, #tpu.memory_space<vmem>> -> memref<1x16x8x128xf32, #tpu.memory_space<vmem>>
      %dma_wait3A_166 = tpu.memref_squeeze %dma_wait3A_165 : memref<1x16x8x128xf32, #tpu.memory_space<vmem>> -> memref<16x8x128xf32, #tpu.memory_space<vmem>>
      %dma_wait3A_167 = arith.constant 0 : i32
      %dma_wait3A_168 = arith.constant 0 : i32
      %dma_wait3A_169 = tpu.memref_slice %arg2[%arg0, %min3A_130, %dma_wait3A_167, %dma_wait3A_168] : memref<2x2500x8x128xf32, #tpu.memory_space<hbm>> -> memref<1x16x8x128xf32, #tpu.memory_space<hbm>>
      %dma_wait3A_170 = tpu.memref_squeeze %dma_wait3A_169 : memref<1x16x8x128xf32, #tpu.memory_space<hbm>> -> memref<16x8x128xf32, #tpu.memory_space<hbm>>
      tpu.wait_dma2 semaphore(%dma_wait3A_161 : memref<!tpu.dma_semaphore, #tpu.memory_space<semaphore_mem>>) src(%dma_wait3A_170 : memref<16x8x128xf32, #tpu.memory_space<hbm>>) dst(%dma_wait3A_166 : memref<16x8x128xf32, #tpu.memory_space<vmem>>)
      %mul3A_171 = arith.constant 16 : i32
      %mul3A_172 = arith.muli %add3A_125, %mul3A_171 : i32
      %add3A_173 = arith.addi %add3A, %mul3A_172 : i32
      %sub3A = arith.subi %add3A_173, %min3A_130 : i32
      %mul3A_174 = arith.constant 16 : i32
      %mul3A_175 = arith.muli %add3A_125, %mul3A_174 : i32
      %sub3A_176 = arith.subi %select_n3A, %mul3A_175 : i32
      %min3A_177 = arith.constant 16 : i32
      %min3A_178 = arith.minsi %sub3A_176, %min3A_177 : i32
      %parallel_loop3A_179 = arith.constant 0 : i32
      %parallel_loop3A_180 = arith.constant 1 : i32
      scf.for %parallel_loop3A_254 = %parallel_loop3A_179 to %min3A_178 step %parallel_loop3A_180  : i32 {
        %parallel_loop3A_255 = arith.addi %sub3A, %parallel_loop3A_254 : i32
        %parallel_loop3A_256 = arith.constant 0 : i32
        %parallel_loop3A_257 = arith.index_cast %parallel_loop3A_256 : i32 to index
        %parallel_loop3A_258 = arith.index_cast %parallel_loop3A_255 : i32 to index
        %parallel_loop3A_259 = arith.constant 0 : index
        %parallel_loop3A_260 = tpu.vector_load %arg5[%parallel_loop3A_257, %parallel_loop3A_258, %parallel_loop3A_259] {strides = array<i32>} : memref<2x16x128xi32, #tpu.memory_space<vmem>>, vector<16xi32>,
        %parallel_loop3A_261 = arith.constant 7 : i32
        %parallel_loop3A_262 = vector.broadcast %parallel_loop3A_261 : i32 to vector<16xi32>
        %parallel_loop3A_263 = arith.shrui %parallel_loop3A_260, %parallel_loop3A_262 : vector<16xi32>
        %parallel_loop3A_264 = arith.constant 127 : i32
        %parallel_loop3A_265 = vector.broadcast %parallel_loop3A_264 : i32 to vector<16xi32>
        %parallel_loop3A_266 = arith.andi %parallel_loop3A_260, %parallel_loop3A_265 : vector<16xi32>
        %parallel_loop3A_267 = arith.constant 0 : i32
        %parallel_loop3A_268 = arith.constant 0 : i32
        %parallel_loop3A_269 = arith.index_cast %parallel_loop3A_267 : i32 to index
        %parallel_loop3A_270 = arith.index_cast %parallel_loop3A_255 : i32 to index
        %parallel_loop3A_271 = arith.index_cast %parallel_loop3A_268 : i32 to index
        %parallel_loop3A_272 = arith.constant 0 : index
        %parallel_loop3A_273 = tpu.vector_load %arg6[%parallel_loop3A_269, %parallel_loop3A_270, %parallel_loop3A_271, %parallel_loop3A_272] {strides = array<i32>} : memref<2x16x8x128xf32, #tpu.memory_space<vmem>>, vector<16xf32>,
        %parallel_loop3A_274 = arith.constant 0 : i32
        %parallel_loop3A_275 = vector.broadcast %parallel_loop3A_274 : i32 to vector<16xi32>
        %parallel_loop3A_276 = arith.addi %parallel_loop3A_263, %parallel_loop3A_275 : vector<16xi32>
        tpu.vector_store_idx %arg7[%parallel_loop3A_276, %parallel_loop3A_266], %parallel_loop3A_273 {add = true} : memref<640x128xf32, #tpu.memory_space<vmem>>[vector<16xi32>, vector<16xi32>], vector<16xf32>,
        %parallel_loop3A_277 = arith.constant 0 : i32
        %parallel_loop3A_278 = arith.constant 1 : i32
        %parallel_loop3A_279 = arith.index_cast %parallel_loop3A_277 : i32 to index
        %parallel_loop3A_280 = arith.index_cast %parallel_loop3A_255 : i32 to index
        %parallel_loop3A_281 = arith.index_cast %parallel_loop3A_278 : i32 to index
        %parallel_loop3A_282 = arith.constant 0 : index
        %parallel_loop3A_283 = tpu.vector_load %arg6[%parallel_loop3A_279, %parallel_loop3A_280, %parallel_loop3A_281, %parallel_loop3A_282] {strides = array<i32>} : memref<2x16x8x128xf32, #tpu.memory_space<vmem>>, vector<16xf32>,
        %parallel_loop3A_284 = arith.constant 80 : i32
        %parallel_loop3A_285 = vector.broadcast %parallel_loop3A_284 : i32 to vector<16xi32>
        %parallel_loop3A_286 = arith.addi %parallel_loop3A_263, %parallel_loop3A_285 : vector<16xi32>
        tpu.vector_store_idx %arg7[%parallel_loop3A_286, %parallel_loop3A_266], %parallel_loop3A_283 {add = true} : memref<640x128xf32, #tpu.memory_space<vmem>>[vector<16xi32>, vector<16xi32>], vector<16xf32>,
        %parallel_loop3A_287 = arith.constant 0 : i32
        %parallel_loop3A_288 = arith.constant 2 : i32
        %parallel_loop3A_289 = arith.index_cast %parallel_loop3A_287 : i32 to index
        %parallel_loop3A_290 = arith.index_cast %parallel_loop3A_255 : i32 to index
        %parallel_loop3A_291 = arith.index_cast %parallel_loop3A_288 : i32 to index
        %parallel_loop3A_292 = arith.constant 0 : index
        %parallel_loop3A_293 = tpu.vector_load %arg6[%parallel_loop3A_289, %parallel_loop3A_290, %parallel_loop3A_291, %parallel_loop3A_292] {strides = array<i32>} : memref<2x16x8x128xf32, #tpu.memory_space<vmem>>, vector<16xf32>,
        %parallel_loop3A_294 = arith.constant 160 : i32
        %parallel_loop3A_295 = vector.broadcast %parallel_loop3A_294 : i32 to vector<16xi32>
        %parallel_loop3A_296 = arith.addi %parallel_loop3A_263, %parallel_loop3A_295 : vector<16xi32>
        tpu.vector_store_idx %arg7[%parallel_loop3A_296, %parallel_loop3A_266], %parallel_loop3A_293 {add = true} : memref<640x128xf32, #tpu.memory_space<vmem>>[vector<16xi32>, vector<16xi32>], vector<16xf32>,
        %parallel_loop3A_297 = arith.constant 0 : i32
        %parallel_loop3A_298 = arith.constant 3 : i32
        %parallel_loop3A_299 = arith.index_cast %parallel_loop3A_297 : i32 to index
        %parallel_loop3A_300 = arith.index_cast %parallel_loop3A_255 : i32 to index
        %parallel_loop3A_301 = arith.index_cast %parallel_loop3A_298 : i32 to index
        %parallel_loop3A_302 = arith.constant 0 : index
        %parallel_loop3A_303 = tpu.vector_load %arg6[%parallel_loop3A_299, %parallel_loop3A_300, %parallel_loop3A_301, %parallel_loop3A_302] {strides = array<i32>} : memref<2x16x8x128xf32, #tpu.memory_space<vmem>>, vector<16xf32>,
        %parallel_loop3A_304 = arith.constant 240 : i32
        %parallel_loop3A_305 = vector.broadcast %parallel_loop3A_304 : i32 to vector<16xi32>
        %parallel_loop3A_306 = arith.addi %parallel_loop3A_263, %parallel_loop3A_305 : vector<16xi32>
        tpu.vector_store_idx %arg7[%parallel_loop3A_306, %parallel_loop3A_266], %parallel_loop3A_303 {add = true} : memref<640x128xf32, #tpu.memory_space<vmem>>[vector<16xi32>, vector<16xi32>], vector<16xf32>,
        %parallel_loop3A_307 = arith.constant 0 : i32
        %parallel_loop3A_308 = arith.constant 4 : i32
        %parallel_loop3A_309 = arith.index_cast %parallel_loop3A_307 : i32 to index
        %parallel_loop3A_310 = arith.index_cast %parallel_loop3A_255 : i32 to index
        %parallel_loop3A_311 = arith.index_cast %parallel_loop3A_308 : i32 to index
        %parallel_loop3A_312 = arith.constant 0 : index
        %parallel_loop3A_313 = tpu.vector_load %arg6[%parallel_loop3A_309, %parallel_loop3A_310, %parallel_loop3A_311, %parallel_loop3A_312] {strides = array<i32>} : memref<2x16x8x128xf32, #tpu.memory_space<vmem>>, vector<16xf32>,
        %parallel_loop3A_314 = arith.constant 320 : i32
        %parallel_loop3A_315 = vector.broadcast %parallel_loop3A_314 : i32 to vector<16xi32>
        %parallel_loop3A_316 = arith.addi %parallel_loop3A_263, %parallel_loop3A_315 : vector<16xi32>
        tpu.vector_store_idx %arg7[%parallel_loop3A_316, %parallel_loop3A_266], %parallel_loop3A_313 {add = true} : memref<640x128xf32, #tpu.memory_space<vmem>>[vector<16xi32>, vector<16xi32>], vector<16xf32>,
        %parallel_loop3A_317 = arith.constant 0 : i32
        %parallel_loop3A_318 = arith.constant 5 : i32
        %parallel_loop3A_319 = arith.index_cast %parallel_loop3A_317 : i32 to index
        %parallel_loop3A_320 = arith.index_cast %parallel_loop3A_255 : i32 to index
        %parallel_loop3A_321 = arith.index_cast %parallel_loop3A_318 : i32 to index
        %parallel_loop3A_322 = arith.constant 0 : index
        %parallel_loop3A_323 = tpu.vector_load %arg6[%parallel_loop3A_319, %parallel_loop3A_320, %parallel_loop3A_321, %parallel_loop3A_322] {strides = array<i32>} : memref<2x16x8x128xf32, #tpu.memory_space<vmem>>, vector<16xf32>,
        %parallel_loop3A_324 = arith.constant 400 : i32
        %parallel_loop3A_325 = vector.broadcast %parallel_loop3A_324 : i32 to vector<16xi32>
        %parallel_loop3A_326 = arith.addi %parallel_loop3A_263, %parallel_loop3A_325 : vector<16xi32>
        tpu.vector_store_idx %arg7[%parallel_loop3A_326, %parallel_loop3A_266], %parallel_loop3A_323 {add = true} : memref<640x128xf32, #tpu.memory_space<vmem>>[vector<16xi32>, vector<16xi32>], vector<16xf32>,
        %parallel_loop3A_327 = arith.constant 0 : i32
        %parallel_loop3A_328 = arith.constant 6 : i32
        %parallel_loop3A_329 = arith.index_cast %parallel_loop3A_327 : i32 to index
        %parallel_loop3A_330 = arith.index_cast %parallel_loop3A_255 : i32 to index
        %parallel_loop3A_331 = arith.index_cast %parallel_loop3A_328 : i32 to index
        %parallel_loop3A_332 = arith.constant 0 : index
        %parallel_loop3A_333 = tpu.vector_load %arg6[%parallel_loop3A_329, %parallel_loop3A_330, %parallel_loop3A_331, %parallel_loop3A_332] {strides = array<i32>} : memref<2x16x8x128xf32, #tpu.memory_space<vmem>>, vector<16xf32>,
        %parallel_loop3A_334 = arith.constant 480 : i32
        %parallel_loop3A_335 = vector.broadcast %parallel_loop3A_334 : i32 to vector<16xi32>
        %parallel_loop3A_336 = arith.addi %parallel_loop3A_263, %parallel_loop3A_335 : vector<16xi32>
        tpu.vector_store_idx %arg7[%parallel_loop3A_336, %parallel_loop3A_266], %parallel_loop3A_333 {add = true} : memref<640x128xf32, #tpu.memory_space<vmem>>[vector<16xi32>, vector<16xi32>], vector<16xf32>,
        %parallel_loop3A_337 = arith.constant 0 : i32
        %parallel_loop3A_338 = arith.constant 7 : i32
        %parallel_loop3A_339 = arith.index_cast %parallel_loop3A_337 : i32 to index
        %parallel_loop3A_340 = arith.index_cast %parallel_loop3A_255 : i32 to index
        %parallel_loop3A_341 = arith.index_cast %parallel_loop3A_338 : i32 to index
        %parallel_loop3A_342 = arith.constant 0 : index
        %parallel_loop3A_343 = tpu.vector_load %arg6[%parallel_loop3A_339, %parallel_loop3A_340, %parallel_loop3A_341, %parallel_loop3A_342] {strides = array<i32>} : memref<2x16x8x128xf32, #tpu.memory_space<vmem>>, vector<16xf32>,
        %parallel_loop3A_344 = arith.constant 560 : i32
        %parallel_loop3A_345 = vector.broadcast %parallel_loop3A_344 : i32 to vector<16xi32>
        %parallel_loop3A_346 = arith.addi %parallel_loop3A_263, %parallel_loop3A_345 : vector<16xi32>
        tpu.vector_store_idx %arg7[%parallel_loop3A_346, %parallel_loop3A_266], %parallel_loop3A_343 {add = true} : memref<640x128xf32, #tpu.memory_space<vmem>>[vector<16xi32>, vector<16xi32>], vector<16xf32>,
        %parallel_loop3A_347 = arith.constant 0 : i32
        %parallel_loop3A_348 = arith.index_cast %parallel_loop3A_347 : i32 to index
        %parallel_loop3A_349 = arith.index_cast %parallel_loop3A_255 : i32 to index
        %parallel_loop3A_350 = arith.constant 16 : index
        %parallel_loop3A_351 = tpu.vector_load %arg5[%parallel_loop3A_348, %parallel_loop3A_349, %parallel_loop3A_350] {strides = array<i32>} : memref<2x16x128xi32, #tpu.memory_space<vmem>>, vector<16xi32>,
        %parallel_loop3A_352 = arith.constant 7 : i32
        %parallel_loop3A_353 = vector.broadcast %parallel_loop3A_352 : i32 to vector<16xi32>
        %parallel_loop3A_354 = arith.shrui %parallel_loop3A_351, %parallel_loop3A_353 : vector<16xi32>
        %parallel_loop3A_355 = arith.constant 127 : i32
        %parallel_loop3A_356 = vector.broadcast %parallel_loop3A_355 : i32 to vector<16xi32>
        %parallel_loop3A_357 = arith.andi %parallel_loop3A_351, %parallel_loop3A_356 : vector<16xi32>
        %parallel_loop3A_358 = arith.constant 0 : i32
        %parallel_loop3A_359 = arith.constant 0 : i32
        %parallel_loop3A_360 = arith.index_cast %parallel_loop3A_358 : i32 to index
        %parallel_loop3A_361 = arith.index_cast %parallel_loop3A_255 : i32 to index
        %parallel_loop3A_362 = arith.index_cast %parallel_loop3A_359 : i32 to index
        %parallel_loop3A_363 = arith.constant 16 : index
        %parallel_loop3A_364 = tpu.vector_load %arg6[%parallel_loop3A_360, %parallel_loop3A_361, %parallel_loop3A_362, %parallel_loop3A_363] {strides = array<i32>} : memref<2x16x8x128xf32, #tpu.memory_space<vmem>>, vector<16xf32>,
        %parallel_loop3A_365 = arith.constant 0 : i32
        %parallel_loop3A_366 = vector.broadcast %parallel_loop3A_365 : i32 to vector<16xi32>
        %parallel_loop3A_367 = arith.addi %parallel_loop3A_354, %parallel_loop3A_366 : vector<16xi32>
        tpu.vector_store_idx %arg7[%parallel_loop3A_367, %parallel_loop3A_357], %parallel_loop3A_364 {add = true} : memref<640x128xf32, #tpu.memory_space<vmem>>[vector<16xi32>, vector<16xi32>], vector<16xf32>,
        %parallel_loop3A_368 = arith.constant 0 : i32
        %parallel_loop3A_369 = arith.constant 1 : i32
        %parallel_loop3A_370 = arith.index_cast %parallel_loop3A_368 : i32 to index
        %parallel_loop3A_371 = arith.index_cast %parallel_loop3A_255 : i32 to index
        %parallel_loop3A_372 = arith.index_cast %parallel_loop3A_369 : i32 to index
        %parallel_loop3A_373 = arith.constant 16 : index
        %parallel_loop3A_374 = tpu.vector_load %arg6[%parallel_loop3A_370, %parallel_loop3A_371, %parallel_loop3A_372, %parallel_loop3A_373] {strides = array<i32>} : memref<2x16x8x128xf32, #tpu.memory_space<vmem>>, vector<16xf32>,
        %parallel_loop3A_375 = arith.constant 80 : i32
        %parallel_loop3A_376 = vector.broadcast %parallel_loop3A_375 : i32 to vector<16xi32>
        %parallel_loop3A_377 = arith.addi %parallel_loop3A_354, %parallel_loop3A_376 : vector<16xi32>
        tpu.vector_store_idx %arg7[%parallel_loop3A_377, %parallel_loop3A_357], %parallel_loop3A_374 {add = true} : memref<640x128xf32, #tpu.memory_space<vmem>>[vector<16xi32>, vector<16xi32>], vector<16xf32>,
        %parallel_loop3A_378 = arith.constant 0 : i32
        %parallel_loop3A_379 = arith.constant 2 : i32
        %parallel_loop3A_380 = arith.index_cast %parallel_loop3A_378 : i32 to index
        %parallel_loop3A_381 = arith.index_cast %parallel_loop3A_255 : i32 to index
        %parallel_loop3A_382 = arith.index_cast %parallel_loop3A_379 : i32 to index
        %parallel_loop3A_383 = arith.constant 16 : index
        %parallel_loop3A_384 = tpu.vector_load %arg6[%parallel_loop3A_380, %parallel_loop3A_381, %parallel_loop3A_382, %parallel_loop3A_383] {strides = array<i32>} : memref<2x16x8x128xf32, #tpu.memory_space<vmem>>, vector<16xf32>,
        %parallel_loop3A_385 = arith.constant 160 : i32
        %parallel_loop3A_386 = vector.broadcast %parallel_loop3A_385 : i32 to vector<16xi32>
        %parallel_loop3A_387 = arith.addi %parallel_loop3A_354, %parallel_loop3A_386 : vector<16xi32>
        tpu.vector_store_idx %arg7[%parallel_loop3A_387, %parallel_loop3A_357], %parallel_loop3A_384 {add = true} : memref<640x128xf32, #tpu.memory_space<vmem>>[vector<16xi32>, vector<16xi32>], vector<16xf32>,
        %parallel_loop3A_388 = arith.constant 0 : i32
        %parallel_loop3A_389 = arith.constant 3 : i32
        %parallel_loop3A_390 = arith.index_cast %parallel_loop3A_388 : i32 to index
        %parallel_loop3A_391 = arith.index_cast %parallel_loop3A_255 : i32 to index
        %parallel_loop3A_392 = arith.index_cast %parallel_loop3A_389 : i32 to index
        %parallel_loop3A_393 = arith.constant 16 : index
        %parallel_loop3A_394 = tpu.vector_load %arg6[%parallel_loop3A_390, %parallel_loop3A_391, %parallel_loop3A_392, %parallel_loop3A_393] {strides = array<i32>} : memref<2x16x8x128xf32, #tpu.memory_space<vmem>>, vector<16xf32>,
        %parallel_loop3A_395 = arith.constant 240 : i32
        %parallel_loop3A_396 = vector.broadcast %parallel_loop3A_395 : i32 to vector<16xi32>
        %parallel_loop3A_397 = arith.addi %parallel_loop3A_354, %parallel_loop3A_396 : vector<16xi32>
        tpu.vector_store_idx %arg7[%parallel_loop3A_397, %parallel_loop3A_357], %parallel_loop3A_394 {add = true} : memref<640x128xf32, #tpu.memory_space<vmem>>[vector<16xi32>, vector<16xi32>], vector<16xf32>,
        %parallel_loop3A_398 = arith.constant 0 : i32
        %parallel_loop3A_399 = arith.constant 4 : i32
        %parallel_loop3A_400 = arith.index_cast %parallel_loop3A_398 : i32 to index
        %parallel_loop3A_401 = arith.index_cast %parallel_loop3A_255 : i32 to index
        %parallel_loop3A_402 = arith.index_cast %parallel_loop3A_399 : i32 to index
        %parallel_loop3A_403 = arith.constant 16 : index
        %parallel_loop3A_404 = tpu.vector_load %arg6[%parallel_loop3A_400, %parallel_loop3A_401, %parallel_loop3A_402, %parallel_loop3A_403] {strides = array<i32>} : memref<2x16x8x128xf32, #tpu.memory_space<vmem>>, vector<16xf32>,
        %parallel_loop3A_405 = arith.constant 320 : i32
        %parallel_loop3A_406 = vector.broadcast %parallel_loop3A_405 : i32 to vector<16xi32>
        %parallel_loop3A_407 = arith.addi %parallel_loop3A_354, %parallel_loop3A_406 : vector<16xi32>
        tpu.vector_store_idx %arg7[%parallel_loop3A_407, %parallel_loop3A_357], %parallel_loop3A_404 {add = true} : memref<640x128xf32, #tpu.memory_space<vmem>>[vector<16xi32>, vector<16xi32>], vector<16xf32>,
        %parallel_loop3A_408 = arith.constant 0 : i32
        %parallel_loop3A_409 = arith.constant 5 : i32
        %parallel_loop3A_410 = arith.index_cast %parallel_loop3A_408 : i32 to index
        %parallel_loop3A_411 = arith.index_cast %parallel_loop3A_255 : i32 to index
        %parallel_loop3A_412 = arith.index_cast %parallel_loop3A_409 : i32 to index
        %parallel_loop3A_413 = arith.constant 16 : index
        %parallel_loop3A_414 = tpu.vector_load %arg6[%parallel_loop3A_410, %parallel_loop3A_411, %parallel_loop3A_412, %parallel_loop3A_413] {strides = array<i32>} : memref<2x16x8x128xf32, #tpu.memory_space<vmem>>, vector<16xf32>,
        %parallel_loop3A_415 = arith.constant 400 : i32
        %parallel_loop3A_416 = vector.broadcast %parallel_loop3A_415 : i32 to vector<16xi32>
        %parallel_loop3A_417 = arith.addi %parallel_loop3A_354, %parallel_loop3A_416 : vector<16xi32>
        tpu.vector_store_idx %arg7[%parallel_loop3A_417, %parallel_loop3A_357], %parallel_loop3A_414 {add = true} : memref<640x128xf32, #tpu.memory_space<vmem>>[vector<16xi32>, vector<16xi32>], vector<16xf32>,
        %parallel_loop3A_418 = arith.constant 0 : i32
        %parallel_loop3A_419 = arith.constant 6 : i32
        %parallel_loop3A_420 = arith.index_cast %parallel_loop3A_418 : i32 to index
        %parallel_loop3A_421 = arith.index_cast %parallel_loop3A_255 : i32 to index
        %parallel_loop3A_422 = arith.index_cast %parallel_loop3A_419 : i32 to index
        %parallel_loop3A_423 = arith.constant 16 : index
        %parallel_loop3A_424 = tpu.vector_load %arg6[%parallel_loop3A_420, %parallel_loop3A_421, %parallel_loop3A_422, %parallel_loop3A_423] {strides = array<i32>} : memref<2x16x8x128xf32, #tpu.memory_space<vmem>>, vector<16xf32>,
        %parallel_loop3A_425 = arith.constant 480 : i32
        %parallel_loop3A_426 = vector.broadcast %parallel_loop3A_425 : i32 to vector<16xi32>
        %parallel_loop3A_427 = arith.addi %parallel_loop3A_354, %parallel_loop3A_426 : vector<16xi32>
        tpu.vector_store_idx %arg7[%parallel_loop3A_427, %parallel_loop3A_357], %parallel_loop3A_424 {add = true} : memref<640x128xf32, #tpu.memory_space<vmem>>[vector<16xi32>, vector<16xi32>], vector<16xf32>,
        %parallel_loop3A_428 = arith.constant 0 : i32
        %parallel_loop3A_429 = arith.constant 7 : i32
        %parallel_loop3A_430 = arith.index_cast %parallel_loop3A_428 : i32 to index
        %parallel_loop3A_431 = arith.index_cast %parallel_loop3A_255 : i32 to index
        %parallel_loop3A_432 = arith.index_cast %parallel_loop3A_429 : i32 to index
        %parallel_loop3A_433 = arith.constant 16 : index
        %parallel_loop3A_434 = tpu.vector_load %arg6[%parallel_loop3A_430, %parallel_loop3A_431, %parallel_loop3A_432, %parallel_loop3A_433] {strides = array<i32>} : memref<2x16x8x128xf32, #tpu.memory_space<vmem>>, vector<16xf32>,
        %parallel_loop3A_435 = arith.constant 560 : i32
        %parallel_loop3A_436 = vector.broadcast %parallel_loop3A_435 : i32 to vector<16xi32>
        %parallel_loop3A_437 = arith.addi %parallel_loop3A_354, %parallel_loop3A_436 : vector<16xi32>
        tpu.vector_store_idx %arg7[%parallel_loop3A_437, %parallel_loop3A_357], %parallel_loop3A_434 {add = true} : memref<640x128xf32, #tpu.memory_space<vmem>>[vector<16xi32>, vector<16xi32>], vector<16xf32>,
        %parallel_loop3A_438 = arith.constant 0 : i32
        %parallel_loop3A_439 = arith.index_cast %parallel_loop3A_438 : i32 to index
        %parallel_loop3A_440 = arith.index_cast %parallel_loop3A_255 : i32 to index
        %parallel_loop3A_441 = arith.constant 32 : index
        %parallel_loop3A_442 = tpu.vector_load %arg5[%parallel_loop3A_439, %parallel_loop3A_440, %parallel_loop3A_441] {strides = array<i32>} : memref<2x16x128xi32, #tpu.memory_space<vmem>>, vector<16xi32>,
        %parallel_loop3A_443 = arith.constant 7 : i32
        %parallel_loop3A_444 = vector.broadcast %parallel_loop3A_443 : i32 to vector<16xi32>
        %parallel_loop3A_445 = arith.shrui %parallel_loop3A_442, %parallel_loop3A_444 : vector<16xi32>
        %parallel_loop3A_446 = arith.constant 127 : i32
        %parallel_loop3A_447 = vector.broadcast %parallel_loop3A_446 : i32 to vector<16xi32>
        %parallel_loop3A_448 = arith.andi %parallel_loop3A_442, %parallel_loop3A_447 : vector<16xi32>
        %parallel_loop3A_449 = arith.constant 0 : i32
        %parallel_loop3A_450 = arith.constant 0 : i32
        %parallel_loop3A_451 = arith.index_cast %parallel_loop3A_449 : i32 to index
        %parallel_loop3A_452 = arith.index_cast %parallel_loop3A_255 : i32 to index
        %parallel_loop3A_453 = arith.index_cast %parallel_loop3A_450 : i32 to index
        %parallel_loop3A_454 = arith.constant 32 : index
        %parallel_loop3A_455 = tpu.vector_load %arg6[%parallel_loop3A_451, %parallel_loop3A_452, %parallel_loop3A_453, %parallel_loop3A_454] {strides = array<i32>} : memref<2x16x8x128xf32, #tpu.memory_space<vmem>>, vector<16xf32>,
        %parallel_loop3A_456 = arith.constant 0 : i32
        %parallel_loop3A_457 = vector.broadcast %parallel_loop3A_456 : i32 to vector<16xi32>
        %parallel_loop3A_458 = arith.addi %parallel_loop3A_445, %parallel_loop3A_457 : vector<16xi32>
        tpu.vector_store_idx %arg7[%parallel_loop3A_458, %parallel_loop3A_448], %parallel_loop3A_455 {add = true} : memref<640x128xf32, #tpu.memory_space<vmem>>[vector<16xi32>, vector<16xi32>], vector<16xf32>,
        %parallel_loop3A_459 = arith.constant 0 : i32
        %parallel_loop3A_460 = arith.constant 1 : i32
        %parallel_loop3A_461 = arith.index_cast %parallel_loop3A_459 : i32 to index
        %parallel_loop3A_462 = arith.index_cast %parallel_loop3A_255 : i32 to index
        %parallel_loop3A_463 = arith.index_cast %parallel_loop3A_460 : i32 to index
        %parallel_loop3A_464 = arith.constant 32 : index
        %parallel_loop3A_465 = tpu.vector_load %arg6[%parallel_loop3A_461, %parallel_loop3A_462, %parallel_loop3A_463, %parallel_loop3A_464] {strides = array<i32>} : memref<2x16x8x128xf32, #tpu.memory_space<vmem>>, vector<16xf32>,
        %parallel_loop3A_466 = arith.constant 80 : i32
        %parallel_loop3A_467 = vector.broadcast %parallel_loop3A_466 : i32 to vector<16xi32>
        %parallel_loop3A_468 = arith.addi %parallel_loop3A_445, %parallel_loop3A_467 : vector<16xi32>
        tpu.vector_store_idx %arg7[%parallel_loop3A_468, %parallel_loop3A_448], %parallel_loop3A_465 {add = true} : memref<640x128xf32, #tpu.memory_space<vmem>>[vector<16xi32>, vector<16xi32>], vector<16xf32>,
        %parallel_loop3A_469 = arith.constant 0 : i32
        %parallel_loop3A_470 = arith.constant 2 : i32
        %parallel_loop3A_471 = arith.index_cast %parallel_loop3A_469 : i32 to index
        %parallel_loop3A_472 = arith.index_cast %parallel_loop3A_255 : i32 to index
        %parallel_loop3A_473 = arith.index_cast %parallel_loop3A_470 : i32 to index
        %parallel_loop3A_474 = arith.constant 32 : index
        %parallel_loop3A_475 = tpu.vector_load %arg6[%parallel_loop3A_471, %parallel_loop3A_472, %parallel_loop3A_473, %parallel_loop3A_474] {strides = array<i32>} : memref<2x16x8x128xf32, #tpu.memory_space<vmem>>, vector<16xf32>,
        %parallel_loop3A_476 = arith.constant 160 : i32
        %parallel_loop3A_477 = vector.broadcast %parallel_loop3A_476 : i32 to vector<16xi32>
        %parallel_loop3A_478 = arith.addi %parallel_loop3A_445, %parallel_loop3A_477 : vector<16xi32>
        tpu.vector_store_idx %arg7[%parallel_loop3A_478, %parallel_loop3A_448], %parallel_loop3A_475 {add = true} : memref<640x128xf32, #tpu.memory_space<vmem>>[vector<16xi32>, vector<16xi32>], vector<16xf32>,
        %parallel_loop3A_479 = arith.constant 0 : i32
        %parallel_loop3A_480 = arith.constant 3 : i32
        %parallel_loop3A_481 = arith.index_cast %parallel_loop3A_479 : i32 to index
        %parallel_loop3A_482 = arith.index_cast %parallel_loop3A_255 : i32 to index
        %parallel_loop3A_483 = arith.index_cast %parallel_loop3A_480 : i32 to index
        %parallel_loop3A_484 = arith.constant 32 : index
        %parallel_loop3A_485 = tpu.vector_load %arg6[%parallel_loop3A_481, %parallel_loop3A_482, %parallel_loop3A_483, %parallel_loop3A_484] {strides = array<i32>} : memref<2x16x8x128xf32, #tpu.memory_space<vmem>>, vector<16xf32>,
        %parallel_loop3A_486 = arith.constant 240 : i32
        %parallel_loop3A_487 = vector.broadcast %parallel_loop3A_486 : i32 to vector<16xi32>
        %parallel_loop3A_488 = arith.addi %parallel_loop3A_445, %parallel_loop3A_487 : vector<16xi32>
        tpu.vector_store_idx %arg7[%parallel_loop3A_488, %parallel_loop3A_448], %parallel_loop3A_485 {add = true} : memref<640x128xf32, #tpu.memory_space<vmem>>[vector<16xi32>, vector<16xi32>], vector<16xf32>,
        %parallel_loop3A_489 = arith.constant 0 : i32
        %parallel_loop3A_490 = arith.constant 4 : i32
        %parallel_loop3A_491 = arith.index_cast %parallel_loop3A_489 : i32 to index
        %parallel_loop3A_492 = arith.index_cast %parallel_loop3A_255 : i32 to index
        %parallel_loop3A_493 = arith.index_cast %parallel_loop3A_490 : i32 to index
        %parallel_loop3A_494 = arith.constant 32 : index
        %parallel_loop3A_495 = tpu.vector_load %arg6[%parallel_loop3A_491, %parallel_loop3A_492, %parallel_loop3A_493, %parallel_loop3A_494] {strides = array<i32>} : memref<2x16x8x128xf32, #tpu.memory_space<vmem>>, vector<16xf32>,
        %parallel_loop3A_496 = arith.constant 320 : i32
        %parallel_loop3A_497 = vector.broadcast %parallel_loop3A_496 : i32 to vector<16xi32>
        %parallel_loop3A_498 = arith.addi %parallel_loop3A_445, %parallel_loop3A_497 : vector<16xi32>
        tpu.vector_store_idx %arg7[%parallel_loop3A_498, %parallel_loop3A_448], %parallel_loop3A_495 {add = true} : memref<640x128xf32, #tpu.memory_space<vmem>>[vector<16xi32>, vector<16xi32>], vector<16xf32>,
        %parallel_loop3A_499 = arith.constant 0 : i32
        %parallel_loop3A_500 = arith.constant 5 : i32
        %parallel_loop3A_501 = arith.index_cast %parallel_loop3A_499 : i32 to index
        %parallel_loop3A_502 = arith.index_cast %parallel_loop3A_255 : i32 to index
        %parallel_loop3A_503 = arith.index_cast %parallel_loop3A_500 : i32 to index
        %parallel_loop3A_504 = arith.constant 32 : index
        %parallel_loop3A_505 = tpu.vector_load %arg6[%parallel_loop3A_501, %parallel_loop3A_502, %parallel_loop3A_503, %parallel_loop3A_504] {strides = array<i32>} : memref<2x16x8x128xf32, #tpu.memory_space<vmem>>, vector<16xf32>,
        %parallel_loop3A_506 = arith.constant 400 : i32
        %parallel_loop3A_507 = vector.broadcast %parallel_loop3A_506 : i32 to vector<16xi32>
        %parallel_loop3A_508 = arith.addi %parallel_loop3A_445, %parallel_loop3A_507 : vector<16xi32>
        tpu.vector_store_idx %arg7[%parallel_loop3A_508, %parallel_loop3A_448], %parallel_loop3A_505 {add = true} : memref<640x128xf32, #tpu.memory_space<vmem>>[vector<16xi32>, vector<16xi32>], vector<16xf32>,
        %parallel_loop3A_509 = arith.constant 0 : i32
        %parallel_loop3A_510 = arith.constant 6 : i32
        %parallel_loop3A_511 = arith.index_cast %parallel_loop3A_509 : i32 to index
        %parallel_loop3A_512 = arith.index_cast %parallel_loop3A_255 : i32 to index
        %parallel_loop3A_513 = arith.index_cast %parallel_loop3A_510 : i32 to index
        %parallel_loop3A_514 = arith.constant 32 : index
        %parallel_loop3A_515 = tpu.vector_load %arg6[%parallel_loop3A_511, %parallel_loop3A_512, %parallel_loop3A_513, %parallel_loop3A_514] {strides = array<i32>} : memref<2x16x8x128xf32, #tpu.memory_space<vmem>>, vector<16xf32>,
        %parallel_loop3A_516 = arith.constant 480 : i32
        %parallel_loop3A_517 = vector.broadcast %parallel_loop3A_516 : i32 to vector<16xi32>
        %parallel_loop3A_518 = arith.addi %parallel_loop3A_445, %parallel_loop3A_517 : vector<16xi32>
        tpu.vector_store_idx %arg7[%parallel_loop3A_518, %parallel_loop3A_448], %parallel_loop3A_515 {add = true} : memref<640x128xf32, #tpu.memory_space<vmem>>[vector<16xi32>, vector<16xi32>], vector<16xf32>,
        %parallel_loop3A_519 = arith.constant 0 : i32
        %parallel_loop3A_520 = arith.constant 7 : i32
        %parallel_loop3A_521 = arith.index_cast %parallel_loop3A_519 : i32 to index
        %parallel_loop3A_522 = arith.index_cast %parallel_loop3A_255 : i32 to index
        %parallel_loop3A_523 = arith.index_cast %parallel_loop3A_520 : i32 to index
        %parallel_loop3A_524 = arith.constant 32 : index
        %parallel_loop3A_525 = tpu.vector_load %arg6[%parallel_loop3A_521, %parallel_loop3A_522, %parallel_loop3A_523, %parallel_loop3A_524] {strides = array<i32>} : memref<2x16x8x128xf32, #tpu.memory_space<vmem>>, vector<16xf32>,
        %parallel_loop3A_526 = arith.constant 560 : i32
        %parallel_loop3A_527 = vector.broadcast %parallel_loop3A_526 : i32 to vector<16xi32>
        %parallel_loop3A_528 = arith.addi %parallel_loop3A_445, %parallel_loop3A_527 : vector<16xi32>
        tpu.vector_store_idx %arg7[%parallel_loop3A_528, %parallel_loop3A_448], %parallel_loop3A_525 {add = true} : memref<640x128xf32, #tpu.memory_space<vmem>>[vector<16xi32>, vector<16xi32>], vector<16xf32>,
        %parallel_loop3A_529 = arith.constant 0 : i32
        %parallel_loop3A_530 = arith.index_cast %parallel_loop3A_529 : i32 to index
        %parallel_loop3A_531 = arith.index_cast %parallel_loop3A_255 : i32 to index
        %parallel_loop3A_532 = arith.constant 48 : index
        %parallel_loop3A_533 = tpu.vector_load %arg5[%parallel_loop3A_530, %parallel_loop3A_531, %parallel_loop3A_532] {strides = array<i32>} : memref<2x16x128xi32, #tpu.memory_space<vmem>>, vector<16xi32>,
        %parallel_loop3A_534 = arith.constant 7 : i32
        %parallel_loop3A_535 = vector.broadcast %parallel_loop3A_534 : i32 to vector<16xi32>
        %parallel_loop3A_536 = arith.shrui %parallel_loop3A_533, %parallel_loop3A_535 : vector<16xi32>
        %parallel_loop3A_537 = arith.constant 127 : i32
        %parallel_loop3A_538 = vector.broadcast %parallel_loop3A_537 : i32 to vector<16xi32>
        %parallel_loop3A_539 = arith.andi %parallel_loop3A_533, %parallel_loop3A_538 : vector<16xi32>
        %parallel_loop3A_540 = arith.constant 0 : i32
        %parallel_loop3A_541 = arith.constant 0 : i32
        %parallel_loop3A_542 = arith.index_cast %parallel_loop3A_540 : i32 to index
        %parallel_loop3A_543 = arith.index_cast %parallel_loop3A_255 : i32 to index
        %parallel_loop3A_544 = arith.index_cast %parallel_loop3A_541 : i32 to index
        %parallel_loop3A_545 = arith.constant 48 : index
        %parallel_loop3A_546 = tpu.vector_load %arg6[%parallel_loop3A_542, %parallel_loop3A_543, %parallel_loop3A_544, %parallel_loop3A_545] {strides = array<i32>} : memref<2x16x8x128xf32, #tpu.memory_space<vmem>>, vector<16xf32>,
        %parallel_loop3A_547 = arith.constant 0 : i32
        %parallel_loop3A_548 = vector.broadcast %parallel_loop3A_547 : i32 to vector<16xi32>
        %parallel_loop3A_549 = arith.addi %parallel_loop3A_536, %parallel_loop3A_548 : vector<16xi32>
        tpu.vector_store_idx %arg7[%parallel_loop3A_549, %parallel_loop3A_539], %parallel_loop3A_546 {add = true} : memref<640x128xf32, #tpu.memory_space<vmem>>[vector<16xi32>, vector<16xi32>], vector<16xf32>,
        %parallel_loop3A_550 = arith.constant 0 : i32
        %parallel_loop3A_551 = arith.constant 1 : i32
        %parallel_loop3A_552 = arith.index_cast %parallel_loop3A_550 : i32 to index
        %parallel_loop3A_553 = arith.index_cast %parallel_loop3A_255 : i32 to index
        %parallel_loop3A_554 = arith.index_cast %parallel_loop3A_551 : i32 to index
        %parallel_loop3A_555 = arith.constant 48 : index
        %parallel_loop3A_556 = tpu.vector_load %arg6[%parallel_loop3A_552, %parallel_loop3A_553, %parallel_loop3A_554, %parallel_loop3A_555] {strides = array<i32>} : memref<2x16x8x128xf32, #tpu.memory_space<vmem>>, vector<16xf32>,
        %parallel_loop3A_557 = arith.constant 80 : i32
        %parallel_loop3A_558 = vector.broadcast %parallel_loop3A_557 : i32 to vector<16xi32>
        %parallel_loop3A_559 = arith.addi %parallel_loop3A_536, %parallel_loop3A_558 : vector<16xi32>
        tpu.vector_store_idx %arg7[%parallel_loop3A_559, %parallel_loop3A_539], %parallel_loop3A_556 {add = true} : memref<640x128xf32, #tpu.memory_space<vmem>>[vector<16xi32>, vector<16xi32>], vector<16xf32>,
        %parallel_loop3A_560 = arith.constant 0 : i32
        %parallel_loop3A_561 = arith.constant 2 : i32
        %parallel_loop3A_562 = arith.index_cast %parallel_loop3A_560 : i32 to index
        %parallel_loop3A_563 = arith.index_cast %parallel_loop3A_255 : i32 to index
        %parallel_loop3A_564 = arith.index_cast %parallel_loop3A_561 : i32 to index
        %parallel_loop3A_565 = arith.constant 48 : index
        %parallel_loop3A_566 = tpu.vector_load %arg6[%parallel_loop3A_562, %parallel_loop3A_563, %parallel_loop3A_564, %parallel_loop3A_565] {strides = array<i32>} : memref<2x16x8x128xf32, #tpu.memory_space<vmem>>, vector<16xf32>,
        %parallel_loop3A_567 = arith.constant 160 : i32
        %parallel_loop3A_568 = vector.broadcast %parallel_loop3A_567 : i32 to vector<16xi32>
        %parallel_loop3A_569 = arith.addi %parallel_loop3A_536, %parallel_loop3A_568 : vector<16xi32>
        tpu.vector_store_idx %arg7[%parallel_loop3A_569, %parallel_loop3A_539], %parallel_loop3A_566 {add = true} : memref<640x128xf32, #tpu.memory_space<vmem>>[vector<16xi32>, vector<16xi32>], vector<16xf32>,
        %parallel_loop3A_570 = arith.constant 0 : i32
        %parallel_loop3A_571 = arith.constant 3 : i32
        %parallel_loop3A_572 = arith.index_cast %parallel_loop3A_570 : i32 to index
        %parallel_loop3A_573 = arith.index_cast %parallel_loop3A_255 : i32 to index
        %parallel_loop3A_574 = arith.index_cast %parallel_loop3A_571 : i32 to index
        %parallel_loop3A_575 = arith.constant 48 : index
        %parallel_loop3A_576 = tpu.vector_load %arg6[%parallel_loop3A_572, %parallel_loop3A_573, %parallel_loop3A_574, %parallel_loop3A_575] {strides = array<i32>} : memref<2x16x8x128xf32, #tpu.memory_space<vmem>>, vector<16xf32>,
        %parallel_loop3A_577 = arith.constant 240 : i32
        %parallel_loop3A_578 = vector.broadcast %parallel_loop3A_577 : i32 to vector<16xi32>
        %parallel_loop3A_579 = arith.addi %parallel_loop3A_536, %parallel_loop3A_578 : vector<16xi32>
        tpu.vector_store_idx %arg7[%parallel_loop3A_579, %parallel_loop3A_539], %parallel_loop3A_576 {add = true} : memref<640x128xf32, #tpu.memory_space<vmem>>[vector<16xi32>, vector<16xi32>], vector<16xf32>,
        %parallel_loop3A_580 = arith.constant 0 : i32
        %parallel_loop3A_581 = arith.constant 4 : i32
        %parallel_loop3A_582 = arith.index_cast %parallel_loop3A_580 : i32 to index
        %parallel_loop3A_583 = arith.index_cast %parallel_loop3A_255 : i32 to index
        %parallel_loop3A_584 = arith.index_cast %parallel_loop3A_581 : i32 to index
        %parallel_loop3A_585 = arith.constant 48 : index
        %parallel_loop3A_586 = tpu.vector_load %arg6[%parallel_loop3A_582, %parallel_loop3A_583, %parallel_loop3A_584, %parallel_loop3A_585] {strides = array<i32>} : memref<2x16x8x128xf32, #tpu.memory_space<vmem>>, vector<16xf32>,
        %parallel_loop3A_587 = arith.constant 320 : i32
        %parallel_loop3A_588 = vector.broadcast %parallel_loop3A_587 : i32 to vector<16xi32>
        %parallel_loop3A_589 = arith.addi %parallel_loop3A_536, %parallel_loop3A_588 : vector<16xi32>
        tpu.vector_store_idx %arg7[%parallel_loop3A_589, %parallel_loop3A_539], %parallel_loop3A_586 {add = true} : memref<640x128xf32, #tpu.memory_space<vmem>>[vector<16xi32>, vector<16xi32>], vector<16xf32>,
        %parallel_loop3A_590 = arith.constant 0 : i32
        %parallel_loop3A_591 = arith.constant 5 : i32
        %parallel_loop3A_592 = arith.index_cast %parallel_loop3A_590 : i32 to index
        %parallel_loop3A_593 = arith.index_cast %parallel_loop3A_255 : i32 to index
        %parallel_loop3A_594 = arith.index_cast %parallel_loop3A_591 : i32 to index
        %parallel_loop3A_595 = arith.constant 48 : index
        %parallel_loop3A_596 = tpu.vector_load %arg6[%parallel_loop3A_592, %parallel_loop3A_593, %parallel_loop3A_594, %parallel_loop3A_595] {strides = array<i32>} : memref<2x16x8x128xf32, #tpu.memory_space<vmem>>, vector<16xf32>,
        %parallel_loop3A_597 = arith.constant 400 : i32
        %parallel_loop3A_598 = vector.broadcast %parallel_loop3A_597 : i32 to vector<16xi32>
        %parallel_loop3A_599 = arith.addi %parallel_loop3A_536, %parallel_loop3A_598 : vector<16xi32>
        tpu.vector_store_idx %arg7[%parallel_loop3A_599, %parallel_loop3A_539], %parallel_loop3A_596 {add = true} : memref<640x128xf32, #tpu.memory_space<vmem>>[vector<16xi32>, vector<16xi32>], vector<16xf32>,
        %parallel_loop3A_600 = arith.constant 0 : i32
        %parallel_loop3A_601 = arith.constant 6 : i32
        %parallel_loop3A_602 = arith.index_cast %parallel_loop3A_600 : i32 to index
        %parallel_loop3A_603 = arith.index_cast %parallel_loop3A_255 : i32 to index
        %parallel_loop3A_604 = arith.index_cast %parallel_loop3A_601 : i32 to index
        %parallel_loop3A_605 = arith.constant 48 : index
        %parallel_loop3A_606 = tpu.vector_load %arg6[%parallel_loop3A_602, %parallel_loop3A_603, %parallel_loop3A_604, %parallel_loop3A_605] {strides = array<i32>} : memref<2x16x8x128xf32, #tpu.memory_space<vmem>>, vector<16xf32>,
        %parallel_loop3A_607 = arith.constant 480 : i32
        %parallel_loop3A_608 = vector.broadcast %parallel_loop3A_607 : i32 to vector<16xi32>
        %parallel_loop3A_609 = arith.addi %parallel_loop3A_536, %parallel_loop3A_608 : vector<16xi32>
        tpu.vector_store_idx %arg7[%parallel_loop3A_609, %parallel_loop3A_539], %parallel_loop3A_606 {add = true} : memref<640x128xf32, #tpu.memory_space<vmem>>[vector<16xi32>, vector<16xi32>], vector<16xf32>,
        %parallel_loop3A_610 = arith.constant 0 : i32
        %parallel_loop3A_611 = arith.constant 7 : i32
        %parallel_loop3A_612 = arith.index_cast %parallel_loop3A_610 : i32 to index
        %parallel_loop3A_613 = arith.index_cast %parallel_loop3A_255 : i32 to index
        %parallel_loop3A_614 = arith.index_cast %parallel_loop3A_611 : i32 to index
        %parallel_loop3A_615 = arith.constant 48 : index
        %parallel_loop3A_616 = tpu.vector_load %arg6[%parallel_loop3A_612, %parallel_loop3A_613, %parallel_loop3A_614, %parallel_loop3A_615] {strides = array<i32>} : memref<2x16x8x128xf32, #tpu.memory_space<vmem>>, vector<16xf32>,
        %parallel_loop3A_617 = arith.constant 560 : i32
        %parallel_loop3A_618 = vector.broadcast %parallel_loop3A_617 : i32 to vector<16xi32>
        %parallel_loop3A_619 = arith.addi %parallel_loop3A_536, %parallel_loop3A_618 : vector<16xi32>
        tpu.vector_store_idx %arg7[%parallel_loop3A_619, %parallel_loop3A_539], %parallel_loop3A_616 {add = true} : memref<640x128xf32, #tpu.memory_space<vmem>>[vector<16xi32>, vector<16xi32>], vector<16xf32>,
        %parallel_loop3A_620 = arith.constant 0 : i32
        %parallel_loop3A_621 = arith.index_cast %parallel_loop3A_620 : i32 to index
        %parallel_loop3A_622 = arith.index_cast %parallel_loop3A_255 : i32 to index
        %parallel_loop3A_623 = arith.constant 64 : index
        %parallel_loop3A_624 = tpu.vector_load %arg5[%parallel_loop3A_621, %parallel_loop3A_622, %parallel_loop3A_623] {strides = array<i32>} : memref<2x16x128xi32, #tpu.memory_space<vmem>>, vector<16xi32>,
        %parallel_loop3A_625 = arith.constant 7 : i32
        %parallel_loop3A_626 = vector.broadcast %parallel_loop3A_625 : i32 to vector<16xi32>
        %parallel_loop3A_627 = arith.shrui %parallel_loop3A_624, %parallel_loop3A_626 : vector<16xi32>
        %parallel_loop3A_628 = arith.constant 127 : i32
        %parallel_loop3A_629 = vector.broadcast %parallel_loop3A_628 : i32 to vector<16xi32>
        %parallel_loop3A_630 = arith.andi %parallel_loop3A_624, %parallel_loop3A_629 : vector<16xi32>
        %parallel_loop3A_631 = arith.constant 0 : i32
        %parallel_loop3A_632 = arith.constant 0 : i32
        %parallel_loop3A_633 = arith.index_cast %parallel_loop3A_631 : i32 to index
        %parallel_loop3A_634 = arith.index_cast %parallel_loop3A_255 : i32 to index
        %parallel_loop3A_635 = arith.index_cast %parallel_loop3A_632 : i32 to index
        %parallel_loop3A_636 = arith.constant 64 : index
        %parallel_loop3A_637 = tpu.vector_load %arg6[%parallel_loop3A_633, %parallel_loop3A_634, %parallel_loop3A_635, %parallel_loop3A_636] {strides = array<i32>} : memref<2x16x8x128xf32, #tpu.memory_space<vmem>>, vector<16xf32>,
        %parallel_loop3A_638 = arith.constant 0 : i32
        %parallel_loop3A_639 = vector.broadcast %parallel_loop3A_638 : i32 to vector<16xi32>
        %parallel_loop3A_640 = arith.addi %parallel_loop3A_627, %parallel_loop3A_639 : vector<16xi32>
        tpu.vector_store_idx %arg7[%parallel_loop3A_640, %parallel_loop3A_630], %parallel_loop3A_637 {add = true} : memref<640x128xf32, #tpu.memory_space<vmem>>[vector<16xi32>, vector<16xi32>], vector<16xf32>,
        %parallel_loop3A_641 = arith.constant 0 : i32
        %parallel_loop3A_642 = arith.constant 1 : i32
        %parallel_loop3A_643 = arith.index_cast %parallel_loop3A_641 : i32 to index
        %parallel_loop3A_644 = arith.index_cast %parallel_loop3A_255 : i32 to index
        %parallel_loop3A_645 = arith.index_cast %parallel_loop3A_642 : i32 to index
        %parallel_loop3A_646 = arith.constant 64 : index
        %parallel_loop3A_647 = tpu.vector_load %arg6[%parallel_loop3A_643, %parallel_loop3A_644, %parallel_loop3A_645, %parallel_loop3A_646] {strides = array<i32>} : memref<2x16x8x128xf32, #tpu.memory_space<vmem>>, vector<16xf32>,
        %parallel_loop3A_648 = arith.constant 80 : i32
        %parallel_loop3A_649 = vector.broadcast %parallel_loop3A_648 : i32 to vector<16xi32>
        %parallel_loop3A_650 = arith.addi %parallel_loop3A_627, %parallel_loop3A_649 : vector<16xi32>
        tpu.vector_store_idx %arg7[%parallel_loop3A_650, %parallel_loop3A_630], %parallel_loop3A_647 {add = true} : memref<640x128xf32, #tpu.memory_space<vmem>>[vector<16xi32>, vector<16xi32>], vector<16xf32>,
        %parallel_loop3A_651 = arith.constant 0 : i32
        %parallel_loop3A_652 = arith.constant 2 : i32
        %parallel_loop3A_653 = arith.index_cast %parallel_loop3A_651 : i32 to index
        %parallel_loop3A_654 = arith.index_cast %parallel_loop3A_255 : i32 to index
        %parallel_loop3A_655 = arith.index_cast %parallel_loop3A_652 : i32 to index
        %parallel_loop3A_656 = arith.constant 64 : index
        %parallel_loop3A_657 = tpu.vector_load %arg6[%parallel_loop3A_653, %parallel_loop3A_654, %parallel_loop3A_655, %parallel_loop3A_656] {strides = array<i32>} : memref<2x16x8x128xf32, #tpu.memory_space<vmem>>, vector<16xf32>,
        %parallel_loop3A_658 = arith.constant 160 : i32
        %parallel_loop3A_659 = vector.broadcast %parallel_loop3A_658 : i32 to vector<16xi32>
        %parallel_loop3A_660 = arith.addi %parallel_loop3A_627, %parallel_loop3A_659 : vector<16xi32>
        tpu.vector_store_idx %arg7[%parallel_loop3A_660, %parallel_loop3A_630], %parallel_loop3A_657 {add = true} : memref<640x128xf32, #tpu.memory_space<vmem>>[vector<16xi32>, vector<16xi32>], vector<16xf32>,
        %parallel_loop3A_661 = arith.constant 0 : i32
        %parallel_loop3A_662 = arith.constant 3 : i32
        %parallel_loop3A_663 = arith.index_cast %parallel_loop3A_661 : i32 to index
        %parallel_loop3A_664 = arith.index_cast %parallel_loop3A_255 : i32 to index
        %parallel_loop3A_665 = arith.index_cast %parallel_loop3A_662 : i32 to index
        %parallel_loop3A_666 = arith.constant 64 : index
        %parallel_loop3A_667 = tpu.vector_load %arg6[%parallel_loop3A_663, %parallel_loop3A_664, %parallel_loop3A_665, %parallel_loop3A_666] {strides = array<i32>} : memref<2x16x8x128xf32, #tpu.memory_space<vmem>>, vector<16xf32>,
        %parallel_loop3A_668 = arith.constant 240 : i32
        %parallel_loop3A_669 = vector.broadcast %parallel_loop3A_668 : i32 to vector<16xi32>
        %parallel_loop3A_670 = arith.addi %parallel_loop3A_627, %parallel_loop3A_669 : vector<16xi32>
        tpu.vector_store_idx %arg7[%parallel_loop3A_670, %parallel_loop3A_630], %parallel_loop3A_667 {add = true} : memref<640x128xf32, #tpu.memory_space<vmem>>[vector<16xi32>, vector<16xi32>], vector<16xf32>,
        %parallel_loop3A_671 = arith.constant 0 : i32
        %parallel_loop3A_672 = arith.constant 4 : i32
        %parallel_loop3A_673 = arith.index_cast %parallel_loop3A_671 : i32 to index
        %parallel_loop3A_674 = arith.index_cast %parallel_loop3A_255 : i32 to index
        %parallel_loop3A_675 = arith.index_cast %parallel_loop3A_672 : i32 to index
        %parallel_loop3A_676 = arith.constant 64 : index
        %parallel_loop3A_677 = tpu.vector_load %arg6[%parallel_loop3A_673, %parallel_loop3A_674, %parallel_loop3A_675, %parallel_loop3A_676] {strides = array<i32>} : memref<2x16x8x128xf32, #tpu.memory_space<vmem>>, vector<16xf32>,
        %parallel_loop3A_678 = arith.constant 320 : i32
        %parallel_loop3A_679 = vector.broadcast %parallel_loop3A_678 : i32 to vector<16xi32>
        %parallel_loop3A_680 = arith.addi %parallel_loop3A_627, %parallel_loop3A_679 : vector<16xi32>
        tpu.vector_store_idx %arg7[%parallel_loop3A_680, %parallel_loop3A_630], %parallel_loop3A_677 {add = true} : memref<640x128xf32, #tpu.memory_space<vmem>>[vector<16xi32>, vector<16xi32>], vector<16xf32>,
        %parallel_loop3A_681 = arith.constant 0 : i32
        %parallel_loop3A_682 = arith.constant 5 : i32
        %parallel_loop3A_683 = arith.index_cast %parallel_loop3A_681 : i32 to index
        %parallel_loop3A_684 = arith.index_cast %parallel_loop3A_255 : i32 to index
        %parallel_loop3A_685 = arith.index_cast %parallel_loop3A_682 : i32 to index
        %parallel_loop3A_686 = arith.constant 64 : index
        %parallel_loop3A_687 = tpu.vector_load %arg6[%parallel_loop3A_683, %parallel_loop3A_684, %parallel_loop3A_685, %parallel_loop3A_686] {strides = array<i32>} : memref<2x16x8x128xf32, #tpu.memory_space<vmem>>, vector<16xf32>,
        %parallel_loop3A_688 = arith.constant 400 : i32
        %parallel_loop3A_689 = vector.broadcast %parallel_loop3A_688 : i32 to vector<16xi32>
        %parallel_loop3A_690 = arith.addi %parallel_loop3A_627, %parallel_loop3A_689 : vector<16xi32>
        tpu.vector_store_idx %arg7[%parallel_loop3A_690, %parallel_loop3A_630], %parallel_loop3A_687 {add = true} : memref<640x128xf32, #tpu.memory_space<vmem>>[vector<16xi32>, vector<16xi32>], vector<16xf32>,
        %parallel_loop3A_691 = arith.constant 0 : i32
        %parallel_loop3A_692 = arith.constant 6 : i32
        %parallel_loop3A_693 = arith.index_cast %parallel_loop3A_691 : i32 to index
        %parallel_loop3A_694 = arith.index_cast %parallel_loop3A_255 : i32 to index
        %parallel_loop3A_695 = arith.index_cast %parallel_loop3A_692 : i32 to index
        %parallel_loop3A_696 = arith.constant 64 : index
        %parallel_loop3A_697 = tpu.vector_load %arg6[%parallel_loop3A_693, %parallel_loop3A_694, %parallel_loop3A_695, %parallel_loop3A_696] {strides = array<i32>} : memref<2x16x8x128xf32, #tpu.memory_space<vmem>>, vector<16xf32>,
        %parallel_loop3A_698 = arith.constant 480 : i32
        %parallel_loop3A_699 = vector.broadcast %parallel_loop3A_698 : i32 to vector<16xi32>
        %parallel_loop3A_700 = arith.addi %parallel_loop3A_627, %parallel_loop3A_699 : vector<16xi32>
        tpu.vector_store_idx %arg7[%parallel_loop3A_700, %parallel_loop3A_630], %parallel_loop3A_697 {add = true} : memref<640x128xf32, #tpu.memory_space<vmem>>[vector<16xi32>, vector<16xi32>], vector<16xf32>,
        %parallel_loop3A_701 = arith.constant 0 : i32
        %parallel_loop3A_702 = arith.constant 7 : i32
        %parallel_loop3A_703 = arith.index_cast %parallel_loop3A_701 : i32 to index
        %parallel_loop3A_704 = arith.index_cast %parallel_loop3A_255 : i32 to index
        %parallel_loop3A_705 = arith.index_cast %parallel_loop3A_702 : i32 to index
        %parallel_loop3A_706 = arith.constant 64 : index
        %parallel_loop3A_707 = tpu.vector_load %arg6[%parallel_loop3A_703, %parallel_loop3A_704, %parallel_loop3A_705, %parallel_loop3A_706] {strides = array<i32>} : memref<2x16x8x128xf32, #tpu.memory_space<vmem>>, vector<16xf32>,
        %parallel_loop3A_708 = arith.constant 560 : i32
        %parallel_loop3A_709 = vector.broadcast %parallel_loop3A_708 : i32 to vector<16xi32>
        %parallel_loop3A_710 = arith.addi %parallel_loop3A_627, %parallel_loop3A_709 : vector<16xi32>
        tpu.vector_store_idx %arg7[%parallel_loop3A_710, %parallel_loop3A_630], %parallel_loop3A_707 {add = true} : memref<640x128xf32, #tpu.memory_space<vmem>>[vector<16xi32>, vector<16xi32>], vector<16xf32>,
        %parallel_loop3A_711 = arith.constant 0 : i32
        %parallel_loop3A_712 = arith.index_cast %parallel_loop3A_711 : i32 to index
        %parallel_loop3A_713 = arith.index_cast %parallel_loop3A_255 : i32 to index
        %parallel_loop3A_714 = arith.constant 80 : index
        %parallel_loop3A_715 = tpu.vector_load %arg5[%parallel_loop3A_712, %parallel_loop3A_713, %parallel_loop3A_714] {strides = array<i32>} : memref<2x16x128xi32, #tpu.memory_space<vmem>>, vector<16xi32>,
        %parallel_loop3A_716 = arith.constant 7 : i32
        %parallel_loop3A_717 = vector.broadcast %parallel_loop3A_716 : i32 to vector<16xi32>
        %parallel_loop3A_718 = arith.shrui %parallel_loop3A_715, %parallel_loop3A_717 : vector<16xi32>
        %parallel_loop3A_719 = arith.constant 127 : i32
        %parallel_loop3A_720 = vector.broadcast %parallel_loop3A_719 : i32 to vector<16xi32>
        %parallel_loop3A_721 = arith.andi %parallel_loop3A_715, %parallel_loop3A_720 : vector<16xi32>
        %parallel_loop3A_722 = arith.constant 0 : i32
        %parallel_loop3A_723 = arith.constant 0 : i32
        %parallel_loop3A_724 = arith.index_cast %parallel_loop3A_722 : i32 to index
        %parallel_loop3A_725 = arith.index_cast %parallel_loop3A_255 : i32 to index
        %parallel_loop3A_726 = arith.index_cast %parallel_loop3A_723 : i32 to index
        %parallel_loop3A_727 = arith.constant 80 : index
        %parallel_loop3A_728 = tpu.vector_load %arg6[%parallel_loop3A_724, %parallel_loop3A_725, %parallel_loop3A_726, %parallel_loop3A_727] {strides = array<i32>} : memref<2x16x8x128xf32, #tpu.memory_space<vmem>>, vector<16xf32>,
        %parallel_loop3A_729 = arith.constant 0 : i32
        %parallel_loop3A_730 = vector.broadcast %parallel_loop3A_729 : i32 to vector<16xi32>
        %parallel_loop3A_731 = arith.addi %parallel_loop3A_718, %parallel_loop3A_730 : vector<16xi32>
        tpu.vector_store_idx %arg7[%parallel_loop3A_731, %parallel_loop3A_721], %parallel_loop3A_728 {add = true} : memref<640x128xf32, #tpu.memory_space<vmem>>[vector<16xi32>, vector<16xi32>], vector<16xf32>,
        %parallel_loop3A_732 = arith.constant 0 : i32
        %parallel_loop3A_733 = arith.constant 1 : i32
        %parallel_loop3A_734 = arith.index_cast %parallel_loop3A_732 : i32 to index
        %parallel_loop3A_735 = arith.index_cast %parallel_loop3A_255 : i32 to index
        %parallel_loop3A_736 = arith.index_cast %parallel_loop3A_733 : i32 to index
        %parallel_loop3A_737 = arith.constant 80 : index
        %parallel_loop3A_738 = tpu.vector_load %arg6[%parallel_loop3A_734, %parallel_loop3A_735, %parallel_loop3A_736, %parallel_loop3A_737] {strides = array<i32>} : memref<2x16x8x128xf32, #tpu.memory_space<vmem>>, vector<16xf32>,
        %parallel_loop3A_739 = arith.constant 80 : i32
        %parallel_loop3A_740 = vector.broadcast %parallel_loop3A_739 : i32 to vector<16xi32>
        %parallel_loop3A_741 = arith.addi %parallel_loop3A_718, %parallel_loop3A_740 : vector<16xi32>
        tpu.vector_store_idx %arg7[%parallel_loop3A_741, %parallel_loop3A_721], %parallel_loop3A_738 {add = true} : memref<640x128xf32, #tpu.memory_space<vmem>>[vector<16xi32>, vector<16xi32>], vector<16xf32>,
        %parallel_loop3A_742 = arith.constant 0 : i32
        %parallel_loop3A_743 = arith.constant 2 : i32
        %parallel_loop3A_744 = arith.index_cast %parallel_loop3A_742 : i32 to index
        %parallel_loop3A_745 = arith.index_cast %parallel_loop3A_255 : i32 to index
        %parallel_loop3A_746 = arith.index_cast %parallel_loop3A_743 : i32 to index
        %parallel_loop3A_747 = arith.constant 80 : index
        %parallel_loop3A_748 = tpu.vector_load %arg6[%parallel_loop3A_744, %parallel_loop3A_745, %parallel_loop3A_746, %parallel_loop3A_747] {strides = array<i32>} : memref<2x16x8x128xf32, #tpu.memory_space<vmem>>, vector<16xf32>,
        %parallel_loop3A_749 = arith.constant 160 : i32
        %parallel_loop3A_750 = vector.broadcast %parallel_loop3A_749 : i32 to vector<16xi32>
        %parallel_loop3A_751 = arith.addi %parallel_loop3A_718, %parallel_loop3A_750 : vector<16xi32>
        tpu.vector_store_idx %arg7[%parallel_loop3A_751, %parallel_loop3A_721], %parallel_loop3A_748 {add = true} : memref<640x128xf32, #tpu.memory_space<vmem>>[vector<16xi32>, vector<16xi32>], vector<16xf32>,
        %parallel_loop3A_752 = arith.constant 0 : i32
        %parallel_loop3A_753 = arith.constant 3 : i32
        %parallel_loop3A_754 = arith.index_cast %parallel_loop3A_752 : i32 to index
        %parallel_loop3A_755 = arith.index_cast %parallel_loop3A_255 : i32 to index
        %parallel_loop3A_756 = arith.index_cast %parallel_loop3A_753 : i32 to index
        %parallel_loop3A_757 = arith.constant 80 : index
        %parallel_loop3A_758 = tpu.vector_load %arg6[%parallel_loop3A_754, %parallel_loop3A_755, %parallel_loop3A_756, %parallel_loop3A_757] {strides = array<i32>} : memref<2x16x8x128xf32, #tpu.memory_space<vmem>>, vector<16xf32>,
        %parallel_loop3A_759 = arith.constant 240 : i32
        %parallel_loop3A_760 = vector.broadcast %parallel_loop3A_759 : i32 to vector<16xi32>
        %parallel_loop3A_761 = arith.addi %parallel_loop3A_718, %parallel_loop3A_760 : vector<16xi32>
        tpu.vector_store_idx %arg7[%parallel_loop3A_761, %parallel_loop3A_721], %parallel_loop3A_758 {add = true} : memref<640x128xf32, #tpu.memory_space<vmem>>[vector<16xi32>, vector<16xi32>], vector<16xf32>,
        %parallel_loop3A_762 = arith.constant 0 : i32
        %parallel_loop3A_763 = arith.constant 4 : i32
        %parallel_loop3A_764 = arith.index_cast %parallel_loop3A_762 : i32 to index
        %parallel_loop3A_765 = arith.index_cast %parallel_loop3A_255 : i32 to index
        %parallel_loop3A_766 = arith.index_cast %parallel_loop3A_763 : i32 to index
        %parallel_loop3A_767 = arith.constant 80 : index
        %parallel_loop3A_768 = tpu.vector_load %arg6[%parallel_loop3A_764, %parallel_loop3A_765, %parallel_loop3A_766, %parallel_loop3A_767] {strides = array<i32>} : memref<2x16x8x128xf32, #tpu.memory_space<vmem>>, vector<16xf32>,
        %parallel_loop3A_769 = arith.constant 320 : i32
        %parallel_loop3A_770 = vector.broadcast %parallel_loop3A_769 : i32 to vector<16xi32>
        %parallel_loop3A_771 = arith.addi %parallel_loop3A_718, %parallel_loop3A_770 : vector<16xi32>
        tpu.vector_store_idx %arg7[%parallel_loop3A_771, %parallel_loop3A_721], %parallel_loop3A_768 {add = true} : memref<640x128xf32, #tpu.memory_space<vmem>>[vector<16xi32>, vector<16xi32>], vector<16xf32>,
        %parallel_loop3A_772 = arith.constant 0 : i32
        %parallel_loop3A_773 = arith.constant 5 : i32
        %parallel_loop3A_774 = arith.index_cast %parallel_loop3A_772 : i32 to index
        %parallel_loop3A_775 = arith.index_cast %parallel_loop3A_255 : i32 to index
        %parallel_loop3A_776 = arith.index_cast %parallel_loop3A_773 : i32 to index
        %parallel_loop3A_777 = arith.constant 80 : index
        %parallel_loop3A_778 = tpu.vector_load %arg6[%parallel_loop3A_774, %parallel_loop3A_775, %parallel_loop3A_776, %parallel_loop3A_777] {strides = array<i32>} : memref<2x16x8x128xf32, #tpu.memory_space<vmem>>, vector<16xf32>,
        %parallel_loop3A_779 = arith.constant 400 : i32
        %parallel_loop3A_780 = vector.broadcast %parallel_loop3A_779 : i32 to vector<16xi32>
        %parallel_loop3A_781 = arith.addi %parallel_loop3A_718, %parallel_loop3A_780 : vector<16xi32>
        tpu.vector_store_idx %arg7[%parallel_loop3A_781, %parallel_loop3A_721], %parallel_loop3A_778 {add = true} : memref<640x128xf32, #tpu.memory_space<vmem>>[vector<16xi32>, vector<16xi32>], vector<16xf32>,
        %parallel_loop3A_782 = arith.constant 0 : i32
        %parallel_loop3A_783 = arith.constant 6 : i32
        %parallel_loop3A_784 = arith.index_cast %parallel_loop3A_782 : i32 to index
        %parallel_loop3A_785 = arith.index_cast %parallel_loop3A_255 : i32 to index
        %parallel_loop3A_786 = arith.index_cast %parallel_loop3A_783 : i32 to index
        %parallel_loop3A_787 = arith.constant 80 : index
        %parallel_loop3A_788 = tpu.vector_load %arg6[%parallel_loop3A_784, %parallel_loop3A_785, %parallel_loop3A_786, %parallel_loop3A_787] {strides = array<i32>} : memref<2x16x8x128xf32, #tpu.memory_space<vmem>>, vector<16xf32>,
        %parallel_loop3A_789 = arith.constant 480 : i32
        %parallel_loop3A_790 = vector.broadcast %parallel_loop3A_789 : i32 to vector<16xi32>
        %parallel_loop3A_791 = arith.addi %parallel_loop3A_718, %parallel_loop3A_790 : vector<16xi32>
        tpu.vector_store_idx %arg7[%parallel_loop3A_791, %parallel_loop3A_721], %parallel_loop3A_788 {add = true} : memref<640x128xf32, #tpu.memory_space<vmem>>[vector<16xi32>, vector<16xi32>], vector<16xf32>,
        %parallel_loop3A_792 = arith.constant 0 : i32
        %parallel_loop3A_793 = arith.constant 7 : i32
        %parallel_loop3A_794 = arith.index_cast %parallel_loop3A_792 : i32 to index
        %parallel_loop3A_795 = arith.index_cast %parallel_loop3A_255 : i32 to index
        %parallel_loop3A_796 = arith.index_cast %parallel_loop3A_793 : i32 to index
        %parallel_loop3A_797 = arith.constant 80 : index
        %parallel_loop3A_798 = tpu.vector_load %arg6[%parallel_loop3A_794, %parallel_loop3A_795, %parallel_loop3A_796, %parallel_loop3A_797] {strides = array<i32>} : memref<2x16x8x128xf32, #tpu.memory_space<vmem>>, vector<16xf32>,
        %parallel_loop3A_799 = arith.constant 560 : i32
        %parallel_loop3A_800 = vector.broadcast %parallel_loop3A_799 : i32 to vector<16xi32>
        %parallel_loop3A_801 = arith.addi %parallel_loop3A_718, %parallel_loop3A_800 : vector<16xi32>
        tpu.vector_store_idx %arg7[%parallel_loop3A_801, %parallel_loop3A_721], %parallel_loop3A_798 {add = true} : memref<640x128xf32, #tpu.memory_space<vmem>>[vector<16xi32>, vector<16xi32>], vector<16xf32>,
        %parallel_loop3A_802 = arith.constant 0 : i32
        %parallel_loop3A_803 = arith.index_cast %parallel_loop3A_802 : i32 to index
        %parallel_loop3A_804 = arith.index_cast %parallel_loop3A_255 : i32 to index
        %parallel_loop3A_805 = arith.constant 96 : index
        %parallel_loop3A_806 = tpu.vector_load %arg5[%parallel_loop3A_803, %parallel_loop3A_804, %parallel_loop3A_805] {strides = array<i32>} : memref<2x16x128xi32, #tpu.memory_space<vmem>>, vector<16xi32>,
        %parallel_loop3A_807 = arith.constant 7 : i32
        %parallel_loop3A_808 = vector.broadcast %parallel_loop3A_807 : i32 to vector<16xi32>
        %parallel_loop3A_809 = arith.shrui %parallel_loop3A_806, %parallel_loop3A_808 : vector<16xi32>
        %parallel_loop3A_810 = arith.constant 127 : i32
        %parallel_loop3A_811 = vector.broadcast %parallel_loop3A_810 : i32 to vector<16xi32>
        %parallel_loop3A_812 = arith.andi %parallel_loop3A_806, %parallel_loop3A_811 : vector<16xi32>
        %parallel_loop3A_813 = arith.constant 0 : i32
        %parallel_loop3A_814 = arith.constant 0 : i32
        %parallel_loop3A_815 = arith.index_cast %parallel_loop3A_813 : i32 to index
        %parallel_loop3A_816 = arith.index_cast %parallel_loop3A_255 : i32 to index
        %parallel_loop3A_817 = arith.index_cast %parallel_loop3A_814 : i32 to index
        %parallel_loop3A_818 = arith.constant 96 : index
        %parallel_loop3A_819 = tpu.vector_load %arg6[%parallel_loop3A_815, %parallel_loop3A_816, %parallel_loop3A_817, %parallel_loop3A_818] {strides = array<i32>} : memref<2x16x8x128xf32, #tpu.memory_space<vmem>>, vector<16xf32>,
        %parallel_loop3A_820 = arith.constant 0 : i32
        %parallel_loop3A_821 = vector.broadcast %parallel_loop3A_820 : i32 to vector<16xi32>
        %parallel_loop3A_822 = arith.addi %parallel_loop3A_809, %parallel_loop3A_821 : vector<16xi32>
        tpu.vector_store_idx %arg7[%parallel_loop3A_822, %parallel_loop3A_812], %parallel_loop3A_819 {add = true} : memref<640x128xf32, #tpu.memory_space<vmem>>[vector<16xi32>, vector<16xi32>], vector<16xf32>,
        %parallel_loop3A_823 = arith.constant 0 : i32
        %parallel_loop3A_824 = arith.constant 1 : i32
        %parallel_loop3A_825 = arith.index_cast %parallel_loop3A_823 : i32 to index
        %parallel_loop3A_826 = arith.index_cast %parallel_loop3A_255 : i32 to index
        %parallel_loop3A_827 = arith.index_cast %parallel_loop3A_824 : i32 to index
        %parallel_loop3A_828 = arith.constant 96 : index
        %parallel_loop3A_829 = tpu.vector_load %arg6[%parallel_loop3A_825, %parallel_loop3A_826, %parallel_loop3A_827, %parallel_loop3A_828] {strides = array<i32>} : memref<2x16x8x128xf32, #tpu.memory_space<vmem>>, vector<16xf32>,
        %parallel_loop3A_830 = arith.constant 80 : i32
        %parallel_loop3A_831 = vector.broadcast %parallel_loop3A_830 : i32 to vector<16xi32>
        %parallel_loop3A_832 = arith.addi %parallel_loop3A_809, %parallel_loop3A_831 : vector<16xi32>
        tpu.vector_store_idx %arg7[%parallel_loop3A_832, %parallel_loop3A_812], %parallel_loop3A_829 {add = true} : memref<640x128xf32, #tpu.memory_space<vmem>>[vector<16xi32>, vector<16xi32>], vector<16xf32>,
        %parallel_loop3A_833 = arith.constant 0 : i32
        %parallel_loop3A_834 = arith.constant 2 : i32
        %parallel_loop3A_835 = arith.index_cast %parallel_loop3A_833 : i32 to index
        %parallel_loop3A_836 = arith.index_cast %parallel_loop3A_255 : i32 to index
        %parallel_loop3A_837 = arith.index_cast %parallel_loop3A_834 : i32 to index
        %parallel_loop3A_838 = arith.constant 96 : index
        %parallel_loop3A_839 = tpu.vector_load %arg6[%parallel_loop3A_835, %parallel_loop3A_836, %parallel_loop3A_837, %parallel_loop3A_838] {strides = array<i32>} : memref<2x16x8x128xf32, #tpu.memory_space<vmem>>, vector<16xf32>,
        %parallel_loop3A_840 = arith.constant 160 : i32
        %parallel_loop3A_841 = vector.broadcast %parallel_loop3A_840 : i32 to vector<16xi32>
        %parallel_loop3A_842 = arith.addi %parallel_loop3A_809, %parallel_loop3A_841 : vector<16xi32>
        tpu.vector_store_idx %arg7[%parallel_loop3A_842, %parallel_loop3A_812], %parallel_loop3A_839 {add = true} : memref<640x128xf32, #tpu.memory_space<vmem>>[vector<16xi32>, vector<16xi32>], vector<16xf32>,
        %parallel_loop3A_843 = arith.constant 0 : i32
        %parallel_loop3A_844 = arith.constant 3 : i32
        %parallel_loop3A_845 = arith.index_cast %parallel_loop3A_843 : i32 to index
        %parallel_loop3A_846 = arith.index_cast %parallel_loop3A_255 : i32 to index
        %parallel_loop3A_847 = arith.index_cast %parallel_loop3A_844 : i32 to index
        %parallel_loop3A_848 = arith.constant 96 : index
        %parallel_loop3A_849 = tpu.vector_load %arg6[%parallel_loop3A_845, %parallel_loop3A_846, %parallel_loop3A_847, %parallel_loop3A_848] {strides = array<i32>} : memref<2x16x8x128xf32, #tpu.memory_space<vmem>>, vector<16xf32>,
        %parallel_loop3A_850 = arith.constant 240 : i32
        %parallel_loop3A_851 = vector.broadcast %parallel_loop3A_850 : i32 to vector<16xi32>
        %parallel_loop3A_852 = arith.addi %parallel_loop3A_809, %parallel_loop3A_851 : vector<16xi32>
        tpu.vector_store_idx %arg7[%parallel_loop3A_852, %parallel_loop3A_812], %parallel_loop3A_849 {add = true} : memref<640x128xf32, #tpu.memory_space<vmem>>[vector<16xi32>, vector<16xi32>], vector<16xf32>,
        %parallel_loop3A_853 = arith.constant 0 : i32
        %parallel_loop3A_854 = arith.constant 4 : i32
        %parallel_loop3A_855 = arith.index_cast %parallel_loop3A_853 : i32 to index
        %parallel_loop3A_856 = arith.index_cast %parallel_loop3A_255 : i32 to index
        %parallel_loop3A_857 = arith.index_cast %parallel_loop3A_854 : i32 to index
        %parallel_loop3A_858 = arith.constant 96 : index
        %parallel_loop3A_859 = tpu.vector_load %arg6[%parallel_loop3A_855, %parallel_loop3A_856, %parallel_loop3A_857, %parallel_loop3A_858] {strides = array<i32>} : memref<2x16x8x128xf32, #tpu.memory_space<vmem>>, vector<16xf32>,
        %parallel_loop3A_860 = arith.constant 320 : i32
        %parallel_loop3A_861 = vector.broadcast %parallel_loop3A_860 : i32 to vector<16xi32>
        %parallel_loop3A_862 = arith.addi %parallel_loop3A_809, %parallel_loop3A_861 : vector<16xi32>
        tpu.vector_store_idx %arg7[%parallel_loop3A_862, %parallel_loop3A_812], %parallel_loop3A_859 {add = true} : memref<640x128xf32, #tpu.memory_space<vmem>>[vector<16xi32>, vector<16xi32>], vector<16xf32>,
        %parallel_loop3A_863 = arith.constant 0 : i32
        %parallel_loop3A_864 = arith.constant 5 : i32
        %parallel_loop3A_865 = arith.index_cast %parallel_loop3A_863 : i32 to index
        %parallel_loop3A_866 = arith.index_cast %parallel_loop3A_255 : i32 to index
        %parallel_loop3A_867 = arith.index_cast %parallel_loop3A_864 : i32 to index
        %parallel_loop3A_868 = arith.constant 96 : index
        %parallel_loop3A_869 = tpu.vector_load %arg6[%parallel_loop3A_865, %parallel_loop3A_866, %parallel_loop3A_867, %parallel_loop3A_868] {strides = array<i32>} : memref<2x16x8x128xf32, #tpu.memory_space<vmem>>, vector<16xf32>,
        %parallel_loop3A_870 = arith.constant 400 : i32
        %parallel_loop3A_871 = vector.broadcast %parallel_loop3A_870 : i32 to vector<16xi32>
        %parallel_loop3A_872 = arith.addi %parallel_loop3A_809, %parallel_loop3A_871 : vector<16xi32>
        tpu.vector_store_idx %arg7[%parallel_loop3A_872, %parallel_loop3A_812], %parallel_loop3A_869 {add = true} : memref<640x128xf32, #tpu.memory_space<vmem>>[vector<16xi32>, vector<16xi32>], vector<16xf32>,
        %parallel_loop3A_873 = arith.constant 0 : i32
        %parallel_loop3A_874 = arith.constant 6 : i32
        %parallel_loop3A_875 = arith.index_cast %parallel_loop3A_873 : i32 to index
        %parallel_loop3A_876 = arith.index_cast %parallel_loop3A_255 : i32 to index
        %parallel_loop3A_877 = arith.index_cast %parallel_loop3A_874 : i32 to index
        %parallel_loop3A_878 = arith.constant 96 : index
        %parallel_loop3A_879 = tpu.vector_load %arg6[%parallel_loop3A_875, %parallel_loop3A_876, %parallel_loop3A_877, %parallel_loop3A_878] {strides = array<i32>} : memref<2x16x8x128xf32, #tpu.memory_space<vmem>>, vector<16xf32>,
        %parallel_loop3A_880 = arith.constant 480 : i32
        %parallel_loop3A_881 = vector.broadcast %parallel_loop3A_880 : i32 to vector<16xi32>
        %parallel_loop3A_882 = arith.addi %parallel_loop3A_809, %parallel_loop3A_881 : vector<16xi32>
        tpu.vector_store_idx %arg7[%parallel_loop3A_882, %parallel_loop3A_812], %parallel_loop3A_879 {add = true} : memref<640x128xf32, #tpu.memory_space<vmem>>[vector<16xi32>, vector<16xi32>], vector<16xf32>,
        %parallel_loop3A_883 = arith.constant 0 : i32
        %parallel_loop3A_884 = arith.constant 7 : i32
        %parallel_loop3A_885 = arith.index_cast %parallel_loop3A_883 : i32 to index
        %parallel_loop3A_886 = arith.index_cast %parallel_loop3A_255 : i32 to index
        %parallel_loop3A_887 = arith.index_cast %parallel_loop3A_884 : i32 to index
        %parallel_loop3A_888 = arith.constant 96 : index
        %parallel_loop3A_889 = tpu.vector_load %arg6[%parallel_loop3A_885, %parallel_loop3A_886, %parallel_loop3A_887, %parallel_loop3A_888] {strides = array<i32>} : memref<2x16x8x128xf32, #tpu.memory_space<vmem>>, vector<16xf32>,
        %parallel_loop3A_890 = arith.constant 560 : i32
        %parallel_loop3A_891 = vector.broadcast %parallel_loop3A_890 : i32 to vector<16xi32>
        %parallel_loop3A_892 = arith.addi %parallel_loop3A_809, %parallel_loop3A_891 : vector<16xi32>
        tpu.vector_store_idx %arg7[%parallel_loop3A_892, %parallel_loop3A_812], %parallel_loop3A_889 {add = true} : memref<640x128xf32, #tpu.memory_space<vmem>>[vector<16xi32>, vector<16xi32>], vector<16xf32>,
        %parallel_loop3A_893 = arith.constant 0 : i32
        %parallel_loop3A_894 = arith.index_cast %parallel_loop3A_893 : i32 to index
        %parallel_loop3A_895 = arith.index_cast %parallel_loop3A_255 : i32 to index
        %parallel_loop3A_896 = arith.constant 112 : index
        %parallel_loop3A_897 = tpu.vector_load %arg5[%parallel_loop3A_894, %parallel_loop3A_895, %parallel_loop3A_896] {strides = array<i32>} : memref<2x16x128xi32, #tpu.memory_space<vmem>>, vector<16xi32>,
        %parallel_loop3A_898 = arith.constant 7 : i32
        %parallel_loop3A_899 = vector.broadcast %parallel_loop3A_898 : i32 to vector<16xi32>
        %parallel_loop3A_900 = arith.shrui %parallel_loop3A_897, %parallel_loop3A_899 : vector<16xi32>
        %parallel_loop3A_901 = arith.constant 127 : i32
        %parallel_loop3A_902 = vector.broadcast %parallel_loop3A_901 : i32 to vector<16xi32>
        %parallel_loop3A_903 = arith.andi %parallel_loop3A_897, %parallel_loop3A_902 : vector<16xi32>
        %parallel_loop3A_904 = arith.constant 0 : i32
        %parallel_loop3A_905 = arith.constant 0 : i32
        %parallel_loop3A_906 = arith.index_cast %parallel_loop3A_904 : i32 to index
        %parallel_loop3A_907 = arith.index_cast %parallel_loop3A_255 : i32 to index
        %parallel_loop3A_908 = arith.index_cast %parallel_loop3A_905 : i32 to index
        %parallel_loop3A_909 = arith.constant 112 : index
        %parallel_loop3A_910 = tpu.vector_load %arg6[%parallel_loop3A_906, %parallel_loop3A_907, %parallel_loop3A_908, %parallel_loop3A_909] {strides = array<i32>} : memref<2x16x8x128xf32, #tpu.memory_space<vmem>>, vector<16xf32>,
        %parallel_loop3A_911 = arith.constant 0 : i32
        %parallel_loop3A_912 = vector.broadcast %parallel_loop3A_911 : i32 to vector<16xi32>
        %parallel_loop3A_913 = arith.addi %parallel_loop3A_900, %parallel_loop3A_912 : vector<16xi32>
        tpu.vector_store_idx %arg7[%parallel_loop3A_913, %parallel_loop3A_903], %parallel_loop3A_910 {add = true} : memref<640x128xf32, #tpu.memory_space<vmem>>[vector<16xi32>, vector<16xi32>], vector<16xf32>,
        %parallel_loop3A_914 = arith.constant 0 : i32
        %parallel_loop3A_915 = arith.constant 1 : i32
        %parallel_loop3A_916 = arith.index_cast %parallel_loop3A_914 : i32 to index
        %parallel_loop3A_917 = arith.index_cast %parallel_loop3A_255 : i32 to index
        %parallel_loop3A_918 = arith.index_cast %parallel_loop3A_915 : i32 to index
        %parallel_loop3A_919 = arith.constant 112 : index
        %parallel_loop3A_920 = tpu.vector_load %arg6[%parallel_loop3A_916, %parallel_loop3A_917, %parallel_loop3A_918, %parallel_loop3A_919] {strides = array<i32>} : memref<2x16x8x128xf32, #tpu.memory_space<vmem>>, vector<16xf32>,
        %parallel_loop3A_921 = arith.constant 80 : i32
        %parallel_loop3A_922 = vector.broadcast %parallel_loop3A_921 : i32 to vector<16xi32>
        %parallel_loop3A_923 = arith.addi %parallel_loop3A_900, %parallel_loop3A_922 : vector<16xi32>
        tpu.vector_store_idx %arg7[%parallel_loop3A_923, %parallel_loop3A_903], %parallel_loop3A_920 {add = true} : memref<640x128xf32, #tpu.memory_space<vmem>>[vector<16xi32>, vector<16xi32>], vector<16xf32>,
        %parallel_loop3A_924 = arith.constant 0 : i32
        %parallel_loop3A_925 = arith.constant 2 : i32
        %parallel_loop3A_926 = arith.index_cast %parallel_loop3A_924 : i32 to index
        %parallel_loop3A_927 = arith.index_cast %parallel_loop3A_255 : i32 to index
        %parallel_loop3A_928 = arith.index_cast %parallel_loop3A_925 : i32 to index
        %parallel_loop3A_929 = arith.constant 112 : index
        %parallel_loop3A_930 = tpu.vector_load %arg6[%parallel_loop3A_926, %parallel_loop3A_927, %parallel_loop3A_928, %parallel_loop3A_929] {strides = array<i32>} : memref<2x16x8x128xf32, #tpu.memory_space<vmem>>, vector<16xf32>,
        %parallel_loop3A_931 = arith.constant 160 : i32
        %parallel_loop3A_932 = vector.broadcast %parallel_loop3A_931 : i32 to vector<16xi32>
        %parallel_loop3A_933 = arith.addi %parallel_loop3A_900, %parallel_loop3A_932 : vector<16xi32>
        tpu.vector_store_idx %arg7[%parallel_loop3A_933, %parallel_loop3A_903], %parallel_loop3A_930 {add = true} : memref<640x128xf32, #tpu.memory_space<vmem>>[vector<16xi32>, vector<16xi32>], vector<16xf32>,
        %parallel_loop3A_934 = arith.constant 0 : i32
        %parallel_loop3A_935 = arith.constant 3 : i32
        %parallel_loop3A_936 = arith.index_cast %parallel_loop3A_934 : i32 to index
        %parallel_loop3A_937 = arith.index_cast %parallel_loop3A_255 : i32 to index
        %parallel_loop3A_938 = arith.index_cast %parallel_loop3A_935 : i32 to index
        %parallel_loop3A_939 = arith.constant 112 : index
        %parallel_loop3A_940 = tpu.vector_load %arg6[%parallel_loop3A_936, %parallel_loop3A_937, %parallel_loop3A_938, %parallel_loop3A_939] {strides = array<i32>} : memref<2x16x8x128xf32, #tpu.memory_space<vmem>>, vector<16xf32>,
        %parallel_loop3A_941 = arith.constant 240 : i32
        %parallel_loop3A_942 = vector.broadcast %parallel_loop3A_941 : i32 to vector<16xi32>
        %parallel_loop3A_943 = arith.addi %parallel_loop3A_900, %parallel_loop3A_942 : vector<16xi32>
        tpu.vector_store_idx %arg7[%parallel_loop3A_943, %parallel_loop3A_903], %parallel_loop3A_940 {add = true} : memref<640x128xf32, #tpu.memory_space<vmem>>[vector<16xi32>, vector<16xi32>], vector<16xf32>,
        %parallel_loop3A_944 = arith.constant 0 : i32
        %parallel_loop3A_945 = arith.constant 4 : i32
        %parallel_loop3A_946 = arith.index_cast %parallel_loop3A_944 : i32 to index
        %parallel_loop3A_947 = arith.index_cast %parallel_loop3A_255 : i32 to index
        %parallel_loop3A_948 = arith.index_cast %parallel_loop3A_945 : i32 to index
        %parallel_loop3A_949 = arith.constant 112 : index
        %parallel_loop3A_950 = tpu.vector_load %arg6[%parallel_loop3A_946, %parallel_loop3A_947, %parallel_loop3A_948, %parallel_loop3A_949] {strides = array<i32>} : memref<2x16x8x128xf32, #tpu.memory_space<vmem>>, vector<16xf32>,
        %parallel_loop3A_951 = arith.constant 320 : i32
        %parallel_loop3A_952 = vector.broadcast %parallel_loop3A_951 : i32 to vector<16xi32>
        %parallel_loop3A_953 = arith.addi %parallel_loop3A_900, %parallel_loop3A_952 : vector<16xi32>
        tpu.vector_store_idx %arg7[%parallel_loop3A_953, %parallel_loop3A_903], %parallel_loop3A_950 {add = true} : memref<640x128xf32, #tpu.memory_space<vmem>>[vector<16xi32>, vector<16xi32>], vector<16xf32>,
        %parallel_loop3A_954 = arith.constant 0 : i32
        %parallel_loop3A_955 = arith.constant 5 : i32
        %parallel_loop3A_956 = arith.index_cast %parallel_loop3A_954 : i32 to index
        %parallel_loop3A_957 = arith.index_cast %parallel_loop3A_255 : i32 to index
        %parallel_loop3A_958 = arith.index_cast %parallel_loop3A_955 : i32 to index
        %parallel_loop3A_959 = arith.constant 112 : index
        %parallel_loop3A_960 = tpu.vector_load %arg6[%parallel_loop3A_956, %parallel_loop3A_957, %parallel_loop3A_958, %parallel_loop3A_959] {strides = array<i32>} : memref<2x16x8x128xf32, #tpu.memory_space<vmem>>, vector<16xf32>,
        %parallel_loop3A_961 = arith.constant 400 : i32
        %parallel_loop3A_962 = vector.broadcast %parallel_loop3A_961 : i32 to vector<16xi32>
        %parallel_loop3A_963 = arith.addi %parallel_loop3A_900, %parallel_loop3A_962 : vector<16xi32>
        tpu.vector_store_idx %arg7[%parallel_loop3A_963, %parallel_loop3A_903], %parallel_loop3A_960 {add = true} : memref<640x128xf32, #tpu.memory_space<vmem>>[vector<16xi32>, vector<16xi32>], vector<16xf32>,
        %parallel_loop3A_964 = arith.constant 0 : i32
        %parallel_loop3A_965 = arith.constant 6 : i32
        %parallel_loop3A_966 = arith.index_cast %parallel_loop3A_964 : i32 to index
        %parallel_loop3A_967 = arith.index_cast %parallel_loop3A_255 : i32 to index
        %parallel_loop3A_968 = arith.index_cast %parallel_loop3A_965 : i32 to index
        %parallel_loop3A_969 = arith.constant 112 : index
        %parallel_loop3A_970 = tpu.vector_load %arg6[%parallel_loop3A_966, %parallel_loop3A_967, %parallel_loop3A_968, %parallel_loop3A_969] {strides = array<i32>} : memref<2x16x8x128xf32, #tpu.memory_space<vmem>>, vector<16xf32>,
        %parallel_loop3A_971 = arith.constant 480 : i32
        %parallel_loop3A_972 = vector.broadcast %parallel_loop3A_971 : i32 to vector<16xi32>
        %parallel_loop3A_973 = arith.addi %parallel_loop3A_900, %parallel_loop3A_972 : vector<16xi32>
        tpu.vector_store_idx %arg7[%parallel_loop3A_973, %parallel_loop3A_903], %parallel_loop3A_970 {add = true} : memref<640x128xf32, #tpu.memory_space<vmem>>[vector<16xi32>, vector<16xi32>], vector<16xf32>,
        %parallel_loop3A_974 = arith.constant 0 : i32
        %parallel_loop3A_975 = arith.constant 7 : i32
        %parallel_loop3A_976 = arith.index_cast %parallel_loop3A_974 : i32 to index
        %parallel_loop3A_977 = arith.index_cast %parallel_loop3A_255 : i32 to index
        %parallel_loop3A_978 = arith.index_cast %parallel_loop3A_975 : i32 to index
        %parallel_loop3A_979 = arith.constant 112 : index
        %parallel_loop3A_980 = tpu.vector_load %arg6[%parallel_loop3A_976, %parallel_loop3A_977, %parallel_loop3A_978, %parallel_loop3A_979] {strides = array<i32>} : memref<2x16x8x128xf32, #tpu.memory_space<vmem>>, vector<16xf32>,
        %parallel_loop3A_981 = arith.constant 560 : i32
        %parallel_loop3A_982 = vector.broadcast %parallel_loop3A_981 : i32 to vector<16xi32>
        %parallel_loop3A_983 = arith.addi %parallel_loop3A_900, %parallel_loop3A_982 : vector<16xi32>
        tpu.vector_store_idx %arg7[%parallel_loop3A_983, %parallel_loop3A_903], %parallel_loop3A_980 {add = true} : memref<640x128xf32, #tpu.memory_space<vmem>>[vector<16xi32>, vector<16xi32>], vector<16xf32>,
      } {sc.loop_unroll_factor = 1 : i64, sc.parallel_access}
      %add3A_181 = arith.constant 2 : i32
      %add3A_182 = arith.addi %add3A_125, %add3A_181 : i32
      %lt3A_183 = arith.constant 10 : i32
      %lt3A_184 = arith.cmpi slt, %add3A_182, %lt3A_183 : i32
      %convert_element_type3A = arith.extui %lt3A_184 : i1 to i32
      %cond3A = arith.constant 0 : i32
      %cond3A_185 = arith.cmpi ne, %convert_element_type3A, %cond3A : i32
      scf.if %cond3A_185 {
        %add3A_254 = arith.constant 2 : i32
        %add3A_255 = arith.addi %add3A_125, %add3A_254 : i32
        %mul3A_256 = arith.constant 16 : i32
        %mul3A_257 = arith.muli %add3A_255, %mul3A_256 : i32
        %add3A_258 = arith.addi %add3A, %mul3A_257 : i32
        %min3A_259 = arith.constant 2484 : i32
        %min3A_260 = arith.minsi %add3A_258, %min3A_259 : i32
        %dma_start3A_261 = arith.constant 0 : i32
        %dma_start3A_262 = arith.constant 0 : i32
        %dma_start3A_263 = arith.constant 0 : i32
        %dma_start3A_264 = arith.constant 0 : i32
        %dma_start3A_265 = arith.constant 0 : i32
        %dma_start3A_266 = tpu.memref_slice %arg5[%dma_start3A_262, %dma_start3A_264, %dma_start3A_265] : memref<2x16x128xi32, #tpu.memory_space<vmem>> -> memref<1x16x128xi32, #tpu.memory_space<vmem>>
        %dma_start3A_267 = tpu.memref_squeeze %dma_start3A_266 : memref<1x16x128xi32, #tpu.memory_space<vmem>> -> memref<16x128xi32, #tpu.memory_space<vmem>>
        %dma_start3A_268 = arith.constant 0 : i32
        %dma_start3A_269 = tpu.memref_slice %arg3[%min3A_260, %dma_start3A_261, %dma_start3A_268] : memref<2500x2x128xi32, #tpu.memory_space<hbm>> -> memref<16x1x128xi32, #tpu.memory_space<hbm>>
        %dma_start3A_270 = tpu.memref_squeeze %dma_start3A_269 : memref<16x1x128xi32, #tpu.memory_space<hbm>> -> memref<16x128xi32, #tpu.memory_space<hbm>>
        %dma_start3A_271 = tpu.memref_slice %arg11[%dma_start3A_263] : memref<2x!tpu.dma_semaphore, #tpu.memory_space<semaphore_mem>> -> memref<1x!tpu.dma_semaphore, #tpu.memory_space<semaphore_mem>>
        %dma_start3A_272 = tpu.memref_squeeze %dma_start3A_271 : memref<1x!tpu.dma_semaphore, #tpu.memory_space<semaphore_mem>> -> memref<!tpu.dma_semaphore, #tpu.memory_space<semaphore_mem>>
        %dma_start3A_273 = arith.constant 0 : i32
        %dma_start3A_274 = arith.constant 0 : i32
        %dma_start3A_275 = tpu.memref_slice %arg5[%dma_start3A_262, %dma_start3A_273, %dma_start3A_274] : memref<2x16x128xi32, #tpu.memory_space<vmem>> -> memref<1x16x128xi32, #tpu.memory_space<vmem>>
        %dma_start3A_276 = tpu.memref_squeeze %dma_start3A_275 : memref<1x16x128xi32, #tpu.memory_space<vmem>> -> memref<16x128xi32, #tpu.memory_space<vmem>>
        %dma_start3A_277 = arith.constant 0 : i32
        %dma_start3A_278 = tpu.memref_slice %arg3[%min3A_260, %dma_start3A_261, %dma_start3A_277] : memref<2500x2x128xi32, #tpu.memory_space<hbm>> -> memref<16x1x128xi32, #tpu.memory_space<hbm>>
        %dma_start3A_279 = tpu.memref_squeeze %dma_start3A_278 : memref<16x1x128xi32, #tpu.memory_space<hbm>> -> memref<16x128xi32, #tpu.memory_space<hbm>>
        tpu.enqueue_dma source(%dma_start3A_279 : memref<16x128xi32, #tpu.memory_space<hbm>>) target(%dma_start3A_276 : memref<16x128xi32, #tpu.memory_space<vmem>>) target_semaphore(%dma_start3A_272 : memref<!tpu.dma_semaphore, #tpu.memory_space<semaphore_mem>>)
        %dma_start3A_280 = arith.constant 0 : i32
        %dma_start3A_281 = arith.constant 0 : i32
        %dma_start3A_282 = arith.constant 0 : i32
        %dma_start3A_283 = arith.constant 0 : i32
        %dma_start3A_284 = arith.constant 0 : i32
        %dma_start3A_285 = tpu.memref_slice %arg6[%dma_start3A_280, %dma_start3A_282, %dma_start3A_283, %dma_start3A_284] : memref<2x16x8x128xf32, #tpu.memory_space<vmem>> -> memref<1x16x8x128xf32, #tpu.memory_space<vmem>>
        %dma_start3A_286 = tpu.memref_squeeze %dma_start3A_285 : memref<1x16x8x128xf32, #tpu.memory_space<vmem>> -> memref<16x8x128xf32, #tpu.memory_space<vmem>>
        %dma_start3A_287 = arith.constant 0 : i32
        %dma_start3A_288 = arith.constant 0 : i32
        %dma_start3A_289 = tpu.memref_slice %arg2[%arg0, %min3A_260, %dma_start3A_287, %dma_start3A_288] : memref<2x2500x8x128xf32, #tpu.memory_space<hbm>> -> memref<1x16x8x128xf32, #tpu.memory_space<hbm>>
        %dma_start3A_290 = tpu.memref_squeeze %dma_start3A_289 : memref<1x16x8x128xf32, #tpu.memory_space<hbm>> -> memref<16x8x128xf32, #tpu.memory_space<hbm>>
        %dma_start3A_291 = tpu.memref_slice %arg11[%dma_start3A_281] : memref<2x!tpu.dma_semaphore, #tpu.memory_space<semaphore_mem>> -> memref<1x!tpu.dma_semaphore, #tpu.memory_space<semaphore_mem>>
        %dma_start3A_292 = tpu.memref_squeeze %dma_start3A_291 : memref<1x!tpu.dma_semaphore, #tpu.memory_space<semaphore_mem>> -> memref<!tpu.dma_semaphore, #tpu.memory_space<semaphore_mem>>
        %dma_start3A_293 = arith.constant 0 : i32
        %dma_start3A_294 = arith.constant 0 : i32
        %dma_start3A_295 = arith.constant 0 : i32
        %dma_start3A_296 = tpu.memref_slice %arg6[%dma_start3A_280, %dma_start3A_293, %dma_start3A_294, %dma_start3A_295] : memref<2x16x8x128xf32, #tpu.memory_space<vmem>> -> memref<1x16x8x128xf32, #tpu.memory_space<vmem>>
        %dma_start3A_297 = tpu.memref_squeeze %dma_start3A_296 : memref<1x16x8x128xf32, #tpu.memory_space<vmem>> -> memref<16x8x128xf32, #tpu.memory_space<vmem>>
        %dma_start3A_298 = arith.constant 0 : i32
        %dma_start3A_299 = arith.constant 0 : i32
        %dma_start3A_300 = tpu.memref_slice %arg2[%arg0, %min3A_260, %dma_start3A_298, %dma_start3A_299] : memref<2x2500x8x128xf32, #tpu.memory_space<hbm>> -> memref<1x16x8x128xf32, #tpu.memory_space<hbm>>
        %dma_start3A_301 = tpu.memref_squeeze %dma_start3A_300 : memref<1x16x8x128xf32, #tpu.memory_space<hbm>> -> memref<16x8x128xf32, #tpu.memory_space<hbm>>
        tpu.enqueue_dma source(%dma_start3A_301 : memref<16x8x128xf32, #tpu.memory_space<hbm>>) target(%dma_start3A_297 : memref<16x8x128xf32, #tpu.memory_space<vmem>>) target_semaphore(%dma_start3A_292 : memref<!tpu.dma_semaphore, #tpu.memory_space<semaphore_mem>>)
      } else {
      }
      %mul3A_186 = arith.constant 2 : i32
      %mul3A_187 = arith.muli %add3A_121, %mul3A_186 : i32
      %add3A_188 = arith.constant 1 : i32
      %add3A_189 = arith.addi %mul3A_187, %add3A_188 : i32
      %mul3A_190 = arith.constant 16 : i32
      %mul3A_191 = arith.muli %add3A_189, %mul3A_190 : i32
      %add3A_192 = arith.addi %add3A, %mul3A_191 : i32
      %min3A_193 = arith.constant 2484 : i32
      %min3A_194 = arith.minsi %add3A_192, %min3A_193 : i32
      %dma_wait3A_195 = arith.constant 0 : i32
      %dma_wait3A_196 = arith.constant 1 : i32
      %dma_wait3A_197 = arith.constant 1 : i32
      %dma_wait3A_198 = arith.constant 0 : i32
      %dma_wait3A_199 = arith.constant 0 : i32
      %dma_wait3A_200 = tpu.memref_slice %arg5[%dma_wait3A_196, %dma_wait3A_198, %dma_wait3A_199] : memref<2x16x128xi32, #tpu.memory_space<vmem>> -> memref<1x16x128xi32, #tpu.memory_space<vmem>>
      %dma_wait3A_201 = tpu.memref_squeeze %dma_wait3A_200 : memref<1x16x128xi32, #tpu.memory_space<vmem>> -> memref<16x128xi32, #tpu.memory_space<vmem>>
      %dma_wait3A_202 = arith.constant 0 : i32
      %dma_wait3A_203 = tpu.memref_slice %arg3[%min3A_194, %dma_wait3A_195, %dma_wait3A_202] : memref<2500x2x128xi32, #tpu.memory_space<hbm>> -> memref<16x1x128xi32, #tpu.memory_space<hbm>>
      %dma_wait3A_204 = tpu.memref_squeeze %dma_wait3A_203 : memref<16x1x128xi32, #tpu.memory_space<hbm>> -> memref<16x128xi32, #tpu.memory_space<hbm>>
      %dma_wait3A_205 = tpu.memref_slice %arg11[%dma_wait3A_197] : memref<2x!tpu.dma_semaphore, #tpu.memory_space<semaphore_mem>> -> memref<1x!tpu.dma_semaphore, #tpu.memory_space<semaphore_mem>>
      %dma_wait3A_206 = tpu.memref_squeeze %dma_wait3A_205 : memref<1x!tpu.dma_semaphore, #tpu.memory_space<semaphore_mem>> -> memref<!tpu.dma_semaphore, #tpu.memory_space<semaphore_mem>>
      %dma_wait3A_207 = arith.constant 0 : i32
      %dma_wait3A_208 = arith.constant 0 : i32
      %dma_wait3A_209 = tpu.memref_slice %arg5[%dma_wait3A_196, %dma_wait3A_207, %dma_wait3A_208] : memref<2x16x128xi32, #tpu.memory_space<vmem>> -> memref<1x16x128xi32, #tpu.memory_space<vmem>>
      %dma_wait3A_210 = tpu.memref_squeeze %dma_wait3A_209 : memref<1x16x128xi32, #tpu.memory_space<vmem>> -> memref<16x128xi32, #tpu.memory_space<vmem>>
      %dma_wait3A_211 = arith.constant 0 : i32
      %dma_wait3A_212 = tpu.memref_slice %arg3[%min3A_194, %dma_wait3A_195, %dma_wait3A_211] : memref<2500x2x128xi32, #tpu.memory_space<hbm>> -> memref<16x1x128xi32, #tpu.memory_space<hbm>>
      %dma_wait3A_213 = tpu.memref_squeeze %dma_wait3A_212 : memref<16x1x128xi32, #tpu.memory_space<hbm>> -> memref<16x128xi32, #tpu.memory_space<hbm>>
      tpu.wait_dma2 semaphore(%dma_wait3A_206 : memref<!tpu.dma_semaphore, #tpu.memory_space<semaphore_mem>>) src(%dma_wait3A_213 : memref<16x128xi32, #tpu.memory_space<hbm>>) dst(%dma_wait3A_210 : memref<16x128xi32, #tpu.memory_space<vmem>>)
      %dma_wait3A_214 = arith.constant 1 : i32
      %dma_wait3A_215 = arith.constant 1 : i32
      %dma_wait3A_216 = arith.constant 0 : i32
      %dma_wait3A_217 = arith.constant 0 : i32
      %dma_wait3A_218 = arith.constant 0 : i32
      %dma_wait3A_219 = tpu.memref_slice %arg6[%dma_wait3A_214, %dma_wait3A_216, %dma_wait3A_217, %dma_wait3A_218] : memref<2x16x8x128xf32, #tpu.memory_space<vmem>> -> memref<1x16x8x128xf32, #tpu.memory_space<vmem>>
      %dma_wait3A_220 = tpu.memref_squeeze %dma_wait3A_219 : memref<1x16x8x128xf32, #tpu.memory_space<vmem>> -> memref<16x8x128xf32, #tpu.memory_space<vmem>>
      %dma_wait3A_221 = arith.constant 0 : i32
      %dma_wait3A_222 = arith.constant 0 : i32
      %dma_wait3A_223 = tpu.memref_slice %arg2[%arg0, %min3A_194, %dma_wait3A_221, %dma_wait3A_222] : memref<2x2500x8x128xf32, #tpu.memory_space<hbm>> -> memref<1x16x8x128xf32, #tpu.memory_space<hbm>>
      %dma_wait3A_224 = tpu.memref_squeeze %dma_wait3A_223 : memref<1x16x8x128xf32, #tpu.memory_space<hbm>> -> memref<16x8x128xf32, #tpu.memory_space<hbm>>
      %dma_wait3A_225 = tpu.memref_slice %arg11[%dma_wait3A_215] : memref<2x!tpu.dma_semaphore, #tpu.memory_space<semaphore_mem>> -> memref<1x!tpu.dma_semaphore, #tpu.memory_space<semaphore_mem>>
      %dma_wait3A_226 = tpu.memref_squeeze %dma_wait3A_225 : memref<1x!tpu.dma_semaphore, #tpu.memory_space<semaphore_mem>> -> memref<!tpu.dma_semaphore, #tpu.memory_space<semaphore_mem>>
      %dma_wait3A_227 = arith.constant 0 : i32
      %dma_wait3A_228 = arith.constant 0 : i32
      %dma_wait3A_229 = arith.constant 0 : i32
      %dma_wait3A_230 = tpu.memref_slice %arg6[%dma_wait3A_214, %dma_wait3A_227, %dma_wait3A_228, %dma_wait3A_229] : memref<2x16x8x128xf32, #tpu.memory_space<vmem>> -> memref<1x16x8x128xf32, #tpu.memory_space<vmem>>
      %dma_wait3A_231 = tpu.memref_squeeze %dma_wait3A_230 : memref<1x16x8x128xf32, #tpu.memory_space<vmem>> -> memref<16x8x128xf32, #tpu.memory_space<vmem>>
      %dma_wait3A_232 = arith.constant 0 : i32
      %dma_wait3A_233 = arith.constant 0 : i32
      %dma_wait3A_234 = tpu.memref_slice %arg2[%arg0, %min3A_194, %dma_wait3A_232, %dma_wait3A_233] : memref<2x2500x8x128xf32, #tpu.memory_space<hbm>> -> memref<1x16x8x128xf32, #tpu.memory_space<hbm>>
      %dma_wait3A_235 = tpu.memref_squeeze %dma_wait3A_234 : memref<1x16x8x128xf32, #tpu.memory_space<hbm>> -> memref<16x8x128xf32, #tpu.memory_space<hbm>>
      tpu.wait_dma2 semaphore(%dma_wait3A_226 : memref<!tpu.dma_semaphore, #tpu.memory_space<semaphore_mem>>) src(%dma_wait3A_235 : memref<16x8x128xf32, #tpu.memory_space<hbm>>) dst(%dma_wait3A_231 : memref<16x8x128xf32, #tpu.memory_space<vmem>>)
      %mul3A_236 = arith.constant 16 : i32
      %mul3A_237 = arith.muli %add3A_189, %mul3A_236 : i32
      %add3A_238 = arith.addi %add3A, %mul3A_237 : i32
      %sub3A_239 = arith.subi %add3A_238, %min3A_194 : i32
      %mul3A_240 = arith.constant 16 : i32
      %mul3A_241 = arith.muli %add3A_189, %mul3A_240 : i32
      %sub3A_242 = arith.subi %select_n3A, %mul3A_241 : i32
      %min3A_243 = arith.constant 16 : i32
      %min3A_244 = arith.minsi %sub3A_242, %min3A_243 : i32
      %parallel_loop3A_245 = arith.constant 0 : i32
      %parallel_loop3A_246 = arith.constant 1 : i32
      scf.for %parallel_loop3A_254 = %parallel_loop3A_245 to %min3A_244 step %parallel_loop3A_246  : i32 {
        %parallel_loop3A_255 = arith.addi %sub3A_239, %parallel_loop3A_254 : i32
        %parallel_loop3A_256 = arith.constant 1 : i32
        %parallel_loop3A_257 = arith.index_cast %parallel_loop3A_256 : i32 to index
        %parallel_loop3A_258 = arith.index_cast %parallel_loop3A_255 : i32 to index
        %parallel_loop3A_259 = arith.constant 0 : index
        %parallel_loop3A_260 = tpu.vector_load %arg5[%parallel_loop3A_257, %parallel_loop3A_258, %parallel_loop3A_259] {strides = array<i32>} : memref<2x16x128xi32, #tpu.memory_space<vmem>>, vector<16xi32>,
        %parallel_loop3A_261 = arith.constant 7 : i32
        %parallel_loop3A_262 = vector.broadcast %parallel_loop3A_261 : i32 to vector<16xi32>
        %parallel_loop3A_263 = arith.shrui %parallel_loop3A_260, %parallel_loop3A_262 : vector<16xi32>
        %parallel_loop3A_264 = arith.constant 127 : i32
        %parallel_loop3A_265 = vector.broadcast %parallel_loop3A_264 : i32 to vector<16xi32>
        %parallel_loop3A_266 = arith.andi %parallel_loop3A_260, %parallel_loop3A_265 : vector<16xi32>
        %parallel_loop3A_267 = arith.constant 1 : i32
        %parallel_loop3A_268 = arith.constant 0 : i32
        %parallel_loop3A_269 = arith.index_cast %parallel_loop3A_267 : i32 to index
        %parallel_loop3A_270 = arith.index_cast %parallel_loop3A_255 : i32 to index
        %parallel_loop3A_271 = arith.index_cast %parallel_loop3A_268 : i32 to index
        %parallel_loop3A_272 = arith.constant 0 : index
        %parallel_loop3A_273 = tpu.vector_load %arg6[%parallel_loop3A_269, %parallel_loop3A_270, %parallel_loop3A_271, %parallel_loop3A_272] {strides = array<i32>} : memref<2x16x8x128xf32, #tpu.memory_space<vmem>>, vector<16xf32>,
        %parallel_loop3A_274 = arith.constant 0 : i32
        %parallel_loop3A_275 = vector.broadcast %parallel_loop3A_274 : i32 to vector<16xi32>
        %parallel_loop3A_276 = arith.addi %parallel_loop3A_263, %parallel_loop3A_275 : vector<16xi32>
        tpu.vector_store_idx %arg7[%parallel_loop3A_276, %parallel_loop3A_266], %parallel_loop3A_273 {add = true} : memref<640x128xf32, #tpu.memory_space<vmem>>[vector<16xi32>, vector<16xi32>], vector<16xf32>,
        %parallel_loop3A_277 = arith.constant 1 : i32
        %parallel_loop3A_278 = arith.constant 1 : i32
        %parallel_loop3A_279 = arith.index_cast %parallel_loop3A_277 : i32 to index
        %parallel_loop3A_280 = arith.index_cast %parallel_loop3A_255 : i32 to index
        %parallel_loop3A_281 = arith.index_cast %parallel_loop3A_278 : i32 to index
        %parallel_loop3A_282 = arith.constant 0 : index
        %parallel_loop3A_283 = tpu.vector_load %arg6[%parallel_loop3A_279, %parallel_loop3A_280, %parallel_loop3A_281, %parallel_loop3A_282] {strides = array<i32>} : memref<2x16x8x128xf32, #tpu.memory_space<vmem>>, vector<16xf32>,
        %parallel_loop3A_284 = arith.constant 80 : i32
        %parallel_loop3A_285 = vector.broadcast %parallel_loop3A_284 : i32 to vector<16xi32>
        %parallel_loop3A_286 = arith.addi %parallel_loop3A_263, %parallel_loop3A_285 : vector<16xi32>
        tpu.vector_store_idx %arg7[%parallel_loop3A_286, %parallel_loop3A_266], %parallel_loop3A_283 {add = true} : memref<640x128xf32, #tpu.memory_space<vmem>>[vector<16xi32>, vector<16xi32>], vector<16xf32>,
        %parallel_loop3A_287 = arith.constant 1 : i32
        %parallel_loop3A_288 = arith.constant 2 : i32
        %parallel_loop3A_289 = arith.index_cast %parallel_loop3A_287 : i32 to index
        %parallel_loop3A_290 = arith.index_cast %parallel_loop3A_255 : i32 to index
        %parallel_loop3A_291 = arith.index_cast %parallel_loop3A_288 : i32 to index
        %parallel_loop3A_292 = arith.constant 0 : index
        %parallel_loop3A_293 = tpu.vector_load %arg6[%parallel_loop3A_289, %parallel_loop3A_290, %parallel_loop3A_291, %parallel_loop3A_292] {strides = array<i32>} : memref<2x16x8x128xf32, #tpu.memory_space<vmem>>, vector<16xf32>,
        %parallel_loop3A_294 = arith.constant 160 : i32
        %parallel_loop3A_295 = vector.broadcast %parallel_loop3A_294 : i32 to vector<16xi32>
        %parallel_loop3A_296 = arith.addi %parallel_loop3A_263, %parallel_loop3A_295 : vector<16xi32>
        tpu.vector_store_idx %arg7[%parallel_loop3A_296, %parallel_loop3A_266], %parallel_loop3A_293 {add = true} : memref<640x128xf32, #tpu.memory_space<vmem>>[vector<16xi32>, vector<16xi32>], vector<16xf32>,
        %parallel_loop3A_297 = arith.constant 1 : i32
        %parallel_loop3A_298 = arith.constant 3 : i32
        %parallel_loop3A_299 = arith.index_cast %parallel_loop3A_297 : i32 to index
        %parallel_loop3A_300 = arith.index_cast %parallel_loop3A_255 : i32 to index
        %parallel_loop3A_301 = arith.index_cast %parallel_loop3A_298 : i32 to index
        %parallel_loop3A_302 = arith.constant 0 : index
        %parallel_loop3A_303 = tpu.vector_load %arg6[%parallel_loop3A_299, %parallel_loop3A_300, %parallel_loop3A_301, %parallel_loop3A_302] {strides = array<i32>} : memref<2x16x8x128xf32, #tpu.memory_space<vmem>>, vector<16xf32>,
        %parallel_loop3A_304 = arith.constant 240 : i32
        %parallel_loop3A_305 = vector.broadcast %parallel_loop3A_304 : i32 to vector<16xi32>
        %parallel_loop3A_306 = arith.addi %parallel_loop3A_263, %parallel_loop3A_305 : vector<16xi32>
        tpu.vector_store_idx %arg7[%parallel_loop3A_306, %parallel_loop3A_266], %parallel_loop3A_303 {add = true} : memref<640x128xf32, #tpu.memory_space<vmem>>[vector<16xi32>, vector<16xi32>], vector<16xf32>,
        %parallel_loop3A_307 = arith.constant 1 : i32
        %parallel_loop3A_308 = arith.constant 4 : i32
        %parallel_loop3A_309 = arith.index_cast %parallel_loop3A_307 : i32 to index
        %parallel_loop3A_310 = arith.index_cast %parallel_loop3A_255 : i32 to index
        %parallel_loop3A_311 = arith.index_cast %parallel_loop3A_308 : i32 to index
        %parallel_loop3A_312 = arith.constant 0 : index
        %parallel_loop3A_313 = tpu.vector_load %arg6[%parallel_loop3A_309, %parallel_loop3A_310, %parallel_loop3A_311, %parallel_loop3A_312] {strides = array<i32>} : memref<2x16x8x128xf32, #tpu.memory_space<vmem>>, vector<16xf32>,
        %parallel_loop3A_314 = arith.constant 320 : i32
        %parallel_loop3A_315 = vector.broadcast %parallel_loop3A_314 : i32 to vector<16xi32>
        %parallel_loop3A_316 = arith.addi %parallel_loop3A_263, %parallel_loop3A_315 : vector<16xi32>
        tpu.vector_store_idx %arg7[%parallel_loop3A_316, %parallel_loop3A_266], %parallel_loop3A_313 {add = true} : memref<640x128xf32, #tpu.memory_space<vmem>>[vector<16xi32>, vector<16xi32>], vector<16xf32>,
        %parallel_loop3A_317 = arith.constant 1 : i32
        %parallel_loop3A_318 = arith.constant 5 : i32
        %parallel_loop3A_319 = arith.index_cast %parallel_loop3A_317 : i32 to index
        %parallel_loop3A_320 = arith.index_cast %parallel_loop3A_255 : i32 to index
        %parallel_loop3A_321 = arith.index_cast %parallel_loop3A_318 : i32 to index
        %parallel_loop3A_322 = arith.constant 0 : index
        %parallel_loop3A_323 = tpu.vector_load %arg6[%parallel_loop3A_319, %parallel_loop3A_320, %parallel_loop3A_321, %parallel_loop3A_322] {strides = array<i32>} : memref<2x16x8x128xf32, #tpu.memory_space<vmem>>, vector<16xf32>,
        %parallel_loop3A_324 = arith.constant 400 : i32
        %parallel_loop3A_325 = vector.broadcast %parallel_loop3A_324 : i32 to vector<16xi32>
        %parallel_loop3A_326 = arith.addi %parallel_loop3A_263, %parallel_loop3A_325 : vector<16xi32>
        tpu.vector_store_idx %arg7[%parallel_loop3A_326, %parallel_loop3A_266], %parallel_loop3A_323 {add = true} : memref<640x128xf32, #tpu.memory_space<vmem>>[vector<16xi32>, vector<16xi32>], vector<16xf32>,
        %parallel_loop3A_327 = arith.constant 1 : i32
        %parallel_loop3A_328 = arith.constant 6 : i32
        %parallel_loop3A_329 = arith.index_cast %parallel_loop3A_327 : i32 to index
        %parallel_loop3A_330 = arith.index_cast %parallel_loop3A_255 : i32 to index
        %parallel_loop3A_331 = arith.index_cast %parallel_loop3A_328 : i32 to index
        %parallel_loop3A_332 = arith.constant 0 : index
        %parallel_loop3A_333 = tpu.vector_load %arg6[%parallel_loop3A_329, %parallel_loop3A_330, %parallel_loop3A_331, %parallel_loop3A_332] {strides = array<i32>} : memref<2x16x8x128xf32, #tpu.memory_space<vmem>>, vector<16xf32>,
        %parallel_loop3A_334 = arith.constant 480 : i32
        %parallel_loop3A_335 = vector.broadcast %parallel_loop3A_334 : i32 to vector<16xi32>
        %parallel_loop3A_336 = arith.addi %parallel_loop3A_263, %parallel_loop3A_335 : vector<16xi32>
        tpu.vector_store_idx %arg7[%parallel_loop3A_336, %parallel_loop3A_266], %parallel_loop3A_333 {add = true} : memref<640x128xf32, #tpu.memory_space<vmem>>[vector<16xi32>, vector<16xi32>], vector<16xf32>,
        %parallel_loop3A_337 = arith.constant 1 : i32
        %parallel_loop3A_338 = arith.constant 7 : i32
        %parallel_loop3A_339 = arith.index_cast %parallel_loop3A_337 : i32 to index
        %parallel_loop3A_340 = arith.index_cast %parallel_loop3A_255 : i32 to index
        %parallel_loop3A_341 = arith.index_cast %parallel_loop3A_338 : i32 to index
        %parallel_loop3A_342 = arith.constant 0 : index
        %parallel_loop3A_343 = tpu.vector_load %arg6[%parallel_loop3A_339, %parallel_loop3A_340, %parallel_loop3A_341, %parallel_loop3A_342] {strides = array<i32>} : memref<2x16x8x128xf32, #tpu.memory_space<vmem>>, vector<16xf32>,
        %parallel_loop3A_344 = arith.constant 560 : i32
        %parallel_loop3A_345 = vector.broadcast %parallel_loop3A_344 : i32 to vector<16xi32>
        %parallel_loop3A_346 = arith.addi %parallel_loop3A_263, %parallel_loop3A_345 : vector<16xi32>
        tpu.vector_store_idx %arg7[%parallel_loop3A_346, %parallel_loop3A_266], %parallel_loop3A_343 {add = true} : memref<640x128xf32, #tpu.memory_space<vmem>>[vector<16xi32>, vector<16xi32>], vector<16xf32>,
        %parallel_loop3A_347 = arith.constant 1 : i32
        %parallel_loop3A_348 = arith.index_cast %parallel_loop3A_347 : i32 to index
        %parallel_loop3A_349 = arith.index_cast %parallel_loop3A_255 : i32 to index
        %parallel_loop3A_350 = arith.constant 16 : index
        %parallel_loop3A_351 = tpu.vector_load %arg5[%parallel_loop3A_348, %parallel_loop3A_349, %parallel_loop3A_350] {strides = array<i32>} : memref<2x16x128xi32, #tpu.memory_space<vmem>>, vector<16xi32>,
        %parallel_loop3A_352 = arith.constant 7 : i32
        %parallel_loop3A_353 = vector.broadcast %parallel_loop3A_352 : i32 to vector<16xi32>
        %parallel_loop3A_354 = arith.shrui %parallel_loop3A_351, %parallel_loop3A_353 : vector<16xi32>
        %parallel_loop3A_355 = arith.constant 127 : i32
        %parallel_loop3A_356 = vector.broadcast %parallel_loop3A_355 : i32 to vector<16xi32>
        %parallel_loop3A_357 = arith.andi %parallel_loop3A_351, %parallel_loop3A_356 : vector<16xi32>
        %parallel_loop3A_358 = arith.constant 1 : i32
        %parallel_loop3A_359 = arith.constant 0 : i32
        %parallel_loop3A_360 = arith.index_cast %parallel_loop3A_358 : i32 to index
        %parallel_loop3A_361 = arith.index_cast %parallel_loop3A_255 : i32 to index
        %parallel_loop3A_362 = arith.index_cast %parallel_loop3A_359 : i32 to index
        %parallel_loop3A_363 = arith.constant 16 : index
        %parallel_loop3A_364 = tpu.vector_load %arg6[%parallel_loop3A_360, %parallel_loop3A_361, %parallel_loop3A_362, %parallel_loop3A_363] {strides = array<i32>} : memref<2x16x8x128xf32, #tpu.memory_space<vmem>>, vector<16xf32>,
        %parallel_loop3A_365 = arith.constant 0 : i32
        %parallel_loop3A_366 = vector.broadcast %parallel_loop3A_365 : i32 to vector<16xi32>
        %parallel_loop3A_367 = arith.addi %parallel_loop3A_354, %parallel_loop3A_366 : vector<16xi32>
        tpu.vector_store_idx %arg7[%parallel_loop3A_367, %parallel_loop3A_357], %parallel_loop3A_364 {add = true} : memref<640x128xf32, #tpu.memory_space<vmem>>[vector<16xi32>, vector<16xi32>], vector<16xf32>,
        %parallel_loop3A_368 = arith.constant 1 : i32
        %parallel_loop3A_369 = arith.constant 1 : i32
        %parallel_loop3A_370 = arith.index_cast %parallel_loop3A_368 : i32 to index
        %parallel_loop3A_371 = arith.index_cast %parallel_loop3A_255 : i32 to index
        %parallel_loop3A_372 = arith.index_cast %parallel_loop3A_369 : i32 to index
        %parallel_loop3A_373 = arith.constant 16 : index
        %parallel_loop3A_374 = tpu.vector_load %arg6[%parallel_loop3A_370, %parallel_loop3A_371, %parallel_loop3A_372, %parallel_loop3A_373] {strides = array<i32>} : memref<2x16x8x128xf32, #tpu.memory_space<vmem>>, vector<16xf32>,
        %parallel_loop3A_375 = arith.constant 80 : i32
        %parallel_loop3A_376 = vector.broadcast %parallel_loop3A_375 : i32 to vector<16xi32>
        %parallel_loop3A_377 = arith.addi %parallel_loop3A_354, %parallel_loop3A_376 : vector<16xi32>
        tpu.vector_store_idx %arg7[%parallel_loop3A_377, %parallel_loop3A_357], %parallel_loop3A_374 {add = true} : memref<640x128xf32, #tpu.memory_space<vmem>>[vector<16xi32>, vector<16xi32>], vector<16xf32>,
        %parallel_loop3A_378 = arith.constant 1 : i32
        %parallel_loop3A_379 = arith.constant 2 : i32
        %parallel_loop3A_380 = arith.index_cast %parallel_loop3A_378 : i32 to index
        %parallel_loop3A_381 = arith.index_cast %parallel_loop3A_255 : i32 to index
        %parallel_loop3A_382 = arith.index_cast %parallel_loop3A_379 : i32 to index
        %parallel_loop3A_383 = arith.constant 16 : index
        %parallel_loop3A_384 = tpu.vector_load %arg6[%parallel_loop3A_380, %parallel_loop3A_381, %parallel_loop3A_382, %parallel_loop3A_383] {strides = array<i32>} : memref<2x16x8x128xf32, #tpu.memory_space<vmem>>, vector<16xf32>,
        %parallel_loop3A_385 = arith.constant 160 : i32
        %parallel_loop3A_386 = vector.broadcast %parallel_loop3A_385 : i32 to vector<16xi32>
        %parallel_loop3A_387 = arith.addi %parallel_loop3A_354, %parallel_loop3A_386 : vector<16xi32>
        tpu.vector_store_idx %arg7[%parallel_loop3A_387, %parallel_loop3A_357], %parallel_loop3A_384 {add = true} : memref<640x128xf32, #tpu.memory_space<vmem>>[vector<16xi32>, vector<16xi32>], vector<16xf32>,
        %parallel_loop3A_388 = arith.constant 1 : i32
        %parallel_loop3A_389 = arith.constant 3 : i32
        %parallel_loop3A_390 = arith.index_cast %parallel_loop3A_388 : i32 to index
        %parallel_loop3A_391 = arith.index_cast %parallel_loop3A_255 : i32 to index
        %parallel_loop3A_392 = arith.index_cast %parallel_loop3A_389 : i32 to index
        %parallel_loop3A_393 = arith.constant 16 : index
        %parallel_loop3A_394 = tpu.vector_load %arg6[%parallel_loop3A_390, %parallel_loop3A_391, %parallel_loop3A_392, %parallel_loop3A_393] {strides = array<i32>} : memref<2x16x8x128xf32, #tpu.memory_space<vmem>>, vector<16xf32>,
        %parallel_loop3A_395 = arith.constant 240 : i32
        %parallel_loop3A_396 = vector.broadcast %parallel_loop3A_395 : i32 to vector<16xi32>
        %parallel_loop3A_397 = arith.addi %parallel_loop3A_354, %parallel_loop3A_396 : vector<16xi32>
        tpu.vector_store_idx %arg7[%parallel_loop3A_397, %parallel_loop3A_357], %parallel_loop3A_394 {add = true} : memref<640x128xf32, #tpu.memory_space<vmem>>[vector<16xi32>, vector<16xi32>], vector<16xf32>,
        %parallel_loop3A_398 = arith.constant 1 : i32
        %parallel_loop3A_399 = arith.constant 4 : i32
        %parallel_loop3A_400 = arith.index_cast %parallel_loop3A_398 : i32 to index
        %parallel_loop3A_401 = arith.index_cast %parallel_loop3A_255 : i32 to index
        %parallel_loop3A_402 = arith.index_cast %parallel_loop3A_399 : i32 to index
        %parallel_loop3A_403 = arith.constant 16 : index
        %parallel_loop3A_404 = tpu.vector_load %arg6[%parallel_loop3A_400, %parallel_loop3A_401, %parallel_loop3A_402, %parallel_loop3A_403] {strides = array<i32>} : memref<2x16x8x128xf32, #tpu.memory_space<vmem>>, vector<16xf32>,
        %parallel_loop3A_405 = arith.constant 320 : i32
        %parallel_loop3A_406 = vector.broadcast %parallel_loop3A_405 : i32 to vector<16xi32>
        %parallel_loop3A_407 = arith.addi %parallel_loop3A_354, %parallel_loop3A_406 : vector<16xi32>
        tpu.vector_store_idx %arg7[%parallel_loop3A_407, %parallel_loop3A_357], %parallel_loop3A_404 {add = true} : memref<640x128xf32, #tpu.memory_space<vmem>>[vector<16xi32>, vector<16xi32>], vector<16xf32>,
        %parallel_loop3A_408 = arith.constant 1 : i32
        %parallel_loop3A_409 = arith.constant 5 : i32
        %parallel_loop3A_410 = arith.index_cast %parallel_loop3A_408 : i32 to index
        %parallel_loop3A_411 = arith.index_cast %parallel_loop3A_255 : i32 to index
        %parallel_loop3A_412 = arith.index_cast %parallel_loop3A_409 : i32 to index
        %parallel_loop3A_413 = arith.constant 16 : index
        %parallel_loop3A_414 = tpu.vector_load %arg6[%parallel_loop3A_410, %parallel_loop3A_411, %parallel_loop3A_412, %parallel_loop3A_413] {strides = array<i32>} : memref<2x16x8x128xf32, #tpu.memory_space<vmem>>, vector<16xf32>,
        %parallel_loop3A_415 = arith.constant 400 : i32
        %parallel_loop3A_416 = vector.broadcast %parallel_loop3A_415 : i32 to vector<16xi32>
        %parallel_loop3A_417 = arith.addi %parallel_loop3A_354, %parallel_loop3A_416 : vector<16xi32>
        tpu.vector_store_idx %arg7[%parallel_loop3A_417, %parallel_loop3A_357], %parallel_loop3A_414 {add = true} : memref<640x128xf32, #tpu.memory_space<vmem>>[vector<16xi32>, vector<16xi32>], vector<16xf32>,
        %parallel_loop3A_418 = arith.constant 1 : i32
        %parallel_loop3A_419 = arith.constant 6 : i32
        %parallel_loop3A_420 = arith.index_cast %parallel_loop3A_418 : i32 to index
        %parallel_loop3A_421 = arith.index_cast %parallel_loop3A_255 : i32 to index
        %parallel_loop3A_422 = arith.index_cast %parallel_loop3A_419 : i32 to index
        %parallel_loop3A_423 = arith.constant 16 : index
        %parallel_loop3A_424 = tpu.vector_load %arg6[%parallel_loop3A_420, %parallel_loop3A_421, %parallel_loop3A_422, %parallel_loop3A_423] {strides = array<i32>} : memref<2x16x8x128xf32, #tpu.memory_space<vmem>>, vector<16xf32>,
        %parallel_loop3A_425 = arith.constant 480 : i32
        %parallel_loop3A_426 = vector.broadcast %parallel_loop3A_425 : i32 to vector<16xi32>
        %parallel_loop3A_427 = arith.addi %parallel_loop3A_354, %parallel_loop3A_426 : vector<16xi32>
        tpu.vector_store_idx %arg7[%parallel_loop3A_427, %parallel_loop3A_357], %parallel_loop3A_424 {add = true} : memref<640x128xf32, #tpu.memory_space<vmem>>[vector<16xi32>, vector<16xi32>], vector<16xf32>,
        %parallel_loop3A_428 = arith.constant 1 : i32
        %parallel_loop3A_429 = arith.constant 7 : i32
        %parallel_loop3A_430 = arith.index_cast %parallel_loop3A_428 : i32 to index
        %parallel_loop3A_431 = arith.index_cast %parallel_loop3A_255 : i32 to index
        %parallel_loop3A_432 = arith.index_cast %parallel_loop3A_429 : i32 to index
        %parallel_loop3A_433 = arith.constant 16 : index
        %parallel_loop3A_434 = tpu.vector_load %arg6[%parallel_loop3A_430, %parallel_loop3A_431, %parallel_loop3A_432, %parallel_loop3A_433] {strides = array<i32>} : memref<2x16x8x128xf32, #tpu.memory_space<vmem>>, vector<16xf32>,
        %parallel_loop3A_435 = arith.constant 560 : i32
        %parallel_loop3A_436 = vector.broadcast %parallel_loop3A_435 : i32 to vector<16xi32>
        %parallel_loop3A_437 = arith.addi %parallel_loop3A_354, %parallel_loop3A_436 : vector<16xi32>
        tpu.vector_store_idx %arg7[%parallel_loop3A_437, %parallel_loop3A_357], %parallel_loop3A_434 {add = true} : memref<640x128xf32, #tpu.memory_space<vmem>>[vector<16xi32>, vector<16xi32>], vector<16xf32>,
        %parallel_loop3A_438 = arith.constant 1 : i32
        %parallel_loop3A_439 = arith.index_cast %parallel_loop3A_438 : i32 to index
        %parallel_loop3A_440 = arith.index_cast %parallel_loop3A_255 : i32 to index
        %parallel_loop3A_441 = arith.constant 32 : index
        %parallel_loop3A_442 = tpu.vector_load %arg5[%parallel_loop3A_439, %parallel_loop3A_440, %parallel_loop3A_441] {strides = array<i32>} : memref<2x16x128xi32, #tpu.memory_space<vmem>>, vector<16xi32>,
        %parallel_loop3A_443 = arith.constant 7 : i32
        %parallel_loop3A_444 = vector.broadcast %parallel_loop3A_443 : i32 to vector<16xi32>
        %parallel_loop3A_445 = arith.shrui %parallel_loop3A_442, %parallel_loop3A_444 : vector<16xi32>
        %parallel_loop3A_446 = arith.constant 127 : i32
        %parallel_loop3A_447 = vector.broadcast %parallel_loop3A_446 : i32 to vector<16xi32>
        %parallel_loop3A_448 = arith.andi %parallel_loop3A_442, %parallel_loop3A_447 : vector<16xi32>
        %parallel_loop3A_449 = arith.constant 1 : i32
        %parallel_loop3A_450 = arith.constant 0 : i32
        %parallel_loop3A_451 = arith.index_cast %parallel_loop3A_449 : i32 to index
        %parallel_loop3A_452 = arith.index_cast %parallel_loop3A_255 : i32 to index
        %parallel_loop3A_453 = arith.index_cast %parallel_loop3A_450 : i32 to index
        %parallel_loop3A_454 = arith.constant 32 : index
        %parallel_loop3A_455 = tpu.vector_load %arg6[%parallel_loop3A_451, %parallel_loop3A_452, %parallel_loop3A_453, %parallel_loop3A_454] {strides = array<i32>} : memref<2x16x8x128xf32, #tpu.memory_space<vmem>>, vector<16xf32>,
        %parallel_loop3A_456 = arith.constant 0 : i32
        %parallel_loop3A_457 = vector.broadcast %parallel_loop3A_456 : i32 to vector<16xi32>
        %parallel_loop3A_458 = arith.addi %parallel_loop3A_445, %parallel_loop3A_457 : vector<16xi32>
        tpu.vector_store_idx %arg7[%parallel_loop3A_458, %parallel_loop3A_448], %parallel_loop3A_455 {add = true} : memref<640x128xf32, #tpu.memory_space<vmem>>[vector<16xi32>, vector<16xi32>], vector<16xf32>,
        %parallel_loop3A_459 = arith.constant 1 : i32
        %parallel_loop3A_460 = arith.constant 1 : i32
        %parallel_loop3A_461 = arith.index_cast %parallel_loop3A_459 : i32 to index
        %parallel_loop3A_462 = arith.index_cast %parallel_loop3A_255 : i32 to index
        %parallel_loop3A_463 = arith.index_cast %parallel_loop3A_460 : i32 to index
        %parallel_loop3A_464 = arith.constant 32 : index
        %parallel_loop3A_465 = tpu.vector_load %arg6[%parallel_loop3A_461, %parallel_loop3A_462, %parallel_loop3A_463, %parallel_loop3A_464] {strides = array<i32>} : memref<2x16x8x128xf32, #tpu.memory_space<vmem>>, vector<16xf32>,
        %parallel_loop3A_466 = arith.constant 80 : i32
        %parallel_loop3A_467 = vector.broadcast %parallel_loop3A_466 : i32 to vector<16xi32>
        %parallel_loop3A_468 = arith.addi %parallel_loop3A_445, %parallel_loop3A_467 : vector<16xi32>
        tpu.vector_store_idx %arg7[%parallel_loop3A_468, %parallel_loop3A_448], %parallel_loop3A_465 {add = true} : memref<640x128xf32, #tpu.memory_space<vmem>>[vector<16xi32>, vector<16xi32>], vector<16xf32>,
        %parallel_loop3A_469 = arith.constant 1 : i32
        %parallel_loop3A_470 = arith.constant 2 : i32
        %parallel_loop3A_471 = arith.index_cast %parallel_loop3A_469 : i32 to index
        %parallel_loop3A_472 = arith.index_cast %parallel_loop3A_255 : i32 to index
        %parallel_loop3A_473 = arith.index_cast %parallel_loop3A_470 : i32 to index
        %parallel_loop3A_474 = arith.constant 32 : index
        %parallel_loop3A_475 = tpu.vector_load %arg6[%parallel_loop3A_471, %parallel_loop3A_472, %parallel_loop3A_473, %parallel_loop3A_474] {strides = array<i32>} : memref<2x16x8x128xf32, #tpu.memory_space<vmem>>, vector<16xf32>,
        %parallel_loop3A_476 = arith.constant 160 : i32
        %parallel_loop3A_477 = vector.broadcast %parallel_loop3A_476 : i32 to vector<16xi32>
        %parallel_loop3A_478 = arith.addi %parallel_loop3A_445, %parallel_loop3A_477 : vector<16xi32>
        tpu.vector_store_idx %arg7[%parallel_loop3A_478, %parallel_loop3A_448], %parallel_loop3A_475 {add = true} : memref<640x128xf32, #tpu.memory_space<vmem>>[vector<16xi32>, vector<16xi32>], vector<16xf32>,
        %parallel_loop3A_479 = arith.constant 1 : i32
        %parallel_loop3A_480 = arith.constant 3 : i32
        %parallel_loop3A_481 = arith.index_cast %parallel_loop3A_479 : i32 to index
        %parallel_loop3A_482 = arith.index_cast %parallel_loop3A_255 : i32 to index
        %parallel_loop3A_483 = arith.index_cast %parallel_loop3A_480 : i32 to index
        %parallel_loop3A_484 = arith.constant 32 : index
        %parallel_loop3A_485 = tpu.vector_load %arg6[%parallel_loop3A_481, %parallel_loop3A_482, %parallel_loop3A_483, %parallel_loop3A_484] {strides = array<i32>} : memref<2x16x8x128xf32, #tpu.memory_space<vmem>>, vector<16xf32>,
        %parallel_loop3A_486 = arith.constant 240 : i32
        %parallel_loop3A_487 = vector.broadcast %parallel_loop3A_486 : i32 to vector<16xi32>
        %parallel_loop3A_488 = arith.addi %parallel_loop3A_445, %parallel_loop3A_487 : vector<16xi32>
        tpu.vector_store_idx %arg7[%parallel_loop3A_488, %parallel_loop3A_448], %parallel_loop3A_485 {add = true} : memref<640x128xf32, #tpu.memory_space<vmem>>[vector<16xi32>, vector<16xi32>], vector<16xf32>,
        %parallel_loop3A_489 = arith.constant 1 : i32
        %parallel_loop3A_490 = arith.constant 4 : i32
        %parallel_loop3A_491 = arith.index_cast %parallel_loop3A_489 : i32 to index
        %parallel_loop3A_492 = arith.index_cast %parallel_loop3A_255 : i32 to index
        %parallel_loop3A_493 = arith.index_cast %parallel_loop3A_490 : i32 to index
        %parallel_loop3A_494 = arith.constant 32 : index
        %parallel_loop3A_495 = tpu.vector_load %arg6[%parallel_loop3A_491, %parallel_loop3A_492, %parallel_loop3A_493, %parallel_loop3A_494] {strides = array<i32>} : memref<2x16x8x128xf32, #tpu.memory_space<vmem>>, vector<16xf32>,
        %parallel_loop3A_496 = arith.constant 320 : i32
        %parallel_loop3A_497 = vector.broadcast %parallel_loop3A_496 : i32 to vector<16xi32>
        %parallel_loop3A_498 = arith.addi %parallel_loop3A_445, %parallel_loop3A_497 : vector<16xi32>
        tpu.vector_store_idx %arg7[%parallel_loop3A_498, %parallel_loop3A_448], %parallel_loop3A_495 {add = true} : memref<640x128xf32, #tpu.memory_space<vmem>>[vector<16xi32>, vector<16xi32>], vector<16xf32>,
        %parallel_loop3A_499 = arith.constant 1 : i32
        %parallel_loop3A_500 = arith.constant 5 : i32
        %parallel_loop3A_501 = arith.index_cast %parallel_loop3A_499 : i32 to index
        %parallel_loop3A_502 = arith.index_cast %parallel_loop3A_255 : i32 to index
        %parallel_loop3A_503 = arith.index_cast %parallel_loop3A_500 : i32 to index
        %parallel_loop3A_504 = arith.constant 32 : index
        %parallel_loop3A_505 = tpu.vector_load %arg6[%parallel_loop3A_501, %parallel_loop3A_502, %parallel_loop3A_503, %parallel_loop3A_504] {strides = array<i32>} : memref<2x16x8x128xf32, #tpu.memory_space<vmem>>, vector<16xf32>,
        %parallel_loop3A_506 = arith.constant 400 : i32
        %parallel_loop3A_507 = vector.broadcast %parallel_loop3A_506 : i32 to vector<16xi32>
        %parallel_loop3A_508 = arith.addi %parallel_loop3A_445, %parallel_loop3A_507 : vector<16xi32>
        tpu.vector_store_idx %arg7[%parallel_loop3A_508, %parallel_loop3A_448], %parallel_loop3A_505 {add = true} : memref<640x128xf32, #tpu.memory_space<vmem>>[vector<16xi32>, vector<16xi32>], vector<16xf32>,
        %parallel_loop3A_509 = arith.constant 1 : i32
        %parallel_loop3A_510 = arith.constant 6 : i32
        %parallel_loop3A_511 = arith.index_cast %parallel_loop3A_509 : i32 to index
        %parallel_loop3A_512 = arith.index_cast %parallel_loop3A_255 : i32 to index
        %parallel_loop3A_513 = arith.index_cast %parallel_loop3A_510 : i32 to index
        %parallel_loop3A_514 = arith.constant 32 : index
        %parallel_loop3A_515 = tpu.vector_load %arg6[%parallel_loop3A_511, %parallel_loop3A_512, %parallel_loop3A_513, %parallel_loop3A_514] {strides = array<i32>} : memref<2x16x8x128xf32, #tpu.memory_space<vmem>>, vector<16xf32>,
        %parallel_loop3A_516 = arith.constant 480 : i32
        %parallel_loop3A_517 = vector.broadcast %parallel_loop3A_516 : i32 to vector<16xi32>
        %parallel_loop3A_518 = arith.addi %parallel_loop3A_445, %parallel_loop3A_517 : vector<16xi32>
        tpu.vector_store_idx %arg7[%parallel_loop3A_518, %parallel_loop3A_448], %parallel_loop3A_515 {add = true} : memref<640x128xf32, #tpu.memory_space<vmem>>[vector<16xi32>, vector<16xi32>], vector<16xf32>,
        %parallel_loop3A_519 = arith.constant 1 : i32
        %parallel_loop3A_520 = arith.constant 7 : i32
        %parallel_loop3A_521 = arith.index_cast %parallel_loop3A_519 : i32 to index
        %parallel_loop3A_522 = arith.index_cast %parallel_loop3A_255 : i32 to index
        %parallel_loop3A_523 = arith.index_cast %parallel_loop3A_520 : i32 to index
        %parallel_loop3A_524 = arith.constant 32 : index
        %parallel_loop3A_525 = tpu.vector_load %arg6[%parallel_loop3A_521, %parallel_loop3A_522, %parallel_loop3A_523, %parallel_loop3A_524] {strides = array<i32>} : memref<2x16x8x128xf32, #tpu.memory_space<vmem>>, vector<16xf32>,
        %parallel_loop3A_526 = arith.constant 560 : i32
        %parallel_loop3A_527 = vector.broadcast %parallel_loop3A_526 : i32 to vector<16xi32>
        %parallel_loop3A_528 = arith.addi %parallel_loop3A_445, %parallel_loop3A_527 : vector<16xi32>
        tpu.vector_store_idx %arg7[%parallel_loop3A_528, %parallel_loop3A_448], %parallel_loop3A_525 {add = true} : memref<640x128xf32, #tpu.memory_space<vmem>>[vector<16xi32>, vector<16xi32>], vector<16xf32>,
        %parallel_loop3A_529 = arith.constant 1 : i32
        %parallel_loop3A_530 = arith.index_cast %parallel_loop3A_529 : i32 to index
        %parallel_loop3A_531 = arith.index_cast %parallel_loop3A_255 : i32 to index
        %parallel_loop3A_532 = arith.constant 48 : index
        %parallel_loop3A_533 = tpu.vector_load %arg5[%parallel_loop3A_530, %parallel_loop3A_531, %parallel_loop3A_532] {strides = array<i32>} : memref<2x16x128xi32, #tpu.memory_space<vmem>>, vector<16xi32>,
        %parallel_loop3A_534 = arith.constant 7 : i32
        %parallel_loop3A_535 = vector.broadcast %parallel_loop3A_534 : i32 to vector<16xi32>
        %parallel_loop3A_536 = arith.shrui %parallel_loop3A_533, %parallel_loop3A_535 : vector<16xi32>
        %parallel_loop3A_537 = arith.constant 127 : i32
        %parallel_loop3A_538 = vector.broadcast %parallel_loop3A_537 : i32 to vector<16xi32>
        %parallel_loop3A_539 = arith.andi %parallel_loop3A_533, %parallel_loop3A_538 : vector<16xi32>
        %parallel_loop3A_540 = arith.constant 1 : i32
        %parallel_loop3A_541 = arith.constant 0 : i32
        %parallel_loop3A_542 = arith.index_cast %parallel_loop3A_540 : i32 to index
        %parallel_loop3A_543 = arith.index_cast %parallel_loop3A_255 : i32 to index
        %parallel_loop3A_544 = arith.index_cast %parallel_loop3A_541 : i32 to index
        %parallel_loop3A_545 = arith.constant 48 : index
        %parallel_loop3A_546 = tpu.vector_load %arg6[%parallel_loop3A_542, %parallel_loop3A_543, %parallel_loop3A_544, %parallel_loop3A_545] {strides = array<i32>} : memref<2x16x8x128xf32, #tpu.memory_space<vmem>>, vector<16xf32>,
        %parallel_loop3A_547 = arith.constant 0 : i32
        %parallel_loop3A_548 = vector.broadcast %parallel_loop3A_547 : i32 to vector<16xi32>
        %parallel_loop3A_549 = arith.addi %parallel_loop3A_536, %parallel_loop3A_548 : vector<16xi32>
        tpu.vector_store_idx %arg7[%parallel_loop3A_549, %parallel_loop3A_539], %parallel_loop3A_546 {add = true} : memref<640x128xf32, #tpu.memory_space<vmem>>[vector<16xi32>, vector<16xi32>], vector<16xf32>,
        %parallel_loop3A_550 = arith.constant 1 : i32
        %parallel_loop3A_551 = arith.constant 1 : i32
        %parallel_loop3A_552 = arith.index_cast %parallel_loop3A_550 : i32 to index
        %parallel_loop3A_553 = arith.index_cast %parallel_loop3A_255 : i32 to index
        %parallel_loop3A_554 = arith.index_cast %parallel_loop3A_551 : i32 to index
        %parallel_loop3A_555 = arith.constant 48 : index
        %parallel_loop3A_556 = tpu.vector_load %arg6[%parallel_loop3A_552, %parallel_loop3A_553, %parallel_loop3A_554, %parallel_loop3A_555] {strides = array<i32>} : memref<2x16x8x128xf32, #tpu.memory_space<vmem>>, vector<16xf32>,
        %parallel_loop3A_557 = arith.constant 80 : i32
        %parallel_loop3A_558 = vector.broadcast %parallel_loop3A_557 : i32 to vector<16xi32>
        %parallel_loop3A_559 = arith.addi %parallel_loop3A_536, %parallel_loop3A_558 : vector<16xi32>
        tpu.vector_store_idx %arg7[%parallel_loop3A_559, %parallel_loop3A_539], %parallel_loop3A_556 {add = true} : memref<640x128xf32, #tpu.memory_space<vmem>>[vector<16xi32>, vector<16xi32>], vector<16xf32>,
        %parallel_loop3A_560 = arith.constant 1 : i32
        %parallel_loop3A_561 = arith.constant 2 : i32
        %parallel_loop3A_562 = arith.index_cast %parallel_loop3A_560 : i32 to index
        %parallel_loop3A_563 = arith.index_cast %parallel_loop3A_255 : i32 to index
        %parallel_loop3A_564 = arith.index_cast %parallel_loop3A_561 : i32 to index
        %parallel_loop3A_565 = arith.constant 48 : index
        %parallel_loop3A_566 = tpu.vector_load %arg6[%parallel_loop3A_562, %parallel_loop3A_563, %parallel_loop3A_564, %parallel_loop3A_565] {strides = array<i32>} : memref<2x16x8x128xf32, #tpu.memory_space<vmem>>, vector<16xf32>,
        %parallel_loop3A_567 = arith.constant 160 : i32
        %parallel_loop3A_568 = vector.broadcast %parallel_loop3A_567 : i32 to vector<16xi32>
        %parallel_loop3A_569 = arith.addi %parallel_loop3A_536, %parallel_loop3A_568 : vector<16xi32>
        tpu.vector_store_idx %arg7[%parallel_loop3A_569, %parallel_loop3A_539], %parallel_loop3A_566 {add = true} : memref<640x128xf32, #tpu.memory_space<vmem>>[vector<16xi32>, vector<16xi32>], vector<16xf32>,
        %parallel_loop3A_570 = arith.constant 1 : i32
        %parallel_loop3A_571 = arith.constant 3 : i32
        %parallel_loop3A_572 = arith.index_cast %parallel_loop3A_570 : i32 to index
        %parallel_loop3A_573 = arith.index_cast %parallel_loop3A_255 : i32 to index
        %parallel_loop3A_574 = arith.index_cast %parallel_loop3A_571 : i32 to index
        %parallel_loop3A_575 = arith.constant 48 : index
        %parallel_loop3A_576 = tpu.vector_load %arg6[%parallel_loop3A_572, %parallel_loop3A_573, %parallel_loop3A_574, %parallel_loop3A_575] {strides = array<i32>} : memref<2x16x8x128xf32, #tpu.memory_space<vmem>>, vector<16xf32>,
        %parallel_loop3A_577 = arith.constant 240 : i32
        %parallel_loop3A_578 = vector.broadcast %parallel_loop3A_577 : i32 to vector<16xi32>
        %parallel_loop3A_579 = arith.addi %parallel_loop3A_536, %parallel_loop3A_578 : vector<16xi32>
        tpu.vector_store_idx %arg7[%parallel_loop3A_579, %parallel_loop3A_539], %parallel_loop3A_576 {add = true} : memref<640x128xf32, #tpu.memory_space<vmem>>[vector<16xi32>, vector<16xi32>], vector<16xf32>,
        %parallel_loop3A_580 = arith.constant 1 : i32
        %parallel_loop3A_581 = arith.constant 4 : i32
        %parallel_loop3A_582 = arith.index_cast %parallel_loop3A_580 : i32 to index
        %parallel_loop3A_583 = arith.index_cast %parallel_loop3A_255 : i32 to index
        %parallel_loop3A_584 = arith.index_cast %parallel_loop3A_581 : i32 to index
        %parallel_loop3A_585 = arith.constant 48 : index
        %parallel_loop3A_586 = tpu.vector_load %arg6[%parallel_loop3A_582, %parallel_loop3A_583, %parallel_loop3A_584, %parallel_loop3A_585] {strides = array<i32>} : memref<2x16x8x128xf32, #tpu.memory_space<vmem>>, vector<16xf32>,
        %parallel_loop3A_587 = arith.constant 320 : i32
        %parallel_loop3A_588 = vector.broadcast %parallel_loop3A_587 : i32 to vector<16xi32>
        %parallel_loop3A_589 = arith.addi %parallel_loop3A_536, %parallel_loop3A_588 : vector<16xi32>
        tpu.vector_store_idx %arg7[%parallel_loop3A_589, %parallel_loop3A_539], %parallel_loop3A_586 {add = true} : memref<640x128xf32, #tpu.memory_space<vmem>>[vector<16xi32>, vector<16xi32>], vector<16xf32>,
        %parallel_loop3A_590 = arith.constant 1 : i32
        %parallel_loop3A_591 = arith.constant 5 : i32
        %parallel_loop3A_592 = arith.index_cast %parallel_loop3A_590 : i32 to index
        %parallel_loop3A_593 = arith.index_cast %parallel_loop3A_255 : i32 to index
        %parallel_loop3A_594 = arith.index_cast %parallel_loop3A_591 : i32 to index
        %parallel_loop3A_595 = arith.constant 48 : index
        %parallel_loop3A_596 = tpu.vector_load %arg6[%parallel_loop3A_592, %parallel_loop3A_593, %parallel_loop3A_594, %parallel_loop3A_595] {strides = array<i32>} : memref<2x16x8x128xf32, #tpu.memory_space<vmem>>, vector<16xf32>,
        %parallel_loop3A_597 = arith.constant 400 : i32
        %parallel_loop3A_598 = vector.broadcast %parallel_loop3A_597 : i32 to vector<16xi32>
        %parallel_loop3A_599 = arith.addi %parallel_loop3A_536, %parallel_loop3A_598 : vector<16xi32>
        tpu.vector_store_idx %arg7[%parallel_loop3A_599, %parallel_loop3A_539], %parallel_loop3A_596 {add = true} : memref<640x128xf32, #tpu.memory_space<vmem>>[vector<16xi32>, vector<16xi32>], vector<16xf32>,
        %parallel_loop3A_600 = arith.constant 1 : i32
        %parallel_loop3A_601 = arith.constant 6 : i32
        %parallel_loop3A_602 = arith.index_cast %parallel_loop3A_600 : i32 to index
        %parallel_loop3A_603 = arith.index_cast %parallel_loop3A_255 : i32 to index
        %parallel_loop3A_604 = arith.index_cast %parallel_loop3A_601 : i32 to index
        %parallel_loop3A_605 = arith.constant 48 : index
        %parallel_loop3A_606 = tpu.vector_load %arg6[%parallel_loop3A_602, %parallel_loop3A_603, %parallel_loop3A_604, %parallel_loop3A_605] {strides = array<i32>} : memref<2x16x8x128xf32, #tpu.memory_space<vmem>>, vector<16xf32>,
        %parallel_loop3A_607 = arith.constant 480 : i32
        %parallel_loop3A_608 = vector.broadcast %parallel_loop3A_607 : i32 to vector<16xi32>
        %parallel_loop3A_609 = arith.addi %parallel_loop3A_536, %parallel_loop3A_608 : vector<16xi32>
        tpu.vector_store_idx %arg7[%parallel_loop3A_609, %parallel_loop3A_539], %parallel_loop3A_606 {add = true} : memref<640x128xf32, #tpu.memory_space<vmem>>[vector<16xi32>, vector<16xi32>], vector<16xf32>,
        %parallel_loop3A_610 = arith.constant 1 : i32
        %parallel_loop3A_611 = arith.constant 7 : i32
        %parallel_loop3A_612 = arith.index_cast %parallel_loop3A_610 : i32 to index
        %parallel_loop3A_613 = arith.index_cast %parallel_loop3A_255 : i32 to index
        %parallel_loop3A_614 = arith.index_cast %parallel_loop3A_611 : i32 to index
        %parallel_loop3A_615 = arith.constant 48 : index
        %parallel_loop3A_616 = tpu.vector_load %arg6[%parallel_loop3A_612, %parallel_loop3A_613, %parallel_loop3A_614, %parallel_loop3A_615] {strides = array<i32>} : memref<2x16x8x128xf32, #tpu.memory_space<vmem>>, vector<16xf32>,
        %parallel_loop3A_617 = arith.constant 560 : i32
        %parallel_loop3A_618 = vector.broadcast %parallel_loop3A_617 : i32 to vector<16xi32>
        %parallel_loop3A_619 = arith.addi %parallel_loop3A_536, %parallel_loop3A_618 : vector<16xi32>
        tpu.vector_store_idx %arg7[%parallel_loop3A_619, %parallel_loop3A_539], %parallel_loop3A_616 {add = true} : memref<640x128xf32, #tpu.memory_space<vmem>>[vector<16xi32>, vector<16xi32>], vector<16xf32>,
        %parallel_loop3A_620 = arith.constant 1 : i32
        %parallel_loop3A_621 = arith.index_cast %parallel_loop3A_620 : i32 to index
        %parallel_loop3A_622 = arith.index_cast %parallel_loop3A_255 : i32 to index
        %parallel_loop3A_623 = arith.constant 64 : index
        %parallel_loop3A_624 = tpu.vector_load %arg5[%parallel_loop3A_621, %parallel_loop3A_622, %parallel_loop3A_623] {strides = array<i32>} : memref<2x16x128xi32, #tpu.memory_space<vmem>>, vector<16xi32>,
        %parallel_loop3A_625 = arith.constant 7 : i32
        %parallel_loop3A_626 = vector.broadcast %parallel_loop3A_625 : i32 to vector<16xi32>
        %parallel_loop3A_627 = arith.shrui %parallel_loop3A_624, %parallel_loop3A_626 : vector<16xi32>
        %parallel_loop3A_628 = arith.constant 127 : i32
        %parallel_loop3A_629 = vector.broadcast %parallel_loop3A_628 : i32 to vector<16xi32>
        %parallel_loop3A_630 = arith.andi %parallel_loop3A_624, %parallel_loop3A_629 : vector<16xi32>
        %parallel_loop3A_631 = arith.constant 1 : i32
        %parallel_loop3A_632 = arith.constant 0 : i32
        %parallel_loop3A_633 = arith.index_cast %parallel_loop3A_631 : i32 to index
        %parallel_loop3A_634 = arith.index_cast %parallel_loop3A_255 : i32 to index
        %parallel_loop3A_635 = arith.index_cast %parallel_loop3A_632 : i32 to index
        %parallel_loop3A_636 = arith.constant 64 : index
        %parallel_loop3A_637 = tpu.vector_load %arg6[%parallel_loop3A_633, %parallel_loop3A_634, %parallel_loop3A_635, %parallel_loop3A_636] {strides = array<i32>} : memref<2x16x8x128xf32, #tpu.memory_space<vmem>>, vector<16xf32>,
        %parallel_loop3A_638 = arith.constant 0 : i32
        %parallel_loop3A_639 = vector.broadcast %parallel_loop3A_638 : i32 to vector<16xi32>
        %parallel_loop3A_640 = arith.addi %parallel_loop3A_627, %parallel_loop3A_639 : vector<16xi32>
        tpu.vector_store_idx %arg7[%parallel_loop3A_640, %parallel_loop3A_630], %parallel_loop3A_637 {add = true} : memref<640x128xf32, #tpu.memory_space<vmem>>[vector<16xi32>, vector<16xi32>], vector<16xf32>,
        %parallel_loop3A_641 = arith.constant 1 : i32
        %parallel_loop3A_642 = arith.constant 1 : i32
        %parallel_loop3A_643 = arith.index_cast %parallel_loop3A_641 : i32 to index
        %parallel_loop3A_644 = arith.index_cast %parallel_loop3A_255 : i32 to index
        %parallel_loop3A_645 = arith.index_cast %parallel_loop3A_642 : i32 to index
        %parallel_loop3A_646 = arith.constant 64 : index
        %parallel_loop3A_647 = tpu.vector_load %arg6[%parallel_loop3A_643, %parallel_loop3A_644, %parallel_loop3A_645, %parallel_loop3A_646] {strides = array<i32>} : memref<2x16x8x128xf32, #tpu.memory_space<vmem>>, vector<16xf32>,
        %parallel_loop3A_648 = arith.constant 80 : i32
        %parallel_loop3A_649 = vector.broadcast %parallel_loop3A_648 : i32 to vector<16xi32>
        %parallel_loop3A_650 = arith.addi %parallel_loop3A_627, %parallel_loop3A_649 : vector<16xi32>
        tpu.vector_store_idx %arg7[%parallel_loop3A_650, %parallel_loop3A_630], %parallel_loop3A_647 {add = true} : memref<640x128xf32, #tpu.memory_space<vmem>>[vector<16xi32>, vector<16xi32>], vector<16xf32>,
        %parallel_loop3A_651 = arith.constant 1 : i32
        %parallel_loop3A_652 = arith.constant 2 : i32
        %parallel_loop3A_653 = arith.index_cast %parallel_loop3A_651 : i32 to index
        %parallel_loop3A_654 = arith.index_cast %parallel_loop3A_255 : i32 to index
        %parallel_loop3A_655 = arith.index_cast %parallel_loop3A_652 : i32 to index
        %parallel_loop3A_656 = arith.constant 64 : index
        %parallel_loop3A_657 = tpu.vector_load %arg6[%parallel_loop3A_653, %parallel_loop3A_654, %parallel_loop3A_655, %parallel_loop3A_656] {strides = array<i32>} : memref<2x16x8x128xf32, #tpu.memory_space<vmem>>, vector<16xf32>,
        %parallel_loop3A_658 = arith.constant 160 : i32
        %parallel_loop3A_659 = vector.broadcast %parallel_loop3A_658 : i32 to vector<16xi32>
        %parallel_loop3A_660 = arith.addi %parallel_loop3A_627, %parallel_loop3A_659 : vector<16xi32>
        tpu.vector_store_idx %arg7[%parallel_loop3A_660, %parallel_loop3A_630], %parallel_loop3A_657 {add = true} : memref<640x128xf32, #tpu.memory_space<vmem>>[vector<16xi32>, vector<16xi32>], vector<16xf32>,
        %parallel_loop3A_661 = arith.constant 1 : i32
        %parallel_loop3A_662 = arith.constant 3 : i32
        %parallel_loop3A_663 = arith.index_cast %parallel_loop3A_661 : i32 to index
        %parallel_loop3A_664 = arith.index_cast %parallel_loop3A_255 : i32 to index
        %parallel_loop3A_665 = arith.index_cast %parallel_loop3A_662 : i32 to index
        %parallel_loop3A_666 = arith.constant 64 : index
        %parallel_loop3A_667 = tpu.vector_load %arg6[%parallel_loop3A_663, %parallel_loop3A_664, %parallel_loop3A_665, %parallel_loop3A_666] {strides = array<i32>} : memref<2x16x8x128xf32, #tpu.memory_space<vmem>>, vector<16xf32>,
        %parallel_loop3A_668 = arith.constant 240 : i32
        %parallel_loop3A_669 = vector.broadcast %parallel_loop3A_668 : i32 to vector<16xi32>
        %parallel_loop3A_670 = arith.addi %parallel_loop3A_627, %parallel_loop3A_669 : vector<16xi32>
        tpu.vector_store_idx %arg7[%parallel_loop3A_670, %parallel_loop3A_630], %parallel_loop3A_667 {add = true} : memref<640x128xf32, #tpu.memory_space<vmem>>[vector<16xi32>, vector<16xi32>], vector<16xf32>,
        %parallel_loop3A_671 = arith.constant 1 : i32
        %parallel_loop3A_672 = arith.constant 4 : i32
        %parallel_loop3A_673 = arith.index_cast %parallel_loop3A_671 : i32 to index
        %parallel_loop3A_674 = arith.index_cast %parallel_loop3A_255 : i32 to index
        %parallel_loop3A_675 = arith.index_cast %parallel_loop3A_672 : i32 to index
        %parallel_loop3A_676 = arith.constant 64 : index
        %parallel_loop3A_677 = tpu.vector_load %arg6[%parallel_loop3A_673, %parallel_loop3A_674, %parallel_loop3A_675, %parallel_loop3A_676] {strides = array<i32>} : memref<2x16x8x128xf32, #tpu.memory_space<vmem>>, vector<16xf32>,
        %parallel_loop3A_678 = arith.constant 320 : i32
        %parallel_loop3A_679 = vector.broadcast %parallel_loop3A_678 : i32 to vector<16xi32>
        %parallel_loop3A_680 = arith.addi %parallel_loop3A_627, %parallel_loop3A_679 : vector<16xi32>
        tpu.vector_store_idx %arg7[%parallel_loop3A_680, %parallel_loop3A_630], %parallel_loop3A_677 {add = true} : memref<640x128xf32, #tpu.memory_space<vmem>>[vector<16xi32>, vector<16xi32>], vector<16xf32>,
        %parallel_loop3A_681 = arith.constant 1 : i32
        %parallel_loop3A_682 = arith.constant 5 : i32
        %parallel_loop3A_683 = arith.index_cast %parallel_loop3A_681 : i32 to index
        %parallel_loop3A_684 = arith.index_cast %parallel_loop3A_255 : i32 to index
        %parallel_loop3A_685 = arith.index_cast %parallel_loop3A_682 : i32 to index
        %parallel_loop3A_686 = arith.constant 64 : index
        %parallel_loop3A_687 = tpu.vector_load %arg6[%parallel_loop3A_683, %parallel_loop3A_684, %parallel_loop3A_685, %parallel_loop3A_686] {strides = array<i32>} : memref<2x16x8x128xf32, #tpu.memory_space<vmem>>, vector<16xf32>,
        %parallel_loop3A_688 = arith.constant 400 : i32
        %parallel_loop3A_689 = vector.broadcast %parallel_loop3A_688 : i32 to vector<16xi32>
        %parallel_loop3A_690 = arith.addi %parallel_loop3A_627, %parallel_loop3A_689 : vector<16xi32>
        tpu.vector_store_idx %arg7[%parallel_loop3A_690, %parallel_loop3A_630], %parallel_loop3A_687 {add = true} : memref<640x128xf32, #tpu.memory_space<vmem>>[vector<16xi32>, vector<16xi32>], vector<16xf32>,
        %parallel_loop3A_691 = arith.constant 1 : i32
        %parallel_loop3A_692 = arith.constant 6 : i32
        %parallel_loop3A_693 = arith.index_cast %parallel_loop3A_691 : i32 to index
        %parallel_loop3A_694 = arith.index_cast %parallel_loop3A_255 : i32 to index
        %parallel_loop3A_695 = arith.index_cast %parallel_loop3A_692 : i32 to index
        %parallel_loop3A_696 = arith.constant 64 : index
        %parallel_loop3A_697 = tpu.vector_load %arg6[%parallel_loop3A_693, %parallel_loop3A_694, %parallel_loop3A_695, %parallel_loop3A_696] {strides = array<i32>} : memref<2x16x8x128xf32, #tpu.memory_space<vmem>>, vector<16xf32>,
        %parallel_loop3A_698 = arith.constant 480 : i32
        %parallel_loop3A_699 = vector.broadcast %parallel_loop3A_698 : i32 to vector<16xi32>
        %parallel_loop3A_700 = arith.addi %parallel_loop3A_627, %parallel_loop3A_699 : vector<16xi32>
        tpu.vector_store_idx %arg7[%parallel_loop3A_700, %parallel_loop3A_630], %parallel_loop3A_697 {add = true} : memref<640x128xf32, #tpu.memory_space<vmem>>[vector<16xi32>, vector<16xi32>], vector<16xf32>,
        %parallel_loop3A_701 = arith.constant 1 : i32
        %parallel_loop3A_702 = arith.constant 7 : i32
        %parallel_loop3A_703 = arith.index_cast %parallel_loop3A_701 : i32 to index
        %parallel_loop3A_704 = arith.index_cast %parallel_loop3A_255 : i32 to index
        %parallel_loop3A_705 = arith.index_cast %parallel_loop3A_702 : i32 to index
        %parallel_loop3A_706 = arith.constant 64 : index
        %parallel_loop3A_707 = tpu.vector_load %arg6[%parallel_loop3A_703, %parallel_loop3A_704, %parallel_loop3A_705, %parallel_loop3A_706] {strides = array<i32>} : memref<2x16x8x128xf32, #tpu.memory_space<vmem>>, vector<16xf32>,
        %parallel_loop3A_708 = arith.constant 560 : i32
        %parallel_loop3A_709 = vector.broadcast %parallel_loop3A_708 : i32 to vector<16xi32>
        %parallel_loop3A_710 = arith.addi %parallel_loop3A_627, %parallel_loop3A_709 : vector<16xi32>
        tpu.vector_store_idx %arg7[%parallel_loop3A_710, %parallel_loop3A_630], %parallel_loop3A_707 {add = true} : memref<640x128xf32, #tpu.memory_space<vmem>>[vector<16xi32>, vector<16xi32>], vector<16xf32>,
        %parallel_loop3A_711 = arith.constant 1 : i32
        %parallel_loop3A_712 = arith.index_cast %parallel_loop3A_711 : i32 to index
        %parallel_loop3A_713 = arith.index_cast %parallel_loop3A_255 : i32 to index
        %parallel_loop3A_714 = arith.constant 80 : index
        %parallel_loop3A_715 = tpu.vector_load %arg5[%parallel_loop3A_712, %parallel_loop3A_713, %parallel_loop3A_714] {strides = array<i32>} : memref<2x16x128xi32, #tpu.memory_space<vmem>>, vector<16xi32>,
        %parallel_loop3A_716 = arith.constant 7 : i32
        %parallel_loop3A_717 = vector.broadcast %parallel_loop3A_716 : i32 to vector<16xi32>
        %parallel_loop3A_718 = arith.shrui %parallel_loop3A_715, %parallel_loop3A_717 : vector<16xi32>
        %parallel_loop3A_719 = arith.constant 127 : i32
        %parallel_loop3A_720 = vector.broadcast %parallel_loop3A_719 : i32 to vector<16xi32>
        %parallel_loop3A_721 = arith.andi %parallel_loop3A_715, %parallel_loop3A_720 : vector<16xi32>
        %parallel_loop3A_722 = arith.constant 1 : i32
        %parallel_loop3A_723 = arith.constant 0 : i32
        %parallel_loop3A_724 = arith.index_cast %parallel_loop3A_722 : i32 to index
        %parallel_loop3A_725 = arith.index_cast %parallel_loop3A_255 : i32 to index
        %parallel_loop3A_726 = arith.index_cast %parallel_loop3A_723 : i32 to index
        %parallel_loop3A_727 = arith.constant 80 : index
        %parallel_loop3A_728 = tpu.vector_load %arg6[%parallel_loop3A_724, %parallel_loop3A_725, %parallel_loop3A_726, %parallel_loop3A_727] {strides = array<i32>} : memref<2x16x8x128xf32, #tpu.memory_space<vmem>>, vector<16xf32>,
        %parallel_loop3A_729 = arith.constant 0 : i32
        %parallel_loop3A_730 = vector.broadcast %parallel_loop3A_729 : i32 to vector<16xi32>
        %parallel_loop3A_731 = arith.addi %parallel_loop3A_718, %parallel_loop3A_730 : vector<16xi32>
        tpu.vector_store_idx %arg7[%parallel_loop3A_731, %parallel_loop3A_721], %parallel_loop3A_728 {add = true} : memref<640x128xf32, #tpu.memory_space<vmem>>[vector<16xi32>, vector<16xi32>], vector<16xf32>,
        %parallel_loop3A_732 = arith.constant 1 : i32
        %parallel_loop3A_733 = arith.constant 1 : i32
        %parallel_loop3A_734 = arith.index_cast %parallel_loop3A_732 : i32 to index
        %parallel_loop3A_735 = arith.index_cast %parallel_loop3A_255 : i32 to index
        %parallel_loop3A_736 = arith.index_cast %parallel_loop3A_733 : i32 to index
        %parallel_loop3A_737 = arith.constant 80 : index
        %parallel_loop3A_738 = tpu.vector_load %arg6[%parallel_loop3A_734, %parallel_loop3A_735, %parallel_loop3A_736, %parallel_loop3A_737] {strides = array<i32>} : memref<2x16x8x128xf32, #tpu.memory_space<vmem>>, vector<16xf32>,
        %parallel_loop3A_739 = arith.constant 80 : i32
        %parallel_loop3A_740 = vector.broadcast %parallel_loop3A_739 : i32 to vector<16xi32>
        %parallel_loop3A_741 = arith.addi %parallel_loop3A_718, %parallel_loop3A_740 : vector<16xi32>
        tpu.vector_store_idx %arg7[%parallel_loop3A_741, %parallel_loop3A_721], %parallel_loop3A_738 {add = true} : memref<640x128xf32, #tpu.memory_space<vmem>>[vector<16xi32>, vector<16xi32>], vector<16xf32>,
        %parallel_loop3A_742 = arith.constant 1 : i32
        %parallel_loop3A_743 = arith.constant 2 : i32
        %parallel_loop3A_744 = arith.index_cast %parallel_loop3A_742 : i32 to index
        %parallel_loop3A_745 = arith.index_cast %parallel_loop3A_255 : i32 to index
        %parallel_loop3A_746 = arith.index_cast %parallel_loop3A_743 : i32 to index
        %parallel_loop3A_747 = arith.constant 80 : index
        %parallel_loop3A_748 = tpu.vector_load %arg6[%parallel_loop3A_744, %parallel_loop3A_745, %parallel_loop3A_746, %parallel_loop3A_747] {strides = array<i32>} : memref<2x16x8x128xf32, #tpu.memory_space<vmem>>, vector<16xf32>,
        %parallel_loop3A_749 = arith.constant 160 : i32
        %parallel_loop3A_750 = vector.broadcast %parallel_loop3A_749 : i32 to vector<16xi32>
        %parallel_loop3A_751 = arith.addi %parallel_loop3A_718, %parallel_loop3A_750 : vector<16xi32>
        tpu.vector_store_idx %arg7[%parallel_loop3A_751, %parallel_loop3A_721], %parallel_loop3A_748 {add = true} : memref<640x128xf32, #tpu.memory_space<vmem>>[vector<16xi32>, vector<16xi32>], vector<16xf32>,
        %parallel_loop3A_752 = arith.constant 1 : i32
        %parallel_loop3A_753 = arith.constant 3 : i32
        %parallel_loop3A_754 = arith.index_cast %parallel_loop3A_752 : i32 to index
        %parallel_loop3A_755 = arith.index_cast %parallel_loop3A_255 : i32 to index
        %parallel_loop3A_756 = arith.index_cast %parallel_loop3A_753 : i32 to index
        %parallel_loop3A_757 = arith.constant 80 : index
        %parallel_loop3A_758 = tpu.vector_load %arg6[%parallel_loop3A_754, %parallel_loop3A_755, %parallel_loop3A_756, %parallel_loop3A_757] {strides = array<i32>} : memref<2x16x8x128xf32, #tpu.memory_space<vmem>>, vector<16xf32>,
        %parallel_loop3A_759 = arith.constant 240 : i32
        %parallel_loop3A_760 = vector.broadcast %parallel_loop3A_759 : i32 to vector<16xi32>
        %parallel_loop3A_761 = arith.addi %parallel_loop3A_718, %parallel_loop3A_760 : vector<16xi32>
        tpu.vector_store_idx %arg7[%parallel_loop3A_761, %parallel_loop3A_721], %parallel_loop3A_758 {add = true} : memref<640x128xf32, #tpu.memory_space<vmem>>[vector<16xi32>, vector<16xi32>], vector<16xf32>,
        %parallel_loop3A_762 = arith.constant 1 : i32
        %parallel_loop3A_763 = arith.constant 4 : i32
        %parallel_loop3A_764 = arith.index_cast %parallel_loop3A_762 : i32 to index
        %parallel_loop3A_765 = arith.index_cast %parallel_loop3A_255 : i32 to index
        %parallel_loop3A_766 = arith.index_cast %parallel_loop3A_763 : i32 to index
        %parallel_loop3A_767 = arith.constant 80 : index
        %parallel_loop3A_768 = tpu.vector_load %arg6[%parallel_loop3A_764, %parallel_loop3A_765, %parallel_loop3A_766, %parallel_loop3A_767] {strides = array<i32>} : memref<2x16x8x128xf32, #tpu.memory_space<vmem>>, vector<16xf32>,
        %parallel_loop3A_769 = arith.constant 320 : i32
        %parallel_loop3A_770 = vector.broadcast %parallel_loop3A_769 : i32 to vector<16xi32>
        %parallel_loop3A_771 = arith.addi %parallel_loop3A_718, %parallel_loop3A_770 : vector<16xi32>
        tpu.vector_store_idx %arg7[%parallel_loop3A_771, %parallel_loop3A_721], %parallel_loop3A_768 {add = true} : memref<640x128xf32, #tpu.memory_space<vmem>>[vector<16xi32>, vector<16xi32>], vector<16xf32>,
        %parallel_loop3A_772 = arith.constant 1 : i32
        %parallel_loop3A_773 = arith.constant 5 : i32
        %parallel_loop3A_774 = arith.index_cast %parallel_loop3A_772 : i32 to index
        %parallel_loop3A_775 = arith.index_cast %parallel_loop3A_255 : i32 to index
        %parallel_loop3A_776 = arith.index_cast %parallel_loop3A_773 : i32 to index
        %parallel_loop3A_777 = arith.constant 80 : index
        %parallel_loop3A_778 = tpu.vector_load %arg6[%parallel_loop3A_774, %parallel_loop3A_775, %parallel_loop3A_776, %parallel_loop3A_777] {strides = array<i32>} : memref<2x16x8x128xf32, #tpu.memory_space<vmem>>, vector<16xf32>,
        %parallel_loop3A_779 = arith.constant 400 : i32
        %parallel_loop3A_780 = vector.broadcast %parallel_loop3A_779 : i32 to vector<16xi32>
        %parallel_loop3A_781 = arith.addi %parallel_loop3A_718, %parallel_loop3A_780 : vector<16xi32>
        tpu.vector_store_idx %arg7[%parallel_loop3A_781, %parallel_loop3A_721], %parallel_loop3A_778 {add = true} : memref<640x128xf32, #tpu.memory_space<vmem>>[vector<16xi32>, vector<16xi32>], vector<16xf32>,
        %parallel_loop3A_782 = arith.constant 1 : i32
        %parallel_loop3A_783 = arith.constant 6 : i32
        %parallel_loop3A_784 = arith.index_cast %parallel_loop3A_782 : i32 to index
        %parallel_loop3A_785 = arith.index_cast %parallel_loop3A_255 : i32 to index
        %parallel_loop3A_786 = arith.index_cast %parallel_loop3A_783 : i32 to index
        %parallel_loop3A_787 = arith.constant 80 : index
        %parallel_loop3A_788 = tpu.vector_load %arg6[%parallel_loop3A_784, %parallel_loop3A_785, %parallel_loop3A_786, %parallel_loop3A_787] {strides = array<i32>} : memref<2x16x8x128xf32, #tpu.memory_space<vmem>>, vector<16xf32>,
        %parallel_loop3A_789 = arith.constant 480 : i32
        %parallel_loop3A_790 = vector.broadcast %parallel_loop3A_789 : i32 to vector<16xi32>
        %parallel_loop3A_791 = arith.addi %parallel_loop3A_718, %parallel_loop3A_790 : vector<16xi32>
        tpu.vector_store_idx %arg7[%parallel_loop3A_791, %parallel_loop3A_721], %parallel_loop3A_788 {add = true} : memref<640x128xf32, #tpu.memory_space<vmem>>[vector<16xi32>, vector<16xi32>], vector<16xf32>,
        %parallel_loop3A_792 = arith.constant 1 : i32
        %parallel_loop3A_793 = arith.constant 7 : i32
        %parallel_loop3A_794 = arith.index_cast %parallel_loop3A_792 : i32 to index
        %parallel_loop3A_795 = arith.index_cast %parallel_loop3A_255 : i32 to index
        %parallel_loop3A_796 = arith.index_cast %parallel_loop3A_793 : i32 to index
        %parallel_loop3A_797 = arith.constant 80 : index
        %parallel_loop3A_798 = tpu.vector_load %arg6[%parallel_loop3A_794, %parallel_loop3A_795, %parallel_loop3A_796, %parallel_loop3A_797] {strides = array<i32>} : memref<2x16x8x128xf32, #tpu.memory_space<vmem>>, vector<16xf32>,
        %parallel_loop3A_799 = arith.constant 560 : i32
        %parallel_loop3A_800 = vector.broadcast %parallel_loop3A_799 : i32 to vector<16xi32>
        %parallel_loop3A_801 = arith.addi %parallel_loop3A_718, %parallel_loop3A_800 : vector<16xi32>
        tpu.vector_store_idx %arg7[%parallel_loop3A_801, %parallel_loop3A_721], %parallel_loop3A_798 {add = true} : memref<640x128xf32, #tpu.memory_space<vmem>>[vector<16xi32>, vector<16xi32>], vector<16xf32>,
        %parallel_loop3A_802 = arith.constant 1 : i32
        %parallel_loop3A_803 = arith.index_cast %parallel_loop3A_802 : i32 to index
        %parallel_loop3A_804 = arith.index_cast %parallel_loop3A_255 : i32 to index
        %parallel_loop3A_805 = arith.constant 96 : index
        %parallel_loop3A_806 = tpu.vector_load %arg5[%parallel_loop3A_803, %parallel_loop3A_804, %parallel_loop3A_805] {strides = array<i32>} : memref<2x16x128xi32, #tpu.memory_space<vmem>>, vector<16xi32>,
        %parallel_loop3A_807 = arith.constant 7 : i32
        %parallel_loop3A_808 = vector.broadcast %parallel_loop3A_807 : i32 to vector<16xi32>
        %parallel_loop3A_809 = arith.shrui %parallel_loop3A_806, %parallel_loop3A_808 : vector<16xi32>
        %parallel_loop3A_810 = arith.constant 127 : i32
        %parallel_loop3A_811 = vector.broadcast %parallel_loop3A_810 : i32 to vector<16xi32>
        %parallel_loop3A_812 = arith.andi %parallel_loop3A_806, %parallel_loop3A_811 : vector<16xi32>
        %parallel_loop3A_813 = arith.constant 1 : i32
        %parallel_loop3A_814 = arith.constant 0 : i32
        %parallel_loop3A_815 = arith.index_cast %parallel_loop3A_813 : i32 to index
        %parallel_loop3A_816 = arith.index_cast %parallel_loop3A_255 : i32 to index
        %parallel_loop3A_817 = arith.index_cast %parallel_loop3A_814 : i32 to index
        %parallel_loop3A_818 = arith.constant 96 : index
        %parallel_loop3A_819 = tpu.vector_load %arg6[%parallel_loop3A_815, %parallel_loop3A_816, %parallel_loop3A_817, %parallel_loop3A_818] {strides = array<i32>} : memref<2x16x8x128xf32, #tpu.memory_space<vmem>>, vector<16xf32>,
        %parallel_loop3A_820 = arith.constant 0 : i32
        %parallel_loop3A_821 = vector.broadcast %parallel_loop3A_820 : i32 to vector<16xi32>
        %parallel_loop3A_822 = arith.addi %parallel_loop3A_809, %parallel_loop3A_821 : vector<16xi32>
        tpu.vector_store_idx %arg7[%parallel_loop3A_822, %parallel_loop3A_812], %parallel_loop3A_819 {add = true} : memref<640x128xf32, #tpu.memory_space<vmem>>[vector<16xi32>, vector<16xi32>], vector<16xf32>,
        %parallel_loop3A_823 = arith.constant 1 : i32
        %parallel_loop3A_824 = arith.constant 1 : i32
        %parallel_loop3A_825 = arith.index_cast %parallel_loop3A_823 : i32 to index
        %parallel_loop3A_826 = arith.index_cast %parallel_loop3A_255 : i32 to index
        %parallel_loop3A_827 = arith.index_cast %parallel_loop3A_824 : i32 to index
        %parallel_loop3A_828 = arith.constant 96 : index
        %parallel_loop3A_829 = tpu.vector_load %arg6[%parallel_loop3A_825, %parallel_loop3A_826, %parallel_loop3A_827, %parallel_loop3A_828] {strides = array<i32>} : memref<2x16x8x128xf32, #tpu.memory_space<vmem>>, vector<16xf32>,
        %parallel_loop3A_830 = arith.constant 80 : i32
        %parallel_loop3A_831 = vector.broadcast %parallel_loop3A_830 : i32 to vector<16xi32>
        %parallel_loop3A_832 = arith.addi %parallel_loop3A_809, %parallel_loop3A_831 : vector<16xi32>
        tpu.vector_store_idx %arg7[%parallel_loop3A_832, %parallel_loop3A_812], %parallel_loop3A_829 {add = true} : memref<640x128xf32, #tpu.memory_space<vmem>>[vector<16xi32>, vector<16xi32>], vector<16xf32>,
        %parallel_loop3A_833 = arith.constant 1 : i32
        %parallel_loop3A_834 = arith.constant 2 : i32
        %parallel_loop3A_835 = arith.index_cast %parallel_loop3A_833 : i32 to index
        %parallel_loop3A_836 = arith.index_cast %parallel_loop3A_255 : i32 to index
        %parallel_loop3A_837 = arith.index_cast %parallel_loop3A_834 : i32 to index
        %parallel_loop3A_838 = arith.constant 96 : index
        %parallel_loop3A_839 = tpu.vector_load %arg6[%parallel_loop3A_835, %parallel_loop3A_836, %parallel_loop3A_837, %parallel_loop3A_838] {strides = array<i32>} : memref<2x16x8x128xf32, #tpu.memory_space<vmem>>, vector<16xf32>,
        %parallel_loop3A_840 = arith.constant 160 : i32
        %parallel_loop3A_841 = vector.broadcast %parallel_loop3A_840 : i32 to vector<16xi32>
        %parallel_loop3A_842 = arith.addi %parallel_loop3A_809, %parallel_loop3A_841 : vector<16xi32>
        tpu.vector_store_idx %arg7[%parallel_loop3A_842, %parallel_loop3A_812], %parallel_loop3A_839 {add = true} : memref<640x128xf32, #tpu.memory_space<vmem>>[vector<16xi32>, vector<16xi32>], vector<16xf32>,
        %parallel_loop3A_843 = arith.constant 1 : i32
        %parallel_loop3A_844 = arith.constant 3 : i32
        %parallel_loop3A_845 = arith.index_cast %parallel_loop3A_843 : i32 to index
        %parallel_loop3A_846 = arith.index_cast %parallel_loop3A_255 : i32 to index
        %parallel_loop3A_847 = arith.index_cast %parallel_loop3A_844 : i32 to index
        %parallel_loop3A_848 = arith.constant 96 : index
        %parallel_loop3A_849 = tpu.vector_load %arg6[%parallel_loop3A_845, %parallel_loop3A_846, %parallel_loop3A_847, %parallel_loop3A_848] {strides = array<i32>} : memref<2x16x8x128xf32, #tpu.memory_space<vmem>>, vector<16xf32>,
        %parallel_loop3A_850 = arith.constant 240 : i32
        %parallel_loop3A_851 = vector.broadcast %parallel_loop3A_850 : i32 to vector<16xi32>
        %parallel_loop3A_852 = arith.addi %parallel_loop3A_809, %parallel_loop3A_851 : vector<16xi32>
        tpu.vector_store_idx %arg7[%parallel_loop3A_852, %parallel_loop3A_812], %parallel_loop3A_849 {add = true} : memref<640x128xf32, #tpu.memory_space<vmem>>[vector<16xi32>, vector<16xi32>], vector<16xf32>,
        %parallel_loop3A_853 = arith.constant 1 : i32
        %parallel_loop3A_854 = arith.constant 4 : i32
        %parallel_loop3A_855 = arith.index_cast %parallel_loop3A_853 : i32 to index
        %parallel_loop3A_856 = arith.index_cast %parallel_loop3A_255 : i32 to index
        %parallel_loop3A_857 = arith.index_cast %parallel_loop3A_854 : i32 to index
        %parallel_loop3A_858 = arith.constant 96 : index
        %parallel_loop3A_859 = tpu.vector_load %arg6[%parallel_loop3A_855, %parallel_loop3A_856, %parallel_loop3A_857, %parallel_loop3A_858] {strides = array<i32>} : memref<2x16x8x128xf32, #tpu.memory_space<vmem>>, vector<16xf32>,
        %parallel_loop3A_860 = arith.constant 320 : i32
        %parallel_loop3A_861 = vector.broadcast %parallel_loop3A_860 : i32 to vector<16xi32>
        %parallel_loop3A_862 = arith.addi %parallel_loop3A_809, %parallel_loop3A_861 : vector<16xi32>
        tpu.vector_store_idx %arg7[%parallel_loop3A_862, %parallel_loop3A_812], %parallel_loop3A_859 {add = true} : memref<640x128xf32, #tpu.memory_space<vmem>>[vector<16xi32>, vector<16xi32>], vector<16xf32>,
        %parallel_loop3A_863 = arith.constant 1 : i32
        %parallel_loop3A_864 = arith.constant 5 : i32
        %parallel_loop3A_865 = arith.index_cast %parallel_loop3A_863 : i32 to index
        %parallel_loop3A_866 = arith.index_cast %parallel_loop3A_255 : i32 to index
        %parallel_loop3A_867 = arith.index_cast %parallel_loop3A_864 : i32 to index
        %parallel_loop3A_868 = arith.constant 96 : index
        %parallel_loop3A_869 = tpu.vector_load %arg6[%parallel_loop3A_865, %parallel_loop3A_866, %parallel_loop3A_867, %parallel_loop3A_868] {strides = array<i32>} : memref<2x16x8x128xf32, #tpu.memory_space<vmem>>, vector<16xf32>,
        %parallel_loop3A_870 = arith.constant 400 : i32
        %parallel_loop3A_871 = vector.broadcast %parallel_loop3A_870 : i32 to vector<16xi32>
        %parallel_loop3A_872 = arith.addi %parallel_loop3A_809, %parallel_loop3A_871 : vector<16xi32>
        tpu.vector_store_idx %arg7[%parallel_loop3A_872, %parallel_loop3A_812], %parallel_loop3A_869 {add = true} : memref<640x128xf32, #tpu.memory_space<vmem>>[vector<16xi32>, vector<16xi32>], vector<16xf32>,
        %parallel_loop3A_873 = arith.constant 1 : i32
        %parallel_loop3A_874 = arith.constant 6 : i32
        %parallel_loop3A_875 = arith.index_cast %parallel_loop3A_873 : i32 to index
        %parallel_loop3A_876 = arith.index_cast %parallel_loop3A_255 : i32 to index
        %parallel_loop3A_877 = arith.index_cast %parallel_loop3A_874 : i32 to index
        %parallel_loop3A_878 = arith.constant 96 : index
        %parallel_loop3A_879 = tpu.vector_load %arg6[%parallel_loop3A_875, %parallel_loop3A_876, %parallel_loop3A_877, %parallel_loop3A_878] {strides = array<i32>} : memref<2x16x8x128xf32, #tpu.memory_space<vmem>>, vector<16xf32>,
        %parallel_loop3A_880 = arith.constant 480 : i32
        %parallel_loop3A_881 = vector.broadcast %parallel_loop3A_880 : i32 to vector<16xi32>
        %parallel_loop3A_882 = arith.addi %parallel_loop3A_809, %parallel_loop3A_881 : vector<16xi32>
        tpu.vector_store_idx %arg7[%parallel_loop3A_882, %parallel_loop3A_812], %parallel_loop3A_879 {add = true} : memref<640x128xf32, #tpu.memory_space<vmem>>[vector<16xi32>, vector<16xi32>], vector<16xf32>,
        %parallel_loop3A_883 = arith.constant 1 : i32
        %parallel_loop3A_884 = arith.constant 7 : i32
        %parallel_loop3A_885 = arith.index_cast %parallel_loop3A_883 : i32 to index
        %parallel_loop3A_886 = arith.index_cast %parallel_loop3A_255 : i32 to index
        %parallel_loop3A_887 = arith.index_cast %parallel_loop3A_884 : i32 to index
        %parallel_loop3A_888 = arith.constant 96 : index
        %parallel_loop3A_889 = tpu.vector_load %arg6[%parallel_loop3A_885, %parallel_loop3A_886, %parallel_loop3A_887, %parallel_loop3A_888] {strides = array<i32>} : memref<2x16x8x128xf32, #tpu.memory_space<vmem>>, vector<16xf32>,
        %parallel_loop3A_890 = arith.constant 560 : i32
        %parallel_loop3A_891 = vector.broadcast %parallel_loop3A_890 : i32 to vector<16xi32>
        %parallel_loop3A_892 = arith.addi %parallel_loop3A_809, %parallel_loop3A_891 : vector<16xi32>
        tpu.vector_store_idx %arg7[%parallel_loop3A_892, %parallel_loop3A_812], %parallel_loop3A_889 {add = true} : memref<640x128xf32, #tpu.memory_space<vmem>>[vector<16xi32>, vector<16xi32>], vector<16xf32>,
        %parallel_loop3A_893 = arith.constant 1 : i32
        %parallel_loop3A_894 = arith.index_cast %parallel_loop3A_893 : i32 to index
        %parallel_loop3A_895 = arith.index_cast %parallel_loop3A_255 : i32 to index
        %parallel_loop3A_896 = arith.constant 112 : index
        %parallel_loop3A_897 = tpu.vector_load %arg5[%parallel_loop3A_894, %parallel_loop3A_895, %parallel_loop3A_896] {strides = array<i32>} : memref<2x16x128xi32, #tpu.memory_space<vmem>>, vector<16xi32>,
        %parallel_loop3A_898 = arith.constant 7 : i32
        %parallel_loop3A_899 = vector.broadcast %parallel_loop3A_898 : i32 to vector<16xi32>
        %parallel_loop3A_900 = arith.shrui %parallel_loop3A_897, %parallel_loop3A_899 : vector<16xi32>
        %parallel_loop3A_901 = arith.constant 127 : i32
        %parallel_loop3A_902 = vector.broadcast %parallel_loop3A_901 : i32 to vector<16xi32>
        %parallel_loop3A_903 = arith.andi %parallel_loop3A_897, %parallel_loop3A_902 : vector<16xi32>
        %parallel_loop3A_904 = arith.constant 1 : i32
        %parallel_loop3A_905 = arith.constant 0 : i32
        %parallel_loop3A_906 = arith.index_cast %parallel_loop3A_904 : i32 to index
        %parallel_loop3A_907 = arith.index_cast %parallel_loop3A_255 : i32 to index
        %parallel_loop3A_908 = arith.index_cast %parallel_loop3A_905 : i32 to index
        %parallel_loop3A_909 = arith.constant 112 : index
        %parallel_loop3A_910 = tpu.vector_load %arg6[%parallel_loop3A_906, %parallel_loop3A_907, %parallel_loop3A_908, %parallel_loop3A_909] {strides = array<i32>} : memref<2x16x8x128xf32, #tpu.memory_space<vmem>>, vector<16xf32>,
        %parallel_loop3A_911 = arith.constant 0 : i32
        %parallel_loop3A_912 = vector.broadcast %parallel_loop3A_911 : i32 to vector<16xi32>
        %parallel_loop3A_913 = arith.addi %parallel_loop3A_900, %parallel_loop3A_912 : vector<16xi32>
        tpu.vector_store_idx %arg7[%parallel_loop3A_913, %parallel_loop3A_903], %parallel_loop3A_910 {add = true} : memref<640x128xf32, #tpu.memory_space<vmem>>[vector<16xi32>, vector<16xi32>], vector<16xf32>,
        %parallel_loop3A_914 = arith.constant 1 : i32
        %parallel_loop3A_915 = arith.constant 1 : i32
        %parallel_loop3A_916 = arith.index_cast %parallel_loop3A_914 : i32 to index
        %parallel_loop3A_917 = arith.index_cast %parallel_loop3A_255 : i32 to index
        %parallel_loop3A_918 = arith.index_cast %parallel_loop3A_915 : i32 to index
        %parallel_loop3A_919 = arith.constant 112 : index
        %parallel_loop3A_920 = tpu.vector_load %arg6[%parallel_loop3A_916, %parallel_loop3A_917, %parallel_loop3A_918, %parallel_loop3A_919] {strides = array<i32>} : memref<2x16x8x128xf32, #tpu.memory_space<vmem>>, vector<16xf32>,
        %parallel_loop3A_921 = arith.constant 80 : i32
        %parallel_loop3A_922 = vector.broadcast %parallel_loop3A_921 : i32 to vector<16xi32>
        %parallel_loop3A_923 = arith.addi %parallel_loop3A_900, %parallel_loop3A_922 : vector<16xi32>
        tpu.vector_store_idx %arg7[%parallel_loop3A_923, %parallel_loop3A_903], %parallel_loop3A_920 {add = true} : memref<640x128xf32, #tpu.memory_space<vmem>>[vector<16xi32>, vector<16xi32>], vector<16xf32>,
        %parallel_loop3A_924 = arith.constant 1 : i32
        %parallel_loop3A_925 = arith.constant 2 : i32
        %parallel_loop3A_926 = arith.index_cast %parallel_loop3A_924 : i32 to index
        %parallel_loop3A_927 = arith.index_cast %parallel_loop3A_255 : i32 to index
        %parallel_loop3A_928 = arith.index_cast %parallel_loop3A_925 : i32 to index
        %parallel_loop3A_929 = arith.constant 112 : index
        %parallel_loop3A_930 = tpu.vector_load %arg6[%parallel_loop3A_926, %parallel_loop3A_927, %parallel_loop3A_928, %parallel_loop3A_929] {strides = array<i32>} : memref<2x16x8x128xf32, #tpu.memory_space<vmem>>, vector<16xf32>,
        %parallel_loop3A_931 = arith.constant 160 : i32
        %parallel_loop3A_932 = vector.broadcast %parallel_loop3A_931 : i32 to vector<16xi32>
        %parallel_loop3A_933 = arith.addi %parallel_loop3A_900, %parallel_loop3A_932 : vector<16xi32>
        tpu.vector_store_idx %arg7[%parallel_loop3A_933, %parallel_loop3A_903], %parallel_loop3A_930 {add = true} : memref<640x128xf32, #tpu.memory_space<vmem>>[vector<16xi32>, vector<16xi32>], vector<16xf32>,
        %parallel_loop3A_934 = arith.constant 1 : i32
        %parallel_loop3A_935 = arith.constant 3 : i32
        %parallel_loop3A_936 = arith.index_cast %parallel_loop3A_934 : i32 to index
        %parallel_loop3A_937 = arith.index_cast %parallel_loop3A_255 : i32 to index
        %parallel_loop3A_938 = arith.index_cast %parallel_loop3A_935 : i32 to index
        %parallel_loop3A_939 = arith.constant 112 : index
        %parallel_loop3A_940 = tpu.vector_load %arg6[%parallel_loop3A_936, %parallel_loop3A_937, %parallel_loop3A_938, %parallel_loop3A_939] {strides = array<i32>} : memref<2x16x8x128xf32, #tpu.memory_space<vmem>>, vector<16xf32>,
        %parallel_loop3A_941 = arith.constant 240 : i32
        %parallel_loop3A_942 = vector.broadcast %parallel_loop3A_941 : i32 to vector<16xi32>
        %parallel_loop3A_943 = arith.addi %parallel_loop3A_900, %parallel_loop3A_942 : vector<16xi32>
        tpu.vector_store_idx %arg7[%parallel_loop3A_943, %parallel_loop3A_903], %parallel_loop3A_940 {add = true} : memref<640x128xf32, #tpu.memory_space<vmem>>[vector<16xi32>, vector<16xi32>], vector<16xf32>,
        %parallel_loop3A_944 = arith.constant 1 : i32
        %parallel_loop3A_945 = arith.constant 4 : i32
        %parallel_loop3A_946 = arith.index_cast %parallel_loop3A_944 : i32 to index
        %parallel_loop3A_947 = arith.index_cast %parallel_loop3A_255 : i32 to index
        %parallel_loop3A_948 = arith.index_cast %parallel_loop3A_945 : i32 to index
        %parallel_loop3A_949 = arith.constant 112 : index
        %parallel_loop3A_950 = tpu.vector_load %arg6[%parallel_loop3A_946, %parallel_loop3A_947, %parallel_loop3A_948, %parallel_loop3A_949] {strides = array<i32>} : memref<2x16x8x128xf32, #tpu.memory_space<vmem>>, vector<16xf32>,
        %parallel_loop3A_951 = arith.constant 320 : i32
        %parallel_loop3A_952 = vector.broadcast %parallel_loop3A_951 : i32 to vector<16xi32>
        %parallel_loop3A_953 = arith.addi %parallel_loop3A_900, %parallel_loop3A_952 : vector<16xi32>
        tpu.vector_store_idx %arg7[%parallel_loop3A_953, %parallel_loop3A_903], %parallel_loop3A_950 {add = true} : memref<640x128xf32, #tpu.memory_space<vmem>>[vector<16xi32>, vector<16xi32>], vector<16xf32>,
        %parallel_loop3A_954 = arith.constant 1 : i32
        %parallel_loop3A_955 = arith.constant 5 : i32
        %parallel_loop3A_956 = arith.index_cast %parallel_loop3A_954 : i32 to index
        %parallel_loop3A_957 = arith.index_cast %parallel_loop3A_255 : i32 to index
        %parallel_loop3A_958 = arith.index_cast %parallel_loop3A_955 : i32 to index
        %parallel_loop3A_959 = arith.constant 112 : index
        %parallel_loop3A_960 = tpu.vector_load %arg6[%parallel_loop3A_956, %parallel_loop3A_957, %parallel_loop3A_958, %parallel_loop3A_959] {strides = array<i32>} : memref<2x16x8x128xf32, #tpu.memory_space<vmem>>, vector<16xf32>,
        %parallel_loop3A_961 = arith.constant 400 : i32
        %parallel_loop3A_962 = vector.broadcast %parallel_loop3A_961 : i32 to vector<16xi32>
        %parallel_loop3A_963 = arith.addi %parallel_loop3A_900, %parallel_loop3A_962 : vector<16xi32>
        tpu.vector_store_idx %arg7[%parallel_loop3A_963, %parallel_loop3A_903], %parallel_loop3A_960 {add = true} : memref<640x128xf32, #tpu.memory_space<vmem>>[vector<16xi32>, vector<16xi32>], vector<16xf32>,
        %parallel_loop3A_964 = arith.constant 1 : i32
        %parallel_loop3A_965 = arith.constant 6 : i32
        %parallel_loop3A_966 = arith.index_cast %parallel_loop3A_964 : i32 to index
        %parallel_loop3A_967 = arith.index_cast %parallel_loop3A_255 : i32 to index
        %parallel_loop3A_968 = arith.index_cast %parallel_loop3A_965 : i32 to index
        %parallel_loop3A_969 = arith.constant 112 : index
        %parallel_loop3A_970 = tpu.vector_load %arg6[%parallel_loop3A_966, %parallel_loop3A_967, %parallel_loop3A_968, %parallel_loop3A_969] {strides = array<i32>} : memref<2x16x8x128xf32, #tpu.memory_space<vmem>>, vector<16xf32>,
        %parallel_loop3A_971 = arith.constant 480 : i32
        %parallel_loop3A_972 = vector.broadcast %parallel_loop3A_971 : i32 to vector<16xi32>
        %parallel_loop3A_973 = arith.addi %parallel_loop3A_900, %parallel_loop3A_972 : vector<16xi32>
        tpu.vector_store_idx %arg7[%parallel_loop3A_973, %parallel_loop3A_903], %parallel_loop3A_970 {add = true} : memref<640x128xf32, #tpu.memory_space<vmem>>[vector<16xi32>, vector<16xi32>], vector<16xf32>,
        %parallel_loop3A_974 = arith.constant 1 : i32
        %parallel_loop3A_975 = arith.constant 7 : i32
        %parallel_loop3A_976 = arith.index_cast %parallel_loop3A_974 : i32 to index
        %parallel_loop3A_977 = arith.index_cast %parallel_loop3A_255 : i32 to index
        %parallel_loop3A_978 = arith.index_cast %parallel_loop3A_975 : i32 to index
        %parallel_loop3A_979 = arith.constant 112 : index
        %parallel_loop3A_980 = tpu.vector_load %arg6[%parallel_loop3A_976, %parallel_loop3A_977, %parallel_loop3A_978, %parallel_loop3A_979] {strides = array<i32>} : memref<2x16x8x128xf32, #tpu.memory_space<vmem>>, vector<16xf32>,
        %parallel_loop3A_981 = arith.constant 560 : i32
        %parallel_loop3A_982 = vector.broadcast %parallel_loop3A_981 : i32 to vector<16xi32>
        %parallel_loop3A_983 = arith.addi %parallel_loop3A_900, %parallel_loop3A_982 : vector<16xi32>
        tpu.vector_store_idx %arg7[%parallel_loop3A_983, %parallel_loop3A_903], %parallel_loop3A_980 {add = true} : memref<640x128xf32, #tpu.memory_space<vmem>>[vector<16xi32>, vector<16xi32>], vector<16xf32>,
      } {sc.loop_unroll_factor = 1 : i64, sc.parallel_access}
      %add3A_247 = arith.constant 2 : i32
      %add3A_248 = arith.addi %add3A_189, %add3A_247 : i32
      %lt3A_249 = arith.constant 10 : i32
      %lt3A_250 = arith.cmpi slt, %add3A_248, %lt3A_249 : i32
      %convert_element_type3A_251 = arith.extui %lt3A_250 : i1 to i32
      %cond3A_252 = arith.constant 0 : i32
      %cond3A_253 = arith.cmpi ne, %convert_element_type3A_251, %cond3A_252 : i32
      scf.if %cond3A_253 {
        %add3A_254 = arith.constant 2 : i32
        %add3A_255 = arith.addi %add3A_189, %add3A_254 : i32
        %mul3A_256 = arith.constant 16 : i32
        %mul3A_257 = arith.muli %add3A_255, %mul3A_256 : i32
        %add3A_258 = arith.addi %add3A, %mul3A_257 : i32
        %min3A_259 = arith.constant 2484 : i32
        %min3A_260 = arith.minsi %add3A_258, %min3A_259 : i32
        %dma_start3A_261 = arith.constant 0 : i32
        %dma_start3A_262 = arith.constant 1 : i32
        %dma_start3A_263 = arith.constant 1 : i32
        %dma_start3A_264 = arith.constant 0 : i32
        %dma_start3A_265 = arith.constant 0 : i32
        %dma_start3A_266 = tpu.memref_slice %arg5[%dma_start3A_262, %dma_start3A_264, %dma_start3A_265] : memref<2x16x128xi32, #tpu.memory_space<vmem>> -> memref<1x16x128xi32, #tpu.memory_space<vmem>>
        %dma_start3A_267 = tpu.memref_squeeze %dma_start3A_266 : memref<1x16x128xi32, #tpu.memory_space<vmem>> -> memref<16x128xi32, #tpu.memory_space<vmem>>
        %dma_start3A_268 = arith.constant 0 : i32
        %dma_start3A_269 = tpu.memref_slice %arg3[%min3A_260, %dma_start3A_261, %dma_start3A_268] : memref<2500x2x128xi32, #tpu.memory_space<hbm>> -> memref<16x1x128xi32, #tpu.memory_space<hbm>>
        %dma_start3A_270 = tpu.memref_squeeze %dma_start3A_269 : memref<16x1x128xi32, #tpu.memory_space<hbm>> -> memref<16x128xi32, #tpu.memory_space<hbm>>
        %dma_start3A_271 = tpu.memref_slice %arg11[%dma_start3A_263] : memref<2x!tpu.dma_semaphore, #tpu.memory_space<semaphore_mem>> -> memref<1x!tpu.dma_semaphore, #tpu.memory_space<semaphore_mem>>
        %dma_start3A_272 = tpu.memref_squeeze %dma_start3A_271 : memref<1x!tpu.dma_semaphore, #tpu.memory_space<semaphore_mem>> -> memref<!tpu.dma_semaphore, #tpu.memory_space<semaphore_mem>>
        %dma_start3A_273 = arith.constant 0 : i32
        %dma_start3A_274 = arith.constant 0 : i32
        %dma_start3A_275 = tpu.memref_slice %arg5[%dma_start3A_262, %dma_start3A_273, %dma_start3A_274] : memref<2x16x128xi32, #tpu.memory_space<vmem>> -> memref<1x16x128xi32, #tpu.memory_space<vmem>>
        %dma_start3A_276 = tpu.memref_squeeze %dma_start3A_275 : memref<1x16x128xi32, #tpu.memory_space<vmem>> -> memref<16x128xi32, #tpu.memory_space<vmem>>
        %dma_start3A_277 = arith.constant 0 : i32
        %dma_start3A_278 = tpu.memref_slice %arg3[%min3A_260, %dma_start3A_261, %dma_start3A_277] : memref<2500x2x128xi32, #tpu.memory_space<hbm>> -> memref<16x1x128xi32, #tpu.memory_space<hbm>>
        %dma_start3A_279 = tpu.memref_squeeze %dma_start3A_278 : memref<16x1x128xi32, #tpu.memory_space<hbm>> -> memref<16x128xi32, #tpu.memory_space<hbm>>
        tpu.enqueue_dma source(%dma_start3A_279 : memref<16x128xi32, #tpu.memory_space<hbm>>) target(%dma_start3A_276 : memref<16x128xi32, #tpu.memory_space<vmem>>) target_semaphore(%dma_start3A_272 : memref<!tpu.dma_semaphore, #tpu.memory_space<semaphore_mem>>)
        %dma_start3A_280 = arith.constant 1 : i32
        %dma_start3A_281 = arith.constant 1 : i32
        %dma_start3A_282 = arith.constant 0 : i32
        %dma_start3A_283 = arith.constant 0 : i32
        %dma_start3A_284 = arith.constant 0 : i32
        %dma_start3A_285 = tpu.memref_slice %arg6[%dma_start3A_280, %dma_start3A_282, %dma_start3A_283, %dma_start3A_284] : memref<2x16x8x128xf32, #tpu.memory_space<vmem>> -> memref<1x16x8x128xf32, #tpu.memory_space<vmem>>
        %dma_start3A_286 = tpu.memref_squeeze %dma_start3A_285 : memref<1x16x8x128xf32, #tpu.memory_space<vmem>> -> memref<16x8x128xf32, #tpu.memory_space<vmem>>
        %dma_start3A_287 = arith.constant 0 : i32
        %dma_start3A_288 = arith.constant 0 : i32
        %dma_start3A_289 = tpu.memref_slice %arg2[%arg0, %min3A_260, %dma_start3A_287, %dma_start3A_288] : memref<2x2500x8x128xf32, #tpu.memory_space<hbm>> -> memref<1x16x8x128xf32, #tpu.memory_space<hbm>>
        %dma_start3A_290 = tpu.memref_squeeze %dma_start3A_289 : memref<1x16x8x128xf32, #tpu.memory_space<hbm>> -> memref<16x8x128xf32, #tpu.memory_space<hbm>>
        %dma_start3A_291 = tpu.memref_slice %arg11[%dma_start3A_281] : memref<2x!tpu.dma_semaphore, #tpu.memory_space<semaphore_mem>> -> memref<1x!tpu.dma_semaphore, #tpu.memory_space<semaphore_mem>>
        %dma_start3A_292 = tpu.memref_squeeze %dma_start3A_291 : memref<1x!tpu.dma_semaphore, #tpu.memory_space<semaphore_mem>> -> memref<!tpu.dma_semaphore, #tpu.memory_space<semaphore_mem>>
        %dma_start3A_293 = arith.constant 0 : i32
        %dma_start3A_294 = arith.constant 0 : i32
        %dma_start3A_295 = arith.constant 0 : i32
        %dma_start3A_296 = tpu.memref_slice %arg6[%dma_start3A_280, %dma_start3A_293, %dma_start3A_294, %dma_start3A_295] : memref<2x16x8x128xf32, #tpu.memory_space<vmem>> -> memref<1x16x8x128xf32, #tpu.memory_space<vmem>>
        %dma_start3A_297 = tpu.memref_squeeze %dma_start3A_296 : memref<1x16x8x128xf32, #tpu.memory_space<vmem>> -> memref<16x8x128xf32, #tpu.memory_space<vmem>>
        %dma_start3A_298 = arith.constant 0 : i32
        %dma_start3A_299 = arith.constant 0 : i32
        %dma_start3A_300 = tpu.memref_slice %arg2[%arg0, %min3A_260, %dma_start3A_298, %dma_start3A_299] : memref<2x2500x8x128xf32, #tpu.memory_space<hbm>> -> memref<1x16x8x128xf32, #tpu.memory_space<hbm>>
        %dma_start3A_301 = tpu.memref_squeeze %dma_start3A_300 : memref<1x16x8x128xf32, #tpu.memory_space<hbm>> -> memref<16x8x128xf32, #tpu.memory_space<hbm>>
        tpu.enqueue_dma source(%dma_start3A_301 : memref<16x8x128xf32, #tpu.memory_space<hbm>>) target(%dma_start3A_297 : memref<16x8x128xf32, #tpu.memory_space<vmem>>) target_semaphore(%dma_start3A_292 : memref<!tpu.dma_semaphore, #tpu.memory_space<semaphore_mem>>)
      } else {
      }
    }
    %scan3A_107 = arith.constant 5 : i32
    %barrier3A = arith.constant 0 : index
    tpu.barrier barrier_id(%barrier3A)
    %run_scoped3A = arith.constant 0 : i32
    "tpu.region"() ({
      %run_scoped3A_117 = tpu.sem_alloc : memref<!tpu.dma_semaphore, #tpu.memory_space<semaphore_mem>>
      %dma_start3A_118 = arith.constant 0 : i32
      %dma_start3A_119 = arith.constant 0 : i32
      %dma_start3A_120 = tpu.memref_slice %arg7[%dma_start3A_118, %dma_start3A_119] : memref<640x128xf32, #tpu.memory_space<vmem>> -> memref<128x128xf32, #tpu.memory_space<vmem>>
      %dma_start3A_121 = arith.constant 0 : i32
      %dma_start3A_122 = tpu.memref_slice %arg8[%run_scoped3A, %dma_start3A_121] : memref<5x128xi32, #tpu.memory_space<vmem>> -> memref<1x128xi32, #tpu.memory_space<vmem>>
      %dma_start3A_123 = tpu.memref_squeeze %dma_start3A_122 : memref<1x128xi32, #tpu.memory_space<vmem>> -> memref<128xi32, #tpu.memory_space<vmem>>
      %dma_start3A_124 = arith.constant 0 : i32
      %dma_start3A_125 = arith.constant 0 : i32
      %dma_start3A_126 = tpu.memref_slice %arg10[%dma_start3A_124, %dma_start3A_125] : memref<640x128xf32, #tpu.memory_space<vmem_shared>> -> memref<640x128xf32, #tpu.memory_space<vmem_shared>>
      tpu.enqueue_indirect_dma source(%dma_start3A_120 : memref<128x128xf32, #tpu.memory_space<vmem>>) target(%dma_start3A_126 : memref<640x128xf32, #tpu.memory_space<vmem_shared>>) offsets(%dma_start3A_123 : memref<128xi32, #tpu.memory_space<vmem>>) semaphore(%run_scoped3A_117 : memref<!tpu.dma_semaphore, #tpu.memory_space<semaphore_mem>>) {add = true}
      %dma_wait3A = arith.constant 0 : i32
      %dma_wait3A_127 = arith.constant 0 : i32
      %dma_wait3A_128 = tpu.memref_slice %arg7[%dma_wait3A, %dma_wait3A_127] : memref<640x128xf32, #tpu.memory_space<vmem>> -> memref<128x128xf32, #tpu.memory_space<vmem>>
      %dma_wait3A_129 = arith.constant 0 : i32
      %dma_wait3A_130 = tpu.memref_slice %arg8[%run_scoped3A, %dma_wait3A_129] : memref<5x128xi32, #tpu.memory_space<vmem>> -> memref<1x128xi32, #tpu.memory_space<vmem>>
      %dma_wait3A_131 = tpu.memref_squeeze %dma_wait3A_130 : memref<1x128xi32, #tpu.memory_space<vmem>> -> memref<128xi32, #tpu.memory_space<vmem>>
      %dma_wait3A_132 = arith.constant 0 : i32
      %dma_wait3A_133 = arith.constant 0 : i32
      %dma_wait3A_134 = tpu.memref_slice %arg10[%dma_wait3A_132, %dma_wait3A_133] : memref<640x128xf32, #tpu.memory_space<vmem_shared>> -> memref<640x128xf32, #tpu.memory_space<vmem_shared>>
      tpu.wait_indirect_dma semaphore(%run_scoped3A_117 : memref<!tpu.dma_semaphore, #tpu.memory_space<semaphore_mem>>) src(%dma_wait3A_128 : memref<128x128xf32, #tpu.memory_space<vmem>>) dst(%dma_wait3A_134 : memref<640x128xf32, #tpu.memory_space<vmem_shared>>)
      tpu.yield
    }) : () -> ()
    %run_scoped3A_108 = arith.constant 1 : i32
    "tpu.region"() ({
      %run_scoped3A_117 = tpu.sem_alloc : memref<!tpu.dma_semaphore, #tpu.memory_space<semaphore_mem>>
      %dma_start3A_118 = arith.constant 128 : i32
      %dma_start3A_119 = arith.constant 0 : i32
      %dma_start3A_120 = tpu.memref_slice %arg7[%dma_start3A_118, %dma_start3A_119] : memref<640x128xf32, #tpu.memory_space<vmem>> -> memref<128x128xf32, #tpu.memory_space<vmem>>
      %dma_start3A_121 = arith.constant 0 : i32
      %dma_start3A_122 = tpu.memref_slice %arg8[%run_scoped3A_108, %dma_start3A_121] : memref<5x128xi32, #tpu.memory_space<vmem>> -> memref<1x128xi32, #tpu.memory_space<vmem>>
      %dma_start3A_123 = tpu.memref_squeeze %dma_start3A_122 : memref<1x128xi32, #tpu.memory_space<vmem>> -> memref<128xi32, #tpu.memory_space<vmem>>
      %dma_start3A_124 = arith.constant 0 : i32
      %dma_start3A_125 = arith.constant 0 : i32
      %dma_start3A_126 = tpu.memref_slice %arg10[%dma_start3A_124, %dma_start3A_125] : memref<640x128xf32, #tpu.memory_space<vmem_shared>> -> memref<640x128xf32, #tpu.memory_space<vmem_shared>>
      tpu.enqueue_indirect_dma source(%dma_start3A_120 : memref<128x128xf32, #tpu.memory_space<vmem>>) target(%dma_start3A_126 : memref<640x128xf32, #tpu.memory_space<vmem_shared>>) offsets(%dma_start3A_123 : memref<128xi32, #tpu.memory_space<vmem>>) semaphore(%run_scoped3A_117 : memref<!tpu.dma_semaphore, #tpu.memory_space<semaphore_mem>>) {add = true}
      %dma_wait3A = arith.constant 128 : i32
      %dma_wait3A_127 = arith.constant 0 : i32
      %dma_wait3A_128 = tpu.memref_slice %arg7[%dma_wait3A, %dma_wait3A_127] : memref<640x128xf32, #tpu.memory_space<vmem>> -> memref<128x128xf32, #tpu.memory_space<vmem>>
      %dma_wait3A_129 = arith.constant 0 : i32
      %dma_wait3A_130 = tpu.memref_slice %arg8[%run_scoped3A_108, %dma_wait3A_129] : memref<5x128xi32, #tpu.memory_space<vmem>> -> memref<1x128xi32, #tpu.memory_space<vmem>>
      %dma_wait3A_131 = tpu.memref_squeeze %dma_wait3A_130 : memref<1x128xi32, #tpu.memory_space<vmem>> -> memref<128xi32, #tpu.memory_space<vmem>>
      %dma_wait3A_132 = arith.constant 0 : i32
      %dma_wait3A_133 = arith.constant 0 : i32
      %dma_wait3A_134 = tpu.memref_slice %arg10[%dma_wait3A_132, %dma_wait3A_133] : memref<640x128xf32, #tpu.memory_space<vmem_shared>> -> memref<640x128xf32, #tpu.memory_space<vmem_shared>>
      tpu.wait_indirect_dma semaphore(%run_scoped3A_117 : memref<!tpu.dma_semaphore, #tpu.memory_space<semaphore_mem>>) src(%dma_wait3A_128 : memref<128x128xf32, #tpu.memory_space<vmem>>) dst(%dma_wait3A_134 : memref<640x128xf32, #tpu.memory_space<vmem_shared>>)
      tpu.yield
    }) : () -> ()
    %run_scoped3A_109 = arith.constant 2 : i32
    "tpu.region"() ({
      %run_scoped3A_117 = tpu.sem_alloc : memref<!tpu.dma_semaphore, #tpu.memory_space<semaphore_mem>>
      %dma_start3A_118 = arith.constant 256 : i32
      %dma_start3A_119 = arith.constant 0 : i32
      %dma_start3A_120 = tpu.memref_slice %arg7[%dma_start3A_118, %dma_start3A_119] : memref<640x128xf32, #tpu.memory_space<vmem>> -> memref<128x128xf32, #tpu.memory_space<vmem>>
      %dma_start3A_121 = arith.constant 0 : i32
      %dma_start3A_122 = tpu.memref_slice %arg8[%run_scoped3A_109, %dma_start3A_121] : memref<5x128xi32, #tpu.memory_space<vmem>> -> memref<1x128xi32, #tpu.memory_space<vmem>>
      %dma_start3A_123 = tpu.memref_squeeze %dma_start3A_122 : memref<1x128xi32, #tpu.memory_space<vmem>> -> memref<128xi32, #tpu.memory_space<vmem>>
      %dma_start3A_124 = arith.constant 0 : i32
      %dma_start3A_125 = arith.constant 0 : i32
      %dma_start3A_126 = tpu.memref_slice %arg10[%dma_start3A_124, %dma_start3A_125] : memref<640x128xf32, #tpu.memory_space<vmem_shared>> -> memref<640x128xf32, #tpu.memory_space<vmem_shared>>
      tpu.enqueue_indirect_dma source(%dma_start3A_120 : memref<128x128xf32, #tpu.memory_space<vmem>>) target(%dma_start3A_126 : memref<640x128xf32, #tpu.memory_space<vmem_shared>>) offsets(%dma_start3A_123 : memref<128xi32, #tpu.memory_space<vmem>>) semaphore(%run_scoped3A_117 : memref<!tpu.dma_semaphore, #tpu.memory_space<semaphore_mem>>) {add = true}
      %dma_wait3A = arith.constant 256 : i32
      %dma_wait3A_127 = arith.constant 0 : i32
      %dma_wait3A_128 = tpu.memref_slice %arg7[%dma_wait3A, %dma_wait3A_127] : memref<640x128xf32, #tpu.memory_space<vmem>> -> memref<128x128xf32, #tpu.memory_space<vmem>>
      %dma_wait3A_129 = arith.constant 0 : i32
      %dma_wait3A_130 = tpu.memref_slice %arg8[%run_scoped3A_109, %dma_wait3A_129] : memref<5x128xi32, #tpu.memory_space<vmem>> -> memref<1x128xi32, #tpu.memory_space<vmem>>
      %dma_wait3A_131 = tpu.memref_squeeze %dma_wait3A_130 : memref<1x128xi32, #tpu.memory_space<vmem>> -> memref<128xi32, #tpu.memory_space<vmem>>
      %dma_wait3A_132 = arith.constant 0 : i32
      %dma_wait3A_133 = arith.constant 0 : i32
      %dma_wait3A_134 = tpu.memref_slice %arg10[%dma_wait3A_132, %dma_wait3A_133] : memref<640x128xf32, #tpu.memory_space<vmem_shared>> -> memref<640x128xf32, #tpu.memory_space<vmem_shared>>
      tpu.wait_indirect_dma semaphore(%run_scoped3A_117 : memref<!tpu.dma_semaphore, #tpu.memory_space<semaphore_mem>>) src(%dma_wait3A_128 : memref<128x128xf32, #tpu.memory_space<vmem>>) dst(%dma_wait3A_134 : memref<640x128xf32, #tpu.memory_space<vmem_shared>>)
      tpu.yield
    }) : () -> ()
    %run_scoped3A_110 = arith.constant 3 : i32
    "tpu.region"() ({
      %run_scoped3A_117 = tpu.sem_alloc : memref<!tpu.dma_semaphore, #tpu.memory_space<semaphore_mem>>
      %dma_start3A_118 = arith.constant 384 : i32
      %dma_start3A_119 = arith.constant 0 : i32
      %dma_start3A_120 = tpu.memref_slice %arg7[%dma_start3A_118, %dma_start3A_119] : memref<640x128xf32, #tpu.memory_space<vmem>> -> memref<128x128xf32, #tpu.memory_space<vmem>>
      %dma_start3A_121 = arith.constant 0 : i32
      %dma_start3A_122 = tpu.memref_slice %arg8[%run_scoped3A_110, %dma_start3A_121] : memref<5x128xi32, #tpu.memory_space<vmem>> -> memref<1x128xi32, #tpu.memory_space<vmem>>
      %dma_start3A_123 = tpu.memref_squeeze %dma_start3A_122 : memref<1x128xi32, #tpu.memory_space<vmem>> -> memref<128xi32, #tpu.memory_space<vmem>>
      %dma_start3A_124 = arith.constant 0 : i32
      %dma_start3A_125 = arith.constant 0 : i32
      %dma_start3A_126 = tpu.memref_slice %arg10[%dma_start3A_124, %dma_start3A_125] : memref<640x128xf32, #tpu.memory_space<vmem_shared>> -> memref<640x128xf32, #tpu.memory_space<vmem_shared>>
      tpu.enqueue_indirect_dma source(%dma_start3A_120 : memref<128x128xf32, #tpu.memory_space<vmem>>) target(%dma_start3A_126 : memref<640x128xf32, #tpu.memory_space<vmem_shared>>) offsets(%dma_start3A_123 : memref<128xi32, #tpu.memory_space<vmem>>) semaphore(%run_scoped3A_117 : memref<!tpu.dma_semaphore, #tpu.memory_space<semaphore_mem>>) {add = true}
      %dma_wait3A = arith.constant 384 : i32
      %dma_wait3A_127 = arith.constant 0 : i32
      %dma_wait3A_128 = tpu.memref_slice %arg7[%dma_wait3A, %dma_wait3A_127] : memref<640x128xf32, #tpu.memory_space<vmem>> -> memref<128x128xf32, #tpu.memory_space<vmem>>
      %dma_wait3A_129 = arith.constant 0 : i32
      %dma_wait3A_130 = tpu.memref_slice %arg8[%run_scoped3A_110, %dma_wait3A_129] : memref<5x128xi32, #tpu.memory_space<vmem>> -> memref<1x128xi32, #tpu.memory_space<vmem>>
      %dma_wait3A_131 = tpu.memref_squeeze %dma_wait3A_130 : memref<1x128xi32, #tpu.memory_space<vmem>> -> memref<128xi32, #tpu.memory_space<vmem>>
      %dma_wait3A_132 = arith.constant 0 : i32
      %dma_wait3A_133 = arith.constant 0 : i32
      %dma_wait3A_134 = tpu.memref_slice %arg10[%dma_wait3A_132, %dma_wait3A_133] : memref<640x128xf32, #tpu.memory_space<vmem_shared>> -> memref<640x128xf32, #tpu.memory_space<vmem_shared>>
      tpu.wait_indirect_dma semaphore(%run_scoped3A_117 : memref<!tpu.dma_semaphore, #tpu.memory_space<semaphore_mem>>) src(%dma_wait3A_128 : memref<128x128xf32, #tpu.memory_space<vmem>>) dst(%dma_wait3A_134 : memref<640x128xf32, #tpu.memory_space<vmem_shared>>)
      tpu.yield
    }) : () -> ()
    %run_scoped3A_111 = arith.constant 4 : i32
    "tpu.region"() ({
      %run_scoped3A_117 = tpu.sem_alloc : memref<!tpu.dma_semaphore, #tpu.memory_space<semaphore_mem>>
      %dma_start3A_118 = arith.constant 512 : i32
      %dma_start3A_119 = arith.constant 0 : i32
      %dma_start3A_120 = tpu.memref_slice %arg7[%dma_start3A_118, %dma_start3A_119] : memref<640x128xf32, #tpu.memory_space<vmem>> -> memref<128x128xf32, #tpu.memory_space<vmem>>
      %dma_start3A_121 = arith.constant 0 : i32
      %dma_start3A_122 = tpu.memref_slice %arg8[%run_scoped3A_111, %dma_start3A_121] : memref<5x128xi32, #tpu.memory_space<vmem>> -> memref<1x128xi32, #tpu.memory_space<vmem>>
      %dma_start3A_123 = tpu.memref_squeeze %dma_start3A_122 : memref<1x128xi32, #tpu.memory_space<vmem>> -> memref<128xi32, #tpu.memory_space<vmem>>
      %dma_start3A_124 = arith.constant 0 : i32
      %dma_start3A_125 = arith.constant 0 : i32
      %dma_start3A_126 = tpu.memref_slice %arg10[%dma_start3A_124, %dma_start3A_125] : memref<640x128xf32, #tpu.memory_space<vmem_shared>> -> memref<640x128xf32, #tpu.memory_space<vmem_shared>>
      tpu.enqueue_indirect_dma source(%dma_start3A_120 : memref<128x128xf32, #tpu.memory_space<vmem>>) target(%dma_start3A_126 : memref<640x128xf32, #tpu.memory_space<vmem_shared>>) offsets(%dma_start3A_123 : memref<128xi32, #tpu.memory_space<vmem>>) semaphore(%run_scoped3A_117 : memref<!tpu.dma_semaphore, #tpu.memory_space<semaphore_mem>>) {add = true}
      %dma_wait3A = arith.constant 512 : i32
      %dma_wait3A_127 = arith.constant 0 : i32
      %dma_wait3A_128 = tpu.memref_slice %arg7[%dma_wait3A, %dma_wait3A_127] : memref<640x128xf32, #tpu.memory_space<vmem>> -> memref<128x128xf32, #tpu.memory_space<vmem>>
      %dma_wait3A_129 = arith.constant 0 : i32
      %dma_wait3A_130 = tpu.memref_slice %arg8[%run_scoped3A_111, %dma_wait3A_129] : memref<5x128xi32, #tpu.memory_space<vmem>> -> memref<1x128xi32, #tpu.memory_space<vmem>>
      %dma_wait3A_131 = tpu.memref_squeeze %dma_wait3A_130 : memref<1x128xi32, #tpu.memory_space<vmem>> -> memref<128xi32, #tpu.memory_space<vmem>>
      %dma_wait3A_132 = arith.constant 0 : i32
      %dma_wait3A_133 = arith.constant 0 : i32
      %dma_wait3A_134 = tpu.memref_slice %arg10[%dma_wait3A_132, %dma_wait3A_133] : memref<640x128xf32, #tpu.memory_space<vmem_shared>> -> memref<640x128xf32, #tpu.memory_space<vmem_shared>>
      tpu.wait_indirect_dma semaphore(%run_scoped3A_117 : memref<!tpu.dma_semaphore, #tpu.memory_space<semaphore_mem>>) src(%dma_wait3A_128 : memref<128x128xf32, #tpu.memory_space<vmem>>) dst(%dma_wait3A_134 : memref<640x128xf32, #tpu.memory_space<vmem_shared>>)
      tpu.yield
    }) : () -> ()
    %barrier3A_112 = arith.constant 0 : index
    tpu.barrier barrier_id(%barrier3A_112)
    %mul3A_113 = arith.constant 40 : i32
    %mul3A_114 = arith.muli %arg1, %mul3A_113 : i32
    %mul3A_115 = arith.constant 40 : i32
    %mul3A_116 = arith.muli %arg1, %mul3A_115 : i32
    "tpu.region"() ({
      %run_scoped3A_117 = tpu.sem_alloc : memref<!tpu.dma_semaphore, #tpu.memory_space<semaphore_mem>>
      %dma_start3A_118 = arith.constant 0 : i32
      %dma_start3A_119 = tpu.memref_slice %arg4[%arg0, %mul3A_116, %dma_start3A_118] : memref<2x640x128xf32, #tpu.memory_space<hbm>> -> memref<1x40x128xf32, #tpu.memory_space<hbm>>
      %dma_start3A_120 = tpu.memref_squeeze %dma_start3A_119 : memref<1x40x128xf32, #tpu.memory_space<hbm>> -> memref<40x128xf32, #tpu.memory_space<hbm>>
      %dma_start3A_121 = arith.constant 0 : i32
      %dma_start3A_122 = tpu.memref_slice %arg10[%mul3A_114, %dma_start3A_121] : memref<640x128xf32, #tpu.memory_space<vmem_shared>> -> memref<40x128xf32, #tpu.memory_space<vmem_shared>>
      tpu.enqueue_dma source(%dma_start3A_122 : memref<40x128xf32, #tpu.memory_space<vmem_shared>>) target(%dma_start3A_120 : memref<40x128xf32, #tpu.memory_space<hbm>>) target_semaphore(%run_scoped3A_117 : memref<!tpu.dma_semaphore, #tpu.memory_space<semaphore_mem>>)
      %dma_wait3A = arith.constant 0 : i32
      %dma_wait3A_123 = tpu.memref_slice %arg4[%arg0, %mul3A_116, %dma_wait3A] : memref<2x640x128xf32, #tpu.memory_space<hbm>> -> memref<1x40x128xf32, #tpu.memory_space<hbm>>
      %dma_wait3A_124 = tpu.memref_squeeze %dma_wait3A_123 : memref<1x40x128xf32, #tpu.memory_space<hbm>> -> memref<40x128xf32, #tpu.memory_space<hbm>>
      %dma_wait3A_125 = arith.constant 0 : i32
      %dma_wait3A_126 = tpu.memref_slice %arg10[%mul3A_114, %dma_wait3A_125] : memref<640x128xf32, #tpu.memory_space<vmem_shared>> -> memref<40x128xf32, #tpu.memory_space<vmem_shared>>
      tpu.wait_dma2 semaphore(%run_scoped3A_117 : memref<!tpu.dma_semaphore, #tpu.memory_space<semaphore_mem>>) src(%dma_wait3A_126 : memref<40x128xf32, #tpu.memory_space<vmem_shared>>) dst(%dma_wait3A_124 : memref<40x128xf32, #tpu.memory_space<hbm>>)
      tpu.yield
    }) : () -> ()
    return
  }
}

module attributes {stable_mosaic.version = 14 : i64} {
  func.func @_xw_body(%arg0: i32, %arg1: memref<2048x128xf32, #tpu.memory_space<vmem>>, %arg2: memref<128x64xf32, #tpu.memory_space<vmem>>, %arg3: memref<1x64xf32, #tpu.memory_space<vmem>>, %arg4: memref<2048x64xf32, #tpu.memory_space<vmem>>) attributes {dimension_semantics = [#tpu.dimension_semantics<arbitrary>], iteration_bounds = array<i64: 5>, scalar_prefetch = 0 : i64, scratch_operands = 0 : i64, tpu.core_type = #tpu.core_type<tc>, window_params = [{transform_indices = @transform_0, window_bounds = array<i64: 2048, 128>}, {pipeline_mode = #tpu.pipeline_mode<synchronous>, transform_indices = @transform_1, window_bounds = array<i64: 128, 64>}, {pipeline_mode = #tpu.pipeline_mode<synchronous>, transform_indices = @transform_2, window_bounds = array<i64: 1, 64>}, {transform_indices = @transform_3, window_bounds = array<i64: 2048, 64>}]} {
    %get3A = arith.constant 0 : index
    %get3A_0 = arith.constant 0 : index
    %get3A_1 = vector.load %arg1[%get3A, %get3A_0] : memref<2048x128xf32, #tpu.memory_space<vmem>>, vector<2048x128xf32>
    %get3A_2 = arith.constant 0 : index
    %get3A_3 = arith.constant 0 : index
    %get3A_4 = vector.load %arg2[%get3A_2, %get3A_3] : memref<128x64xf32, #tpu.memory_space<vmem>>, vector<128x64xf32>
    %dot_general3A = arith.constant dense<0.000000e+00> : vector<2048x64xf32>
    %dot_general3A_5 = tpu.matmul %get3A_1, %get3A_4, %dot_general3A {dimension_numbers = #tpu.dot_dimension_numbers<[1], [0], [0], [1], [0, 0, 1, 1], [], []>, transpose_lhs_hint = false} : vector<2048x128xf32>, vector<128x64xf32>, vector<2048x64xf32> -> vector<2048x64xf32>
    %get3A_6 = arith.constant 0 : index
    %get3A_7 = arith.constant 0 : index
    %get3A_8 = vector.load %arg3[%get3A_6, %get3A_7] : memref<1x64xf32, #tpu.memory_space<vmem>>, vector<1x64xf32>
    %add3A = vector.broadcast %get3A_8 : vector<1x64xf32> to vector<2048x64xf32>
    %add3A_9 = arith.addf %dot_general3A_5, %add3A : vector<2048x64xf32>
    %swap3A = arith.constant 0 : index
    %swap3A_10 = arith.constant 0 : index
    %swap3A_11 = vector.load %arg4[%swap3A, %swap3A_10] : memref<2048x64xf32, #tpu.memory_space<vmem>>, vector<2048x64xf32>
    tpu.vector_store %arg4[%swap3A, %swap3A_10], %add3A_9 {strides = array<i32>} : memref<2048x64xf32, #tpu.memory_space<vmem>>, vector<2048x64xf32>,
    return
  }
  func.func @transform_0(%arg0: i32) -> (i32, i32) {
    %c0_i32 = arith.constant 0 : i32
    %c0_i32_0 = arith.constant 0 : i32
    return %arg0, %c0_i32 : i32, i32
  }
  func.func @transform_1(%arg0: i32) -> (i32, i32) {
    %c0_i32 = arith.constant 0 : i32
    %c0_i32_0 = arith.constant 0 : i32
    %c0_i32_1 = arith.constant 0 : i32
    return %c0_i32, %c0_i32_0 : i32, i32
  }
  func.func @transform_2(%arg0: i32) -> (i32, i32) {
    %c0_i32 = arith.constant 0 : i32
    %c0_i32_0 = arith.constant 0 : i32
    %c0_i32_1 = arith.constant 0 : i32
    return %c0_i32, %c0_i32_0 : i32, i32
  }
  func.func @transform_3(%arg0: i32) -> (i32, i32) {
    %c0_i32 = arith.constant 0 : i32
    %c0_i32_0 = arith.constant 0 : i32
    return %arg0, %c0_i32 : i32, i32
  }
}

module attributes {stable_mosaic.version = 14 : i64} {
  func.func @_mlp_body(%arg0: i32, %arg1: memref<2048x64xf32, #tpu.memory_space<vmem>>, %arg2: memref<2x8x16x128xf32, #tpu.memory_space<vmem>>, %arg3: memref<8x64xf32, #tpu.memory_space<vmem>>, %arg4: memref<8x64xf32, #tpu.memory_space<vmem>>, %arg5: memref<64x64xf32, #tpu.memory_space<vmem>>, %arg6: memref<1x64xf32, #tpu.memory_space<vmem>>, %arg7: memref<64x64xf32, #tpu.memory_space<vmem>>, %arg8: memref<64x1xf32, #tpu.memory_space<vmem>>, %arg9: memref<64x2048xf32, #tpu.memory_space<vmem>>) attributes {dimension_semantics = [#tpu.dimension_semantics<arbitrary>], iteration_bounds = array<i64: 5>, scalar_prefetch = 0 : i64, scratch_operands = 0 : i64, tpu.core_type = #tpu.core_type<tc>, window_params = [{transform_indices = @transform_0, window_bounds = array<i64: 2048, 64>}, {transform_indices = @transform_1, window_bounds = array<i64: 2, 8, 16, 128>}, {pipeline_mode = #tpu.pipeline_mode<synchronous>, transform_indices = @transform_2, window_bounds = array<i64: 8, 64>}, {pipeline_mode = #tpu.pipeline_mode<synchronous>, transform_indices = @transform_3, window_bounds = array<i64: 8, 64>}, {pipeline_mode = #tpu.pipeline_mode<synchronous>, transform_indices = @transform_4, window_bounds = array<i64: 64, 64>}, {pipeline_mode = #tpu.pipeline_mode<synchronous>, transform_indices = @transform_5, window_bounds = array<i64: 1, 64>}, {pipeline_mode = #tpu.pipeline_mode<synchronous>, transform_indices = @transform_6, window_bounds = array<i64: 64, 64>}, {pipeline_mode = #tpu.pipeline_mode<synchronous>, transform_indices = @transform_7, window_bounds = array<i64: 64, 1>}, {transform_indices = @transform_8, window_bounds = array<i64: 64, 2048>}]} {
    %get3A = arith.constant 0 : index
    %get3A_0 = arith.constant 0 : index
    %get3A_1 = arith.constant 0 : index
    %get3A_2 = arith.constant 0 : index
    %get3A_3 = vector.load %arg2[%get3A, %get3A_0, %get3A_1, %get3A_2] : memref<2x8x16x128xf32, #tpu.memory_space<vmem>>, vector<1x8x1x128xf32>
    %get3A_4 = vector.shape_cast %get3A_3 : vector<1x8x1x128xf32> to vector<8x128xf32>
    %get3A_5 = arith.constant 0 : index
    %get3A_6 = arith.constant 0 : index
    %get3A_7 = arith.constant 1 : index
    %get3A_8 = arith.constant 0 : index
    %get3A_9 = vector.load %arg2[%get3A_5, %get3A_6, %get3A_7, %get3A_8] : memref<2x8x16x128xf32, #tpu.memory_space<vmem>>, vector<1x8x1x128xf32>
    %get3A_10 = vector.shape_cast %get3A_9 : vector<1x8x1x128xf32> to vector<8x128xf32>
    %get3A_11 = arith.constant 0 : index
    %get3A_12 = arith.constant 0 : index
    %get3A_13 = arith.constant 2 : index
    %get3A_14 = arith.constant 0 : index
    %get3A_15 = vector.load %arg2[%get3A_11, %get3A_12, %get3A_13, %get3A_14] : memref<2x8x16x128xf32, #tpu.memory_space<vmem>>, vector<1x8x1x128xf32>
    %get3A_16 = vector.shape_cast %get3A_15 : vector<1x8x1x128xf32> to vector<8x128xf32>
    %get3A_17 = arith.constant 0 : index
    %get3A_18 = arith.constant 0 : index
    %get3A_19 = arith.constant 3 : index
    %get3A_20 = arith.constant 0 : index
    %get3A_21 = vector.load %arg2[%get3A_17, %get3A_18, %get3A_19, %get3A_20] : memref<2x8x16x128xf32, #tpu.memory_space<vmem>>, vector<1x8x1x128xf32>
    %get3A_22 = vector.shape_cast %get3A_21 : vector<1x8x1x128xf32> to vector<8x128xf32>
    %get3A_23 = arith.constant 0 : index
    %get3A_24 = arith.constant 0 : index
    %get3A_25 = arith.constant 4 : index
    %get3A_26 = arith.constant 0 : index
    %get3A_27 = vector.load %arg2[%get3A_23, %get3A_24, %get3A_25, %get3A_26] : memref<2x8x16x128xf32, #tpu.memory_space<vmem>>, vector<1x8x1x128xf32>
    %get3A_28 = vector.shape_cast %get3A_27 : vector<1x8x1x128xf32> to vector<8x128xf32>
    %get3A_29 = arith.constant 0 : index
    %get3A_30 = arith.constant 0 : index
    %get3A_31 = arith.constant 5 : index
    %get3A_32 = arith.constant 0 : index
    %get3A_33 = vector.load %arg2[%get3A_29, %get3A_30, %get3A_31, %get3A_32] : memref<2x8x16x128xf32, #tpu.memory_space<vmem>>, vector<1x8x1x128xf32>
    %get3A_34 = vector.shape_cast %get3A_33 : vector<1x8x1x128xf32> to vector<8x128xf32>
    %get3A_35 = arith.constant 0 : index
    %get3A_36 = arith.constant 0 : index
    %get3A_37 = arith.constant 6 : index
    %get3A_38 = arith.constant 0 : index
    %get3A_39 = vector.load %arg2[%get3A_35, %get3A_36, %get3A_37, %get3A_38] : memref<2x8x16x128xf32, #tpu.memory_space<vmem>>, vector<1x8x1x128xf32>
    %get3A_40 = vector.shape_cast %get3A_39 : vector<1x8x1x128xf32> to vector<8x128xf32>
    %get3A_41 = arith.constant 0 : index
    %get3A_42 = arith.constant 0 : index
    %get3A_43 = arith.constant 7 : index
    %get3A_44 = arith.constant 0 : index
    %get3A_45 = vector.load %arg2[%get3A_41, %get3A_42, %get3A_43, %get3A_44] : memref<2x8x16x128xf32, #tpu.memory_space<vmem>>, vector<1x8x1x128xf32>
    %get3A_46 = vector.shape_cast %get3A_45 : vector<1x8x1x128xf32> to vector<8x128xf32>
    %get3A_47 = arith.constant 0 : index
    %get3A_48 = arith.constant 0 : index
    %get3A_49 = arith.constant 8 : index
    %get3A_50 = arith.constant 0 : index
    %get3A_51 = vector.load %arg2[%get3A_47, %get3A_48, %get3A_49, %get3A_50] : memref<2x8x16x128xf32, #tpu.memory_space<vmem>>, vector<1x8x1x128xf32>
    %get3A_52 = vector.shape_cast %get3A_51 : vector<1x8x1x128xf32> to vector<8x128xf32>
    %get3A_53 = arith.constant 0 : index
    %get3A_54 = arith.constant 0 : index
    %get3A_55 = arith.constant 9 : index
    %get3A_56 = arith.constant 0 : index
    %get3A_57 = vector.load %arg2[%get3A_53, %get3A_54, %get3A_55, %get3A_56] : memref<2x8x16x128xf32, #tpu.memory_space<vmem>>, vector<1x8x1x128xf32>
    %get3A_58 = vector.shape_cast %get3A_57 : vector<1x8x1x128xf32> to vector<8x128xf32>
    %get3A_59 = arith.constant 0 : index
    %get3A_60 = arith.constant 0 : index
    %get3A_61 = arith.constant 10 : index
    %get3A_62 = arith.constant 0 : index
    %get3A_63 = vector.load %arg2[%get3A_59, %get3A_60, %get3A_61, %get3A_62] : memref<2x8x16x128xf32, #tpu.memory_space<vmem>>, vector<1x8x1x128xf32>
    %get3A_64 = vector.shape_cast %get3A_63 : vector<1x8x1x128xf32> to vector<8x128xf32>
    %get3A_65 = arith.constant 0 : index
    %get3A_66 = arith.constant 0 : index
    %get3A_67 = arith.constant 11 : index
    %get3A_68 = arith.constant 0 : index
    %get3A_69 = vector.load %arg2[%get3A_65, %get3A_66, %get3A_67, %get3A_68] : memref<2x8x16x128xf32, #tpu.memory_space<vmem>>, vector<1x8x1x128xf32>
    %get3A_70 = vector.shape_cast %get3A_69 : vector<1x8x1x128xf32> to vector<8x128xf32>
    %get3A_71 = arith.constant 0 : index
    %get3A_72 = arith.constant 0 : index
    %get3A_73 = arith.constant 12 : index
    %get3A_74 = arith.constant 0 : index
    %get3A_75 = vector.load %arg2[%get3A_71, %get3A_72, %get3A_73, %get3A_74] : memref<2x8x16x128xf32, #tpu.memory_space<vmem>>, vector<1x8x1x128xf32>
    %get3A_76 = vector.shape_cast %get3A_75 : vector<1x8x1x128xf32> to vector<8x128xf32>
    %get3A_77 = arith.constant 0 : index
    %get3A_78 = arith.constant 0 : index
    %get3A_79 = arith.constant 13 : index
    %get3A_80 = arith.constant 0 : index
    %get3A_81 = vector.load %arg2[%get3A_77, %get3A_78, %get3A_79, %get3A_80] : memref<2x8x16x128xf32, #tpu.memory_space<vmem>>, vector<1x8x1x128xf32>
    %get3A_82 = vector.shape_cast %get3A_81 : vector<1x8x1x128xf32> to vector<8x128xf32>
    %get3A_83 = arith.constant 0 : index
    %get3A_84 = arith.constant 0 : index
    %get3A_85 = arith.constant 14 : index
    %get3A_86 = arith.constant 0 : index
    %get3A_87 = vector.load %arg2[%get3A_83, %get3A_84, %get3A_85, %get3A_86] : memref<2x8x16x128xf32, #tpu.memory_space<vmem>>, vector<1x8x1x128xf32>
    %get3A_88 = vector.shape_cast %get3A_87 : vector<1x8x1x128xf32> to vector<8x128xf32>
    %get3A_89 = arith.constant 0 : index
    %get3A_90 = arith.constant 0 : index
    %get3A_91 = arith.constant 15 : index
    %get3A_92 = arith.constant 0 : index
    %get3A_93 = vector.load %arg2[%get3A_89, %get3A_90, %get3A_91, %get3A_92] : memref<2x8x16x128xf32, #tpu.memory_space<vmem>>, vector<1x8x1x128xf32>
    %get3A_94 = vector.shape_cast %get3A_93 : vector<1x8x1x128xf32> to vector<8x128xf32>
    %concatenate3A = tpu.concatenate %get3A_4, %get3A_10, %get3A_16, %get3A_22, %get3A_28, %get3A_34, %get3A_40, %get3A_46, %get3A_52, %get3A_58, %get3A_64, %get3A_70, %get3A_76, %get3A_82, %get3A_88, %get3A_94 in 1 : vector<8x128xf32>, vector<8x128xf32>, vector<8x128xf32>, vector<8x128xf32>, vector<8x128xf32>, vector<8x128xf32>, vector<8x128xf32>, vector<8x128xf32>, vector<8x128xf32>, vector<8x128xf32>, vector<8x128xf32>, vector<8x128xf32>, vector<8x128xf32>, vector<8x128xf32>, vector<8x128xf32>, vector<8x128xf32> -> vector<8x2048xf32>
    %get3A_95 = arith.constant 1 : index
    %get3A_96 = arith.constant 0 : index
    %get3A_97 = arith.constant 0 : index
    %get3A_98 = arith.constant 0 : index
    %get3A_99 = vector.load %arg2[%get3A_95, %get3A_96, %get3A_97, %get3A_98] : memref<2x8x16x128xf32, #tpu.memory_space<vmem>>, vector<1x8x1x128xf32>
    %get3A_100 = vector.shape_cast %get3A_99 : vector<1x8x1x128xf32> to vector<8x128xf32>
    %get3A_101 = arith.constant 1 : index
    %get3A_102 = arith.constant 0 : index
    %get3A_103 = arith.constant 1 : index
    %get3A_104 = arith.constant 0 : index
    %get3A_105 = vector.load %arg2[%get3A_101, %get3A_102, %get3A_103, %get3A_104] : memref<2x8x16x128xf32, #tpu.memory_space<vmem>>, vector<1x8x1x128xf32>
    %get3A_106 = vector.shape_cast %get3A_105 : vector<1x8x1x128xf32> to vector<8x128xf32>
    %get3A_107 = arith.constant 1 : index
    %get3A_108 = arith.constant 0 : index
    %get3A_109 = arith.constant 2 : index
    %get3A_110 = arith.constant 0 : index
    %get3A_111 = vector.load %arg2[%get3A_107, %get3A_108, %get3A_109, %get3A_110] : memref<2x8x16x128xf32, #tpu.memory_space<vmem>>, vector<1x8x1x128xf32>
    %get3A_112 = vector.shape_cast %get3A_111 : vector<1x8x1x128xf32> to vector<8x128xf32>
    %get3A_113 = arith.constant 1 : index
    %get3A_114 = arith.constant 0 : index
    %get3A_115 = arith.constant 3 : index
    %get3A_116 = arith.constant 0 : index
    %get3A_117 = vector.load %arg2[%get3A_113, %get3A_114, %get3A_115, %get3A_116] : memref<2x8x16x128xf32, #tpu.memory_space<vmem>>, vector<1x8x1x128xf32>
    %get3A_118 = vector.shape_cast %get3A_117 : vector<1x8x1x128xf32> to vector<8x128xf32>
    %get3A_119 = arith.constant 1 : index
    %get3A_120 = arith.constant 0 : index
    %get3A_121 = arith.constant 4 : index
    %get3A_122 = arith.constant 0 : index
    %get3A_123 = vector.load %arg2[%get3A_119, %get3A_120, %get3A_121, %get3A_122] : memref<2x8x16x128xf32, #tpu.memory_space<vmem>>, vector<1x8x1x128xf32>
    %get3A_124 = vector.shape_cast %get3A_123 : vector<1x8x1x128xf32> to vector<8x128xf32>
    %get3A_125 = arith.constant 1 : index
    %get3A_126 = arith.constant 0 : index
    %get3A_127 = arith.constant 5 : index
    %get3A_128 = arith.constant 0 : index
    %get3A_129 = vector.load %arg2[%get3A_125, %get3A_126, %get3A_127, %get3A_128] : memref<2x8x16x128xf32, #tpu.memory_space<vmem>>, vector<1x8x1x128xf32>
    %get3A_130 = vector.shape_cast %get3A_129 : vector<1x8x1x128xf32> to vector<8x128xf32>
    %get3A_131 = arith.constant 1 : index
    %get3A_132 = arith.constant 0 : index
    %get3A_133 = arith.constant 6 : index
    %get3A_134 = arith.constant 0 : index
    %get3A_135 = vector.load %arg2[%get3A_131, %get3A_132, %get3A_133, %get3A_134] : memref<2x8x16x128xf32, #tpu.memory_space<vmem>>, vector<1x8x1x128xf32>
    %get3A_136 = vector.shape_cast %get3A_135 : vector<1x8x1x128xf32> to vector<8x128xf32>
    %get3A_137 = arith.constant 1 : index
    %get3A_138 = arith.constant 0 : index
    %get3A_139 = arith.constant 7 : index
    %get3A_140 = arith.constant 0 : index
    %get3A_141 = vector.load %arg2[%get3A_137, %get3A_138, %get3A_139, %get3A_140] : memref<2x8x16x128xf32, #tpu.memory_space<vmem>>, vector<1x8x1x128xf32>
    %get3A_142 = vector.shape_cast %get3A_141 : vector<1x8x1x128xf32> to vector<8x128xf32>
    %get3A_143 = arith.constant 1 : index
    %get3A_144 = arith.constant 0 : index
    %get3A_145 = arith.constant 8 : index
    %get3A_146 = arith.constant 0 : index
    %get3A_147 = vector.load %arg2[%get3A_143, %get3A_144, %get3A_145, %get3A_146] : memref<2x8x16x128xf32, #tpu.memory_space<vmem>>, vector<1x8x1x128xf32>
    %get3A_148 = vector.shape_cast %get3A_147 : vector<1x8x1x128xf32> to vector<8x128xf32>
    %get3A_149 = arith.constant 1 : index
    %get3A_150 = arith.constant 0 : index
    %get3A_151 = arith.constant 9 : index
    %get3A_152 = arith.constant 0 : index
    %get3A_153 = vector.load %arg2[%get3A_149, %get3A_150, %get3A_151, %get3A_152] : memref<2x8x16x128xf32, #tpu.memory_space<vmem>>, vector<1x8x1x128xf32>
    %get3A_154 = vector.shape_cast %get3A_153 : vector<1x8x1x128xf32> to vector<8x128xf32>
    %get3A_155 = arith.constant 1 : index
    %get3A_156 = arith.constant 0 : index
    %get3A_157 = arith.constant 10 : index
    %get3A_158 = arith.constant 0 : index
    %get3A_159 = vector.load %arg2[%get3A_155, %get3A_156, %get3A_157, %get3A_158] : memref<2x8x16x128xf32, #tpu.memory_space<vmem>>, vector<1x8x1x128xf32>
    %get3A_160 = vector.shape_cast %get3A_159 : vector<1x8x1x128xf32> to vector<8x128xf32>
    %get3A_161 = arith.constant 1 : index
    %get3A_162 = arith.constant 0 : index
    %get3A_163 = arith.constant 11 : index
    %get3A_164 = arith.constant 0 : index
    %get3A_165 = vector.load %arg2[%get3A_161, %get3A_162, %get3A_163, %get3A_164] : memref<2x8x16x128xf32, #tpu.memory_space<vmem>>, vector<1x8x1x128xf32>
    %get3A_166 = vector.shape_cast %get3A_165 : vector<1x8x1x128xf32> to vector<8x128xf32>
    %get3A_167 = arith.constant 1 : index
    %get3A_168 = arith.constant 0 : index
    %get3A_169 = arith.constant 12 : index
    %get3A_170 = arith.constant 0 : index
    %get3A_171 = vector.load %arg2[%get3A_167, %get3A_168, %get3A_169, %get3A_170] : memref<2x8x16x128xf32, #tpu.memory_space<vmem>>, vector<1x8x1x128xf32>
    %get3A_172 = vector.shape_cast %get3A_171 : vector<1x8x1x128xf32> to vector<8x128xf32>
    %get3A_173 = arith.constant 1 : index
    %get3A_174 = arith.constant 0 : index
    %get3A_175 = arith.constant 13 : index
    %get3A_176 = arith.constant 0 : index
    %get3A_177 = vector.load %arg2[%get3A_173, %get3A_174, %get3A_175, %get3A_176] : memref<2x8x16x128xf32, #tpu.memory_space<vmem>>, vector<1x8x1x128xf32>
    %get3A_178 = vector.shape_cast %get3A_177 : vector<1x8x1x128xf32> to vector<8x128xf32>
    %get3A_179 = arith.constant 1 : index
    %get3A_180 = arith.constant 0 : index
    %get3A_181 = arith.constant 14 : index
    %get3A_182 = arith.constant 0 : index
    %get3A_183 = vector.load %arg2[%get3A_179, %get3A_180, %get3A_181, %get3A_182] : memref<2x8x16x128xf32, #tpu.memory_space<vmem>>, vector<1x8x1x128xf32>
    %get3A_184 = vector.shape_cast %get3A_183 : vector<1x8x1x128xf32> to vector<8x128xf32>
    %get3A_185 = arith.constant 1 : index
    %get3A_186 = arith.constant 0 : index
    %get3A_187 = arith.constant 15 : index
    %get3A_188 = arith.constant 0 : index
    %get3A_189 = vector.load %arg2[%get3A_185, %get3A_186, %get3A_187, %get3A_188] : memref<2x8x16x128xf32, #tpu.memory_space<vmem>>, vector<1x8x1x128xf32>
    %get3A_190 = vector.shape_cast %get3A_189 : vector<1x8x1x128xf32> to vector<8x128xf32>
    %concatenate3A_191 = tpu.concatenate %get3A_100, %get3A_106, %get3A_112, %get3A_118, %get3A_124, %get3A_130, %get3A_136, %get3A_142, %get3A_148, %get3A_154, %get3A_160, %get3A_166, %get3A_172, %get3A_178, %get3A_184, %get3A_190 in 1 : vector<8x128xf32>, vector<8x128xf32>, vector<8x128xf32>, vector<8x128xf32>, vector<8x128xf32>, vector<8x128xf32>, vector<8x128xf32>, vector<8x128xf32>, vector<8x128xf32>, vector<8x128xf32>, vector<8x128xf32>, vector<8x128xf32>, vector<8x128xf32>, vector<8x128xf32>, vector<8x128xf32>, vector<8x128xf32> -> vector<8x2048xf32>
    %get3A_192 = arith.constant 0 : index
    %get3A_193 = arith.constant 0 : index
    %get3A_194 = vector.load %arg1[%get3A_192, %get3A_193] : memref<2048x64xf32, #tpu.memory_space<vmem>>, vector<2048x64xf32>
    %get3A_195 = arith.constant 0 : index
    %get3A_196 = arith.constant 0 : index
    %get3A_197 = vector.load %arg3[%get3A_195, %get3A_196] : memref<8x64xf32, #tpu.memory_space<vmem>>, vector<8x64xf32>
    %dot_general3A = arith.constant dense<0.000000e+00> : vector<2048x64xf32>
    %dot_general3A_198 = tpu.matmul %concatenate3A, %get3A_197, %dot_general3A {dimension_numbers = #tpu.dot_dimension_numbers<[0], [0], [1], [1], [0, 1, 1, 1], [], []>, transpose_lhs_hint = false} : vector<8x2048xf32>, vector<8x64xf32>, vector<2048x64xf32> -> vector<2048x64xf32>
    %add3A = arith.addf %get3A_194, %dot_general3A_198 : vector<2048x64xf32>
    %get3A_199 = arith.constant 0 : index
    %get3A_200 = arith.constant 0 : index
    %get3A_201 = vector.load %arg4[%get3A_199, %get3A_200] : memref<8x64xf32, #tpu.memory_space<vmem>>, vector<8x64xf32>
    %dot_general3A_202 = arith.constant dense<0.000000e+00> : vector<2048x64xf32>
    %dot_general3A_203 = tpu.matmul %concatenate3A_191, %get3A_201, %dot_general3A_202 {dimension_numbers = #tpu.dot_dimension_numbers<[0], [0], [1], [1], [0, 1, 1, 1], [], []>, transpose_lhs_hint = false} : vector<8x2048xf32>, vector<8x64xf32>, vector<2048x64xf32> -> vector<2048x64xf32>
    %add3A_204 = arith.addf %add3A, %dot_general3A_203 : vector<2048x64xf32>
    %ge3A = arith.constant 0.000000e+00 : f32
    %ge3A_205 = vector.broadcast %ge3A : f32 to vector<2048x64xf32>
    %ge3A_206 = arith.cmpf oge, %add3A_204, %ge3A_205 : vector<2048x64xf32>
    %mul3A = arith.constant 0.00999999977 : f32
    %mul3A_207 = vector.broadcast %mul3A : f32 to vector<2048x64xf32>
    %mul3A_208 = arith.mulf %mul3A_207, %add3A_204 : vector<2048x64xf32>
    %select_n3A = arith.select %ge3A_206, %add3A_204, %mul3A_208 : vector<2048x64xi1>, vector<2048x64xf32>
    %get3A_209 = arith.constant 0 : index
    %get3A_210 = arith.constant 0 : index
    %get3A_211 = vector.load %arg5[%get3A_209, %get3A_210] : memref<64x64xf32, #tpu.memory_space<vmem>>, vector<64x64xf32>
    %dot_general3A_212 = arith.constant dense<0.000000e+00> : vector<2048x64xf32>
    %dot_general3A_213 = tpu.matmul %select_n3A, %get3A_211, %dot_general3A_212 {dimension_numbers = #tpu.dot_dimension_numbers<[1], [0], [0], [1], [0, 0, 1, 1], [], []>, transpose_lhs_hint = false} : vector<2048x64xf32>, vector<64x64xf32>, vector<2048x64xf32> -> vector<2048x64xf32>
    %get3A_214 = arith.constant 0 : index
    %get3A_215 = arith.constant 0 : index
    %get3A_216 = vector.load %arg6[%get3A_214, %get3A_215] : memref<1x64xf32, #tpu.memory_space<vmem>>, vector<1x64xf32>
    %add3A_217 = vector.broadcast %get3A_216 : vector<1x64xf32> to vector<2048x64xf32>
    %add3A_218 = arith.addf %dot_general3A_213, %add3A_217 : vector<2048x64xf32>
    %ge3A_219 = arith.constant 0.000000e+00 : f32
    %ge3A_220 = vector.broadcast %ge3A_219 : f32 to vector<2048x64xf32>
    %ge3A_221 = arith.cmpf oge, %add3A_218, %ge3A_220 : vector<2048x64xf32>
    %mul3A_222 = arith.constant 0.00999999977 : f32
    %mul3A_223 = vector.broadcast %mul3A_222 : f32 to vector<2048x64xf32>
    %mul3A_224 = arith.mulf %mul3A_223, %add3A_218 : vector<2048x64xf32>
    %select_n3A_225 = arith.select %ge3A_221, %add3A_218, %mul3A_224 : vector<2048x64xi1>, vector<2048x64xf32>
    %get3A_226 = arith.constant 0 : index
    %get3A_227 = arith.constant 0 : index
    %get3A_228 = vector.load %arg7[%get3A_226, %get3A_227] : memref<64x64xf32, #tpu.memory_space<vmem>>, vector<64x64xf32>
    %dot_general3A_229 = arith.constant dense<0.000000e+00> : vector<64x2048xf32>
    %dot_general3A_230 = tpu.matmul %get3A_228, %select_n3A_225, %dot_general3A_229 {dimension_numbers = #tpu.dot_dimension_numbers<[0], [1], [1], [0], [0, 1, 1, 0], [], []>, transpose_lhs_hint = false} : vector<64x64xf32>, vector<2048x64xf32>, vector<64x2048xf32> -> vector<64x2048xf32>
    %get3A_231 = arith.constant 0 : index
    %get3A_232 = arith.constant 0 : index
    %get3A_233 = vector.load %arg8[%get3A_231, %get3A_232] : memref<64x1xf32, #tpu.memory_space<vmem>>, vector<64x1xf32>
    %add3A_234 = vector.broadcast %get3A_233 : vector<64x1xf32> to vector<64x2048xf32>
    %add3A_235 = arith.addf %dot_general3A_230, %add3A_234 : vector<64x2048xf32>
    %swap3A = arith.constant 0 : index
    %swap3A_236 = arith.constant 0 : index
    %swap3A_237 = vector.load %arg9[%swap3A, %swap3A_236] : memref<64x2048xf32, #tpu.memory_space<vmem>>, vector<64x2048xf32>
    tpu.vector_store %arg9[%swap3A, %swap3A_236], %add3A_235 {strides = array<i32>} : memref<64x2048xf32, #tpu.memory_space<vmem>>, vector<64x2048xf32>,
    return
  }
  func.func @transform_0(%arg0: i32) -> (i32, i32) {
    %c0_i32 = arith.constant 0 : i32
    %c0_i32_0 = arith.constant 0 : i32
    return %arg0, %c0_i32 : i32, i32
  }
  func.func @transform_1(%arg0: i32) -> (i32, i32, i32, i32) {
    %c0_i32 = arith.constant 0 : i32
    %c0_i32_0 = arith.constant 0 : i32
    %c0_i32_1 = arith.constant 0 : i32
    %c0_i32_2 = arith.constant 0 : i32
    return %c0_i32, %c0_i32_0, %arg0, %c0_i32_1 : i32, i32, i32, i32
  }
  func.func @transform_2(%arg0: i32) -> (i32, i32) {
    %c0_i32 = arith.constant 0 : i32
    %c0_i32_0 = arith.constant 0 : i32
    %c0_i32_1 = arith.constant 0 : i32
    return %c0_i32, %c0_i32_0 : i32, i32
  }
  func.func @transform_3(%arg0: i32) -> (i32, i32) {
    %c0_i32 = arith.constant 0 : i32
    %c0_i32_0 = arith.constant 0 : i32
    %c0_i32_1 = arith.constant 0 : i32
    return %c0_i32, %c0_i32_0 : i32, i32
  }
  func.func @transform_4(%arg0: i32) -> (i32, i32) {
    %c0_i32 = arith.constant 0 : i32
    %c0_i32_0 = arith.constant 0 : i32
    %c0_i32_1 = arith.constant 0 : i32
    return %c0_i32, %c0_i32_0 : i32, i32
  }
  func.func @transform_5(%arg0: i32) -> (i32, i32) {
    %c0_i32 = arith.constant 0 : i32
    %c0_i32_0 = arith.constant 0 : i32
    %c0_i32_1 = arith.constant 0 : i32
    return %c0_i32, %c0_i32_0 : i32, i32
  }
  func.func @transform_6(%arg0: i32) -> (i32, i32) {
    %c0_i32 = arith.constant 0 : i32
    %c0_i32_0 = arith.constant 0 : i32
    %c0_i32_1 = arith.constant 0 : i32
    return %c0_i32, %c0_i32_0 : i32, i32
  }
  func.func @transform_7(%arg0: i32) -> (i32, i32) {
    %c0_i32 = arith.constant 0 : i32
    %c0_i32_0 = arith.constant 0 : i32
    %c0_i32_1 = arith.constant 0 : i32
    return %c0_i32, %c0_i32_0 : i32, i32
  }
  func.func @transform_8(%arg0: i32) -> (i32, i32) {
    %c0_i32 = arith.constant 0 : i32
    %c0_i32_0 = arith.constant 0 : i32
    return %c0_i32, %arg0 : i32, i32
  }
}

</mosaic_0001>

<sc_bundles>
// kernel: kernel.5.cloned.1.call-start
scs
__scs_entry_jumppad:
0x0: {  	(pc) =	sbr.rel $0x88, $3  }
0x1: {  	(tag) =	ssettag $0x0;
	lr =	simm.s32 $0x1  }
0x2: {  	[smem:$0x3F98] =	sst lr;
	_ =	strace $0xD0000000  }
0x3: {  	_ = 	snop  }
0x4: {  	_ = 	snop  }
0x5: {  	_ = 	snop  }
0x6: {  	_ = 	snop  }
0x7: {  	_ = 	snop  }
__scs_overlays_trampoline_lowered:
0x8: {  	[smem:$0x3FA7] =	sst s0  }
0x9: {  	[smem:$0x3FA8] =	sst s1  }
0xa: {  	[smem:$0x3FA9] =	sst s2  }
0xb: {  	[smem:$0x3FAA] =	sst s3  }
0xc: {  	[smem:$0x3FAB] =	sst s4  }
0xd: {  	[smem:$0x3FAC] =	sst s5  }
0xe: {  	[smem:$0x3FAD] =	sst s6  }
0xf: {  	[smem:$0x3FAE] =	sst s7  }
0x10: {  	[smem:$0x3FAF] =	sst s8  }
0x11: {  	[smem:$0x3FB0] =	sst s9;
	s0 =	simm.s32 @!p0 $0x0  }
0x12: {  	s1 =	sld [smem:$0x3F96];
	s0 =	simm.s32 @p0 $0x1  }
0x13: {  	[smem:$0x3FB1] =	sst s0;
	s0 =	simm.s32 @!p1 $0x0  }
0x14: {  	s2 =	sld [smem:$0x3F95];
	s0 =	simm.s32 @p1 $0x1  }
0x15: {  	[smem:$0x3FB2] =	sst s0;
	s0 =	simm.s32 @!p2 $0x0  }
0x16: {  	s3 =	sld [smem:$0x3FDB];
	s0 =	simm.s32 @p2 $0x1  }
0x17: {  	s4 =	simm.s32 $0x1BF5;
	[smem:$0x3FB4] =	sst s0  }
0x18: {  	s0 =	sld [smem:$0x3F97];
	_ =	swait.ge [sflag:s4], $0x0  }
0x19: {  	s7 =	sld [smem:$0x3F98]  }
0x1a: {  	s8 =	sadd.s32 $0xFFFFE003, lr  }
0x1b: {  	s9 =	sadd.s32 $0xFFFFFEF7, lr;
	s5 =	simm.s32 $0xFFFFFFFF;
	p2 =	slt.u32 s8, $0xFFFFF086  }
0x1c: {  	p1 =	slt.u32 s9, $0xF7A;
	s5 =	simm.s32 @!p2 $0x0  }
0x1d: {  	s5 =	simm.s32 @p1 $0x1;
	p0 =	seq.s32 s7, s2  }
0x1e: {  	s7 =	smul.u32 @!p0 $0xF7A, s2;
	p2 =	seq.s32 @!p0 s5, $0x0  }
0x1f: {  	s9 =	smul.u32 $0xF7A, s1;
	s8 =	simm.s32 @!p0 $0x1BF5;
	p2 =	por !p2, p0  }
0x20: {  	[sflag:s8] =	ssyncset.s32 @!p0 $0xFFFFF086;
	s6 =	sadd.s32 @!p0 s3, s7;
	s7 =	simm.s32 @!p0 $0x108  }
0x21: {  	s3 =	sadd.s32 s3, s9;
	s6 =	sadd.s32 @!p0 $0x88, s6;
	s7 =	simm.s32 @p2 $0x1082  }
0x22: {  	[simem:s7], [sflag:s8] =	dma.local @!p0 [hbm:s6], $0xF7A  }
0x23: {  	s9 =	sor.u32 $0xD0000000, s2;
	s6 =	simm.s32 $0x108;
	_ =	swait.ge @!p0 [sflag:s8], $0x0  }
0x24: {  	s3 =	sadd.s32 $0x88, s3;
	s6 =	simm.s32 @!p1 $0x1082;
	[sflag:s4] =	ssyncset.s32 $0xFFFFF086  }
0x25: {  	[simem:s6], [sflag:s4] =	dma.local [hbm:s3], $0xF7A  }
0x26: {  	[smem:$0x3F98] =	sst s1;
	(tag) =	ssettag s2;
	_ =	strace s9  }
0x27: {  	s1 =	sld [smem:$0x3FA8]  }
0x28: {  	s2 =	sld [smem:$0x3FA9]  }
0x29: {  	s4 =	sld [smem:$0x3FAB]  }
0x2a: {  	p0 =	seq.s32 s5, $0x0;
	s5 =	sld [smem:$0x3FAC]  }
0x2b: {  	s6 =	sld [smem:$0x3FAD]  }
0x2c: {  	s7 =	sld [smem:$0x3FAE]  }
0x2d: {  	s3 =	simm.s32 $0x108;
	s8 =	sld [smem:$0x3FAF]  }
0x2e: {  	s3 =	simm.s32 @!p0 $0x1082;
	s9 =	sld [smem:$0x3FB0]  }
0x2f: {  	lr =	sadd.s32 s0, s3;
	s0 =	sld [smem:$0x3FA7]  }
0x30: {  	s3 =	sld [smem:$0x3FAA]  }
0x31: {  	[smem:$0x3FB3] =	sst s10  }
0x32: {  	s10 =	sld [smem:$0x3FB1];
	_ =	sdelay $0x3  }
0x33: {  	p0 =	seq.s32 s10, $0x1;
	s10 =	sld [smem:$0x3FB3];
	_ =	sdelay $0x3  }
0x34: {  	[smem:$0x3FB3] =	sst s10  }
0x35: {  	s10 =	sld [smem:$0x3FB2];
	_ =	sdelay $0x3  }
0x36: {  	p1 =	seq.s32 s10, $0x1;
	s10 =	sld [smem:$0x3FB3];
	_ =	sdelay $0x3  }
0x37: {  	[smem:$0x3FB3] =	sst s10  }
0x38: {  	s10 =	sld [smem:$0x3FB4]  }
0x39: {  	_ = 	snop;
	(pc) =	sbr.ind lr, $3  }
0x3a: {  	_ = 	snop  }
0x3b: {  	_ = 	snop  }
0x3c: {  	p2 =	seq.s32 s10, $0x1;
	s10 =	sld [smem:$0x3FB3]  }
0x3d: {  	_ =	shalt  }
0x3e: {  	_ =	shalt  }
0x3f: {  	_ =	shalt  }
0x40: {  	_ =	shalt  }
0x41: {  	_ =	shalt  }
0x42: {  	_ =	shalt  }
0x43: {  	_ =	shalt  }
0x44: {  	_ =	shalt  }
0x45: {  	_ =	shalt  }
0x46: {  	_ =	shalt  }
0x47: {  	_ =	shalt  }
0x48: {  	_ =	shalt  }
0x49: {  	_ =	shalt  }
0x4a: {  	_ =	shalt  }
0x4b: {  	_ =	shalt  }
0x4c: {  	_ =	shalt  }
0x4d: {  	_ =	shalt  }
0x4e: {  	_ =	shalt  }
0x4f: {  	_ =	shalt  }
0x50: {  	_ =	shalt  }
0x51: {  	_ =	shalt  }
0x52: {  	_ =	shalt  }
0x53: {  	_ =	shalt  }
0x54: {  	_ =	shalt  }
0x55: {  	_ =	shalt  }
0x56: {  	_ =	shalt  }
0x57: {  	_ =	shalt  }
0x58: {  	_ =	shalt  }
0x59: {  	_ =	shalt  }
0x5a: {  	_ =	shalt  }
0x5b: {  	_ =	shalt  }
0x5c: {  	_ =	shalt  }
0x5d: {  	_ =	shalt  }
0x5e: {  	_ =	shalt  }
0x5f: {  	_ =	shalt  }
0x60: {  	_ =	shalt  }
0x61: {  	_ =	shalt  }
0x62: {  	_ =	shalt  }
0x63: {  	_ =	shalt  }
0x64: {  	_ =	shalt  }
0x65: {  	_ =	shalt  }
0x66: {  	_ =	shalt  }
0x67: {  	_ =	shalt  }
0x68: {  	_ =	shalt  }
0x69: {  	_ =	shalt  }
0x6a: {  	_ =	shalt  }
0x6b: {  	_ =	shalt  }
0x6c: {  	_ =	shalt  }
0x6d: {  	_ =	shalt  }
0x6e: {  	_ =	shalt  }
0x6f: {  	_ =	shalt  }
0x70: {  	_ =	shalt  }
0x71: {  	_ =	shalt  }
0x72: {  	_ =	shalt  }
0x73: {  	_ =	shalt  }
0x74: {  	_ =	shalt  }
0x75: {  	_ =	shalt  }
0x76: {  	_ =	shalt  }
0x77: {  	_ =	shalt  }
0x78: {  	_ =	shalt  }
0x79: {  	_ =	shalt  }
0x7a: {  	_ =	shalt  }
0x7b: {  	_ =	shalt  }
0x7c: {  	_ =	shalt  }
0x7d: {  	_ =	shalt  }
0x7e: {  	_ =	shalt  }
0x7f: {  	_ =	shalt  }
0x80: {  	_ =	shalt  }
0x81: {  	_ =	shalt  }
0x82: {  	_ =	shalt  }
0x83: {  	_ =	shalt  }
0x84: {  	_ =	shalt  }
0x85: {  	_ =	shalt  }
0x86: {  	_ =	shalt  }
0x87: {  	_ =	shalt  }
.Lfunc_end0:
.L_simem_size_0:
called_computation_lowered:
.L_overlay_start_0:
0x88: {  	s2 =	sld [smem:$0x3FD9]  }
0x89: {  	s3 =	sld [smem:$0x3FFE];
	_ =	sdelay $0x1  }
0x8a: {  	s1 =	srdreg.scid  }
0x8b: {  	s0 =	sand.u32 $0x1, s1  }
0x8c: {  	s18 =	sshll.u32 s0, $0xA;
	s2 =	sadd.s32 s3, s2  }
0x8d: {  	s2 =	sadd.s32 s2, s18  }
0x8e: {  	[smem:$0x3FBF] =	sst s2  }
0x8f: {  	_ = 	snop  }
0x90: {  	s2 =	sld [smem:$0x3FC8]  }
0x91: {  	s19 =	sld [smem:$0x3FC7]  }
0x92: {  	s4 =	sld [smem:$0x3FD0];
	(tm) =	ssettm $0x1  }
0x93: {  	s5 =	sld [smem:$0x3FFB];
	_ =	sdelay $0x3  }
0x94: {  	_ =	strace s5  }
0x95: {  	s5 =	sld [smem:$0x3FFC];
	_ =	sdelay $0x3  }
0x96: {  	_ =	strace s5  }
0x97: {  	s5 =	sld [smem:$0x3FFD];
	_ =	sdelay $0x3  }
0x98: {  	_ =	strace s5  }
0x99: {  	_ =	strace $0x8FFFFFFF  }
0x9a: {  	s20 =	sld [smem:$0x3FDB];
	_ =	sdelay $0x1  }
0x9b: {  	s6 =	simm.s32 $_scs_section_size  }
0x9c: {  	s7 =	simm.s32 $_size__tile_overlayer_lowered;
	s8 =	simm.s32 $_tile_overlayer_lowered  }
0x9d: {  	s23 =	simm.s32 $0x1BFF;
	s22 =	sshll.u32 s8, $0x1;
	s5 =	sadd.s32 s6, s20  }
0x9e: {  	s9 =	simm.s32 $0x0;
	s21 =	sshll.u32 s7, $0x1;
	s7 =	sadd.s32 s22, s5  }
0x9f: {  	[timem:s9], [sflag:s23] =	dma.local [hbm:s7], s21  }
0xa0: {  	_ =	swait.ge [sflag:s23], s21  }
0xa1: {  	s6 =	ssub.s32 $0x0, s21;
	[sflag:s23] =	ssyncset.done $0x0  }
0xa2: {  	[sflag:s23] =	ssyncadd.s32 s6;
	_ =	sdelay $0x1  }
0xa3: {  	s24 =	simm.s32 $0x1B8B  }
0xa4: {  	_ =	swait.ge [sflag:s24], $0x1  }
0xa5: {  	[sflag:s24] =	ssyncset.done $0x0  }
0xa6: {  	s25 =	simm.s32 $0x1B8E;
	[sflag:s24] =	ssyncadd.s32 $0xFFFFFFFF  }
0xa7: {  	s26 =	simm.s32 $execute0_lowered;
	[smem:$0x3FD2] =	sst s25  }
0xa8: {  	s6 =	sshll.u32 s26, $0x1;
	_ =	strace $0x80000046;
	[dreg:$0x1] =	wrdreg $0xFFFFFFFF  }
0xa9: {  	s28 =	simm.s32 $_size_execute0_lowered;
	s5 =	sadd.s32 s5, s6;
	[dreg:$0x0] =	wrdreg $0x0  }
0xaa: {  	s6 =	sshll.u32 s28, $0x1;
	[dreg:$0x2] =	wrdreg s5  }
0xab: {  	[dreg:$0x3] =	wrdreg s6  }
0xac: {  	[dreg:$0x4] =	wrdreg $0xC0  }
0xad: {  	_ =	task [dreg:s9], $0x5FFFF  }
0xae: {  	[dreg:$0x1] =	wrdreg $0xFFFFFFFF  }
0xaf: {  	[dreg:$0x0] =	wrdreg $0x60  }
0xb0: {  	[dreg:$0x2] =	wrdreg s19  }
0xb1: {  	[dreg:$0x3] =	wrdreg s2  }
0xb2: {  	[dreg:$0x4] =	wrdreg s4  }
0xb3: {  	[dreg:$0x5] =	wrdreg $0x1E6800  }
0xb4: {  	[dreg:$0x6] =	wrdreg $0x9  }
0xb5: {  	_ =	task.clear_ibuf [dreg:s9], $0x7FFFF;
	_ =	strace $0x90000046  }
0xb6: {  	s29 =	simm.s32 $0x9;
	_ =	strace $0x80000048  }
0xb7: {  	_ =	swait.ge [sflag:s29], $0x1  }
0xb8: {  	[sflag:s29] =	ssyncadd.s32 $0xFFFFFFFF  }
0xb9: {  	_ =	strace $0x90000048  }
0xba: {  	_ =	sfence  }
0xbb: {  	s30 =	sld [smem:$0x0];
	_ =	sdelay $0x2  }
0xbc: {  	s31 =	sshll.u32 s1, $0xD;
	s1 =	sshrl.u32 s1, $0x2  }
0xbd: {  	s3 =	sand.u32 $0x4000, s31;
	s1 =	sadd.s32 s1, s30  }
0xbe: {  	s0 =	sor.u32 s3, s0;
	s1 =	sshll.u32 s1, $0x11  }
0xbf: {  	s0 =	sor.u32 s1, s0  }
0xc0: {  	s0 =	sadd.s32 $0x8F2B, s0  }
0xc1: {  	[sflag:s0] =	ssyncadd.remote.s32 $0x1  }
0xc2: {  	_ =	sfence.sel $0xFFFF  }
0xc3: {  	[dreg:$0x0] =	wrdreg $0xFFFFFFFF;
	(pc) =	sbr.abs _section_cstart, $3  }
0xc4: {  	[dreg:$0x1] =	wrdreg $0xFFFFFFFF  }
0xc5: {  	_ =	task.clear_ibuf [dreg:s9], $0x2FFFF;
	_ =	strace $0x9FFFFFFF  }
0xc6: {  	(tm) =	ssettm $0x7FFFFFFF  }
0xc7: {  	_ =	shalt  }
tec
execute0_lowered:
.L_overlay_start_1:
0x0: {  	(tag) =	ssettag $0x1  }
0x1: {  	s1 =	rddreg [dreg:$0x0]  }
0x2: {  	s2 =	rddreg [dreg:$0x1]  }
0x3: {  	s0 =	rddreg [dreg:$0x2]  }
0x4: {  	s9 =	rddreg [dreg:$0x3]  }
0x5: {  	s4 =	simm.s32 $0x0;
	s3 =	srdreg.scid;
	s12 =	stileid.u32  }
0x6: {  	s28 =	simm.s32 $0x1;
	s29 =	simm.s32 $0x9000;
	s5 =	smul.u32 $0x9C, s12  }
0x7: {  	s30 =	simm.s32 $0x2;
	[smem:$0x7FF] =	sst s4;
	s7 =	smul.u32 $0x1400, s12  }
0x8: {  	s3 =	sand.u32 $0x1, s3;
	s8 =	smin.u32 s12, $0x4;
	s23 =	smul.u32 $0x9C000, s12  }
0x9: {  	p0 =	slt.u32 s12, $0x4;
	s24 =	smul.u32 $0x13800, s12;
	_ =	strace $0x80000047  }
0xa: {  	s18 =	ssub.s32 $0x2, s3;
	s25 =	sshll.u32 s8, $0xC;
	s26 =	sshll.u32 s8, $0x9  }
0xb: {  	s6 =	sshrl.u32 s18, $0x1;
	s5 =	sadd.s32 s8, s5;
	s15 =	sadd.s32 s7, s9  }
0xc: {  	s8 =	simm.s32 $0x3;
	s4 =	ssub.s32 s18, s6;
	s6 =	smul.u32 $0x271000, s3  }
0xd: {  	s19 =	sshll.u32 s5, $0xA;
	s10 =	sshll.u32 s5, $0x5;
	s11 =	sadd.s32 $0x10, s5  }
0xe: {  	s3 =	smul.u32 $0x14000, s3;
	s13 =	sadd.s32 $0x20, s5;
	s14 =	sadd.s32 $0x30, s5  }
0xf: {  	[dreg:$0x5] =	wrdreg s15;
	s10 =	sadd.s32 s2, s10;
	s20 =	sshll.u32 s11, $0xA  }
0x10: {  	[dreg:$0x6] =	wrdreg s11;
	s11 =	sshll.u32 s11, $0x5;
	s4 =	smax.u32 s4, $0x1  }
0x11: {  	s9 =	sadd.s32 s6, s19;
	[dreg:$0x7] =	wrdreg s10;
	s10 =	sadd.s32 s6, s20  }
0x12: {  	s21 =	sadd.s32 s2, s11;
	s3 =	sadd.s32 s7, s3;
	[dreg:$0xd] =	wrdreg s4  }
0x13: {  	s9 =	sshrl.u32 s9, $0x3;
	[dreg:$0x9] =	wrdreg s21;
	s3 =	sshrl.u32 s3, $0x3  }
0x14: {  	s22 =	sshrl.u32 s10, $0x3;
	s9 =	sadd.s32 s1, s9;
	s0 =	sadd.s32 s0, s3  }
0x15: {  	s3 =	sadd.s32 s25, s23;
	s23 =	simm.s32 $0x100;
	[dreg:$0x8] =	wrdreg s9  }
0x16: {  	s25 =	simm.s32 $0x800;
	s9 =	sadd.s32 s1, s22;
	[dreg:$0xb] =	wrdreg s0  }
.Ltmp0:
0x17: {  	s0 =	sadd.s32 s26, s24;
	s3 =	sadd.s32 $0x20800, s3;
	(pc) =	sbr.rel .LBB2_1-.Ltmp0, $4  }
0x18: {  	[dreg:$0xa] =	wrdreg s9;
	s9 =	simm.s32 $0x8D;
	s0 =	sshrl.u32 s0, $0x2  }
0x19: {  	s31 =	sshrl.u32 s3, $0x2;
	s9 =	simm.s32 @!p0 $0x8C;
	[dreg:$0xe] =	wrdreg s0  }
0x1a: {  	s22 =	simm.s32 $0x80;
	s0 =	sadd.s32 $0x1000, s31;
	[dreg:$0xc] =	wrdreg s9  }
0x1b: {  	v0 =	vlaneseq.u32;
	v1 =	vimm.f32 $0.0e+00;
	s26 =	simm.s32 $0x5000;
	s3 =	simm.s32 $0x0;
	[dreg:$0xf] =	wrdreg s0  }
.LBB2_22:
0x1c: {  	[bflag:$0x0] =	sbarrier.arrive $0xFFFF  }
0x1d: {  	s3 =	simm.s32 $0x1D000;
	s8 =	simm.s32 $0x3;
	s0 =	rddreg [dreg:$0x3]  }
0x1e: {  	[spmem:s0] =	stream.indirect.scatter.add.f32 [tilespmem:s29], [sflag:$0x3], $0x80, s3, s22, $0xb8;
	[tilespmem:$0x1FA80] =	vst v63  }
0x1f: {  	_ =	swait.ge [sflag:s8], $0x4000  }
0x20: {  	[sflag:s8] =	ssyncset.done $0x0  }
0x21: {  	s10 =	simm.s32 $0x1D080;
	s4 =	simm.s32 $0xD000;
	[sflag:s8] =	ssyncadd.s32 $0xFFFFC000  }
0x22: {  	[spmem:s0] =	stream.indirect.scatter.add.f32 [tilespmem:s4], [sflag:$0x3], $0x80, s10, s22, $0xb8;
	[tilespmem:$0x1FA80] =	vst v63  }
0x23: {  	_ =	swait.ge [sflag:s8], $0x4000  }
0x24: {  	[sflag:s8] =	ssyncset.done $0x0  }
0x25: {  	s11 =	simm.s32 $0x1D100;
	s12 =	simm.s32 $0x11000;
	[sflag:s8] =	ssyncadd.s32 $0xFFFFC000  }
0x26: {  	[spmem:s0] =	stream.indirect.scatter.add.f32 [tilespmem:s12], [sflag:$0x3], $0x80, s11, s22, $0xb8;
	[tilespmem:$0x1FA80] =	vst v63  }
0x27: {  	_ =	swait.ge [sflag:s8], $0x4000  }
0x28: {  	[sflag:s8] =	ssyncset.done $0x0  }
0x29: {  	s15 =	simm.s32 $0x1D180;
	s16 =	simm.s32 $0x15000;
	[sflag:s8] =	ssyncadd.s32 $0xFFFFC000  }
0x2a: {  	[spmem:s0] =	stream.indirect.scatter.add.f32 [tilespmem:s16], [sflag:$0x3], $0x80, s15, s22, $0xb8;
	[tilespmem:$0x1FA80] =	vst v63  }
0x2b: {  	_ =	swait.ge [sflag:s8], $0x4000  }
0x2c: {  	[sflag:s8] =	ssyncset.done $0x0  }
0x2d: {  	s17 =	simm.s32 $0x1D200;
	s18 =	simm.s32 $0x19000;
	[sflag:s8] =	ssyncadd.s32 $0xFFFFC000  }
0x2e: {  	[spmem:s0] =	stream.indirect.scatter.add.f32 [tilespmem:s18], [sflag:$0x3], $0x80, s17, s22, $0xb8;
	[tilespmem:$0x1FA80] =	vst v63  }
0x2f: {  	_ =	swait.ge [sflag:s8], $0x4000  }
0x30: {  	[sflag:s8] =	ssyncset.done $0x0  }
0x31: {  	[sflag:s8] =	ssyncadd.s32 $0xFFFFC000  }
0x32: {  	s19 =	stileid.u32;
	[bflag:$0x0] =	sbarrier.arrive $0xFFFF  }
0x33: {  	s0 =	sshll.u32 s19, $0x6;
	s15 =	rddreg [dreg:$0x5]  }
0x34: {  	s0 =	sor.u32 $0x1C03, s0;
	s21 =	rddreg [dreg:$0xb];
	s20 =	sshrl.u32 s15, $0x3  }
0x35: {  	[hbm:s21], [sflag:s0] =	dma.local [spmem:s20], $0x280  }
0x36: {  	_ =	swait.ge [sflag:s8], $0x280  }
0x37: {  	s24 =	rddreg [dreg:$0x10]  }
0x38: {  	s31 =	rddreg [dreg:$0xd];
	s3 =	sadd.s32 $0x1, s24  }
0x39: {  	p0 =	sne.s32 s3, s31  }
.Ltmp1:
0x3a: {  	_ = 	snop;
	(pc) =	sbr.rel @!p0 .LBB2_23-.Ltmp1, $3  }
0x3b: {  	_ =	sdelay $0x1  }
0x3c: {  	[sflag:s8] =	ssyncset.done $0x0  }
0x3d: {  	[sflag:s8] =	ssyncadd.s32 $0xFFFFFD80  }
.LBB2_1:
0x3e: {  	s18 =	simm.s32 $0x60  }
0x3f: {  	[dreg:$0x10] =	wrdreg s3;
	s0 =	simm.s32 $0x1D040;
	s4 =	simm.s32 $0x0;
	v2 =	vor.u32 s18, v0  }
0x40: {  	s19 =	simm.s32 $0x10;
	v3 =	vor.u32 s4, v0;
	[tilespmem:s0+$0x20] =	vst v2  }
0x41: {  	s20 =	simm.s32 $0x20;
	[tilespmem:s0+$0xFFFFFFC0] =	vst v3;
	v2 =	vor.u32 s19, v0  }
0x42: {  	s21 =	simm.s32 $0x30;
	[tilespmem:s0+$0xFFFFFFD0] =	vst v2;
	v2 =	vor.u32 s20, v0  }
0x43: {  	s24 =	simm.s32 $0x40;
	[tilespmem:s0+$0xFFFFFFE0] =	vst v2;
	v2 =	vor.u32 s21, v0  }
0x44: {  	s31 =	simm.s32 $0x50;
	[tilespmem:s0+$0xFFFFFFF0] =	vst v2;
	v2 =	vor.u32 s24, v0  }
0x45: {  	s7 =	simm.s32 $0x70;
	[tilespmem:s0+$0x0] =	vst v2;
	v2 =	vor.u32 s31, v0  }
0x46: {  	s3 =	simm.s32 $0xF0;
	s5 =	simm.s32 $0xE0;
	s4 =	simm.s32 $0x170;
	[tilespmem:s0+$0x10] =	vst v2;
	v2 =	vor.u32 s7, v0  }
.LBB2_2:
0x47: {  	p0 =	sne.s32 s4, $0x270;
	s7 =	sadd.s32 $0xFFFFFF90, s3;
	v3 =	vor.u32 s5, v0;
	[tilespmem:s0+$0x30] =	vst v2;
	s0 =	sadd.s32 $0x80, s0  }
0x48: {  	s5 =	sadd.s32 $0xFFFFFFA0, s3;
	v2 =	vor.u32 s7, v0;
	[tilespmem:s0+$0x20] =	vst v3  }
0x49: {  	[tilespmem:s0+$0xFFFFFFC0] =	vst v2;
	v2 =	vor.u32 s5, v0;
	s5 =	sadd.s32 $0xFFFFFFB0, s3  }
.Ltmp2:
0x4a: {  	[tilespmem:s0+$0xFFFFFFD0] =	vst v2;
	v2 =	vor.u32 s5, v0;
	s5 =	sadd.s32 $0xFFFFFFC0, s3;
	(pc) =	sbr.rel @p0 .LBB2_2-.Ltmp2, $4  }
0x4b: {  	[tilespmem:s0+$0xFFFFFFE0] =	vst v2;
	v2 =	vor.u32 s5, v0;
	s5 =	sadd.s32 $0xFFFFFFD0, s3  }
0x4c: {  	[tilespmem:s0+$0xFFFFFFF0] =	vst v2;
	v2 =	vor.u32 s5, v0;
	s5 =	sadd.s32 $0xFFFFFFE0, s3  }
0x4d: {  	[tilespmem:s0+$0x0] =	vst v2;
	v2 =	vor.u32 s5, v0  }
0x4e: {  	s5 =	sadd.s32 $0xFFFFFFF0, s4;
	[tilespmem:s0+$0x10] =	vst v2;
	v2 =	vor.u32 s3, v0;
	s3 =	smov.u32 s4;
	s4 =	sadd.s32 $0x80, s4  }
0x4f: {  	s4 =	sadd.s32 $0xFFFFFF90, s3;
	v3 =	vor.u32 s5, v0;
	[tilespmem:s0+$0x30] =	vst v2;
	s18 =	sadd.s32 $0x80, s0  }
0x50: {  	s19 =	sadd.s32 $0xFFFFFFA0, s3;
	v2 =	vor.u32 s4, v0;
	[tilespmem:s18+$0x20] =	vst v3  }
0x51: {  	s20 =	sadd.s32 $0xFFFFFFB0, s3;
	[tilespmem:s18+$0xFFFFFFC0] =	vst v2;
	v2 =	vor.u32 s19, v0  }
0x52: {  	s21 =	sadd.s32 $0xFFFFFFC0, s3;
	[tilespmem:s18+$0xFFFFFFD0] =	vst v2;
	v2 =	vor.u32 s20, v0  }
0x53: {  	s24 =	sadd.s32 $0xFFFFFFD0, s3;
	[tilespmem:s18+$0xFFFFFFE0] =	vst v2;
	v2 =	vor.u32 s21, v0  }
0x54: {  	s31 =	sadd.s32 $0xFFFFFFE0, s3;
	[tilespmem:s18+$0xFFFFFFF0] =	vst v2;
	v2 =	vor.u32 s24, v0  }
0x55: {  	[tilespmem:s18+$0x0] =	vst v2;
	v2 =	vor.u32 s31, v0  }
0x56: {  	[tilespmem:s18+$0x10] =	vst v2;
	v2 =	vor.u32 s3, v0  }
0x57: {  	s0 =	simm.s32 $0x0;
	s3 =	simm.s32 $0x200;
	[tilespmem:s18+$0x30] =	vst v2  }
.LBB2_4:
0x58: {  	p0 =	sne.s32 s3, $0x4E00;
	[tilespmem:s0+$0x1D2F0] =	vst v1  }
0x59: {  	[tilespmem:s0+$0x1D280] =	vst v1  }
0x5a: {  	[tilespmem:s0+$0x1D290] =	vst v1  }
.Ltmp3:
0x5b: {  	[tilespmem:s0+$0x1D2A0] =	vst v1;
	(pc) =	sbr.rel @p0 .LBB2_4-.Ltmp3, $4  }
0x5c: {  	[tilespmem:s0+$0x1D2B0] =	vst v1  }
0x5d: {  	[tilespmem:s0+$0x1D2C0] =	vst v1  }
0x5e: {  	[tilespmem:s0+$0x1D2D0] =	vst v1  }
0x5f: {  	[tilespmem:s0+$0x1D2E0] =	vst v1;
	s0 =	sshra.s32 s3, $0x2;
	s3 =	sadd.s32 $0x200, s3  }
0x60: {  	[tilespmem:s0+$0x1D2F0] =	vst v1  }
0x61: {  	[tilespmem:s0+$0x1D280] =	vst v1  }
0x62: {  	[tilespmem:s0+$0x1D290] =	vst v1  }
0x63: {  	[tilespmem:s0+$0x1D2A0] =	vst v1  }
0x64: {  	[tilespmem:s0+$0x1D2B0] =	vst v1  }
0x65: {  	[tilespmem:s0+$0x1D2C0] =	vst v1  }
0x66: {  	[tilespmem:s0+$0x1D2D0] =	vst v1  }
0x67: {  	[tilespmem:s0+$0x1D2E0] =	vst v1;
	s18 =	simm.s32 $0x1D280  }
0x68: {  	[spmem:s15] =	stream.linear.scatter [tilespmem:s18], [sflag:$0x3], $0x1400, $0x38;
	[tilespmem:$0x1FA80] =	vst v63  }
0x69: {  	_ =	swait.ge [sflag:s8], $0x1400  }
0x6a: {  	[sflag:s8] =	ssyncset.done $0x0  }
0x6b: {  	s20 =	simm.s32 $0x0;
	s19 =	rddreg [dreg:$0x7];
	[sflag:s8] =	ssyncadd.s32 $0xFFFFEC00  }
0x6c: {  	[tilespmem:s20], [sflag:$0x1] =	stream.strided.gather [hbm4b:s19+s22], $0x800, s23, s22, $0x38;
	[tilespmem:$0x1FA80] =	vst v63  }
0x6d: {  	s3 =	simm.s32 $0x1000;
	s21 =	rddreg [dreg:$0x8]  }
0x6e: {  	[tilespmem:s3], [sflag:$0x1] =	stream.linear.gather [hbm4b:s21+s20], $0x4000, $0x38;
	[tilespmem:$0x1FA80] =	vst v63  }
0x6f: {  	s24 =	rddreg [dreg:$0x9]  }
0x70: {  	[tilespmem:s25], [sflag:$0x2] =	stream.strided.gather [hbm4b:s24+s22], $0x800, s23, s22, $0x38;
	[tilespmem:$0x1FA80] =	vst v63  }
0x71: {  	s0 =	simm.s32 $0x0;
	s31 =	rddreg [dreg:$0xa];
	s3 =	simm.s32 $0x200  }
0x72: {  	[tilespmem:s26], [sflag:$0x2] =	stream.linear.gather [hbm4b:s31+s20], $0x4000, $0x38;
	[tilespmem:$0x1FA80] =	vst v63  }
.LBB2_6:
0x73: {  	p0 =	sne.s32 s3, $0x4FE00;
	[tilespmem:s0+$0x9070] =	vst v1  }
0x74: {  	[tilespmem:s0+$0x9000] =	vst v1  }
0x75: {  	[tilespmem:s0+$0x9010] =	vst v1  }
.Ltmp4:
0x76: {  	[tilespmem:s0+$0x9020] =	vst v1;
	(pc) =	sbr.rel @p0 .LBB2_6-.Ltmp4, $4  }
0x77: {  	[tilespmem:s0+$0x9030] =	vst v1  }
0x78: {  	[tilespmem:s0+$0x9040] =	vst v1  }
0x79: {  	[tilespmem:s0+$0x9050] =	vst v1  }
0x7a: {  	[tilespmem:s0+$0x9060] =	vst v1;
	s0 =	sshra.s32 s3, $0x2;
	s3 =	sadd.s32 $0x200, s3  }
0x7b: {  	[tilespmem:s0+$0x9070] =	vst v1  }
0x7c: {  	[tilespmem:s0+$0x9000] =	vst v1  }
0x7d: {  	[tilespmem:s0+$0x9010] =	vst v1  }
0x7e: {  	[tilespmem:s0+$0x9020] =	vst v1  }
0x7f: {  	[tilespmem:s0+$0x9030] =	vst v1  }
0x80: {  	[tilespmem:s0+$0x9040] =	vst v1  }
0x81: {  	[tilespmem:s0+$0x9050] =	vst v1  }
0x82: {  	[tilespmem:s0+$0x9060] =	vst v1  }
0x83: {  	s19 =	rddreg [dreg:$0xf]  }
0x84: {  	s8 =	rddreg [dreg:$0x6]  }
0x85: {  	s18 =	rddreg [dreg:$0xe]  }
0x86: {  	s16 =	rddreg [dreg:$0xc]  }
.LBB2_8:
0x87: {  	_ =	swait.ge [sflag:s28], $0x800  }
0x88: {  	[sflag:s28] =	ssyncset.done $0x0  }
0x89: {  	[sflag:s28] =	ssyncadd.s32 $0xFFFFF800  }
0x8a: {  	_ =	swait.ge [sflag:s28], $0x4000  }
0x8b: {  	[sflag:s28] =	ssyncset.done $0x0  }
0x8c: {  	s21 =	simm.s32 $0x0;
	[sflag:s28] =	ssyncadd.s32 $0xFFFFC000  }
0x8d: {  	v2 =	vld [tilespmem:s21+$0x0];
	_ =	sdelay $0x1  }
0x8e: {  	s17 =	simm.s32 $0x1200  }
0x8f: {  	v3 =	vld [tilespmem:s17+$0xFFFFFE00];
	_ =	sdelay $0x4  }
0x90: {  	[tilespmem:v2+s29+$0x0] =	vst.idx.add.f32.msk $0xffff, v3  }
0x91: {  	v3 =	vadd.s32 $0x2800, v2;
	v4 =	vld [tilespmem:s17+$0xFFFFFE80];
	_ =	sdelay $0x4  }
0x92: {  	[tilespmem:v3+s29+$0x0] =	vst.idx.add.f32.msk $0xffff, v4  }
0x93: {  	v3 =	vadd.s32 $0x5000, v2;
	v4 =	vld [tilespmem:s17+$0xFFFFFF00];
	_ =	sdelay $0x4  }
0x94: {  	[tilespmem:v3+s29+$0x0] =	vst.idx.add.f32.msk $0xffff, v4  }
0x95: {  	v3 =	vadd.s32 $0x7800, v2;
	v4 =	vld [tilespmem:s17+$0xFFFFFF80];
	_ =	sdelay $0x4  }
0x96: {  	[tilespmem:v3+s29+$0x0] =	vst.idx.add.f32.msk $0xffff, v4  }
0x97: {  	v3 =	vadd.s32 $0xA000, v2;
	v4 =	vld [tilespmem:s17+$0x0];
	_ =	sdelay $0x4  }
0x98: {  	[tilespmem:v3+s29+$0x0] =	vst.idx.add.f32.msk $0xffff, v4  }
0x99: {  	v3 =	vadd.s32 $0xC800, v2;
	v4 =	vld [tilespmem:s17+$0x80];
	_ =	sdelay $0x4  }
0x9a: {  	[tilespmem:v3+s29+$0x0] =	vst.idx.add.f32.msk $0xffff, v4  }
0x9b: {  	v3 =	vadd.s32 $0xF000, v2;
	v4 =	vld [tilespmem:s17+$0x100];
	_ =	sdelay $0x4  }
0x9c: {  	[tilespmem:v3+s29+$0x0] =	vst.idx.add.f32.msk $0xffff, v4  }
0x9d: {  	v2 =	vadd.s32 $0x11800, v2;
	v3 =	vld [tilespmem:s17+$0x180];
	_ =	sdelay $0x4  }
0x9e: {  	[tilespmem:v2+s29+$0x0] =	vst.idx.add.f32.msk $0xffff, v3  }
0x9f: {  	v2 =	vld [tilespmem:s21+$0x10];
	_ =	sdelay $0x2  }
0xa0: {  	v3 =	vld [tilespmem:s17+$0xFFFFFE10];
	_ =	sdelay $0x4  }
0xa1: {  	[tilespmem:v2+s29+$0x0] =	vst.idx.add.f32.msk $0xffff, v3  }
0xa2: {  	v3 =	vadd.s32 $0x2800, v2;
	v4 =	vld [tilespmem:s17+$0xFFFFFE90];
	_ =	sdelay $0x4  }
0xa3: {  	[tilespmem:v3+s29+$0x0] =	vst.idx.add.f32.msk $0xffff, v4  }
0xa4: {  	v3 =	vadd.s32 $0x5000, v2;
	v4 =	vld [tilespmem:s17+$0xFFFFFF10];
	_ =	sdelay $0x4  }
0xa5: {  	[tilespmem:v3+s29+$0x0] =	vst.idx.add.f32.msk $0xffff, v4  }
0xa6: {  	v3 =	vadd.s32 $0x7800, v2;
	v4 =	vld [tilespmem:s17+$0xFFFFFF90];
	_ =	sdelay $0x4  }
0xa7: {  	[tilespmem:v3+s29+$0x0] =	vst.idx.add.f32.msk $0xffff, v4  }
0xa8: {  	v3 =	vadd.s32 $0xA000, v2;
	v4 =	vld [tilespmem:s17+$0x10];
	_ =	sdelay $0x4  }
0xa9: {  	[tilespmem:v3+s29+$0x0] =	vst.idx.add.f32.msk $0xffff, v4  }
0xaa: {  	v3 =	vadd.s32 $0xC800, v2;
	v4 =	vld [tilespmem:s17+$0x90];
	_ =	sdelay $0x4  }
0xab: {  	[tilespmem:v3+s29+$0x0] =	vst.idx.add.f32.msk $0xffff, v4  }
0xac: {  	v3 =	vadd.s32 $0xF000, v2;
	v4 =	vld [tilespmem:s17+$0x110];
	_ =	sdelay $0x4  }
0xad: {  	[tilespmem:v3+s29+$0x0] =	vst.idx.add.f32.msk $0xffff, v4  }
0xae: {  	v2 =	vadd.s32 $0x11800, v2;
	v3 =	vld [tilespmem:s17+$0x190];
	_ =	sdelay $0x4  }
0xaf: {  	[tilespmem:v2+s29+$0x0] =	vst.idx.add.f32.msk $0xffff, v3  }
0xb0: {  	v2 =	vld [tilespmem:s21+$0x20];
	_ =	sdelay $0x2  }
0xb1: {  	v3 =	vld [tilespmem:s17+$0xFFFFFE20];
	_ =	sdelay $0x4  }
0xb2: {  	[tilespmem:v2+s29+$0x0] =	vst.idx.add.f32.msk $0xffff, v3  }
0xb3: {  	v4 =	vadd.s32 $0x2800, v2;
	v3 =	vld [tilespmem:s17+$0xFFFFFEA0];
	_ =	sdelay $0x4  }
0xb4: {  	[tilespmem:v4+s29+$0x0] =	vst.idx.add.f32.msk $0xffff, v3  }
0xb5: {  	s24 =	simm.s32 $0x80;
	v4 =	vadd.s32 $0x5000, v2;
	v3 =	vld [tilespmem:s17+$0xFFFFFF20]  }
0xb6: {  	v5 =	vld [tilespmem:s24+$0x0];
	_ =	sdelay $0x1  }
0xb7: {  	s4 =	simm.s32 $0x1600  }
0xb8: {  	v6 =	vld [tilespmem:s4+$0xFFFFFE00]  }
0xb9: {  	[tilespmem:v4+s29+$0x0] =	vst.idx.add.f32.msk $0xffff, v3  }
0xba: {  	v4 =	vadd.s32 $0x7800, v2;
	v3 =	vld [tilespmem:s17+$0xFFFFFFA0];
	_ =	sdelay $0x2  }
0xbb: {  	[tilespmem:v5+s29+$0x0] =	vst.idx.add.f32.msk $0xffff, v6  }
0xbc: {  	v6 =	vadd.s32 $0x2800, v5;
	v7 =	vld [tilespmem:s4+$0xFFFFFE80]  }
0xbd: {  	[tilespmem:v4+s29+$0x0] =	vst.idx.add.f32.msk $0xffff, v3  }
0xbe: {  	v4 =	vadd.s32 $0xA000, v2;
	v3 =	vld [tilespmem:s17+$0x20];
	_ =	sdelay $0x2  }
0xbf: {  	[tilespmem:v6+s29+$0x0] =	vst.idx.add.f32.msk $0xffff, v7  }
0xc0: {  	v6 =	vadd.s32 $0x5000, v5;
	v7 =	vld [tilespmem:s4+$0xFFFFFF00]  }
0xc1: {  	[tilespmem:v4+s29+$0x0] =	vst.idx.add.f32.msk $0xffff, v3  }
0xc2: {  	v4 =	vadd.s32 $0xC800, v2;
	v3 =	vld [tilespmem:s17+$0xA0];
	_ =	sdelay $0x2  }
0xc3: {  	[tilespmem:v6+s29+$0x0] =	vst.idx.add.f32.msk $0xffff, v7  }
0xc4: {  	v6 =	vadd.s32 $0x7800, v5;
	v7 =	vld [tilespmem:s4+$0xFFFFFF80]  }
0xc5: {  	[tilespmem:v4+s29+$0x0] =	vst.idx.add.f32.msk $0xffff, v3  }
0xc6: {  	v4 =	vadd.s32 $0xF000, v2;
	v3 =	vld [tilespmem:s17+$0x120];
	_ =	sdelay $0x2  }
0xc7: {  	[tilespmem:v6+s29+$0x0] =	vst.idx.add.f32.msk $0xffff, v7  }
0xc8: {  	v6 =	vld [tilespmem:s4+$0x0]  }
0xc9: {  	[tilespmem:v4+s29+$0x0] =	vst.idx.add.f32.msk $0xffff, v3;
	v4 =	vadd.s32 $0xA000, v5  }
0xca: {  	v2 =	vadd.s32 $0x11800, v2;
	v3 =	vld [tilespmem:s17+$0x1A0];
	_ =	sdelay $0x3  }
0xcb: {  	[tilespmem:v4+s29+$0x0] =	vst.idx.add.f32.msk $0xffff, v6  }
0xcc: {  	[tilespmem:v2+s29+$0x0] =	vst.idx.add.f32.msk $0xffff, v3  }
0xcd: {  	v4 =	vld [tilespmem:s4+$0x80]  }
0xce: {  	v3 =	vadd.s32 $0xC800, v5;
	v2 =	vld [tilespmem:s21+$0x30];
	_ =	sdelay $0x2  }
0xcf: {  	v6 =	vld [tilespmem:s17+$0xFFFFFE30];
	_ =	sdelay $0x1  }
0xd0: {  	[tilespmem:v3+s29+$0x0] =	vst.idx.add.f32.msk $0xffff, v4  }
0xd1: {  	v3 =	vadd.s32 $0xF000, v5;
	v4 =	vld [tilespmem:s4+$0x100];
	_ =	sdelay $0x1  }
0xd2: {  	[tilespmem:v2+s29+$0x0] =	vst.idx.add.f32.msk $0xffff, v6  }
0xd3: {  	v7 =	vadd.s32 $0x2800, v2;
	v6 =	vld [tilespmem:s17+$0xFFFFFEB0];
	_ =	sdelay $0x1  }
0xd4: {  	[tilespmem:v3+s29+$0x0] =	vst.idx.add.f32.msk $0xffff, v4  }
0xd5: {  	v3 =	vadd.s32 $0x11800, v5;
	v4 =	vld [tilespmem:s4+$0x180];
	_ =	sdelay $0x1  }
0xd6: {  	[tilespmem:v7+s29+$0x0] =	vst.idx.add.f32.msk $0xffff, v6  }
0xd7: {  	v6 =	vadd.s32 $0x5000, v2;
	v5 =	vld [tilespmem:s17+$0xFFFFFF30];
	_ =	sdelay $0x1  }
0xd8: {  	[tilespmem:v3+s29+$0x0] =	vst.idx.add.f32.msk $0xffff, v4  }
0xd9: {  	v3 =	vld [tilespmem:s24+$0x10];
	_ =	sdelay $0x1  }
0xda: {  	[tilespmem:v6+s29+$0x0] =	vst.idx.add.f32.msk $0xffff, v5  }
0xdb: {  	v6 =	vld [tilespmem:s4+$0xFFFFFE10]  }
0xdc: {  	v5 =	vadd.s32 $0x7800, v2;
	v4 =	vld [tilespmem:s17+$0xFFFFFFB0];
	_ =	sdelay $0x3  }
0xdd: {  	[tilespmem:v3+s29+$0x0] =	vst.idx.add.f32.msk $0xffff, v6  }
0xde: {  	[tilespmem:v5+s29+$0x0] =	vst.idx.add.f32.msk $0xffff, v4  }
0xdf: {  	v6 =	vadd.s32 $0x2800, v3;
	v7 =	vld [tilespmem:s4+$0xFFFFFE90]  }
0xe0: {  	v5 =	vadd.s32 $0xA000, v2;
	v4 =	vld [tilespmem:s17+$0x30];
	_ =	sdelay $0x3  }
0xe1: {  	[tilespmem:v6+s29+$0x0] =	vst.idx.add.f32.msk $0xffff, v7  }
0xe2: {  	[tilespmem:v5+s29+$0x0] =	vst.idx.add.f32.msk $0xffff, v4  }
0xe3: {  	v6 =	vadd.s32 $0x5000, v3;
	v7 =	vld [tilespmem:s4+$0xFFFFFF10]  }
0xe4: {  	v5 =	vadd.s32 $0xC800, v2;
	v4 =	vld [tilespmem:s17+$0xB0];
	_ =	sdelay $0x3  }
0xe5: {  	[tilespmem:v6+s29+$0x0] =	vst.idx.add.f32.msk $0xffff, v7  }
0xe6: {  	[tilespmem:v5+s29+$0x0] =	vst.idx.add.f32.msk $0xffff, v4  }
0xe7: {  	v6 =	vadd.s32 $0x7800, v3;
	v7 =	vld [tilespmem:s4+$0xFFFFFF90]  }
0xe8: {  	v5 =	vadd.s32 $0xF000, v2;
	v4 =	vld [tilespmem:s17+$0x130];
	_ =	sdelay $0x3  }
0xe9: {  	[tilespmem:v6+s29+$0x0] =	vst.idx.add.f32.msk $0xffff, v7  }
0xea: {  	[tilespmem:v5+s29+$0x0] =	vst.idx.add.f32.msk $0xffff, v4  }
0xeb: {  	v5 =	vadd.s32 $0xA000, v3;
	v6 =	vld [tilespmem:s4+$0x10]  }
0xec: {  	v2 =	vadd.s32 $0x11800, v2;
	v4 =	vld [tilespmem:s17+$0x1B0];
	_ =	sdelay $0x3  }
0xed: {  	[tilespmem:v5+s29+$0x0] =	vst.idx.add.f32.msk $0xffff, v6  }
0xee: {  	[tilespmem:v2+s29+$0x0] =	vst.idx.add.f32.msk $0xffff, v4  }
0xef: {  	v2 =	vadd.s32 $0xC800, v3;
	v4 =	vld [tilespmem:s4+$0x90]  }
0xf0: {  	v5 =	vld [tilespmem:s21+$0x40];
	_ =	sdelay $0x2  }
0xf1: {  	v6 =	vld [tilespmem:s17+$0xFFFFFE40]  }
0xf2: {  	[tilespmem:v2+s29+$0x0] =	vst.idx.add.f32.msk $0xffff, v4  }
0xf3: {  	v2 =	vadd.s32 $0xF000, v3;
	v4 =	vld [tilespmem:s4+$0x110];
	_ =	sdelay $0x2  }
0xf4: {  	[tilespmem:v5+s29+$0x0] =	vst.idx.add.f32.msk $0xffff, v6  }
0xf5: {  	v6 =	vld [tilespmem:s17+$0xFFFFFEC0]  }
0xf6: {  	v7 =	vadd.s32 $0x2800, v5;
	[tilespmem:v2+s29+$0x0] =	vst.idx.add.f32.msk $0xffff, v4  }
0xf7: {  	v2 =	vadd.s32 $0x11800, v3;
	v3 =	vld [tilespmem:s4+$0x190];
	_ =	sdelay $0x3  }
0xf8: {  	[tilespmem:v7+s29+$0x0] =	vst.idx.add.f32.msk $0xffff, v6  }
0xf9: {  	[tilespmem:v2+s29+$0x0] =	vst.idx.add.f32.msk $0xffff, v3  }
0xfa: {  	v3 =	vld [tilespmem:s24+$0x20]  }
0xfb: {  	v4 =	vld [tilespmem:s17+$0xFFFFFF40];
	v2 =	vadd.s32 $0x5000, v5;
	_ =	sdelay $0x1  }
0xfc: {  	v6 =	vld [tilespmem:s4+$0xFFFFFE20];
	_ =	sdelay $0x2  }
0xfd: {  	[tilespmem:v2+s29+$0x0] =	vst.idx.add.f32.msk $0xffff, v4  }
0xfe: {  	v4 =	vadd.s32 $0x7800, v5;
	v2 =	vld [tilespmem:s17+$0xFFFFFFC0]  }
0xff: {  	[tilespmem:v3+s29+$0x0] =	vst.idx.add.f32.msk $0xffff, v6  }
0x100: {  	v7 =	vadd.s32 $0x2800, v3;
	v6 =	vld [tilespmem:s4+$0xFFFFFEA0]  }
0x101: {  	s9 =	simm.s32 $0x100  }
0x102: {  	v8 =	vld [tilespmem:s9+$0x0]  }
0x103: {  	[tilespmem:v4+s29+$0x0] =	vst.idx.add.f32.msk $0xffff, v2  }
0x104: {  	v4 =	vadd.s32 $0xA000, v5;
	v2 =	vld [tilespmem:s17+$0x40]  }
0x105: {  	[tilespmem:v7+s29+$0x0] =	vst.idx.add.f32.msk $0xffff, v6  }
0x106: {  	v7 =	vadd.s32 $0x5000, v3;
	v6 =	vld [tilespmem:s4+$0xFFFFFF20]  }
0x107: {  	s31 =	simm.s32 $0x1A00  }
0x108: {  	v9 =	vld [tilespmem:s31+$0xFFFFFE00]  }
0x109: {  	[tilespmem:v4+s29+$0x0] =	vst.idx.add.f32.msk $0xffff, v2  }
0x10a: {  	v4 =	vadd.s32 $0xC800, v5;
	v2 =	vld [tilespmem:s17+$0xC0]  }
0x10b: {  	[tilespmem:v7+s29+$0x0] =	vst.idx.add.f32.msk $0xffff, v6  }
0x10c: {  	v7 =	vadd.s32 $0x7800, v3;
	v6 =	vld [tilespmem:s4+$0xFFFFFFA0]  }
0x10d: {  	[tilespmem:v8+s29+$0x0] =	vst.idx.add.f32.msk $0xffff, v9  }
0x10e: {  	v9 =	vadd.s32 $0x2800, v8;
	v10 =	vld [tilespmem:s31+$0xFFFFFE80]  }
0x10f: {  	[tilespmem:v4+s29+$0x0] =	vst.idx.add.f32.msk $0xffff, v2  }
0x110: {  	v4 =	vadd.s32 $0xF000, v5;
	v2 =	vld [tilespmem:s17+$0x140]  }
0x111: {  	[tilespmem:v7+s29+$0x0] =	vst.idx.add.f32.msk $0xffff, v6  }
0x112: {  	v7 =	vadd.s32 $0xA000, v3;
	v6 =	vld [tilespmem:s4+$0x20]  }
0x113: {  	[tilespmem:v9+s29+$0x0] =	vst.idx.add.f32.msk $0xffff, v10  }
0x114: {  	v9 =	vld [tilespmem:s31+$0xFFFFFF00]  }
0x115: {  	[tilespmem:v4+s29+$0x0] =	vst.idx.add.f32.msk $0xffff, v2  }
0x116: {  	v4 =	vadd.s32 $0x11800, v5;
	v2 =	vld [tilespmem:s17+$0x1C0]  }
0x117: {  	[tilespmem:v7+s29+$0x0] =	vst.idx.add.f32.msk $0xffff, v6;
	v7 =	vadd.s32 $0x5000, v8  }
0x118: {  	v6 =	vadd.s32 $0xC800, v3;
	v5 =	vld [tilespmem:s4+$0xA0];
	_ =	sdelay $0x2  }
0x119: {  	[tilespmem:v4+s29+$0x0] =	vst.idx.add.f32.msk $0xffff, v2  }
0x11a: {  	[tilespmem:v7+s29+$0x0] =	vst.idx.add.f32.msk $0xffff, v9  }
0x11b: {  	[tilespmem:v6+s29+$0x0] =	vst.idx.add.f32.msk $0xffff, v5  }
0x11c: {  	v6 =	vadd.s32 $0x7800, v8;
	v7 =	vld [tilespmem:s31+$0xFFFFFF80]  }
0x11d: {  	v5 =	vadd.s32 $0xF000, v3;
	v4 =	vld [tilespmem:s4+$0x120]  }
0x11e: {  	v2 =	vld [tilespmem:s21+$0x50];
	_ =	sdelay $0x1  }
0x11f: {  	v9 =	vld [tilespmem:s17+$0xFFFFFE50]  }
0x120: {  	[tilespmem:v6+s29+$0x0] =	vst.idx.add.f32.msk $0xffff, v7  }
0x121: {  	[tilespmem:v5+s29+$0x0] =	vst.idx.add.f32.msk $0xffff, v4  }
0x122: {  	v5 =	vadd.s32 $0xA000, v8;
	v6 =	vld [tilespmem:s31+$0x0]  }
0x123: {  	v3 =	vadd.s32 $0x11800, v3;
	v4 =	vld [tilespmem:s4+$0x1A0];
	_ =	sdelay $0x1  }
0x124: {  	[tilespmem:v2+s29+$0x0] =	vst.idx.add.f32.msk $0xffff, v9  }
0x125: {  	v7 =	vld [tilespmem:s17+$0xFFFFFED0]  }
0x126: {  	[tilespmem:v5+s29+$0x0] =	vst.idx.add.f32.msk $0xffff, v6  }
0x127: {  	[tilespmem:v3+s29+$0x0] =	vst.idx.add.f32.msk $0xffff, v4;
	v3 =	vadd.s32 $0x2800, v2  }
0x128: {  	v5 =	vadd.s32 $0xC800, v8;
	v6 =	vld [tilespmem:s31+$0x80]  }
0x129: {  	v4 =	vld [tilespmem:s24+$0x30];
	_ =	sdelay $0x1  }
0x12a: {  	v9 =	vld [tilespmem:s4+$0xFFFFFE30]  }
0x12b: {  	[tilespmem:v3+s29+$0x0] =	vst.idx.add.f32.msk $0xffff, v7  }
0x12c: {  	[tilespmem:v5+s29+$0x0] =	vst.idx.add.f32.msk $0xffff, v6  }
0x12d: {  	v7 =	vadd.s32 $0x5000, v2;
	v3 =	vld [tilespmem:s17+$0xFFFFFF50]  }
0x12e: {  	v5 =	vadd.s32 $0xF000, v8;
	v6 =	vld [tilespmem:s31+$0x100];
	_ =	sdelay $0x1  }
0x12f: {  	[tilespmem:v4+s29+$0x0] =	vst.idx.add.f32.msk $0xffff, v9  }
0x130: {  	v9 =	vld [tilespmem:s4+$0xFFFFFEB0]  }
0x131: {  	v10 =	vadd.s32 $0x2800, v4;
	[tilespmem:v7+s29+$0x0] =	vst.idx.add.f32.msk $0xffff, v3  }
0x132: {  	[tilespmem:v5+s29+$0x0] =	vst.idx.add.f32.msk $0xffff, v6  }
0x133: {  	v7 =	vadd.s32 $0x7800, v2;
	v3 =	vld [tilespmem:s17+$0xFFFFFFD0]  }
0x134: {  	v5 =	vadd.s32 $0x11800, v8;
	v6 =	vld [tilespmem:s31+$0x180];
	_ =	sdelay $0x1  }
0x135: {  	[tilespmem:v10+s29+$0x0] =	vst.idx.add.f32.msk $0xffff, v9  }
0x136: {  	v9 =	vadd.s32 $0x5000, v4;
	v8 =	vld [tilespmem:s4+$0xFFFFFF30]  }
0x137: {  	[tilespmem:v7+s29+$0x0] =	vst.idx.add.f32.msk $0xffff, v3  }
0x138: {  	[tilespmem:v5+s29+$0x0] =	vst.idx.add.f32.msk $0xffff, v6  }
0x139: {  	v6 =	vld [tilespmem:s9+$0x10]  }
0x13a: {  	v5 =	vadd.s32 $0xA000, v2;
	v3 =	vld [tilespmem:s17+$0x50]  }
0x13b: {  	[tilespmem:v9+s29+$0x0] =	vst.idx.add.f32.msk $0xffff, v8  }
0x13c: {  	v9 =	vld [tilespmem:s31+$0xFFFFFE10]  }
0x13d: {  	v8 =	vadd.s32 $0x7800, v4;
	v7 =	vld [tilespmem:s4+$0xFFFFFFB0];
	_ =	sdelay $0x1  }
0x13e: {  	[tilespmem:v5+s29+$0x0] =	vst.idx.add.f32.msk $0xffff, v3  }
0x13f: {  	v3 =	vld [tilespmem:s17+$0xD0]  }
0x140: {  	v5 =	vadd.s32 $0xC800, v2;
	[tilespmem:v6+s29+$0x0] =	vst.idx.add.f32.msk $0xffff, v9  }
0x141: {  	[tilespmem:v8+s29+$0x0] =	vst.idx.add.f32.msk $0xffff, v7  }
0x142: {  	v9 =	vadd.s32 $0x2800, v6;
	v10 =	vld [tilespmem:s31+$0xFFFFFE90]  }
0x143: {  	v8 =	vadd.s32 $0xA000, v4;
	v7 =	vld [tilespmem:s4+$0x30];
	_ =	sdelay $0x1  }
0x144: {  	[tilespmem:v5+s29+$0x0] =	vst.idx.add.f32.msk $0xffff, v3  }
0x145: {  	v3 =	vld [tilespmem:s17+$0x150]  }
0x146: {  	v5 =	vadd.s32 $0xF000, v2;
	[tilespmem:v9+s29+$0x0] =	vst.idx.add.f32.msk $0xffff, v10  }
0x147: {  	[tilespmem:v8+s29+$0x0] =	vst.idx.add.f32.msk $0xffff, v7  }
0x148: {  	v9 =	vadd.s32 $0x5000, v6;
	v10 =	vld [tilespmem:s31+$0xFFFFFF10]  }
0x149: {  	v8 =	vadd.s32 $0xC800, v4;
	v7 =	vld [tilespmem:s4+$0xB0];
	_ =	sdelay $0x1  }
0x14a: {  	[tilespmem:v5+s29+$0x0] =	vst.idx.add.f32.msk $0xffff, v3  }
0x14b: {  	v3 =	vld [tilespmem:s17+$0x1D0]  }
0x14c: {  	v2 =	vadd.s32 $0x11800, v2;
	[tilespmem:v9+s29+$0x0] =	vst.idx.add.f32.msk $0xffff, v10  }
0x14d: {  	[tilespmem:v8+s29+$0x0] =	vst.idx.add.f32.msk $0xffff, v7  }
0x14e: {  	v8 =	vadd.s32 $0x7800, v6;
	v9 =	vld [tilespmem:s31+$0xFFFFFF90]  }
0x14f: {  	v7 =	vadd.s32 $0xF000, v4;
	v5 =	vld [tilespmem:s4+$0x130];
	_ =	sdelay $0x1  }
0x150: {  	[tilespmem:v2+s29+$0x0] =	vst.idx.add.f32.msk $0xffff, v3  }
0x151: {  	v2 =	vld [tilespmem:s21+$0x60]  }
0x152: {  	[tilespmem:v8+s29+$0x0] =	vst.idx.add.f32.msk $0xffff, v9  }
0x153: {  	[tilespmem:v7+s29+$0x0] =	vst.idx.add.f32.msk $0xffff, v5  }
0x154: {  	v5 =	vadd.s32 $0xA000, v6;
	v7 =	vld [tilespmem:s31+$0x10]  }
0x155: {  	v4 =	vadd.s32 $0x11800, v4;
	v3 =	vld [tilespmem:s4+$0x1B0];
	_ =	sdelay $0x2  }
0x156: {  	v8 =	vld [tilespmem:s17+$0xFFFFFE60]  }
0x157: {  	[tilespmem:v5+s29+$0x0] =	vst.idx.add.f32.msk $0xffff, v7  }
0x158: {  	[tilespmem:v4+s29+$0x0] =	vst.idx.add.f32.msk $0xffff, v3  }
0x159: {  	v5 =	vld [tilespmem:s31+$0x90]  }
0x15a: {  	v4 =	vadd.s32 $0xC800, v6;
	v3 =	vld [tilespmem:s24+$0x40]  }
0x15b: {  	[tilespmem:v2+s29+$0x0] =	vst.idx.add.f32.msk $0xffff, v8  }
0x15c: {  	v8 =	vadd.s32 $0x2800, v2;
	v7 =	vld [tilespmem:s17+$0xFFFFFEE0]  }
0x15d: {  	v9 =	vld [tilespmem:s4+$0xFFFFFE40];
	_ =	sdelay $0x1  }
0x15e: {  	[tilespmem:v4+s29+$0x0] =	vst.idx.add.f32.msk $0xffff, v5  }
0x15f: {  	v4 =	vadd.s32 $0xF000, v6;
	v5 =	vld [tilespmem:s31+$0x110]  }
0x160: {  	[tilespmem:v8+s29+$0x0] =	vst.idx.add.f32.msk $0xffff, v7  }
0x161: {  	[tilespmem:v3+s29+$0x0] =	vst.idx.add.f32.msk $0xffff, v9  }
0x162: {  	v10 =	vadd.s32 $0x5000, v2;
	v9 =	vld [tilespmem:s17+$0xFFFFFF60]  }
0x163: {  	v8 =	vadd.s32 $0x2800, v3;
	v7 =	vld [tilespmem:s4+$0xFFFFFEC0]  }
0x164: {  	[tilespmem:v4+s29+$0x0] =	vst.idx.add.f32.msk $0xffff, v5  }
0x165: {  	v4 =	vadd.s32 $0x11800, v6;
	v5 =	vld [tilespmem:s31+$0x190];
	_ =	sdelay $0x1  }
0x166: {  	[tilespmem:v10+s29+$0x0] =	vst.idx.add.f32.msk $0xffff, v9  }
0x167: {  	[tilespmem:v8+s29+$0x0] =	vst.idx.add.f32.msk $0xffff, v7  }
0x168: {  	v6 =	vld [tilespmem:s4+$0xFFFFFF40]  }
0x169: {  	v7 =	vadd.s32 $0x5000, v3;
	[tilespmem:v4+s29+$0x0] =	vst.idx.add.f32.msk $0xffff, v5  }
0x16a: {  	v4 =	vld [tilespmem:s9+$0x20]  }
0x16b: {  	v8 =	vadd.s32 $0x7800, v2;
	v5 =	vld [tilespmem:s17+$0xFFFFFFE0];
	_ =	sdelay $0x1  }
0x16c: {  	v9 =	vld [tilespmem:s31+$0xFFFFFE20]  }
0x16d: {  	[tilespmem:v7+s29+$0x0] =	vst.idx.add.f32.msk $0xffff, v6  }
0x16e: {  	v6 =	vld [tilespmem:s4+$0xFFFFFFC0]  }
0x16f: {  	v7 =	vadd.s32 $0x7800, v3;
	[tilespmem:v8+s29+$0x0] =	vst.idx.add.f32.msk $0xffff, v5  }
0x170: {  	v5 =	vld [tilespmem:s17+$0x60]  }
0x171: {  	v8 =	vadd.s32 $0xA000, v2;
	[tilespmem:v4+s29+$0x0] =	vst.idx.add.f32.msk $0xffff, v9  }
0x172: {  	v10 =	vadd.s32 $0x2800, v4;
	v9 =	vld [tilespmem:s31+$0xFFFFFEA0];
	_ =	sdelay $0x1  }
0x173: {  	[tilespmem:v7+s29+$0x0] =	vst.idx.add.f32.msk $0xffff, v6  }
0x174: {  	v7 =	vadd.s32 $0xA000, v3;
	v6 =	vld [tilespmem:s4+$0x40]  }
0x175: {  	[tilespmem:v8+s29+$0x0] =	vst.idx.add.f32.msk $0xffff, v5  }
0x176: {  	[tilespmem:v10+s29+$0x0] =	vst.idx.add.f32.msk $0xffff, v9  }
0x177: {  	v8 =	vadd.s32 $0x5000, v4;
	v5 =	vld [tilespmem:s31+$0xFFFFFF20]  }
0x178: {  	v9 =	vld [tilespmem:s17+$0xE0]  }
0x179: {  	v10 =	vadd.s32 $0xC800, v2;
	[tilespmem:v7+s29+$0x0] =	vst.idx.add.f32.msk $0xffff, v6  }
0x17a: {  	s7 =	simm.s32 $0x180;
	v7 =	vadd.s32 $0xC800, v3;
	v6 =	vld [tilespmem:s4+$0xC0]  }
0x17b: {  	v11 =	vld [tilespmem:s7+$0x0]  }
0x17c: {  	[tilespmem:v8+s29+$0x0] =	vst.idx.add.f32.msk $0xffff, v5  }
0x17d: {  	p0 =	slt.s32 s8, $0x9B4;
	s0 =	smov.u32 s8;
	v8 =	vadd.s32 $0x7800, v4;
	v5 =	vld [tilespmem:s31+$0xFFFFFFA0]  }
0x17e: {  	s0 =	simm.s32 @!p0 $0x9B4;
	[tilespmem:v10+s29+$0x0] =	vst.idx.add.f32.msk $0xffff, v9  }
0x17f: {  	s3 =	sshll.u32 s0, $0x9;
	s0 =	sshll.u32 s0, $0xC;
	[tilespmem:v7+s29+$0x0] =	vst.idx.add.f32.msk $0xffff, v6  }
0x180: {  	s0 =	ssub.s32 $0x0, s0;
	v7 =	vadd.s32 $0xF000, v3;
	v6 =	vld [tilespmem:s4+$0x140]  }
0x181: {  	s0 =	sshra.s32 s0, $0x2;
	v9 =	vld [tilespmem:s17+$0x160]  }
0x182: {  	s11 =	sadd.s32 s0, s19;
	s0 =	simm.s32 $0x1E00;
	[tilespmem:v8+s29+$0x0] =	vst.idx.add.f32.msk $0xffff, v5;
	v5 =	vadd.s32 $0xF000, v2  }
0x183: {  	v8 =	vld [tilespmem:s0+$0xFFFFFE00]  }
0x184: {  	v10 =	vld [tilespmem:s31+$0x20]  }
0x185: {  	[tilespmem:v7+s29+$0x0] =	vst.idx.add.f32.msk $0xffff, v6  }
0x186: {  	v6 =	vadd.s32 $0xA000, v4;
	v7 =	vld [tilespmem:s4+$0x1C0]  }
0x187: {  	[tilespmem:v5+s29+$0x0] =	vst.idx.add.f32.msk $0xffff, v9  }
0x188: {  	v3 =	vadd.s32 $0x11800, v3;
	[tilespmem:v11+s29+$0x0] =	vst.idx.add.f32.msk $0xffff, v8  }
0x189: {  	v5 =	vld [tilespmem:s17+$0x1E0]  }
0x18a: {  	v8 =	vadd.s32 $0x2800, v11;
	v9 =	vld [tilespmem:s0+$0xFFFFFE80]  }
0x18b: {  	[tilespmem:v6+s29+$0x0] =	vst.idx.add.f32.msk $0xffff, v10  }
0x18c: {  	v10 =	vadd.s32 $0xC800, v4;
	v6 =	vld [tilespmem:s31+$0xA0]  }
0x18d: {  	[tilespmem:v3+s29+$0x0] =	vst.idx.add.f32.msk $0xffff, v7  }
0x18e: {  	v2 =	vadd.s32 $0x11800, v2;
	v3 =	vld [tilespmem:s24+$0x50]  }
0x18f: {  	[tilespmem:v8+s29+$0x0] =	vst.idx.add.f32.msk $0xffff, v9  }
0x190: {  	v7 =	vadd.s32 $0x5000, v11;
	v8 =	vld [tilespmem:s0+$0xFFFFFF00]  }
0x191: {  	[tilespmem:v10+s29+$0x0] =	vst.idx.add.f32.msk $0xffff, v6  }
0x192: {  	v9 =	vadd.s32 $0xF000, v4;
	v6 =	vld [tilespmem:s31+$0x120]  }
0x193: {  	[tilespmem:v2+s29+$0x0] =	vst.idx.add.f32.msk $0xffff, v5  }
0x194: {  	v10 =	vld [tilespmem:s4+$0xFFFFFE50]  }
0x195: {  	[tilespmem:v7+s29+$0x0] =	vst.idx.add.f32.msk $0xffff, v8  }
0x196: {  	v2 =	vadd.s32 $0x7800, v11;
	v5 =	vld [tilespmem:s0+$0xFFFFFF80]  }
0x197: {  	[tilespmem:v9+s29+$0x0] =	vst.idx.add.f32.msk $0xffff, v6  }
0x198: {  	v4 =	vadd.s32 $0x11800, v4;
	v6 =	vld [tilespmem:s31+$0x1A0]  }
0x199: {  	[tilespmem:v3+s29+$0x0] =	vst.idx.add.f32.msk $0xffff, v10  }
0x19a: {  	v7 =	vld [tilespmem:s4+$0xFFFFFED0]  }
0x19b: {  	[tilespmem:v2+s29+$0x0] =	vst.idx.add.f32.msk $0xffff, v5;
	v2 =	vadd.s32 $0x2800, v3  }
0x19c: {  	v5 =	vadd.s32 $0xA000, v11;
	v8 =	vld [tilespmem:s0+$0x0]  }
0x19d: {  	[tilespmem:v4+s29+$0x0] =	vst.idx.add.f32.msk $0xffff, v6  }
0x19e: {  	v4 =	vld [tilespmem:s9+$0x30]  }
0x19f: {  	v6 =	vld [tilespmem:s31+$0xFFFFFE30]  }
0x1a0: {  	[tilespmem:v2+s29+$0x0] =	vst.idx.add.f32.msk $0xffff, v7  }
0x1a1: {  	[tilespmem:v5+s29+$0x0] =	vst.idx.add.f32.msk $0xffff, v8  }
0x1a2: {  	v5 =	vadd.s32 $0xC800, v11;
	v7 =	vld [tilespmem:s0+$0x80]  }
0x1a3: {  	v10 =	vld [tilespmem:s17+$0xFFFFFE70]  }
0x1a4: {  	v2 =	vld [tilespmem:s21+$0x70]  }
0x1a5: {  	v9 =	vadd.s32 $0x5000, v3;
	v8 =	vld [tilespmem:s4+$0xFFFFFF50]  }
0x1a6: {  	[tilespmem:v4+s29+$0x0] =	vst.idx.add.f32.msk $0xffff, v6  }
0x1a7: {  	[tilespmem:v5+s29+$0x0] =	vst.idx.add.f32.msk $0xffff, v7  }
0x1a8: {  	v12 =	vadd.s32 $0x2800, v4;
	v7 =	vld [tilespmem:s31+$0xFFFFFEB0]  }
0x1a9: {  	v5 =	vadd.s32 $0xF000, v11;
	v6 =	vld [tilespmem:s0+$0x100]  }
0x1aa: {  	[tilespmem:v9+s29+$0x0] =	vst.idx.add.f32.msk $0xffff, v8  }
0x1ab: {  	v8 =	vld [tilespmem:s4+$0xFFFFFFD0]  }
0x1ac: {  	[tilespmem:v2+s29+$0x0] =	vst.idx.add.f32.msk $0xffff, v10  }
0x1ad: {  	v9 =	vadd.s32 $0x7800, v3;
	[tilespmem:v12+s29+$0x0] =	vst.idx.add.f32.msk $0xffff, v7  }
0x1ae: {  	[tilespmem:v5+s29+$0x0] =	vst.idx.add.f32.msk $0xffff, v6  }
0x1af: {  	v10 =	vadd.s32 $0x5000, v4;
	v7 =	vld [tilespmem:s31+$0xFFFFFF30]  }
0x1b0: {  	v5 =	vadd.s32 $0x11800, v11;
	v6 =	vld [tilespmem:s0+$0x180];
	_ =	sdelay $0x1  }
0x1b1: {  	[tilespmem:v9+s29+$0x0] =	vst.idx.add.f32.msk $0xffff, v8  }
0x1b2: {  	v8 =	vld [tilespmem:s4+$0x50]  }
0x1b3: {  	[tilespmem:v10+s29+$0x0] =	vst.idx.add.f32.msk $0xffff, v7  }
0x1b4: {  	[tilespmem:v5+s29+$0x0] =	vst.idx.add.f32.msk $0xffff, v6;
	v5 =	vadd.s32 $0xA000, v3  }
0x1b5: {  	v9 =	vadd.s32 $0x7800, v4;
	v7 =	vld [tilespmem:s31+$0xFFFFFFB0]  }
0x1b6: {  	v6 =	vld [tilespmem:s7+$0x10]  }
0x1b7: {  	v11 =	vld [tilespmem:s17+$0xFFFFFEF0]  }
0x1b8: {  	v12 =	vadd.s32 $0x2800, v2;
	v10 =	vld [tilespmem:s0+$0xFFFFFE10]  }
0x1b9: {  	[tilespmem:v5+s29+$0x0] =	vst.idx.add.f32.msk $0xffff, v8  }
0x1ba: {  	[tilespmem:v9+s29+$0x0] =	vst.idx.add.f32.msk $0xffff, v7  }
0x1bb: {  	v8 =	vadd.s32 $0xC800, v3;
	v5 =	vld [tilespmem:s4+$0xD0]  }
0x1bc: {  	v9 =	vadd.s32 $0xA000, v4;
	v7 =	vld [tilespmem:s31+$0x30]  }
0x1bd: {  	[tilespmem:v12+s29+$0x0] =	vst.idx.add.f32.msk $0xffff, v11  }
0x1be: {  	[tilespmem:v6+s29+$0x0] =	vst.idx.add.f32.msk $0xffff, v10  }
0x1bf: {  	v11 =	vld [tilespmem:s0+$0xFFFFFE90]  }
0x1c0: {  	[tilespmem:v8+s29+$0x0] =	vst.idx.add.f32.msk $0xffff, v5  }
0x1c1: {  	v10 =	vadd.s32 $0x2800, v6;
	[tilespmem:v9+s29+$0x0] =	vst.idx.add.f32.msk $0xffff, v7  }
0x1c2: {  	v8 =	vadd.s32 $0xF000, v3;
	v5 =	vld [tilespmem:s4+$0x150]  }
0x1c3: {  	v9 =	vadd.s32 $0xC800, v4;
	v7 =	vld [tilespmem:s31+$0xB0];
	_ =	sdelay $0x2  }
0x1c4: {  	[tilespmem:v10+s29+$0x0] =	vst.idx.add.f32.msk $0xffff, v11  }
0x1c5: {  	[tilespmem:v8+s29+$0x0] =	vst.idx.add.f32.msk $0xffff, v5  }
0x1c6: {  	[tilespmem:v9+s29+$0x0] =	vst.idx.add.f32.msk $0xffff, v7  }
0x1c7: {  	v8 =	vld [tilespmem:s0+$0xFFFFFF10];
	v9 =	vadd.s32 $0x5000, v6  }
0x1c8: {  	v3 =	vadd.s32 $0x11800, v3;
	v5 =	vld [tilespmem:s4+$0x1D0];
	_ =	sdelay $0x1  }
0x1c9: {  	v12 =	vld [tilespmem:s17+$0xFFFFFF70]  }
0x1ca: {  	v7 =	vadd.s32 $0x5000, v2;
	v10 =	vld [tilespmem:s31+$0x130]  }
0x1cb: {  	[tilespmem:v9+s29+$0x0] =	vst.idx.add.f32.msk $0xffff, v8  }
0x1cc: {  	[tilespmem:v3+s29+$0x0] =	vst.idx.add.f32.msk $0xffff, v5;
	v5 =	vadd.s32 $0xF000, v4  }
0x1cd: {  	v3 =	vld [tilespmem:s24+$0x60]  }
0x1ce: {  	v8 =	vadd.s32 $0x7800, v6;
	v9 =	vld [tilespmem:s0+$0xFFFFFF90]  }
0x1cf: {  	[tilespmem:v7+s29+$0x0] =	vst.idx.add.f32.msk $0xffff, v12  }
0x1d0: {  	v7 =	vld [tilespmem:s4+$0xFFFFFE60]  }
0x1d1: {  	[tilespmem:v5+s29+$0x0] =	vst.idx.add.f32.msk $0xffff, v10  }
0x1d2: {  	v4 =	vadd.s32 $0x11800, v4;
	v5 =	vld [tilespmem:s31+$0x1B0]  }
0x1d3: {  	[tilespmem:v8+s29+$0x0] =	vst.idx.add.f32.msk $0xffff, v9  }
0x1d4: {  	v8 =	vld [tilespmem:s0+$0x10]  }
0x1d5: {  	[tilespmem:v3+s29+$0x0] =	vst.idx.add.f32.msk $0xffff, v7  }
0x1d6: {  	v7 =	vadd.s32 $0xA000, v6;
	v11 =	vld [tilespmem:s4+$0xFFFFFEE0]  }
0x1d7: {  	[tilespmem:v4+s29+$0x0] =	vst.idx.add.f32.msk $0xffff, v5  }
0x1d8: {  	v12 =	vadd.s32 $0x2800, v3;
	v4 =	vld [tilespmem:s9+$0x40]  }
0x1d9: {  	v10 =	vld [tilespmem:s17+$0xFFFFFFF0];
	v5 =	vadd.s32 $0x7800, v2  }
0x1da: {  	v9 =	vld [tilespmem:s31+$0xFFFFFE40]  }
0x1db: {  	[tilespmem:v7+s29+$0x0] =	vst.idx.add.f32.msk $0xffff, v8  }
0x1dc: {  	v7 =	vadd.s32 $0xC800, v6;
	v8 =	vld [tilespmem:s0+$0x90]  }
0x1dd: {  	[tilespmem:v12+s29+$0x0] =	vst.idx.add.f32.msk $0xffff, v11  }
0x1de: {  	[tilespmem:v5+s29+$0x0] =	vst.idx.add.f32.msk $0xffff, v10  }
0x1df: {  	v5 =	vld [tilespmem:s17+$0x70]  }
0x1e0: {  	[tilespmem:v4+s29+$0x0] =	vst.idx.add.f32.msk $0xffff, v9;
	v9 =	vadd.s32 $0xA000, v2  }
0x1e1: {  	[tilespmem:v7+s29+$0x0] =	vst.idx.add.f32.msk $0xffff, v8  }
0x1e2: {  	v7 =	vadd.s32 $0xF000, v6;
	v8 =	vld [tilespmem:s0+$0x110]  }
0x1e3: {  	v12 =	vld [tilespmem:s4+$0xFFFFFF60]  }
0x1e4: {  	v11 =	vadd.s32 $0x2800, v4;
	v10 =	vld [tilespmem:s31+$0xFFFFFEC0]  }
0x1e5: {  	[tilespmem:v9+s29+$0x0] =	vst.idx.add.f32.msk $0xffff, v5  }
0x1e6: {  	v5 =	vadd.s32 $0x5000, v3;
	v9 =	vld [tilespmem:s17+$0xF0]  }
0x1e7: {  	[tilespmem:v7+s29+$0x0] =	vst.idx.add.f32.msk $0xffff, v8  }
0x1e8: {  	v6 =	vadd.s32 $0x11800, v6;
	v7 =	vld [tilespmem:s0+$0x190]  }
0x1e9: {  	[tilespmem:v11+s29+$0x0] =	vst.idx.add.f32.msk $0xffff, v10  }
0x1ea: {  	v11 =	vadd.s32 $0x5000, v4;
	v10 =	vld [tilespmem:s31+$0xFFFFFF40]  }
0x1eb: {  	[tilespmem:v5+s29+$0x0] =	vst.idx.add.f32.msk $0xffff, v12  }
0x1ec: {  	v5 =	vld [tilespmem:s4+$0xFFFFFFE0]  }
0x1ed: {  	[tilespmem:v6+s29+$0x0] =	vst.idx.add.f32.msk $0xffff, v7  }
0x1ee: {  	v6 =	vadd.s32 $0x7800, v3;
	v8 =	vld [tilespmem:s7+$0x20]  }
0x1ef: {  	[tilespmem:v11+s29+$0x0] =	vst.idx.add.f32.msk $0xffff, v10;
	v7 =	vadd.s32 $0xC800, v2  }
0x1f0: {  	v11 =	vadd.s32 $0x7800, v4;
	v10 =	vld [tilespmem:s31+$0xFFFFFFC0]  }
0x1f1: {  	v12 =	vld [tilespmem:s0+$0xFFFFFE20];
	_ =	sdelay $0x1  }
0x1f2: {  	[tilespmem:v6+s29+$0x0] =	vst.idx.add.f32.msk $0xffff, v5  }
0x1f3: {  	[tilespmem:v7+s29+$0x0] =	vst.idx.add.f32.msk $0xffff, v9  }
0x1f4: {  	[tilespmem:v11+s29+$0x0] =	vst.idx.add.f32.msk $0xffff, v10  }
0x1f5: {  	[tilespmem:v8+s29+$0x0] =	vst.idx.add.f32.msk $0xffff, v12  }
0x1f6: {  	v10 =	vadd.s32 $0x2800, v8;
	v7 =	vld [tilespmem:s0+$0xFFFFFEA0]  }
0x1f7: {  	v6 =	vadd.s32 $0xA000, v3;
	v5 =	vld [tilespmem:s4+$0x60];
	_ =	sdelay $0x2  }
0x1f8: {  	v9 =	vld [tilespmem:s31+$0x40]  }
0x1f9: {  	s3 =	ssub.s32 $0x0, s3;
	[tilespmem:v10+s29+$0x0] =	vst.idx.add.f32.msk $0xffff, v7;
	v10 =	vadd.s32 $0xA000, v4  }
0x1fa: {  	s3 =	sshra.s32 s3, $0x2;
	[tilespmem:v6+s29+$0x0] =	vst.idx.add.f32.msk $0xffff, v5  }
0x1fb: {  	p0 =	slt.s32 s16, $0x10;
	s15 =	sadd.s32 s3, s18;
	s3 =	smov.u32 s16;
	v5 =	vld [tilespmem:s17+$0x170]  }
0x1fc: {  	s10 =	sshll.u32 s20, $0x5;
	s3 =	simm.s32 @!p0 $0x10;
	v6 =	vld [tilespmem:s4+$0xE0];
	v7 =	vadd.s32 $0xC800, v3  }
0x1fd: {  	s12 =	sshll.u32 s3, $0x9;
	s3 =	simm.s32 $0x1E00;
	s21 =	simm.s32 $0x800;
	v12 =	vadd.s32 $0x5000, v8;
	v11 =	vld [tilespmem:s0+$0xFFFFFF20]  }
.LBB2_9:
0x1fe: {  	s5 =	sshra.s32 s21, $0x2;
	p0 =	seq.s32 s21, $0x1E00;
	s21 =	sadd.s32 $0x200, s21;
	[tilespmem:v10+s29+$0x0] =	vst.idx.add.f32.msk $0xffff, v9  }
0x1ff: {  	v10 =	vadd.s32 $0xC800, v4;
	v9 =	vld [tilespmem:s31+$0xC0]  }
0x200: {  	s0 =	sadd.s32 $0x400, s0;
	v13 =	vld [tilespmem:s5+$0x0]  }
0x201: {  	[tilespmem:v7+s29+$0x0] =	vst.idx.add.f32.msk $0xffff, v6  }
0x202: {  	v6 =	vadd.s32 $0xF000, v2;
	[tilespmem:v12+s29+$0x0] =	vst.idx.add.f32.msk $0xffff, v11  }
0x203: {  	v11 =	vadd.s32 $0x7800, v8;
	v7 =	vld [tilespmem:s3+$0xFFFFFFA0]  }
0x204: {  	[tilespmem:v10+s29+$0x0] =	vst.idx.add.f32.msk $0xffff, v9  }
0x205: {  	v9 =	vld [tilespmem:s31+$0x140]  }
0x206: {  	v10 =	vadd.s32 $0xF000, v4;
	v12 =	vld [tilespmem:s4+$0x160]  }
0x207: {  	[tilespmem:v6+s29+$0x0] =	vst.idx.add.f32.msk $0xffff, v5  }
0x208: {  	v5 =	vadd.s32 $0x2800, v13;
	v6 =	vadd.s32 $0xF000, v3;
	[tilespmem:v11+s29+$0x0] =	vst.idx.add.f32.msk $0xffff, v7  }
0x209: {  	v7 =	vld [tilespmem:s0+$0xFFFFFE00]  }
0x20a: {  	v11 =	vld [tilespmem:s3+$0x20]  }
0x20b: {  	[tilespmem:v10+s29+$0x0] =	vst.idx.add.f32.msk $0xffff, v9  }
0x20c: {  	v9 =	vadd.s32 $0xA000, v8;
	v10 =	vld [tilespmem:s31+$0x1C0]  }
0x20d: {  	[tilespmem:v6+s29+$0x0] =	vst.idx.add.f32.msk $0xffff, v12  }
0x20e: {  	v4 =	vadd.s32 $0x11800, v4;
	v6 =	vadd.s32 $0x5000, v13;
	v12 =	vld [tilespmem:s4+$0x1E0]  }
0x20f: {  	[tilespmem:v13+s29+$0x0] =	vst.idx.add.f32.msk $0xffff, v7  }
0x210: {  	v7 =	vld [tilespmem:s0+$0xFFFFFE80]  }
0x211: {  	[tilespmem:v9+s29+$0x0] =	vst.idx.add.f32.msk $0xffff, v11  }
0x212: {  	v11 =	vadd.s32 $0xC800, v8;
	v9 =	vld [tilespmem:s3+$0xA0]  }
0x213: {  	[tilespmem:v4+s29+$0x0] =	vst.idx.add.f32.msk $0xffff, v10  }
0x214: {  	v4 =	vld [tilespmem:s9+$0x50]  }
0x215: {  	v3 =	vadd.s32 $0x11800, v3;
	[tilespmem:v5+s29+$0x0] =	vst.idx.add.f32.msk $0xffff, v7;
	v5 =	vadd.s32 $0x7800, v13  }
0x216: {  	v7 =	vld [tilespmem:s0+$0xFFFFFF00]  }
0x217: {  	[tilespmem:v11+s29+$0x0] =	vst.idx.add.f32.msk $0xffff, v9  }
0x218: {  	v10 =	vadd.s32 $0xF000, v8;
	v9 =	vld [tilespmem:s3+$0x120]  }
0x219: {  	v11 =	vld [tilespmem:s31+$0xFFFFFE50]  }
0x21a: {  	[tilespmem:v3+s29+$0x0] =	vst.idx.add.f32.msk $0xffff, v12  }
0x21b: {  	v3 =	vadd.s32 $0xA000, v13;
	[tilespmem:v6+s29+$0x0] =	vst.idx.add.f32.msk $0xffff, v7  }
0x21c: {  	v6 =	vld [tilespmem:s0+$0xFFFFFF80]  }
0x21d: {  	[tilespmem:v10+s29+$0x0] =	vst.idx.add.f32.msk $0xffff, v9  }
0x21e: {  	v8 =	vadd.s32 $0x11800, v8;
	v7 =	vld [tilespmem:s3+$0x1A0]  }
0x21f: {  	[tilespmem:v4+s29+$0x0] =	vst.idx.add.f32.msk $0xffff, v11  }
0x220: {  	v9 =	vld [tilespmem:s31+$0xFFFFFED0]  }
0x221: {  	v10 =	vadd.s32 $0x2800, v4;
	[tilespmem:v5+s29+$0x0] =	vst.idx.add.f32.msk $0xffff, v6;
	v6 =	vadd.s32 $0xC800, v13  }
0x222: {  	v11 =	vld [tilespmem:s0+$0x0]  }
0x223: {  	[tilespmem:v8+s29+$0x0] =	vst.idx.add.f32.msk $0xffff, v7  }
0x224: {  	v5 =	vld [tilespmem:s7+$0x30]  }
0x225: {  	v7 =	vld [tilespmem:s3+$0xFFFFFE30]  }
0x226: {  	[tilespmem:v10+s29+$0x0] =	vst.idx.add.f32.msk $0xffff, v9  }
0x227: {  	[tilespmem:v3+s29+$0x0] =	vst.idx.add.f32.msk $0xffff, v11;
	v3 =	vadd.s32 $0xF000, v13  }
0x228: {  	v8 =	vld [tilespmem:s0+$0x80]  }
0x229: {  	v9 =	vld [tilespmem:s31+$0xFFFFFF50]  }
0x22a: {  	v10 =	vld [tilespmem:s24+$0x70];
	s24 =	smov.u32 s9;
	s9 =	smov.u32 s7;
	s7 =	smov.u32 s5  }
0x22b: {  	v11 =	vadd.s32 $0x5000, v4;
	v12 =	vld [tilespmem:s4+$0xFFFFFE70]  }
0x22c: {  	[tilespmem:v5+s29+$0x0] =	vst.idx.add.f32.msk $0xffff, v7  }
0x22d: {  	[tilespmem:v6+s29+$0x0] =	vst.idx.add.f32.msk $0xffff, v8;
	v6 =	vadd.s32 $0x11800, v13  }
0x22e: {  	v7 =	vld [tilespmem:s0+$0x100]  }
0x22f: {  	v8 =	vld [tilespmem:s3+$0xFFFFFEB0]  }
0x230: {  	v13 =	vadd.s32 $0x2800, v5;
	[tilespmem:v11+s29+$0x0] =	vst.idx.add.f32.msk $0xffff, v9  }
0x231: {  	v9 =	vld [tilespmem:s31+$0xFFFFFFD0]  }
0x232: {  	v11 =	vadd.s32 $0x7800, v4;
	[tilespmem:v10+s29+$0x0] =	vst.idx.add.f32.msk $0xffff, v12  }
0x233: {  	[tilespmem:v3+s29+$0x0] =	vst.idx.add.f32.msk $0xffff, v7  }
0x234: {  	v3 =	vld [tilespmem:s0+$0x180]  }
0x235: {  	[tilespmem:v13+s29+$0x0] =	vst.idx.add.f32.msk $0xffff, v8  }
0x236: {  	v7 =	vld [tilespmem:s3+$0xFFFFFF30]  }
0x237: {  	v8 =	vadd.s32 $0x5000, v5;
	[tilespmem:v11+s29+$0x0] =	vst.idx.add.f32.msk $0xffff, v9  }
0x238: {  	v9 =	vld [tilespmem:s31+$0x50]  }
0x239: {  	[tilespmem:v6+s29+$0x0] =	vst.idx.add.f32.msk $0xffff, v3;
	v3 =	vadd.s32 $0xA000, v4  }
0x23a: {  	v6 =	vld [tilespmem:s7+$0x10]  }
0x23b: {  	v11 =	vld [tilespmem:s0+$0xFFFFFE10]  }
0x23c: {  	[tilespmem:v8+s29+$0x0] =	vst.idx.add.f32.msk $0xffff, v7  }
0x23d: {  	v7 =	vld [tilespmem:s3+$0xFFFFFFB0]  }
0x23e: {  	v8 =	vadd.s32 $0x7800, v5;
	[tilespmem:v3+s29+$0x0] =	vst.idx.add.f32.msk $0xffff, v9  }
0x23f: {  	v3 =	vld [tilespmem:s31+$0xD0]  }
0x240: {  	v9 =	vadd.s32 $0xC800, v4;
	v12 =	vld [tilespmem:s4+$0xFFFFFEF0]  }
0x241: {  	v13 =	vld [tilespmem:s17+$0x1F0];
	s17 =	smov.u32 s4;
	s4 =	smov.u32 s31;
	s31 =	smov.u32 s3  }
0x242: {  	s3 =	smov.u32 s0;
	[tilespmem:v6+s29+$0x0] =	vst.idx.add.f32.msk $0xffff, v11;
	v11 =	vadd.s32 $0x2800, v10  }
0x243: {  	v14 =	vadd.s32 $0x2800, v6;
	[tilespmem:v8+s29+$0x0] =	vst.idx.add.f32.msk $0xffff, v7  }
0x244: {  	v8 =	vadd.s32 $0xA000, v5;
	v7 =	vld [tilespmem:s31+$0x30]  }
0x245: {  	[tilespmem:v9+s29+$0x0] =	vst.idx.add.f32.msk $0xffff, v3  }
0x246: {  	v3 =	vld [tilespmem:s4+$0x150]  }
0x247: {  	v9 =	vadd.s32 $0xF000, v4;
	[tilespmem:v11+s29+$0x0] =	vst.idx.add.f32.msk $0xffff, v12  }
0x248: {  	v11 =	vld [tilespmem:s17+$0xFFFFFF70]  }
0x249: {  	v12 =	vadd.s32 $0x5000, v6;
	[tilespmem:v8+s29+$0x0] =	vst.idx.add.f32.msk $0xffff, v7;
	v7 =	vadd.s32 $0x5000, v10  }
0x24a: {  	v15 =	vadd.s32 $0xC800, v5;
	v8 =	vld [tilespmem:s31+$0xB0]  }
0x24b: {  	v16 =	vld [tilespmem:s0+$0xFFFFFE90]  }
0x24c: {  	[tilespmem:v9+s29+$0x0] =	vst.idx.add.f32.msk $0xffff, v3  }
0x24d: {  	v9 =	vadd.s32 $0x11800, v2;
	v2 =	vmov v10;
	v3 =	vld [tilespmem:s4+$0x1D0]  }
0x24e: {  	v4 =	vadd.s32 $0x11800, v4;
	[tilespmem:v7+s29+$0x0] =	vst.idx.add.f32.msk $0xffff, v11  }
0x24f: {  	v7 =	vadd.s32 $0x7800, v6;
	[tilespmem:v15+s29+$0x0] =	vst.idx.add.f32.msk $0xffff, v8  }
0x250: {  	[tilespmem:v14+s29+$0x0] =	vst.idx.add.f32.msk $0xffff, v16  }
0x251: {  	v8 =	vld [tilespmem:s0+$0xFFFFFF10]  }
0x252: {  	v11 =	vadd.s32 $0xF000, v5;
	v10 =	vld [tilespmem:s31+$0x130]  }
0x253: {  	[tilespmem:v4+s29+$0x0] =	vst.idx.add.f32.msk $0xffff, v3  }
0x254: {  	v3 =	vld [tilespmem:s24+$0x60]  }
0x255: {  	v14 =	vadd.s32 $0xA000, v6;
	v4 =	vld [tilespmem:s4+$0xFFFFFE60]  }
0x256: {  	[tilespmem:v12+s29+$0x0] =	vst.idx.add.f32.msk $0xffff, v8  }
0x257: {  	[tilespmem:v11+s29+$0x0] =	vst.idx.add.f32.msk $0xffff, v10  }
0x258: {  	v8 =	vld [tilespmem:s0+$0xFFFFFF90]  }
0x259: {  	v10 =	vld [tilespmem:s31+$0x1B0]  }
0x25a: {  	v5 =	vadd.s32 $0x11800, v5;
	v11 =	vld [tilespmem:s17+$0xFFFFFFF0]  }
0x25b: {  	v12 =	vadd.s32 $0xC800, v6;
	[tilespmem:v9+s29+$0x0] =	vst.idx.add.f32.msk $0xffff, v13  }
0x25c: {  	[tilespmem:v3+s29+$0x0] =	vst.idx.add.f32.msk $0xffff, v4  }
0x25d: {  	[tilespmem:v7+s29+$0x0] =	vst.idx.add.f32.msk $0xffff, v8  }
0x25e: {  	v7 =	vld [tilespmem:s0+$0x10]  }
0x25f: {  	[tilespmem:v5+s29+$0x0] =	vst.idx.add.f32.msk $0xffff, v10  }
0x260: {  	v5 =	vadd.s32 $0x7800, v2;
	v4 =	vld [tilespmem:s9+$0x40]  }
0x261: {  	v8 =	vadd.s32 $0xF000, v6;
	v9 =	vld [tilespmem:s31+$0xFFFFFE40]  }
0x262: {  	v13 =	vadd.s32 $0x2800, v3;
	v10 =	vld [tilespmem:s4+$0xFFFFFEE0]  }
0x263: {  	[tilespmem:v14+s29+$0x0] =	vst.idx.add.f32.msk $0xffff, v7  }
0x264: {  	v7 =	vld [tilespmem:s0+$0x90]  }
0x265: {  	[tilespmem:v5+s29+$0x0] =	vst.idx.add.f32.msk $0xffff, v11  }
0x266: {  	v5 =	vld [tilespmem:s17+$0x70]  }
0x267: {  	v6 =	vadd.s32 $0x11800, v6;
	[tilespmem:v13+s29+$0x0] =	vst.idx.add.f32.msk $0xffff, v10  }
0x268: {  	[tilespmem:v4+s29+$0x0] =	vst.idx.add.f32.msk $0xffff, v9;
	v9 =	vadd.s32 $0xA000, v2  }
0x269: {  	[tilespmem:v12+s29+$0x0] =	vst.idx.add.f32.msk $0xffff, v7  }
0x26a: {  	v7 =	vld [tilespmem:s0+$0x110]  }
0x26b: {  	v10 =	vld [tilespmem:s31+$0xFFFFFEC0]  }
0x26c: {  	v11 =	vadd.s32 $0x2800, v4;
	v12 =	vld [tilespmem:s4+$0xFFFFFF60]  }
0x26d: {  	[tilespmem:v9+s29+$0x0] =	vst.idx.add.f32.msk $0xffff, v5  }
0x26e: {  	v5 =	vadd.s32 $0x5000, v3;
	v9 =	vld [tilespmem:s17+$0xF0]  }
0x26f: {  	[tilespmem:v8+s29+$0x0] =	vst.idx.add.f32.msk $0xffff, v7  }
0x270: {  	v7 =	vld [tilespmem:s0+$0x190]  }
0x271: {  	[tilespmem:v11+s29+$0x0] =	vst.idx.add.f32.msk $0xffff, v10  }
0x272: {  	v11 =	vadd.s32 $0x5000, v4;
	v10 =	vld [tilespmem:s31+$0xFFFFFF40]  }
0x273: {  	[tilespmem:v5+s29+$0x0] =	vst.idx.add.f32.msk $0xffff, v12  }
0x274: {  	v5 =	vld [tilespmem:s4+$0xFFFFFFE0]  }
0x275: {  	[tilespmem:v6+s29+$0x0] =	vst.idx.add.f32.msk $0xffff, v7;
	v6 =	vadd.s32 $0x7800, v3  }
0x276: {  	v8 =	vld [tilespmem:s7+$0x20]  }
0x277: {  	v7 =	vadd.s32 $0xC800, v2;
	[tilespmem:v11+s29+$0x0] =	vst.idx.add.f32.msk $0xffff, v10  }
0x278: {  	v11 =	vadd.s32 $0x7800, v4;
	v10 =	vld [tilespmem:s31+$0xFFFFFFC0]  }
0x279: {  	v12 =	vld [tilespmem:s0+$0xFFFFFE20]  }
0x27a: {  	[tilespmem:v6+s29+$0x0] =	vst.idx.add.f32.msk $0xffff, v5  }
0x27b: {  	v5 =	vld [tilespmem:s4+$0x60]  }
0x27c: {  	v6 =	vadd.s32 $0xA000, v3;
	[tilespmem:v7+s29+$0x0] =	vst.idx.add.f32.msk $0xffff, v9  }
0x27d: {  	[tilespmem:v11+s29+$0x0] =	vst.idx.add.f32.msk $0xffff, v10  }
0x27e: {  	[tilespmem:v8+s29+$0x0] =	vst.idx.add.f32.msk $0xffff, v12  }
0x27f: {  	v11 =	vadd.s32 $0x2800, v8;
	v7 =	vld [tilespmem:s0+$0xFFFFFEA0]  }
0x280: {  	v9 =	vld [tilespmem:s31+$0x40]  }
.Ltmp5:
0x281: {  	v10 =	vadd.s32 $0xA000, v4;
	[tilespmem:v6+s29+$0x0] =	vst.idx.add.f32.msk $0xffff, v5;
	(pc) =	sbr.rel @!p0 .LBB2_9-.Ltmp5, $4  }
0x282: {  	v6 =	vld [tilespmem:s4+$0xE0]  }
0x283: {  	v5 =	vld [tilespmem:s17+$0x170]  }
0x284: {  	[tilespmem:v11+s29+$0x0] =	vst.idx.add.f32.msk $0xffff, v7;
	v7 =	vadd.s32 $0xC800, v3  }
0x285: {  	v12 =	vadd.s32 $0x5000, v8;
	v11 =	vld [tilespmem:s0+$0xFFFFFF20]  }
0x286: {  	_ =	sdelay $0x3  }
0x287: {  	[tilespmem:v12+s29+$0x0] =	vst.idx.add.f32.msk $0xffff, v11  }
0x288: {  	v12 =	vadd.s32 $0x7800, v8;
	v11 =	vld [tilespmem:s3+$0xFFFFFFA0];
	_ =	sdelay $0x4  }
0x289: {  	[tilespmem:v12+s29+$0x0] =	vst.idx.add.f32.msk $0xffff, v11  }
0x28a: {  	v12 =	vadd.s32 $0xA000, v8;
	v11 =	vld [tilespmem:s3+$0x20];
	_ =	sdelay $0x4  }
0x28b: {  	[tilespmem:v12+s29+$0x0] =	vst.idx.add.f32.msk $0xffff, v11  }
0x28c: {  	v12 =	vadd.s32 $0xC800, v8;
	v11 =	vld [tilespmem:s3+$0xA0];
	_ =	sdelay $0x4  }
0x28d: {  	[tilespmem:v12+s29+$0x0] =	vst.idx.add.f32.msk $0xffff, v11  }
0x28e: {  	v12 =	vadd.s32 $0xF000, v8;
	v11 =	vld [tilespmem:s3+$0x120];
	_ =	sdelay $0x4  }
0x28f: {  	[tilespmem:v12+s29+$0x0] =	vst.idx.add.f32.msk $0xffff, v11  }
0x290: {  	v8 =	vadd.s32 $0x11800, v8;
	v11 =	vld [tilespmem:s3+$0x1A0];
	_ =	sdelay $0x4  }
0x291: {  	[tilespmem:v8+s29+$0x0] =	vst.idx.add.f32.msk $0xffff, v11  }
0x292: {  	v8 =	vld [tilespmem:s7+$0x30];
	_ =	sdelay $0x2  }
0x293: {  	v11 =	vld [tilespmem:s3+$0xFFFFFE30];
	_ =	sdelay $0x4  }
0x294: {  	[tilespmem:v8+s29+$0x0] =	vst.idx.add.f32.msk $0xffff, v11  }
0x295: {  	v12 =	vadd.s32 $0x2800, v8;
	v11 =	vld [tilespmem:s3+$0xFFFFFEB0];
	_ =	sdelay $0x4  }
0x296: {  	[tilespmem:v12+s29+$0x0] =	vst.idx.add.f32.msk $0xffff, v11  }
0x297: {  	v12 =	vadd.s32 $0x5000, v8;
	v11 =	vld [tilespmem:s3+$0xFFFFFF30];
	_ =	sdelay $0x4  }
0x298: {  	[tilespmem:v12+s29+$0x0] =	vst.idx.add.f32.msk $0xffff, v11  }
0x299: {  	v12 =	vadd.s32 $0x7800, v8;
	v11 =	vld [tilespmem:s3+$0xFFFFFFB0];
	_ =	sdelay $0x4  }
0x29a: {  	[tilespmem:v12+s29+$0x0] =	vst.idx.add.f32.msk $0xffff, v11  }
0x29b: {  	v12 =	vadd.s32 $0xA000, v8;
	v11 =	vld [tilespmem:s3+$0x30];
	_ =	sdelay $0x4  }
0x29c: {  	[tilespmem:v12+s29+$0x0] =	vst.idx.add.f32.msk $0xffff, v11  }
0x29d: {  	v12 =	vadd.s32 $0xC800, v8;
	v11 =	vld [tilespmem:s3+$0xB0];
	_ =	sdelay $0x4  }
0x29e: {  	[tilespmem:v12+s29+$0x0] =	vst.idx.add.f32.msk $0xffff, v11  }
0x29f: {  	v12 =	vadd.s32 $0xF000, v8;
	v11 =	vld [tilespmem:s3+$0x130];
	_ =	sdelay $0x4  }
0x2a0: {  	[tilespmem:v12+s29+$0x0] =	vst.idx.add.f32.msk $0xffff, v11  }
0x2a1: {  	v8 =	vadd.s32 $0x11800, v8;
	v11 =	vld [tilespmem:s3+$0x1B0];
	_ =	sdelay $0x4  }
0x2a2: {  	[tilespmem:v8+s29+$0x0] =	vst.idx.add.f32.msk $0xffff, v11  }
0x2a3: {  	v8 =	vld [tilespmem:s7+$0x40];
	_ =	sdelay $0x2  }
0x2a4: {  	v11 =	vld [tilespmem:s3+$0xFFFFFE40];
	_ =	sdelay $0x4  }
0x2a5: {  	[tilespmem:v8+s29+$0x0] =	vst.idx.add.f32.msk $0xffff, v11  }
0x2a6: {  	v12 =	vadd.s32 $0x2800, v8;
	v11 =	vld [tilespmem:s3+$0xFFFFFEC0];
	_ =	sdelay $0x2  }
0x2a7: {  	[tilespmem:v10+s29+$0x0] =	vst.idx.add.f32.msk $0xffff, v9  }
0x2a8: {  	v10 =	vadd.s32 $0xC800, v4;
	v9 =	vld [tilespmem:s31+$0xC0]  }
0x2a9: {  	[tilespmem:v12+s29+$0x0] =	vst.idx.add.f32.msk $0xffff, v11  }
0x2aa: {  	v12 =	vadd.s32 $0x5000, v8;
	v11 =	vld [tilespmem:s3+$0xFFFFFF40];
	_ =	sdelay $0x2  }
0x2ab: {  	[tilespmem:v10+s29+$0x0] =	vst.idx.add.f32.msk $0xffff, v9  }
0x2ac: {  	v10 =	vadd.s32 $0xF000, v4;
	v9 =	vld [tilespmem:s31+$0x140]  }
0x2ad: {  	[tilespmem:v12+s29+$0x0] =	vst.idx.add.f32.msk $0xffff, v11  }
0x2ae: {  	v12 =	vadd.s32 $0x7800, v8;
	v11 =	vld [tilespmem:s3+$0xFFFFFFC0];
	_ =	sdelay $0x2  }
0x2af: {  	[tilespmem:v10+s29+$0x0] =	vst.idx.add.f32.msk $0xffff, v9  }
0x2b0: {  	v9 =	vld [tilespmem:s31+$0x1C0]  }
0x2b1: {  	v4 =	vadd.s32 $0x11800, v4;
	[tilespmem:v12+s29+$0x0] =	vst.idx.add.f32.msk $0xffff, v11  }
0x2b2: {  	v12 =	vadd.s32 $0xA000, v8;
	v11 =	vld [tilespmem:s3+$0x40];
	_ =	sdelay $0x3  }
0x2b3: {  	[tilespmem:v4+s29+$0x0] =	vst.idx.add.f32.msk $0xffff, v9  }
0x2b4: {  	[tilespmem:v12+s29+$0x0] =	vst.idx.add.f32.msk $0xffff, v11  }
0x2b5: {  	v12 =	vadd.s32 $0xC800, v8;
	v11 =	vld [tilespmem:s3+$0xC0]  }
0x2b6: {  	v4 =	vld [tilespmem:s9+$0x50];
	_ =	sdelay $0x2  }
0x2b7: {  	v9 =	vld [tilespmem:s31+$0xFFFFFE50]  }
0x2b8: {  	[tilespmem:v12+s29+$0x0] =	vst.idx.add.f32.msk $0xffff, v11  }
0x2b9: {  	v12 =	vadd.s32 $0xF000, v8;
	v11 =	vld [tilespmem:s3+$0x140];
	_ =	sdelay $0x2  }
0x2ba: {  	[tilespmem:v4+s29+$0x0] =	vst.idx.add.f32.msk $0xffff, v9  }
0x2bb: {  	v9 =	vld [tilespmem:s31+$0xFFFFFED0]  }
0x2bc: {  	[tilespmem:v12+s29+$0x0] =	vst.idx.add.f32.msk $0xffff, v11;
	v11 =	vadd.s32 $0x2800, v4  }
0x2bd: {  	v8 =	vadd.s32 $0x11800, v8;
	v10 =	vld [tilespmem:s3+$0x1C0];
	_ =	sdelay $0x3  }
0x2be: {  	[tilespmem:v11+s29+$0x0] =	vst.idx.add.f32.msk $0xffff, v9  }
0x2bf: {  	[tilespmem:v8+s29+$0x0] =	vst.idx.add.f32.msk $0xffff, v10  }
0x2c0: {  	v8 =	vld [tilespmem:s7+$0x50]  }
0x2c1: {  	v11 =	vadd.s32 $0x5000, v4;
	v9 =	vld [tilespmem:s31+$0xFFFFFF50];
	_ =	sdelay $0x1  }
0x2c2: {  	v10 =	vld [tilespmem:s3+$0xFFFFFE50];
	_ =	sdelay $0x2  }
0x2c3: {  	[tilespmem:v11+s29+$0x0] =	vst.idx.add.f32.msk $0xffff, v9  }
0x2c4: {  	v11 =	vadd.s32 $0x7800, v4;
	v9 =	vld [tilespmem:s31+$0xFFFFFFD0]  }
0x2c5: {  	[tilespmem:v8+s29+$0x0] =	vst.idx.add.f32.msk $0xffff, v10  }
0x2c6: {  	v12 =	vadd.s32 $0x2800, v8;
	v10 =	vld [tilespmem:s3+$0xFFFFFED0];
	_ =	sdelay $0x2  }
0x2c7: {  	[tilespmem:v11+s29+$0x0] =	vst.idx.add.f32.msk $0xffff, v9  }
0x2c8: {  	v11 =	vadd.s32 $0xA000, v4;
	v9 =	vld [tilespmem:s31+$0x50]  }
0x2c9: {  	[tilespmem:v12+s29+$0x0] =	vst.idx.add.f32.msk $0xffff, v10  }
0x2ca: {  	v12 =	vadd.s32 $0x5000, v8;
	v10 =	vld [tilespmem:s3+$0xFFFFFF50];
	_ =	sdelay $0x2  }
0x2cb: {  	[tilespmem:v11+s29+$0x0] =	vst.idx.add.f32.msk $0xffff, v9  }
0x2cc: {  	v11 =	vadd.s32 $0xC800, v4;
	v9 =	vld [tilespmem:s31+$0xD0]  }
0x2cd: {  	[tilespmem:v12+s29+$0x0] =	vst.idx.add.f32.msk $0xffff, v10  }
0x2ce: {  	v12 =	vadd.s32 $0x7800, v8;
	v10 =	vld [tilespmem:s3+$0xFFFFFFD0];
	_ =	sdelay $0x2  }
0x2cf: {  	[tilespmem:v11+s29+$0x0] =	vst.idx.add.f32.msk $0xffff, v9  }
0x2d0: {  	v11 =	vadd.s32 $0xF000, v4;
	v9 =	vld [tilespmem:s31+$0x150]  }
0x2d1: {  	[tilespmem:v12+s29+$0x0] =	vst.idx.add.f32.msk $0xffff, v10  }
0x2d2: {  	v12 =	vadd.s32 $0xA000, v8;
	v10 =	vld [tilespmem:s3+$0x50];
	_ =	sdelay $0x2  }
0x2d3: {  	[tilespmem:v11+s29+$0x0] =	vst.idx.add.f32.msk $0xffff, v9  }
0x2d4: {  	v9 =	vld [tilespmem:s31+$0x1D0]  }
0x2d5: {  	v4 =	vadd.s32 $0x11800, v4;
	[tilespmem:v12+s29+$0x0] =	vst.idx.add.f32.msk $0xffff, v10  }
0x2d6: {  	v12 =	vadd.s32 $0xC800, v8;
	v10 =	vld [tilespmem:s3+$0xD0];
	_ =	sdelay $0x3  }
0x2d7: {  	[tilespmem:v4+s29+$0x0] =	vst.idx.add.f32.msk $0xffff, v9  }
0x2d8: {  	[tilespmem:v12+s29+$0x0] =	vst.idx.add.f32.msk $0xffff, v10  }
0x2d9: {  	v12 =	vadd.s32 $0xF000, v8;
	v10 =	vld [tilespmem:s3+$0x150]  }
0x2da: {  	v4 =	vld [tilespmem:s9+$0x60];
	_ =	sdelay $0x2  }
0x2db: {  	v9 =	vld [tilespmem:s31+$0xFFFFFE60]  }
0x2dc: {  	[tilespmem:v12+s29+$0x0] =	vst.idx.add.f32.msk $0xffff, v10  }
0x2dd: {  	v8 =	vadd.s32 $0x11800, v8;
	v10 =	vld [tilespmem:s3+$0x1D0];
	_ =	sdelay $0x2  }
0x2de: {  	[tilespmem:v4+s29+$0x0] =	vst.idx.add.f32.msk $0xffff, v9  }
0x2df: {  	v9 =	vld [tilespmem:s31+$0xFFFFFEE0]  }
0x2e0: {  	v11 =	vadd.s32 $0x2800, v4;
	[tilespmem:v8+s29+$0x0] =	vst.idx.add.f32.msk $0xffff, v10  }
0x2e1: {  	v8 =	vld [tilespmem:s7+$0x60];
	_ =	sdelay $0x2  }
0x2e2: {  	v10 =	vld [tilespmem:s3+$0xFFFFFE60]  }
0x2e3: {  	[tilespmem:v11+s29+$0x0] =	vst.idx.add.f32.msk $0xffff, v9  }
0x2e4: {  	v11 =	vadd.s32 $0x5000, v4;
	v9 =	vld [tilespmem:s31+$0xFFFFFF60];
	_ =	sdelay $0x2  }
0x2e5: {  	[tilespmem:v8+s29+$0x0] =	vst.idx.add.f32.msk $0xffff, v10  }
0x2e6: {  	v12 =	vadd.s32 $0x2800, v8;
	v10 =	vld [tilespmem:s3+$0xFFFFFEE0]  }
0x2e7: {  	[tilespmem:v11+s29+$0x0] =	vst.idx.add.f32.msk $0xffff, v9  }
0x2e8: {  	v11 =	vadd.s32 $0x7800, v4;
	v9 =	vld [tilespmem:s31+$0xFFFFFFE0];
	_ =	sdelay $0x2  }
0x2e9: {  	[tilespmem:v12+s29+$0x0] =	vst.idx.add.f32.msk $0xffff, v10  }
0x2ea: {  	v12 =	vadd.s32 $0x5000, v8;
	v10 =	vld [tilespmem:s3+$0xFFFFFF60]  }
0x2eb: {  	[tilespmem:v11+s29+$0x0] =	vst.idx.add.f32.msk $0xffff, v9  }
0x2ec: {  	v11 =	vadd.s32 $0xA000, v4;
	v9 =	vld [tilespmem:s31+$0x60]  }
0x2ed: {  	[tilespmem:v7+s29+$0x0] =	vst.idx.add.f32.msk $0xffff, v6  }
0x2ee: {  	v6 =	vld [tilespmem:s4+$0x160]  }
0x2ef: {  	v7 =	vadd.s32 $0xF000, v3;
	[tilespmem:v12+s29+$0x0] =	vst.idx.add.f32.msk $0xffff, v10  }
0x2f0: {  	v12 =	vadd.s32 $0x7800, v8;
	v10 =	vld [tilespmem:s3+$0xFFFFFFE0]  }
0x2f1: {  	[tilespmem:v11+s29+$0x0] =	vst.idx.add.f32.msk $0xffff, v9  }
0x2f2: {  	v11 =	vadd.s32 $0xC800, v4;
	v9 =	vld [tilespmem:s31+$0xE0];
	_ =	sdelay $0x1  }
0x2f3: {  	[tilespmem:v7+s29+$0x0] =	vst.idx.add.f32.msk $0xffff, v6  }
0x2f4: {  	[tilespmem:v12+s29+$0x0] =	vst.idx.add.f32.msk $0xffff, v10  }
0x2f5: {  	v12 =	vadd.s32 $0xA000, v8;
	v10 =	vld [tilespmem:s3+$0x60]  }
0x2f6: {  	[tilespmem:v11+s29+$0x0] =	vst.idx.add.f32.msk $0xffff, v9  }
0x2f7: {  	v9 =	vadd.s32 $0xF000, v4;
	v7 =	vld [tilespmem:s31+$0x160];
	_ =	sdelay $0x1  }
0x2f8: {  	v6 =	vld [tilespmem:s4+$0x1E0]  }
0x2f9: {  	v3 =	vadd.s32 $0x11800, v3;
	[tilespmem:v12+s29+$0x0] =	vst.idx.add.f32.msk $0xffff, v10  }
0x2fa: {  	v12 =	vadd.s32 $0xC800, v8;
	v10 =	vld [tilespmem:s3+$0xE0]  }
0x2fb: {  	[tilespmem:v9+s29+$0x0] =	vst.idx.add.f32.msk $0xffff, v7  }
0x2fc: {  	v4 =	vadd.s32 $0x11800, v4;
	v7 =	vld [tilespmem:s31+$0x1E0];
	_ =	sdelay $0x1  }
0x2fd: {  	[tilespmem:v3+s29+$0x0] =	vst.idx.add.f32.msk $0xffff, v6  }
0x2fe: {  	[tilespmem:v12+s29+$0x0] =	vst.idx.add.f32.msk $0xffff, v10  }
0x2ff: {  	v11 =	vadd.s32 $0xF000, v8;
	v10 =	vld [tilespmem:s3+$0x160]  }
0x300: {  	[tilespmem:v4+s29+$0x0] =	vst.idx.add.f32.msk $0xffff, v7  }
0x301: {  	v4 =	vld [tilespmem:s9+$0x70]  }
0x302: {  	v3 =	vadd.s32 $0xF000, v2;
	v6 =	vld [tilespmem:s24+$0x70]  }
0x303: {  	v7 =	vld [tilespmem:s31+$0xFFFFFE70]  }
0x304: {  	[tilespmem:v11+s29+$0x0] =	vst.idx.add.f32.msk $0xffff, v10  }
0x305: {  	v8 =	vadd.s32 $0x11800, v8;
	v9 =	vld [tilespmem:s3+$0x1E0];
	_ =	sdelay $0x1  }
0x306: {  	[tilespmem:v3+s29+$0x0] =	vst.idx.add.f32.msk $0xffff, v5  }
0x307: {  	v3 =	vld [tilespmem:s4+$0xFFFFFE70]  }
0x308: {  	[tilespmem:v4+s29+$0x0] =	vst.idx.add.f32.msk $0xffff, v7  }
0x309: {  	[tilespmem:v8+s29+$0x0] =	vst.idx.add.f32.msk $0xffff, v9  }
0x30a: {  	v5 =	vld [tilespmem:s7+$0x70]  }
0x30b: {  	v7 =	vld [tilespmem:s31+$0xFFFFFEF0];
	v11 =	vadd.s32 $0x2800, v4  }
0x30c: {  	[tilespmem:v6+s29+$0x0] =	vst.idx.add.f32.msk $0xffff, v3  }
0x30d: {  	v3 =	vld [tilespmem:s3+$0xFFFFFE70];
	_ =	sdelay $0x2  }
0x30e: {  	[tilespmem:v11+s29+$0x0] =	vst.idx.add.f32.msk $0xffff, v7  }
0x30f: {  	v10 =	vadd.s32 $0x2800, v6;
	v8 =	vld [tilespmem:s4+$0xFFFFFEF0]  }
0x310: {  	[tilespmem:v5+s29+$0x0] =	vst.idx.add.f32.msk $0xffff, v3  }
0x311: {  	v12 =	vadd.s32 $0x2800, v5;
	v3 =	vld [tilespmem:s3+$0xFFFFFEF0]  }
0x312: {  	v9 =	vld [tilespmem:s17+$0x1F0]  }
0x313: {  	v11 =	vadd.s32 $0x5000, v4;
	v7 =	vld [tilespmem:s31+$0xFFFFFF70]  }
0x314: {  	[tilespmem:v10+s29+$0x0] =	vst.idx.add.f32.msk $0xffff, v8  }
0x315: {  	v10 =	vadd.s32 $0x5000, v6;
	v8 =	vld [tilespmem:s4+$0xFFFFFF70]  }
0x316: {  	[tilespmem:v12+s29+$0x0] =	vst.idx.add.f32.msk $0xffff, v3  }
0x317: {  	v12 =	vadd.s32 $0x5000, v5;
	v3 =	vld [tilespmem:s3+$0xFFFFFF70]  }
0x318: {  	[tilespmem:v11+s29+$0x0] =	vst.idx.add.f32.msk $0xffff, v7  }
0x319: {  	v11 =	vadd.s32 $0x7800, v4;
	v7 =	vld [tilespmem:s31+$0xFFFFFFF0]  }
0x31a: {  	[tilespmem:v10+s29+$0x0] =	vst.idx.add.f32.msk $0xffff, v8  }
0x31b: {  	v10 =	vadd.s32 $0x7800, v6;
	v8 =	vld [tilespmem:s4+$0xFFFFFFF0]  }
0x31c: {  	[tilespmem:v12+s29+$0x0] =	vst.idx.add.f32.msk $0xffff, v3  }
0x31d: {  	v12 =	vadd.s32 $0x7800, v5;
	v3 =	vld [tilespmem:s3+$0xFFFFFFF0]  }
0x31e: {  	[tilespmem:v11+s29+$0x0] =	vst.idx.add.f32.msk $0xffff, v7  }
0x31f: {  	v11 =	vadd.s32 $0xA000, v4;
	v7 =	vld [tilespmem:s31+$0x70]  }
0x320: {  	[tilespmem:v10+s29+$0x0] =	vst.idx.add.f32.msk $0xffff, v8  }
0x321: {  	v10 =	vadd.s32 $0xA000, v6;
	v8 =	vld [tilespmem:s4+$0x70]  }
0x322: {  	[tilespmem:v12+s29+$0x0] =	vst.idx.add.f32.msk $0xffff, v3  }
0x323: {  	v12 =	vadd.s32 $0xA000, v5;
	v3 =	vld [tilespmem:s3+$0x70]  }
0x324: {  	[tilespmem:v11+s29+$0x0] =	vst.idx.add.f32.msk $0xffff, v7  }
0x325: {  	v11 =	vadd.s32 $0xC800, v4;
	v7 =	vld [tilespmem:s31+$0xF0]  }
0x326: {  	[tilespmem:v10+s29+$0x0] =	vst.idx.add.f32.msk $0xffff, v8  }
0x327: {  	v10 =	vadd.s32 $0xC800, v6;
	v8 =	vld [tilespmem:s4+$0xF0]  }
0x328: {  	[tilespmem:v12+s29+$0x0] =	vst.idx.add.f32.msk $0xffff, v3  }
0x329: {  	v12 =	vadd.s32 $0xC800, v5;
	v3 =	vld [tilespmem:s3+$0xF0]  }
0x32a: {  	[tilespmem:v11+s29+$0x0] =	vst.idx.add.f32.msk $0xffff, v7  }
0x32b: {  	v11 =	vadd.s32 $0xF000, v4;
	v7 =	vld [tilespmem:s31+$0x170]  }
0x32c: {  	[tilespmem:v10+s29+$0x0] =	vst.idx.add.f32.msk $0xffff, v8  }
0x32d: {  	v10 =	vadd.s32 $0xF000, v6;
	v8 =	vld [tilespmem:s4+$0x170]  }
0x32e: {  	[tilespmem:v12+s29+$0x0] =	vst.idx.add.f32.msk $0xffff, v3  }
0x32f: {  	v12 =	vadd.s32 $0xF000, v5;
	v3 =	vld [tilespmem:s3+$0x170]  }
0x330: {  	[tilespmem:v11+s29+$0x0] =	vst.idx.add.f32.msk $0xffff, v7  }
0x331: {  	v7 =	vld [tilespmem:s31+$0x1F0]  }
0x332: {  	v2 =	vadd.s32 $0x11800, v2;
	[tilespmem:v10+s29+$0x0] =	vst.idx.add.f32.msk $0xffff, v8  }
0x333: {  	v4 =	vadd.s32 $0x11800, v4;
	v8 =	vld [tilespmem:s4+$0x1F0]  }
0x334: {  	v6 =	vadd.s32 $0x11800, v6;
	[tilespmem:v12+s29+$0x0] =	vst.idx.add.f32.msk $0xffff, v3  }
0x335: {  	p0 =	seq.s32 s20, $0x4;
	v5 =	vadd.s32 $0x11800, v5;
	v3 =	vld [tilespmem:s3+$0x1F0]  }
0x336: {  	s0 =	sadd.s32 @!p0 s10, s13  }
0x337: {  	s0 =	smin.u32 @!p0 s0, $0x9B4;
	[tilespmem:v2+s29+$0x0] =	vst.idx.add.f32.msk $0xffff, v9  }
0x338: {  	[tilespmem:v4+s29+$0x0] =	vst.idx.add.f32.msk $0xffff, v7;
	s3 =	sshll.u32 @!p0 s0, $0x5;
	s0 =	sshll.u32 @!p0 s0, $0xA  }
0x339: {  	s5 =	simm.s32 @!p0 $0x100;
	s7 =	simm.s32 @!p0 $0x0;
	[tilespmem:v6+s29+$0x0] =	vst.idx.add.f32.msk $0xffff, v8;
	s0 =	sadd.s32 @!p0 s6, s0  }
0x33a: {  	s4 =	simm.s32 @!p0 $0x80;
	s3 =	sadd.s32 @!p0 s2, s3;
	s0 =	sshrl.u32 @!p0 s0, $0x3;
	[tilespmem:v5+s29+$0x0] =	vst.idx.add.f32.msk $0xffff, v3  }
0x33b: {  	[tilespmem:s7], [sflag:$0x1] =	stream.strided.gather @!p0 [hbm4b:s3+s4], $0x800, s5, s4, $0x38;
	[tilespmem:$0x1FA80] =	vst v63  }
0x33c: {  	s0 =	sadd.s32 @!p0 s1, s0;
	s3 =	simm.s32 @!p0 $0x1000  }
0x33d: {  	[tilespmem:s3], [sflag:$0x1] =	stream.linear.gather @!p0 [hbm4b:s0+s7], $0x4000, $0x38;
	[tilespmem:$0x1FA80] =	vst v63  }
0x33e: {  	_ =	swait.ge [sflag:s30], $0x800  }
0x33f: {  	v2 =	vmov s15;
	[sflag:s30] =	ssyncset.done $0x0  }
0x340: {  	[sflag:s30] =	ssyncadd.s32 $0xFFFFF800  }
0x341: {  	_ =	swait.ge [sflag:s30], $0x4000  }
0x342: {  	[sflag:s30] =	ssyncset.done $0x0  }
0x343: {  	s7 =	simm.s32 $0x0;
	[sflag:s30] =	ssyncadd.s32 $0xFFFFC000  }
0x344: {  	v3 =	vld.idx.msk [tilespmem:v2+s7+$0x1000 ss:$0x1], $0xffff;
	_ =	sdelay $0x2  }
0x345: {  	v4 =	vld [tilespmem:s11+$0xFFFFFE00];
	_ =	sdelay $0x4  }
0x346: {  	[tilespmem:v3+s29+$0x0] =	vst.idx.add.f32.msk $0xffff, v4  }
0x347: {  	v4 =	vadd.s32 $0x2800, v3;
	v5 =	vld [tilespmem:s11+$0xFFFFFE80];
	_ =	sdelay $0x4  }
0x348: {  	[tilespmem:v4+s29+$0x0] =	vst.idx.add.f32.msk $0xffff, v5  }
0x349: {  	v4 =	vadd.s32 $0x5000, v3;
	v5 =	vld [tilespmem:s11+$0xFFFFFF00];
	_ =	sdelay $0x4  }
0x34a: {  	[tilespmem:v4+s29+$0x0] =	vst.idx.add.f32.msk $0xffff, v5  }
0x34b: {  	v4 =	vadd.s32 $0x7800, v3;
	v5 =	vld [tilespmem:s11+$0xFFFFFF80];
	_ =	sdelay $0x4  }
0x34c: {  	[tilespmem:v4+s29+$0x0] =	vst.idx.add.f32.msk $0xffff, v5  }
0x34d: {  	v4 =	vadd.s32 $0xA000, v3;
	v5 =	vld [tilespmem:s11+$0x0];
	_ =	sdelay $0x4  }
0x34e: {  	[tilespmem:v4+s29+$0x0] =	vst.idx.add.f32.msk $0xffff, v5  }
0x34f: {  	v4 =	vadd.s32 $0xC800, v3;
	v5 =	vld [tilespmem:s11+$0x80];
	_ =	sdelay $0x4  }
0x350: {  	[tilespmem:v4+s29+$0x0] =	vst.idx.add.f32.msk $0xffff, v5  }
0x351: {  	v4 =	vadd.s32 $0xF000, v3;
	v5 =	vld [tilespmem:s11+$0x100];
	_ =	sdelay $0x4  }
0x352: {  	[tilespmem:v4+s29+$0x0] =	vst.idx.add.f32.msk $0xffff, v5  }
0x353: {  	v3 =	vadd.s32 $0x11800, v3;
	v4 =	vld [tilespmem:s11+$0x180];
	_ =	sdelay $0x4  }
0x354: {  	[tilespmem:v3+s29+$0x0] =	vst.idx.add.f32.msk $0xffff, v4  }
0x355: {  	v3 =	vld.idx.msk [tilespmem:v2+s7+$0x1010 ss:$0x1], $0xffff;
	_ =	sdelay $0x2  }
0x356: {  	v4 =	vld [tilespmem:s11+$0xFFFFFE10];
	_ =	sdelay $0x4  }
0x357: {  	[tilespmem:v3+s29+$0x0] =	vst.idx.add.f32.msk $0xffff, v4  }
0x358: {  	v5 =	vadd.s32 $0x2800, v3;
	v4 =	vld [tilespmem:s11+$0xFFFFFE90];
	_ =	sdelay $0x4  }
0x359: {  	[tilespmem:v5+s29+$0x0] =	vst.idx.add.f32.msk $0xffff, v4  }
0x35a: {  	v5 =	vadd.s32 $0x5000, v3;
	v4 =	vld [tilespmem:s11+$0xFFFFFF10];
	_ =	sdelay $0x4  }
0x35b: {  	[tilespmem:v5+s29+$0x0] =	vst.idx.add.f32.msk $0xffff, v4  }
0x35c: {  	v5 =	vadd.s32 $0x7800, v3;
	v4 =	vld [tilespmem:s11+$0xFFFFFF90];
	_ =	sdelay $0x4  }
0x35d: {  	[tilespmem:v5+s29+$0x0] =	vst.idx.add.f32.msk $0xffff, v4  }
0x35e: {  	v5 =	vadd.s32 $0xA000, v3;
	v4 =	vld [tilespmem:s11+$0x10];
	_ =	sdelay $0x4  }
0x35f: {  	[tilespmem:v5+s29+$0x0] =	vst.idx.add.f32.msk $0xffff, v4  }
0x360: {  	v5 =	vadd.s32 $0xC800, v3;
	v4 =	vld [tilespmem:s11+$0x90];
	_ =	sdelay $0x4  }
0x361: {  	[tilespmem:v5+s29+$0x0] =	vst.idx.add.f32.msk $0xffff, v4  }
0x362: {  	v5 =	vadd.s32 $0xF000, v3;
	v4 =	vld [tilespmem:s11+$0x110];
	_ =	sdelay $0x4  }
0x363: {  	[tilespmem:v5+s29+$0x0] =	vst.idx.add.f32.msk $0xffff, v4  }
0x364: {  	v3 =	vadd.s32 $0x11800, v3;
	v4 =	vld [tilespmem:s11+$0x190];
	_ =	sdelay $0x4  }
0x365: {  	[tilespmem:v3+s29+$0x0] =	vst.idx.add.f32.msk $0xffff, v4  }
0x366: {  	v6 =	vld.idx.msk [tilespmem:v2+s7+$0x1020 ss:$0x1], $0xffff;
	_ =	sdelay $0x2  }
0x367: {  	v3 =	vld [tilespmem:s11+$0xFFFFFE20];
	_ =	sdelay $0x4  }
0x368: {  	[tilespmem:v6+s29+$0x0] =	vst.idx.add.f32.msk $0xffff, v3  }
0x369: {  	v4 =	vadd.s32 $0x2800, v6;
	v3 =	vld [tilespmem:s11+$0xFFFFFEA0];
	_ =	sdelay $0x4  }
0x36a: {  	[tilespmem:v4+s29+$0x0] =	vst.idx.add.f32.msk $0xffff, v3  }
0x36b: {  	v4 =	vadd.s32 $0x5000, v6;
	v3 =	vld [tilespmem:s11+$0xFFFFFF20]  }
0x36c: {  	p4 =	seq.s32 s12, $0x200  }
.Ltmp6:
0x36d: {  	_ = 	snop;
	(pc) =	sbr.rel @p4 .LBB2_11-.Ltmp6, $3  }
0x36e: {  	_ =	sdelay $0x1  }
0x36f: {  	[tilespmem:v4+s29+$0x0] =	vst.idx.add.f32.msk $0xffff, v3  }
0x370: {  	p1 =	por $0x0, $0x0;
	p2 =	por $0x0, $0x0;
	p3 =	por $0x0, $0x0;
	v12 =	vadd.s32 $0x7800, v6;
	v11 =	vld [tilespmem:s11+$0xFFFFFFA0]  }
0x371: {  	_ =	sdelay $0x3  }
0x372: {  	[tilespmem:v12+s29+$0x0] =	vst.idx.add.f32.msk $0xffff, v11  }
0x373: {  	s0 =	simm.s32 $0x80;
	v4 =	vadd.s32 $0xA000, v6;
	v3 =	vld [tilespmem:s11+$0x20]  }
0x374: {  	v5 =	vld.idx.msk [tilespmem:v2+s0+$0x1000 ss:$0x1], $0xffff;
	_ =	sdelay $0x1  }
0x375: {  	s4 =	sadd.s32 $0x400, s11  }
0x376: {  	v7 =	vld [tilespmem:s4+$0xFFFFFE00]  }
0x377: {  	[tilespmem:v4+s29+$0x0] =	vst.idx.add.f32.msk $0xffff, v3  }
0x378: {  	v4 =	vadd.s32 $0xC800, v6;
	v3 =	vld [tilespmem:s11+$0xA0];
	_ =	sdelay $0x2  }
0x379: {  	[tilespmem:v5+s29+$0x0] =	vst.idx.add.f32.msk $0xffff, v7  }
0x37a: {  	v8 =	vadd.s32 $0x2800, v5;
	v7 =	vld [tilespmem:s4+$0xFFFFFE80]  }
0x37b: {  	[tilespmem:v4+s29+$0x0] =	vst.idx.add.f32.msk $0xffff, v3  }
0x37c: {  	v4 =	vadd.s32 $0xF000, v6;
	v3 =	vld [tilespmem:s11+$0x120];
	_ =	sdelay $0x2  }
0x37d: {  	[tilespmem:v8+s29+$0x0] =	vst.idx.add.f32.msk $0xffff, v7  }
0x37e: {  	v7 =	vld [tilespmem:s4+$0xFFFFFF00]  }
0x37f: {  	[tilespmem:v4+s29+$0x0] =	vst.idx.add.f32.msk $0xffff, v3;
	v4 =	vadd.s32 $0x11800, v6;
	v6 =	vadd.s32 $0x5000, v5  }
0x380: {  	v3 =	vld [tilespmem:s11+$0x1A0];
	_ =	sdelay $0x3  }
0x381: {  	[tilespmem:v6+s29+$0x0] =	vst.idx.add.f32.msk $0xffff, v7  }
0x382: {  	[tilespmem:v4+s29+$0x0] =	vst.idx.add.f32.msk $0xffff, v3  }
0x383: {  	v3 =	vadd.s32 $0x7800, v5;
	v4 =	vld [tilespmem:s4+$0xFFFFFF80]  }
0x384: {  	v6 =	vld.idx.msk [tilespmem:v2+s7+$0x1030 ss:$0x1], $0xffff;
	_ =	sdelay $0x2  }
0x385: {  	v7 =	vld [tilespmem:s11+$0xFFFFFE30]  }
0x386: {  	[tilespmem:v3+s29+$0x0] =	vst.idx.add.f32.msk $0xffff, v4  }
0x387: {  	v3 =	vadd.s32 $0xA000, v5;
	v4 =	vld [tilespmem:s4+$0x0];
	_ =	sdelay $0x2  }
0x388: {  	[tilespmem:v6+s29+$0x0] =	vst.idx.add.f32.msk $0xffff, v7  }
0x389: {  	v8 =	vadd.s32 $0x2800, v6;
	v7 =	vld [tilespmem:s11+$0xFFFFFEB0]  }
0x38a: {  	[tilespmem:v3+s29+$0x0] =	vst.idx.add.f32.msk $0xffff, v4  }
0x38b: {  	v3 =	vadd.s32 $0xC800, v5;
	v4 =	vld [tilespmem:s4+$0x80];
	_ =	sdelay $0x2  }
0x38c: {  	[tilespmem:v8+s29+$0x0] =	vst.idx.add.f32.msk $0xffff, v7  }
0x38d: {  	v8 =	vadd.s32 $0x5000, v6;
	v7 =	vld [tilespmem:s11+$0xFFFFFF30]  }
0x38e: {  	[tilespmem:v3+s29+$0x0] =	vst.idx.add.f32.msk $0xffff, v4  }
0x38f: {  	v3 =	vadd.s32 $0xF000, v5;
	v4 =	vld [tilespmem:s4+$0x100];
	_ =	sdelay $0x2  }
0x390: {  	[tilespmem:v8+s29+$0x0] =	vst.idx.add.f32.msk $0xffff, v7  }
0x391: {  	v7 =	vld [tilespmem:s11+$0xFFFFFFB0]  }
0x392: {  	v8 =	vadd.s32 $0x7800, v6;
	[tilespmem:v3+s29+$0x0] =	vst.idx.add.f32.msk $0xffff, v4  }
0x393: {  	v3 =	vadd.s32 $0x11800, v5;
	v4 =	vld [tilespmem:s4+$0x180];
	_ =	sdelay $0x3  }
0x394: {  	[tilespmem:v8+s29+$0x0] =	vst.idx.add.f32.msk $0xffff, v7  }
0x395: {  	[tilespmem:v3+s29+$0x0] =	vst.idx.add.f32.msk $0xffff, v4  }
0x396: {  	v3 =	vld.idx.msk [tilespmem:v2+s0+$0x1010 ss:$0x1], $0xffff  }
0x397: {  	v5 =	vadd.s32 $0xA000, v6;
	v4 =	vld [tilespmem:s11+$0x30];
	_ =	sdelay $0x1  }
0x398: {  	v7 =	vld [tilespmem:s4+$0xFFFFFE10];
	_ =	sdelay $0x2  }
0x399: {  	[tilespmem:v5+s29+$0x0] =	vst.idx.add.f32.msk $0xffff, v4  }
0x39a: {  	v5 =	vadd.s32 $0xC800, v6;
	v4 =	vld [tilespmem:s11+$0xB0]  }
0x39b: {  	[tilespmem:v3+s29+$0x0] =	vst.idx.add.f32.msk $0xffff, v7  }
0x39c: {  	v8 =	vadd.s32 $0x2800, v3;
	v7 =	vld [tilespmem:s4+$0xFFFFFE90];
	_ =	sdelay $0x2  }
0x39d: {  	[tilespmem:v5+s29+$0x0] =	vst.idx.add.f32.msk $0xffff, v4  }
0x39e: {  	v5 =	vadd.s32 $0xF000, v6;
	v4 =	vld [tilespmem:s11+$0x130]  }
0x39f: {  	[tilespmem:v8+s29+$0x0] =	vst.idx.add.f32.msk $0xffff, v7  }
0x3a0: {  	v8 =	vadd.s32 $0x5000, v3;
	v7 =	vld [tilespmem:s4+$0xFFFFFF10];
	_ =	sdelay $0x2  }
0x3a1: {  	[tilespmem:v5+s29+$0x0] =	vst.idx.add.f32.msk $0xffff, v4  }
0x3a2: {  	v4 =	vld [tilespmem:s11+$0x1B0]  }
0x3a3: {  	v5 =	vadd.s32 $0x11800, v6;
	[tilespmem:v8+s29+$0x0] =	vst.idx.add.f32.msk $0xffff, v7  }
0x3a4: {  	v7 =	vadd.s32 $0x7800, v3;
	v6 =	vld [tilespmem:s4+$0xFFFFFF90];
	_ =	sdelay $0x3  }
0x3a5: {  	[tilespmem:v5+s29+$0x0] =	vst.idx.add.f32.msk $0xffff, v4  }
0x3a6: {  	[tilespmem:v7+s29+$0x0] =	vst.idx.add.f32.msk $0xffff, v6  }
0x3a7: {  	v7 =	vld.idx.msk [tilespmem:v2+s7+$0x1040 ss:$0x1], $0xffff  }
0x3a8: {  	v5 =	vadd.s32 $0xA000, v3;
	v4 =	vld [tilespmem:s4+$0x10];
	_ =	sdelay $0x1  }
0x3a9: {  	v6 =	vld [tilespmem:s11+$0xFFFFFE40];
	_ =	sdelay $0x2  }
0x3aa: {  	[tilespmem:v5+s29+$0x0] =	vst.idx.add.f32.msk $0xffff, v4  }
0x3ab: {  	v5 =	vadd.s32 $0xC800, v3;
	v4 =	vld [tilespmem:s4+$0x90]  }
0x3ac: {  	[tilespmem:v7+s29+$0x0] =	vst.idx.add.f32.msk $0xffff, v6  }
0x3ad: {  	v8 =	vadd.s32 $0x2800, v7;
	v6 =	vld [tilespmem:s11+$0xFFFFFEC0];
	_ =	sdelay $0x2  }
0x3ae: {  	[tilespmem:v5+s29+$0x0] =	vst.idx.add.f32.msk $0xffff, v4  }
0x3af: {  	v5 =	vadd.s32 $0xF000, v3;
	v4 =	vld [tilespmem:s4+$0x110]  }
0x3b0: {  	[tilespmem:v8+s29+$0x0] =	vst.idx.add.f32.msk $0xffff, v6  }
0x3b1: {  	v8 =	vadd.s32 $0x5000, v7;
	v6 =	vld [tilespmem:s11+$0xFFFFFF40];
	_ =	sdelay $0x2  }
0x3b2: {  	[tilespmem:v5+s29+$0x0] =	vst.idx.add.f32.msk $0xffff, v4  }
0x3b3: {  	v3 =	vadd.s32 $0x11800, v3;
	v4 =	vld [tilespmem:s4+$0x190]  }
0x3b4: {  	[tilespmem:v8+s29+$0x0] =	vst.idx.add.f32.msk $0xffff, v6  }
0x3b5: {  	v8 =	vadd.s32 $0x7800, v7;
	v5 =	vld [tilespmem:s11+$0xFFFFFFC0];
	_ =	sdelay $0x2  }
0x3b6: {  	[tilespmem:v3+s29+$0x0] =	vst.idx.add.f32.msk $0xffff, v4  }
0x3b7: {  	v6 =	vld.idx.msk [tilespmem:v2+s0+$0x1020 ss:$0x1], $0xffff  }
0x3b8: {  	[tilespmem:v8+s29+$0x0] =	vst.idx.add.f32.msk $0xffff, v5  }
0x3b9: {  	v5 =	vadd.s32 $0xA000, v7;
	v4 =	vld [tilespmem:s11+$0x40]  }
0x3ba: {  	v3 =	vld [tilespmem:s4+$0xFFFFFE20];
	_ =	sdelay $0x3  }
0x3bb: {  	[tilespmem:v5+s29+$0x0] =	vst.idx.add.f32.msk $0xffff, v4  }
0x3bc: {  	[tilespmem:v6+s29+$0x0] =	vst.idx.add.f32.msk $0xffff, v3  }
0x3bd: {  	v5 =	vadd.s32 $0xC800, v7;
	v4 =	vld [tilespmem:s11+$0xC0]  }
0x3be: {  	v8 =	vadd.s32 $0x2800, v6;
	v3 =	vld [tilespmem:s4+$0xFFFFFEA0];
	_ =	sdelay $0x3  }
0x3bf: {  	[tilespmem:v5+s29+$0x0] =	vst.idx.add.f32.msk $0xffff, v4  }
0x3c0: {  	[tilespmem:v8+s29+$0x0] =	vst.idx.add.f32.msk $0xffff, v3  }
0x3c1: {  	v5 =	vadd.s32 $0xF000, v7;
	v4 =	vld [tilespmem:s11+$0x140]  }
0x3c2: {  	v8 =	vadd.s32 $0x5000, v6;
	v3 =	vld [tilespmem:s4+$0xFFFFFF20];
	_ =	sdelay $0x1  }
0x3c3: {  	p4 =	seq.s32 s12, $0x400  }
.Ltmp7:
0x3c4: {  	_ = 	snop;
	(pc) =	sbr.rel @p4 .LBB2_13-.Ltmp7, $4  }
0x3c5: {  	[tilespmem:v5+s29+$0x0] =	vst.idx.add.f32.msk $0xffff, v4  }
0x3c6: {  	[tilespmem:v8+s29+$0x0] =	vst.idx.add.f32.msk $0xffff, v3  }
0x3c7: {  	v9 =	vld [tilespmem:s11+$0x1C0]  }
0x3c8: {  	p1 =	por $0x1, $0x1;
	v10 =	vadd.s32 $0x11800, v7;
	v12 =	vadd.s32 $0x7800, v6;
	v11 =	vld [tilespmem:s4+$0xFFFFFFA0]  }
0x3c9: {  	_ =	sdelay $0x3  }
0x3ca: {  	[tilespmem:v12+s29+$0x0] =	vst.idx.add.f32.msk $0xffff, v11  }
0x3cb: {  	s15 =	simm.s32 $0x100;
	v4 =	vadd.s32 $0xA000, v6;
	v3 =	vld [tilespmem:s4+$0x20]  }
0x3cc: {  	s17 =	sadd.s32 $0x400, s4;
	v5 =	vld.idx.msk [tilespmem:v2+s15+$0x1000 ss:$0x1], $0xffff  }
0x3cd: {  	v8 =	vld [tilespmem:s17+$0xFFFFFE00]  }
0x3ce: {  	[tilespmem:v10+s29+$0x0] =	vst.idx.add.f32.msk $0xffff, v9  }
0x3cf: {  	v7 =	vld.idx.msk [tilespmem:v2+s7+$0x1050 ss:$0x1], $0xffff  }
0x3d0: {  	[tilespmem:v4+s29+$0x0] =	vst.idx.add.f32.msk $0xffff, v3  }
0x3d1: {  	v4 =	vadd.s32 $0xC800, v6;
	v3 =	vld [tilespmem:s4+$0xA0];
	_ =	sdelay $0x1  }
0x3d2: {  	v9 =	vld [tilespmem:s11+$0xFFFFFE50]  }
0x3d3: {  	[tilespmem:v5+s29+$0x0] =	vst.idx.add.f32.msk $0xffff, v8  }
0x3d4: {  	v10 =	vadd.s32 $0x2800, v5;
	v8 =	vld [tilespmem:s17+$0xFFFFFE80]  }
0x3d5: {  	[tilespmem:v4+s29+$0x0] =	vst.idx.add.f32.msk $0xffff, v3  }
0x3d6: {  	v4 =	vadd.s32 $0xF000, v6;
	v3 =	vld [tilespmem:s4+$0x120]  }
0x3d7: {  	[tilespmem:v7+s29+$0x0] =	vst.idx.add.f32.msk $0xffff, v9  }
0x3d8: {  	v9 =	vld [tilespmem:s11+$0xFFFFFED0]  }
0x3d9: {  	[tilespmem:v10+s29+$0x0] =	vst.idx.add.f32.msk $0xffff, v8  }
0x3da: {  	v8 =	vadd.s32 $0x2800, v7;
	v10 =	vld [tilespmem:s17+$0xFFFFFF00]  }
0x3db: {  	[tilespmem:v4+s29+$0x0] =	vst.idx.add.f32.msk $0xffff, v3;
	v4 =	vadd.s32 $0x11800, v6;
	v6 =	vadd.s32 $0x5000, v5  }
0x3dc: {  	v3 =	vld [tilespmem:s4+$0x1A0];
	_ =	sdelay $0x2  }
0x3dd: {  	[tilespmem:v8+s29+$0x0] =	vst.idx.add.f32.msk $0xffff, v9  }
0x3de: {  	[tilespmem:v6+s29+$0x0] =	vst.idx.add.f32.msk $0xffff, v10  }
0x3df: {  	[tilespmem:v4+s29+$0x0] =	vst.idx.add.f32.msk $0xffff, v3  }
0x3e0: {  	v3 =	vadd.s32 $0x7800, v5;
	v4 =	vld [tilespmem:s17+$0xFFFFFF80]  }
0x3e1: {  	v6 =	vld.idx.msk [tilespmem:v2+s0+$0x1030 ss:$0x1], $0xffff  }
0x3e2: {  	v9 =	vadd.s32 $0x5000, v7;
	v8 =	vld [tilespmem:s11+$0xFFFFFF50];
	_ =	sdelay $0x1  }
0x3e3: {  	v10 =	vld [tilespmem:s4+$0xFFFFFE30]  }
0x3e4: {  	[tilespmem:v3+s29+$0x0] =	vst.idx.add.f32.msk $0xffff, v4  }
0x3e5: {  	v3 =	vadd.s32 $0xA000, v5;
	v4 =	vld [tilespmem:s17+$0x0]  }
0x3e6: {  	[tilespmem:v9+s29+$0x0] =	vst.idx.add.f32.msk $0xffff, v8  }
0x3e7: {  	v9 =	vadd.s32 $0x7800, v7;
	v8 =	vld [tilespmem:s11+$0xFFFFFFD0]  }
0x3e8: {  	[tilespmem:v6+s29+$0x0] =	vst.idx.add.f32.msk $0xffff, v10  }
0x3e9: {  	v11 =	vadd.s32 $0x2800, v6;
	v10 =	vld [tilespmem:s4+$0xFFFFFEB0]  }
0x3ea: {  	[tilespmem:v3+s29+$0x0] =	vst.idx.add.f32.msk $0xffff, v4  }
0x3eb: {  	v3 =	vadd.s32 $0xC800, v5;
	v4 =	vld [tilespmem:s17+$0x80]  }
0x3ec: {  	[tilespmem:v9+s29+$0x0] =	vst.idx.add.f32.msk $0xffff, v8  }
0x3ed: {  	v9 =	vadd.s32 $0xA000, v7;
	v8 =	vld [tilespmem:s11+$0x50]  }
0x3ee: {  	[tilespmem:v11+s29+$0x0] =	vst.idx.add.f32.msk $0xffff, v10  }
0x3ef: {  	v11 =	vadd.s32 $0x5000, v6;
	v10 =	vld [tilespmem:s4+$0xFFFFFF30]  }
0x3f0: {  	[tilespmem:v3+s29+$0x0] =	vst.idx.add.f32.msk $0xffff, v4  }
0x3f1: {  	v3 =	vadd.s32 $0xF000, v5;
	v4 =	vld [tilespmem:s17+$0x100]  }
0x3f2: {  	[tilespmem:v9+s29+$0x0] =	vst.idx.add.f32.msk $0xffff, v8  }
0x3f3: {  	v8 =	vld [tilespmem:s11+$0xD0]  }
0x3f4: {  	v9 =	vadd.s32 $0xC800, v7;
	[tilespmem:v11+s29+$0x0] =	vst.idx.add.f32.msk $0xffff, v10  }
0x3f5: {  	v10 =	vld [tilespmem:s4+$0xFFFFFFB0]  }
0x3f6: {  	v11 =	vadd.s32 $0x7800, v6;
	[tilespmem:v3+s29+$0x0] =	vst.idx.add.f32.msk $0xffff, v4  }
0x3f7: {  	v3 =	vadd.s32 $0x11800, v5;
	v4 =	vld [tilespmem:s17+$0x180];
	_ =	sdelay $0x1  }
0x3f8: {  	[tilespmem:v9+s29+$0x0] =	vst.idx.add.f32.msk $0xffff, v8  }
0x3f9: {  	v5 =	vld [tilespmem:s11+$0x150]  }
0x3fa: {  	v8 =	vadd.s32 $0xF000, v7;
	[tilespmem:v11+s29+$0x0] =	vst.idx.add.f32.msk $0xffff, v10  }
0x3fb: {  	[tilespmem:v3+s29+$0x0] =	vst.idx.add.f32.msk $0xffff, v4  }
0x3fc: {  	v4 =	vld [tilespmem:s4+$0x30]  }
0x3fd: {  	v9 =	vadd.s32 $0xA000, v6;
	v3 =	vld.idx.msk [tilespmem:v2+s15+$0x1010 ss:$0x1], $0xffff;
	_ =	sdelay $0x1  }
0x3fe: {  	[tilespmem:v8+s29+$0x0] =	vst.idx.add.f32.msk $0xffff, v5  }
0x3ff: {  	v10 =	vld [tilespmem:s17+$0xFFFFFE10]  }
0x400: {  	v5 =	vld [tilespmem:s11+$0x1D0]  }
0x401: {  	v7 =	vadd.s32 $0x11800, v7;
	[tilespmem:v9+s29+$0x0] =	vst.idx.add.f32.msk $0xffff, v4  }
0x402: {  	v8 =	vadd.s32 $0xC800, v6;
	v4 =	vld [tilespmem:s4+$0xB0];
	_ =	sdelay $0x1  }
0x403: {  	[tilespmem:v3+s29+$0x0] =	vst.idx.add.f32.msk $0xffff, v10  }
0x404: {  	v10 =	vadd.s32 $0x2800, v3;
	v9 =	vld [tilespmem:s17+$0xFFFFFE90]  }
0x405: {  	[tilespmem:v7+s29+$0x0] =	vst.idx.add.f32.msk $0xffff, v5  }
0x406: {  	[tilespmem:v8+s29+$0x0] =	vst.idx.add.f32.msk $0xffff, v4  }
0x407: {  	v7 =	vadd.s32 $0xF000, v6;
	v4 =	vld [tilespmem:s4+$0x130]  }
0x408: {  	v5 =	vld.idx.msk [tilespmem:v2+s7+$0x1060 ss:$0x1], $0xffff  }
0x409: {  	[tilespmem:v10+s29+$0x0] =	vst.idx.add.f32.msk $0xffff, v9  }
0x40a: {  	v9 =	vadd.s32 $0x5000, v3;
	v8 =	vld [tilespmem:s17+$0xFFFFFF10]  }
0x40b: {  	v10 =	vld [tilespmem:s11+$0xFFFFFE60]  }
0x40c: {  	[tilespmem:v7+s29+$0x0] =	vst.idx.add.f32.msk $0xffff, v4  }
0x40d: {  	v6 =	vadd.s32 $0x11800, v6;
	v4 =	vld [tilespmem:s4+$0x1B0];
	_ =	sdelay $0x1  }
0x40e: {  	[tilespmem:v9+s29+$0x0] =	vst.idx.add.f32.msk $0xffff, v8  }
0x40f: {  	v8 =	vadd.s32 $0x7800, v3;
	v7 =	vld [tilespmem:s17+$0xFFFFFF90]  }
0x410: {  	[tilespmem:v5+s29+$0x0] =	vst.idx.add.f32.msk $0xffff, v10  }
0x411: {  	[tilespmem:v6+s29+$0x0] =	vst.idx.add.f32.msk $0xffff, v4  }
0x412: {  	v10 =	vld.idx.msk [tilespmem:v2+s0+$0x1040 ss:$0x1], $0xffff  }
0x413: {  	v9 =	vld [tilespmem:s11+$0xFFFFFEE0];
	v4 =	vadd.s32 $0x2800, v5  }
0x414: {  	[tilespmem:v8+s29+$0x0] =	vst.idx.add.f32.msk $0xffff, v7  }
0x415: {  	v8 =	vld [tilespmem:s4+$0xFFFFFE40]  }
0x416: {  	v7 =	vadd.s32 $0xA000, v3;
	v6 =	vld [tilespmem:s17+$0x10];
	_ =	sdelay $0x1  }
0x417: {  	[tilespmem:v4+s29+$0x0] =	vst.idx.add.f32.msk $0xffff, v9  }
0x418: {  	v4 =	vld [tilespmem:s11+$0xFFFFFF60]  }
0x419: {  	v9 =	vadd.s32 $0x5000, v5;
	[tilespmem:v10+s29+$0x0] =	vst.idx.add.f32.msk $0xffff, v8  }
0x41a: {  	[tilespmem:v7+s29+$0x0] =	vst.idx.add.f32.msk $0xffff, v6  }
0x41b: {  	v11 =	vadd.s32 $0x2800, v10;
	v8 =	vld [tilespmem:s4+$0xFFFFFEC0]  }
0x41c: {  	v7 =	vadd.s32 $0xC800, v3;
	v6 =	vld [tilespmem:s17+$0x90];
	_ =	sdelay $0x1  }
0x41d: {  	[tilespmem:v9+s29+$0x0] =	vst.idx.add.f32.msk $0xffff, v4  }
0x41e: {  	v4 =	vld [tilespmem:s11+$0xFFFFFFE0]  }
0x41f: {  	v9 =	vadd.s32 $0x7800, v5;
	[tilespmem:v11+s29+$0x0] =	vst.idx.add.f32.msk $0xffff, v8  }
0x420: {  	[tilespmem:v7+s29+$0x0] =	vst.idx.add.f32.msk $0xffff, v6  }
0x421: {  	v11 =	vadd.s32 $0x5000, v10;
	v8 =	vld [tilespmem:s4+$0xFFFFFF40]  }
0x422: {  	v7 =	vadd.s32 $0xF000, v3;
	v6 =	vld [tilespmem:s17+$0x110];
	_ =	sdelay $0x1  }
0x423: {  	[tilespmem:v9+s29+$0x0] =	vst.idx.add.f32.msk $0xffff, v4  }
0x424: {  	v9 =	vadd.s32 $0xA000, v5;
	v4 =	vld [tilespmem:s11+$0x60]  }
0x425: {  	[tilespmem:v11+s29+$0x0] =	vst.idx.add.f32.msk $0xffff, v8  }
0x426: {  	[tilespmem:v7+s29+$0x0] =	vst.idx.add.f32.msk $0xffff, v6  }
0x427: {  	v3 =	vadd.s32 $0x11800, v3;
	v6 =	vld [tilespmem:s17+$0x190]  }
0x428: {  	v7 =	vld [tilespmem:s4+$0xFFFFFFC0]  }
0x429: {  	[tilespmem:v9+s29+$0x0] =	vst.idx.add.f32.msk $0xffff, v4;
	v4 =	vadd.s32 $0x7800, v10;
	_ =	sdelay $0x2  }
0x42a: {  	[tilespmem:v3+s29+$0x0] =	vst.idx.add.f32.msk $0xffff, v6  }
0x42b: {  	v3 =	vld [tilespmem:s11+$0xE0]  }
0x42c: {  	v8 =	vadd.s32 $0xC800, v5;
	[tilespmem:v4+s29+$0x0] =	vst.idx.add.f32.msk $0xffff, v7  }
0x42d: {  	v6 =	vld.idx.msk [tilespmem:v2+s15+$0x1020 ss:$0x1], $0xffff  }
0x42e: {  	v7 =	vadd.s32 $0xA000, v10;
	v4 =	vld [tilespmem:s4+$0x40];
	_ =	sdelay $0x1  }
0x42f: {  	v9 =	vld [tilespmem:s17+$0xFFFFFE20]  }
0x430: {  	[tilespmem:v8+s29+$0x0] =	vst.idx.add.f32.msk $0xffff, v3  }
0x431: {  	v8 =	vadd.s32 $0xF000, v5;
	v3 =	vld [tilespmem:s11+$0x160]  }
0x432: {  	[tilespmem:v7+s29+$0x0] =	vst.idx.add.f32.msk $0xffff, v4  }
0x433: {  	v7 =	vadd.s32 $0xC800, v10;
	v4 =	vld [tilespmem:s4+$0xC0]  }
0x434: {  	[tilespmem:v6+s29+$0x0] =	vst.idx.add.f32.msk $0xffff, v9  }
0x435: {  	v11 =	vadd.s32 $0x2800, v6;
	v9 =	vld [tilespmem:s17+$0xFFFFFEA0]  }
0x436: {  	[tilespmem:v8+s29+$0x0] =	vst.idx.add.f32.msk $0xffff, v3  }
0x437: {  	v3 =	vld [tilespmem:s11+$0x1E0]  }
0x438: {  	v5 =	vadd.s32 $0x11800, v5;
	[tilespmem:v7+s29+$0x0] =	vst.idx.add.f32.msk $0xffff, v4  }
0x439: {  	v4 =	vld [tilespmem:s4+$0x140]  }
0x43a: {  	v7 =	vadd.s32 $0xF000, v10;
	[tilespmem:v11+s29+$0x0] =	vst.idx.add.f32.msk $0xffff, v9  }
0x43b: {  	v9 =	vadd.s32 $0x5000, v6;
	v8 =	vld [tilespmem:s17+$0xFFFFFF20];
	_ =	sdelay $0x1  }
0x43c: {  	p4 =	seq.s32 s12, $0x600;
	[tilespmem:v5+s29+$0x0] =	vst.idx.add.f32.msk $0xffff, v3  }
.Ltmp8:
0x43d: {  	v3 =	vld.idx.msk [tilespmem:v2+s7+$0x1070 ss:$0x1], $0xffff;
	(pc) =	sbr.rel @p4 .LBB2_15-.Ltmp8, $4  }
0x43e: {  	[tilespmem:v7+s29+$0x0] =	vst.idx.add.f32.msk $0xffff, v4  }
0x43f: {  	[tilespmem:v9+s29+$0x0] =	vst.idx.add.f32.msk $0xffff, v8  }
0x440: {  	v9 =	vld [tilespmem:s4+$0x1C0]  }
0x441: {  	p2 =	por $0x1, $0x1;
	v12 =	vadd.s32 $0x7800, v6;
	v10 =	vadd.s32 $0x11800, v10;
	v11 =	vld [tilespmem:s17+$0xFFFFFFA0]  }
0x442: {  	_ =	sdelay $0x2  }
0x443: {  	v4 =	vld [tilespmem:s11+$0xFFFFFE70];
	s24 =	simm.s32 $0x180  }
0x444: {  	v8 =	vld.idx.msk [tilespmem:v2+s24+$0x1000 ss:$0x1], $0xffff  }
0x445: {  	[tilespmem:v12+s29+$0x0] =	vst.idx.add.f32.msk $0xffff, v11  }
0x446: {  	v7 =	vadd.s32 $0xA000, v6;
	v5 =	vld [tilespmem:s17+$0x20]  }
0x447: {  	s9 =	sadd.s32 $0x400, s17;
	[tilespmem:v10+s29+$0x0] =	vst.idx.add.f32.msk $0xffff, v9  }
0x448: {  	v10 =	vld [tilespmem:s9+$0xFFFFFE00]  }
0x449: {  	v9 =	vld.idx.msk [tilespmem:v2+s0+$0x1050 ss:$0x1], $0xffff  }
0x44a: {  	[tilespmem:v3+s29+$0x0] =	vst.idx.add.f32.msk $0xffff, v4  }
0x44b: {  	[tilespmem:v7+s29+$0x0] =	vst.idx.add.f32.msk $0xffff, v5  }
0x44c: {  	v7 =	vadd.s32 $0xC800, v6;
	v5 =	vld [tilespmem:s17+$0xA0]  }
0x44d: {  	v4 =	vld [tilespmem:s4+$0xFFFFFE50]  }
0x44e: {  	v12 =	vld [tilespmem:s11+$0xFFFFFEF0]  }
0x44f: {  	[tilespmem:v8+s29+$0x0] =	vst.idx.add.f32.msk $0xffff, v10  }
0x450: {  	v11 =	vadd.s32 $0x2800, v8;
	v10 =	vld [tilespmem:s9+$0xFFFFFE80]  }
0x451: {  	[tilespmem:v7+s29+$0x0] =	vst.idx.add.f32.msk $0xffff, v5  }
0x452: {  	v7 =	vadd.s32 $0xF000, v6;
	v5 =	vld [tilespmem:s17+$0x120]  }
0x453: {  	[tilespmem:v9+s29+$0x0] =	vst.idx.add.f32.msk $0xffff, v4  }
0x454: {  	v4 =	vadd.s32 $0x2800, v3;
	v13 =	vld [tilespmem:s4+$0xFFFFFED0]  }
0x455: {  	[tilespmem:v11+s29+$0x0] =	vst.idx.add.f32.msk $0xffff, v10;
	v10 =	vadd.s32 $0x2800, v9  }
0x456: {  	v11 =	vld [tilespmem:s9+$0xFFFFFF00]  }
0x457: {  	[tilespmem:v7+s29+$0x0] =	vst.idx.add.f32.msk $0xffff, v5;
	v7 =	vadd.s32 $0x5000, v8  }
0x458: {  	v6 =	vadd.s32 $0x11800, v6;
	v5 =	vld [tilespmem:s17+$0x1A0]  }
0x459: {  	[tilespmem:v4+s29+$0x0] =	vst.idx.add.f32.msk $0xffff, v12  }
0x45a: {  	[tilespmem:v10+s29+$0x0] =	vst.idx.add.f32.msk $0xffff, v13  }
0x45b: {  	v4 =	vld [tilespmem:s4+$0xFFFFFF50]  }
0x45c: {  	[tilespmem:v7+s29+$0x0] =	vst.idx.add.f32.msk $0xffff, v11  }
0x45d: {  	[tilespmem:v6+s29+$0x0] =	vst.idx.add.f32.msk $0xffff, v5;
	v5 =	vadd.s32 $0x5000, v9  }
0x45e: {  	v7 =	vadd.s32 $0x7800, v8;
	v10 =	vld [tilespmem:s9+$0xFFFFFF80]  }
0x45f: {  	v6 =	vld.idx.msk [tilespmem:v2+s15+$0x1030 ss:$0x1], $0xffff;
	_ =	sdelay $0x1  }
0x460: {  	v12 =	vld [tilespmem:s17+$0xFFFFFE30]  }
0x461: {  	[tilespmem:v5+s29+$0x0] =	vst.idx.add.f32.msk $0xffff, v4  }
0x462: {  	[tilespmem:v7+s29+$0x0] =	vst.idx.add.f32.msk $0xffff, v10  }
0x463: {  	v5 =	vadd.s32 $0x7800, v9;
	v4 =	vld [tilespmem:s4+$0xFFFFFFD0]  }
0x464: {  	v7 =	vadd.s32 $0xA000, v8;
	v10 =	vld [tilespmem:s9+$0x0];
	_ =	sdelay $0x1  }
0x465: {  	[tilespmem:v6+s29+$0x0] =	vst.idx.add.f32.msk $0xffff, v12  }
0x466: {  	v12 =	vld [tilespmem:s17+$0xFFFFFEB0]  }
0x467: {  	v13 =	vadd.s32 $0x2800, v6;
	[tilespmem:v5+s29+$0x0] =	vst.idx.add.f32.msk $0xffff, v4  }
0x468: {  	[tilespmem:v7+s29+$0x0] =	vst.idx.add.f32.msk $0xffff, v10  }
0x469: {  	v5 =	vadd.s32 $0xA000, v9;
	v4 =	vld [tilespmem:s4+$0x50]  }
0x46a: {  	v7 =	vadd.s32 $0xC800, v8;
	v10 =	vld [tilespmem:s9+$0x80];
	_ =	sdelay $0x1  }
0x46b: {  	[tilespmem:v13+s29+$0x0] =	vst.idx.add.f32.msk $0xffff, v12  }
0x46c: {  	v12 =	vld [tilespmem:s17+$0xFFFFFF30]  }
0x46d: {  	v13 =	vadd.s32 $0x5000, v6;
	[tilespmem:v5+s29+$0x0] =	vst.idx.add.f32.msk $0xffff, v4  }
0x46e: {  	[tilespmem:v7+s29+$0x0] =	vst.idx.add.f32.msk $0xffff, v10  }
0x46f: {  	v5 =	vadd.s32 $0xC800, v9;
	v4 =	vld [tilespmem:s4+$0xD0]  }
0x470: {  	v7 =	vadd.s32 $0xF000, v8;
	v10 =	vld [tilespmem:s9+$0x100]  }
0x471: {  	v11 =	vld [tilespmem:s11+$0xFFFFFF70]  }
0x472: {  	[tilespmem:v13+s29+$0x0] =	vst.idx.add.f32.msk $0xffff, v12  }
0x473: {  	v12 =	vadd.s32 $0x5000, v3;
	v13 =	vld [tilespmem:s17+$0xFFFFFFB0]  }
0x474: {  	v14 =	vadd.s32 $0x7800, v6;
	[tilespmem:v5+s29+$0x0] =	vst.idx.add.f32.msk $0xffff, v4  }
0x475: {  	[tilespmem:v7+s29+$0x0] =	vst.idx.add.f32.msk $0xffff, v10  }
0x476: {  	v5 =	vadd.s32 $0xF000, v9;
	v4 =	vld [tilespmem:s4+$0x150]  }
0x477: {  	v7 =	vadd.s32 $0x11800, v8;
	v8 =	vld [tilespmem:s9+$0x180]  }
0x478: {  	[tilespmem:v12+s29+$0x0] =	vst.idx.add.f32.msk $0xffff, v11  }
0x479: {  	[tilespmem:v14+s29+$0x0] =	vst.idx.add.f32.msk $0xffff, v13  }
0x47a: {  	v10 =	vld [tilespmem:s17+$0x30]  }
0x47b: {  	[tilespmem:v5+s29+$0x0] =	vst.idx.add.f32.msk $0xffff, v4  }
0x47c: {  	v4 =	vadd.s32 $0xA000, v6;
	[tilespmem:v7+s29+$0x0] =	vst.idx.add.f32.msk $0xffff, v8  }
0x47d: {  	v5 =	vld.idx.msk [tilespmem:v2+s24+$0x1010 ss:$0x1], $0xffff  }
0x47e: {  	v8 =	vadd.s32 $0x11800, v9;
	v7 =	vld [tilespmem:s4+$0x1D0]  }
0x47f: {  	v9 =	vld [tilespmem:s11+$0xFFFFFFF0]  }
0x480: {  	v11 =	vld [tilespmem:s9+$0xFFFFFE10]  }
0x481: {  	[tilespmem:v4+s29+$0x0] =	vst.idx.add.f32.msk $0xffff, v10  }
0x482: {  	v4 =	vld [tilespmem:s17+$0xB0]  }
0x483: {  	v10 =	vadd.s32 $0xC800, v6;
	[tilespmem:v8+s29+$0x0] =	vst.idx.add.f32.msk $0xffff, v7  }
0x484: {  	v7 =	vadd.s32 $0x7800, v3;
	v8 =	vld.idx.msk [tilespmem:v2+s0+$0x1060 ss:$0x1], $0xffff  }
0x485: {  	[tilespmem:v5+s29+$0x0] =	vst.idx.add.f32.msk $0xffff, v11  }
0x486: {  	v12 =	vadd.s32 $0x2800, v5;
	v11 =	vld [tilespmem:s9+$0xFFFFFE90]  }
0x487: {  	v13 =	vld [tilespmem:s4+$0xFFFFFE60]  }
0x488: {  	[tilespmem:v10+s29+$0x0] =	vst.idx.add.f32.msk $0xffff, v4  }
0x489: {  	[tilespmem:v7+s29+$0x0] =	vst.idx.add.f32.msk $0xffff, v9  }
0x48a: {  	v10 =	vadd.s32 $0xF000, v6;
	v4 =	vld [tilespmem:s17+$0x130]  }
0x48b: {  	[tilespmem:v12+s29+$0x0] =	vst.idx.add.f32.msk $0xffff, v11  }
0x48c: {  	v11 =	vld [tilespmem:s11+$0x70]  }
0x48d: {  	[tilespmem:v8+s29+$0x0] =	vst.idx.add.f32.msk $0xffff, v13;
	v12 =	vadd.s32 $0xA000, v3  }
0x48e: {  	v9 =	vadd.s32 $0x5000, v5;
	v7 =	vld [tilespmem:s9+$0xFFFFFF10]  }
0x48f: {  	[tilespmem:v10+s29+$0x0] =	vst.idx.add.f32.msk $0xffff, v4  }
0x490: {  	v6 =	vadd.s32 $0x11800, v6;
	v4 =	vld [tilespmem:s17+$0x1B0]  }
0x491: {  	v10 =	vld [tilespmem:s4+$0xFFFFFEE0]  }
0x492: {  	[tilespmem:v12+s29+$0x0] =	vst.idx.add.f32.msk $0xffff, v11;
	v11 =	vadd.s32 $0x2800, v8  }
0x493: {  	[tilespmem:v9+s29+$0x0] =	vst.idx.add.f32.msk $0xffff, v7  }
0x494: {  	v9 =	vadd.s32 $0x7800, v5;
	v7 =	vld [tilespmem:s9+$0xFFFFFF90]  }
0x495: {  	[tilespmem:v6+s29+$0x0] =	vst.idx.add.f32.msk $0xffff, v4  }
0x496: {  	v4 =	vld.idx.msk [tilespmem:v2+s15+$0x1040 ss:$0x1], $0xffff  }
0x497: {  	[tilespmem:v11+s29+$0x0] =	vst.idx.add.f32.msk $0xffff, v10  }
0x498: {  	v12 =	vadd.s32 $0x5000, v8;
	v10 =	vld [tilespmem:s4+$0xFFFFFF60]  }
0x499: {  	[tilespmem:v9+s29+$0x0] =	vst.idx.add.f32.msk $0xffff, v7  }
0x49a: {  	v7 =	vadd.s32 $0xA000, v5;
	v6 =	vld [tilespmem:s9+$0x10];
	_ =	sdelay $0x1  }
0x49b: {  	v9 =	vld [tilespmem:s17+$0xFFFFFE40]  }
0x49c: {  	[tilespmem:v12+s29+$0x0] =	vst.idx.add.f32.msk $0xffff, v10  }
0x49d: {  	v10 =	vld [tilespmem:s4+$0xFFFFFFE0]  }
0x49e: {  	v12 =	vadd.s32 $0x7800, v8;
	[tilespmem:v7+s29+$0x0] =	vst.idx.add.f32.msk $0xffff, v6  }
0x49f: {  	v7 =	vadd.s32 $0xC800, v5;
	v6 =	vld [tilespmem:s9+$0x90]  }
0x4a0: {  	[tilespmem:v4+s29+$0x0] =	vst.idx.add.f32.msk $0xffff, v9  }
0x4a1: {  	v13 =	vadd.s32 $0x2800, v4;
	v9 =	vld [tilespmem:s17+$0xFFFFFEC0];
	_ =	sdelay $0x1  }
0x4a2: {  	[tilespmem:v12+s29+$0x0] =	vst.idx.add.f32.msk $0xffff, v10  }
0x4a3: {  	[tilespmem:v7+s29+$0x0] =	vst.idx.add.f32.msk $0xffff, v6  }
0x4a4: {  	v7 =	vadd.s32 $0xF000, v5;
	v6 =	vld [tilespmem:s9+$0x110]  }
0x4a5: {  	[tilespmem:v13+s29+$0x0] =	vst.idx.add.f32.msk $0xffff, v9  }
0x4a6: {  	v12 =	vadd.s32 $0xA000, v8;
	v10 =	vld [tilespmem:s4+$0x60]  }
0x4a7: {  	v13 =	vadd.s32 $0x5000, v4;
	v9 =	vld [tilespmem:s17+$0xFFFFFF40]  }
0x4a8: {  	v11 =	vld [tilespmem:s11+$0xF0]  }
0x4a9: {  	[tilespmem:v7+s29+$0x0] =	vst.idx.add.f32.msk $0xffff, v6  }
0x4aa: {  	v5 =	vadd.s32 $0x11800, v5;
	v6 =	vld [tilespmem:s9+$0x190]  }
0x4ab: {  	[tilespmem:v12+s29+$0x0] =	vst.idx.add.f32.msk $0xffff, v10  }
0x4ac: {  	[tilespmem:v13+s29+$0x0] =	vst.idx.add.f32.msk $0xffff, v9;
	v7 =	vadd.s32 $0xC800, v3  }
0x4ad: {  	v10 =	vadd.s32 $0x7800, v4;
	v9 =	vld [tilespmem:s17+$0xFFFFFFC0]  }
0x4ae: {  	v12 =	vld [tilespmem:s4+$0xE0]  }
0x4af: {  	[tilespmem:v5+s29+$0x0] =	vst.idx.add.f32.msk $0xffff, v6  }
0x4b0: {  	v5 =	vadd.s32 $0xC800, v8;
	v6 =	vld.idx.msk [tilespmem:v2+s24+$0x1020 ss:$0x1], $0xffff  }
0x4b1: {  	[tilespmem:v7+s29+$0x0] =	vst.idx.add.f32.msk $0xffff, v11  }
0x4b2: {  	[tilespmem:v10+s29+$0x0] =	vst.idx.add.f32.msk $0xffff, v9  }
0x4b3: {  	v11 =	vld [tilespmem:s9+$0xFFFFFE20]  }
0x4b4: {  	v9 =	vld [tilespmem:s17+$0x40]  }
0x4b5: {  	[tilespmem:v5+s29+$0x0] =	vst.idx.add.f32.msk $0xffff, v12;
	v5 =	vadd.s32 $0xA000, v4  }
0x4b6: {  	v7 =	vld [tilespmem:s11+$0x170]  }
0x4b7: {  	v12 =	vadd.s32 $0xF000, v8;
	v10 =	vld [tilespmem:s4+$0x160]  }
0x4b8: {  	[tilespmem:v6+s29+$0x0] =	vst.idx.add.f32.msk $0xffff, v11  }
0x4b9: {  	v13 =	vadd.s32 $0x2800, v6;
	v11 =	vld [tilespmem:s9+$0xFFFFFEA0]  }
0x4ba: {  	[tilespmem:v5+s29+$0x0] =	vst.idx.add.f32.msk $0xffff, v9  }
0x4bb: {  	v9 =	vadd.s32 $0xC800, v4;
	v5 =	vld [tilespmem:s17+$0xC0]  }
0x4bc: {  	[tilespmem:v12+s29+$0x0] =	vst.idx.add.f32.msk $0xffff, v10  }
0x4bd: {  	v8 =	vadd.s32 $0x11800, v8;
	v10 =	vld [tilespmem:s4+$0x1E0]  }
0x4be: {  	[tilespmem:v13+s29+$0x0] =	vst.idx.add.f32.msk $0xffff, v11  }
0x4bf: {  	v12 =	vadd.s32 $0x5000, v6;
	v11 =	vld [tilespmem:s9+$0xFFFFFF20]  }
0x4c0: {  	[tilespmem:v9+s29+$0x0] =	vst.idx.add.f32.msk $0xffff, v5  }
0x4c1: {  	v13 =	vadd.s32 $0xF000, v4;
	v9 =	vld [tilespmem:s17+$0x140]  }
0x4c2: {  	p4 =	seq.s32 s12, $0x800;
	[tilespmem:v8+s29+$0x0] =	vst.idx.add.f32.msk $0xffff, v10  }
.Ltmp9:
0x4c3: {  	v5 =	vld.idx.msk [tilespmem:v2+s0+$0x1070 ss:$0x1], $0xffff;
	(pc) =	sbr.rel @p4 .LBB2_17-.Ltmp9, $4  }
0x4c4: {  	v8 =	vadd.s32 $0xF000, v3;
	[tilespmem:v12+s29+$0x0] =	vst.idx.add.f32.msk $0xffff, v11  }
0x4c5: {  	v12 =	vadd.s32 $0x7800, v6;
	v11 =	vld [tilespmem:s9+$0xFFFFFFA0]  }
0x4c6: {  	p3 =	por $0x1, $0x1;
	[tilespmem:v13+s29+$0x0] =	vst.idx.add.f32.msk $0xffff, v9  }
0x4c7: {  	s3 =	smov.u32 s11;
	s7 =	smov.u32 s9;
	v10 =	vadd.s32 $0x11800, v4;
	v4 =	vmov v3;
	s0 =	simm.s32 $0x800;
	v9 =	vld [tilespmem:s17+$0x1C0]  }
.LBB2_18:
0x4c8: {  	s21 =	sshra.s32 s0, $0x2;
	s0 =	sadd.s32 $0x200, s0;
	v13 =	vld [tilespmem:s4+$0xFFFFFE70]  }
0x4c9: {  	p4 =	seq.s32 s12, s0;
	[tilespmem:v8+s29+$0x0] =	vst.idx.add.f32.msk $0xffff, v7  }
0x4ca: {  	[tilespmem:v12+s29+$0x0] =	vst.idx.add.f32.msk $0xffff, v11  }
0x4cb: {  	s7 =	sadd.s32 $0x400, s7;
	v8 =	vld [tilespmem:s9+$0x20]  }
0x4cc: {  	v11 =	vadd.s32 $0xA000, v6;
	[tilespmem:v10+s29+$0x0] =	vst.idx.add.f32.msk $0xffff, v9  }
0x4cd: {  	v9 =	vld.idx.msk [tilespmem:v2+s21+$0x1000 ss:$0x1], $0xffff  }
0x4ce: {  	v7 =	vld.idx.msk [tilespmem:v2+s15+$0x1050 ss:$0x1], $0xffff  }
0x4cf: {  	[tilespmem:v5+s29+$0x0] =	vst.idx.add.f32.msk $0xffff, v13  }
0x4d0: {  	v10 =	vld [tilespmem:s7+$0xFFFFFE00]  }
0x4d1: {  	[tilespmem:v11+s29+$0x0] =	vst.idx.add.f32.msk $0xffff, v8  }
0x4d2: {  	v11 =	vadd.s32 $0xC800, v6;
	v8 =	vld [tilespmem:s9+$0xA0]  }
0x4d3: {  	v12 =	vld [tilespmem:s4+$0xFFFFFEF0]  }
0x4d4: {  	v13 =	vadd.s32 $0x2800, v9;
	v14 =	vld [tilespmem:s17+$0xFFFFFE50]  }
0x4d5: {  	[tilespmem:v9+s29+$0x0] =	vst.idx.add.f32.msk $0xffff, v10  }
0x4d6: {  	v10 =	vld [tilespmem:s7+$0xFFFFFE80]  }
0x4d7: {  	[tilespmem:v11+s29+$0x0] =	vst.idx.add.f32.msk $0xffff, v8;
	v8 =	vadd.s32 $0x2800, v5  }
0x4d8: {  	v15 =	vadd.s32 $0xF000, v6;
	v11 =	vld [tilespmem:s9+$0x120]  }
0x4d9: {  	[tilespmem:v7+s29+$0x0] =	vst.idx.add.f32.msk $0xffff, v14  }
0x4da: {  	v14 =	vadd.s32 $0x5000, v9;
	v16 =	vld [tilespmem:s17+$0xFFFFFED0]  }
0x4db: {  	[tilespmem:v13+s29+$0x0] =	vst.idx.add.f32.msk $0xffff, v10;
	v10 =	vadd.s32 $0x2800, v7  }
0x4dc: {  	[tilespmem:v8+s29+$0x0] =	vst.idx.add.f32.msk $0xffff, v12  }
0x4dd: {  	[tilespmem:v15+s29+$0x0] =	vst.idx.add.f32.msk $0xffff, v11  }
0x4de: {  	v6 =	vadd.s32 $0x11800, v6;
	v8 =	vld [tilespmem:s9+$0x1A0]  }
0x4df: {  	v11 =	vld [tilespmem:s7+$0xFFFFFF00]  }
0x4e0: {  	v12 =	vadd.s32 $0x7800, v9;
	[tilespmem:v10+s29+$0x0] =	vst.idx.add.f32.msk $0xffff, v16  }
0x4e1: {  	v10 =	vld [tilespmem:s17+$0xFFFFFF50]  }
0x4e2: {  	v13 =	vadd.s32 $0x5000, v7;
	v15 =	vld [tilespmem:s4+$0xFFFFFF70]  }
0x4e3: {  	[tilespmem:v6+s29+$0x0] =	vst.idx.add.f32.msk $0xffff, v8  }
0x4e4: {  	[tilespmem:v14+s29+$0x0] =	vst.idx.add.f32.msk $0xffff, v11  }
0x4e5: {  	v6 =	vld [tilespmem:s7+$0xFFFFFF80]  }
0x4e6: {  	v8 =	vadd.s32 $0xA000, v9;
	v14 =	vadd.s32 $0x5000, v5;
	v11 =	vld.idx.msk [tilespmem:v2+s24+$0x1030 ss:$0x1], $0xffff  }
0x4e7: {  	[tilespmem:v13+s29+$0x0] =	vst.idx.add.f32.msk $0xffff, v10  }
0x4e8: {  	v10 =	vld [tilespmem:s17+$0xFFFFFFD0]  }
0x4e9: {  	v13 =	vld [tilespmem:s9+$0xFFFFFE30]  }
0x4ea: {  	[tilespmem:v12+s29+$0x0] =	vst.idx.add.f32.msk $0xffff, v6  }
0x4eb: {  	v6 =	vadd.s32 $0x7800, v7;
	[tilespmem:v14+s29+$0x0] =	vst.idx.add.f32.msk $0xffff, v15  }
0x4ec: {  	v12 =	vadd.s32 $0xC800, v9;
	v14 =	vld [tilespmem:s4+$0xFFFFFFF0]  }
0x4ed: {  	v15 =	vld [tilespmem:s7+$0x0]  }
0x4ee: {  	[tilespmem:v11+s29+$0x0] =	vst.idx.add.f32.msk $0xffff, v13  }
0x4ef: {  	v16 =	vadd.s32 $0x2800, v11;
	v13 =	vld [tilespmem:s9+$0xFFFFFEB0]  }
0x4f0: {  	[tilespmem:v6+s29+$0x0] =	vst.idx.add.f32.msk $0xffff, v10  }
0x4f1: {  	v10 =	vadd.s32 $0xA000, v7;
	v6 =	vld [tilespmem:s17+$0x50]  }
0x4f2: {  	[tilespmem:v8+s29+$0x0] =	vst.idx.add.f32.msk $0xffff, v15;
	v8 =	vadd.s32 $0xF000, v9  }
0x4f3: {  	v15 =	vld [tilespmem:s7+$0x80]  }
0x4f4: {  	[tilespmem:v16+s29+$0x0] =	vst.idx.add.f32.msk $0xffff, v13  }
0x4f5: {  	v16 =	vadd.s32 $0x5000, v11;
	v13 =	vld [tilespmem:s9+$0xFFFFFF30]  }
0x4f6: {  	[tilespmem:v10+s29+$0x0] =	vst.idx.add.f32.msk $0xffff, v6  }
0x4f7: {  	v10 =	vadd.s32 $0xC800, v7;
	v6 =	vld [tilespmem:s17+$0xD0]  }
0x4f8: {  	v9 =	vadd.s32 $0x11800, v9;
	[tilespmem:v12+s29+$0x0] =	vst.idx.add.f32.msk $0xffff, v15  }
0x4f9: {  	v12 =	vld [tilespmem:s7+$0x100]  }
0x4fa: {  	[tilespmem:v16+s29+$0x0] =	vst.idx.add.f32.msk $0xffff, v13  }
0x4fb: {  	v15 =	vadd.s32 $0x7800, v11;
	v13 =	vld [tilespmem:s9+$0xFFFFFFB0]  }
0x4fc: {  	[tilespmem:v10+s29+$0x0] =	vst.idx.add.f32.msk $0xffff, v6  }
0x4fd: {  	v10 =	vadd.s32 $0xF000, v7;
	v6 =	vld [tilespmem:s17+$0x150]  }
0x4fe: {  	[tilespmem:v8+s29+$0x0] =	vst.idx.add.f32.msk $0xffff, v12  }
0x4ff: {  	v8 =	vld [tilespmem:s7+$0x180]  }
0x500: {  	[tilespmem:v15+s29+$0x0] =	vst.idx.add.f32.msk $0xffff, v13  }
0x501: {  	v13 =	vadd.s32 $0xA000, v11;
	v12 =	vld [tilespmem:s9+$0x30]  }
0x502: {  	[tilespmem:v10+s29+$0x0] =	vst.idx.add.f32.msk $0xffff, v6  }
0x503: {  	v6 =	vld [tilespmem:s17+$0x1D0]  }
0x504: {  	v7 =	vadd.s32 $0x11800, v7;
	[tilespmem:v9+s29+$0x0] =	vst.idx.add.f32.msk $0xffff, v8  }
0x505: {  	v9 =	vld.idx.msk [tilespmem:v2+s21+$0x1010 ss:$0x1], $0xffff  }
0x506: {  	[tilespmem:v13+s29+$0x0] =	vst.idx.add.f32.msk $0xffff, v12  }
0x507: {  	v12 =	vadd.s32 $0xC800, v11;
	v10 =	vld [tilespmem:s9+$0xB0]  }
0x508: {  	v13 =	vld [tilespmem:s7+$0xFFFFFE10]  }
0x509: {  	[tilespmem:v7+s29+$0x0] =	vst.idx.add.f32.msk $0xffff, v6  }
0x50a: {  	v8 =	vld.idx.msk [tilespmem:v2+s15+$0x1060 ss:$0x1], $0xffff  }
0x50b: {  	v7 =	vadd.s32 $0x7800, v5;
	v6 =	vld [tilespmem:s17+$0xFFFFFE60]  }
0x50c: {  	[tilespmem:v12+s29+$0x0] =	vst.idx.add.f32.msk $0xffff, v10  }
0x50d: {  	[tilespmem:v9+s29+$0x0] =	vst.idx.add.f32.msk $0xffff, v13  }
0x50e: {  	v12 =	vadd.s32 $0x2800, v9;
	v10 =	vld [tilespmem:s7+$0xFFFFFE90]  }
0x50f: {  	v13 =	vld [tilespmem:s9+$0x130]  }
0x510: {  	v15 =	vadd.s32 $0xF000, v11;
	[tilespmem:v7+s29+$0x0] =	vst.idx.add.f32.msk $0xffff, v14  }
0x511: {  	v7 =	vld [tilespmem:s4+$0x70]  }
0x512: {  	[tilespmem:v8+s29+$0x0] =	vst.idx.add.f32.msk $0xffff, v6  }
0x513: {  	v6 =	vadd.s32 $0xA000, v5;
	[tilespmem:v12+s29+$0x0] =	vst.idx.add.f32.msk $0xffff, v10  }
0x514: {  	v12 =	vadd.s32 $0x5000, v9;
	v10 =	vld [tilespmem:s7+$0xFFFFFF10]  }
0x515: {  	[tilespmem:v15+s29+$0x0] =	vst.idx.add.f32.msk $0xffff, v13  }
0x516: {  	v11 =	vadd.s32 $0x11800, v11;
	v13 =	vld [tilespmem:s9+$0x1B0]  }
0x517: {  	v14 =	vld [tilespmem:s17+$0xFFFFFEE0]  }
0x518: {  	[tilespmem:v6+s29+$0x0] =	vst.idx.add.f32.msk $0xffff, v7  }
0x519: {  	v6 =	vadd.s32 $0x2800, v8;
	[tilespmem:v12+s29+$0x0] =	vst.idx.add.f32.msk $0xffff, v10  }
0x51a: {  	v12 =	vadd.s32 $0x7800, v9;
	v7 =	vld [tilespmem:s7+$0xFFFFFF90]  }
0x51b: {  	[tilespmem:v11+s29+$0x0] =	vst.idx.add.f32.msk $0xffff, v13  }
0x51c: {  	v10 =	vld.idx.msk [tilespmem:v2+s24+$0x1040 ss:$0x1], $0xffff  }
0x51d: {  	v11 =	vld [tilespmem:s9+$0xFFFFFE40]  }
0x51e: {  	[tilespmem:v6+s29+$0x0] =	vst.idx.add.f32.msk $0xffff, v14  }
0x51f: {  	[tilespmem:v12+s29+$0x0] =	vst.idx.add.f32.msk $0xffff, v7  }
0x520: {  	v7 =	vadd.s32 $0xA000, v9;
	v6 =	vld [tilespmem:s7+$0x10]  }
0x521: {  	v12 =	vld [tilespmem:s17+$0xFFFFFF60]  }
0x522: {  	v13 =	vld [tilespmem:s4+$0xF0]  }
0x523: {  	v14 =	vadd.s32 $0x5000, v8;
	v15 =	vld [tilespmem:s3+$0x1F0];
	s3 =	smov.u32 s4;
	s4 =	smov.u32 s17;
	s17 =	smov.u32 s9  }
0x524: {  	s9 =	smov.u32 s7;
	[tilespmem:v10+s29+$0x0] =	vst.idx.add.f32.msk $0xffff, v11  }
0x525: {  	[tilespmem:v7+s29+$0x0] =	vst.idx.add.f32.msk $0xffff, v6;
	v6 =	vadd.s32 $0xC800, v5  }
0x526: {  	v11 =	vadd.s32 $0xC800, v9;
	v7 =	vld [tilespmem:s7+$0x90]  }
0x527: {  	v16 =	vld [tilespmem:s17+$0xFFFFFEC0]  }
0x528: {  	v17 =	vadd.s32 $0x2800, v10;
	[tilespmem:v14+s29+$0x0] =	vst.idx.add.f32.msk $0xffff, v12  }
0x529: {  	v12 =	vld [tilespmem:s4+$0xFFFFFFE0]  }
0x52a: {  	v14 =	vadd.s32 $0x7800, v8;
	[tilespmem:v6+s29+$0x0] =	vst.idx.add.f32.msk $0xffff, v13  }
0x52b: {  	[tilespmem:v11+s29+$0x0] =	vst.idx.add.f32.msk $0xffff, v7  }
0x52c: {  	v7 =	vadd.s32 $0xF000, v9;
	v6 =	vld [tilespmem:s7+$0x110]  }
0x52d: {  	[tilespmem:v17+s29+$0x0] =	vst.idx.add.f32.msk $0xffff, v16  }
0x52e: {  	v13 =	vadd.s32 $0x5000, v10;
	v11 =	vld [tilespmem:s17+$0xFFFFFF40]  }
0x52f: {  	[tilespmem:v14+s29+$0x0] =	vst.idx.add.f32.msk $0xffff, v12  }
0x530: {  	v14 =	vadd.s32 $0xA000, v8;
	v12 =	vld [tilespmem:s4+$0x60]  }
0x531: {  	[tilespmem:v7+s29+$0x0] =	vst.idx.add.f32.msk $0xffff, v6  }
0x532: {  	v7 =	vadd.s32 $0x11800, v9;
	v6 =	vld [tilespmem:s7+$0x190]  }
0x533: {  	[tilespmem:v13+s29+$0x0] =	vst.idx.add.f32.msk $0xffff, v11  }
0x534: {  	v9 =	vld [tilespmem:s17+$0xFFFFFFC0]  }
0x535: {  	v11 =	vadd.s32 $0x7800, v10;
	[tilespmem:v14+s29+$0x0] =	vst.idx.add.f32.msk $0xffff, v12  }
0x536: {  	v12 =	vld [tilespmem:s4+$0xE0]  }
0x537: {  	[tilespmem:v7+s29+$0x0] =	vst.idx.add.f32.msk $0xffff, v6;
	v7 =	vadd.s32 $0xC800, v8  }
0x538: {  	v6 =	vld.idx.msk [tilespmem:v2+s21+$0x1020 ss:$0x1], $0xffff  }
0x539: {  	v14 =	vadd.s32 $0x11800, v4;
	v4 =	vmov v5;
	v13 =	vld [tilespmem:s7+$0xFFFFFE20]  }
0x53a: {  	[tilespmem:v11+s29+$0x0] =	vst.idx.add.f32.msk $0xffff, v9  }
0x53b: {  	v5 =	vld [tilespmem:s17+$0x40]  }
0x53c: {  	[tilespmem:v7+s29+$0x0] =	vst.idx.add.f32.msk $0xffff, v12  }
0x53d: {  	v9 =	vadd.s32 $0xA000, v10;
	v11 =	vld [tilespmem:s4+$0x160]  }
0x53e: {  	v7 =	vld [tilespmem:s3+$0x170]  }
0x53f: {  	v12 =	vadd.s32 $0xF000, v8;
	[tilespmem:v14+s29+$0x0] =	vst.idx.add.f32.msk $0xffff, v15  }
0x540: {  	[tilespmem:v6+s29+$0x0] =	vst.idx.add.f32.msk $0xffff, v13  }
0x541: {  	v14 =	vadd.s32 $0x2800, v6;
	v13 =	vld [tilespmem:s7+$0xFFFFFEA0]  }
0x542: {  	[tilespmem:v9+s29+$0x0] =	vst.idx.add.f32.msk $0xffff, v5  }
0x543: {  	v9 =	vadd.s32 $0xC800, v10;
	v5 =	vld [tilespmem:s17+$0xC0]  }
0x544: {  	[tilespmem:v12+s29+$0x0] =	vst.idx.add.f32.msk $0xffff, v11  }
0x545: {  	v8 =	vadd.s32 $0x11800, v8;
	v11 =	vld [tilespmem:s4+$0x1E0]  }
0x546: {  	[tilespmem:v14+s29+$0x0] =	vst.idx.add.f32.msk $0xffff, v13  }
0x547: {  	v13 =	vadd.s32 $0x5000, v6;
	v12 =	vld [tilespmem:s7+$0xFFFFFF20]  }
0x548: {  	[tilespmem:v9+s29+$0x0] =	vst.idx.add.f32.msk $0xffff, v5  }
0x549: {  	v14 =	vadd.s32 $0xF000, v10;
	v9 =	vld [tilespmem:s17+$0x140]  }
0x54a: {  	[tilespmem:v8+s29+$0x0] =	vst.idx.add.f32.msk $0xffff, v11  }
.Ltmp10:
0x54b: {  	v5 =	vld.idx.msk [tilespmem:v2+s15+$0x1070 ss:$0x1], $0xffff;
	s15 =	smov.u32 s24;
	s24 =	smov.u32 s21;
	(pc) =	sbr.rel @!p4 .LBB2_18-.Ltmp10, $4  }
0x54c: {  	v8 =	vadd.s32 $0xF000, v4;
	[tilespmem:v13+s29+$0x0] =	vst.idx.add.f32.msk $0xffff, v12  }
0x54d: {  	v12 =	vadd.s32 $0x7800, v6;
	v11 =	vld [tilespmem:s7+$0xFFFFFFA0]  }
0x54e: {  	[tilespmem:v14+s29+$0x0] =	vst.idx.add.f32.msk $0xffff, v9  }
0x54f: {  	v10 =	vadd.s32 $0x11800, v10;
	v9 =	vld [tilespmem:s17+$0x1C0]  }
0x550: {  	s0 =	smov.u32 s4  }
0x551: {  	s7 =	smov.u32 s15;
	s4 =	smov.u32 s17;
	s15 =	smov.u32 s24  }
.LBB2_20:
0x552: {  	_ =	sdelay $0x3  }
0x553: {  	[tilespmem:v12+s29+$0x0] =	vst.idx.add.f32.msk $0xffff, v11  }
0x554: {  	v27 =	vadd.s32 $0xA000, v6;
	v11 =	vld [tilespmem:s9+$0x20];
	_ =	sdelay $0x4  }
0x555: {  	[tilespmem:v27+s29+$0x0] =	vst.idx.add.f32.msk $0xffff, v11  }
0x556: {  	v28 =	vadd.s32 $0xC800, v6;
	v11 =	vld [tilespmem:s9+$0xA0];
	_ =	sdelay $0x4  }
0x557: {  	[tilespmem:v28+s29+$0x0] =	vst.idx.add.f32.msk $0xffff, v11  }
0x558: {  	v29 =	vadd.s32 $0xF000, v6;
	v11 =	vld [tilespmem:s9+$0x120];
	_ =	sdelay $0x4  }
0x559: {  	[tilespmem:v29+s29+$0x0] =	vst.idx.add.f32.msk $0xffff, v11  }
0x55a: {  	v30 =	vadd.s32 $0x11800, v6;
	v11 =	vld [tilespmem:s9+$0x1A0];
	_ =	sdelay $0x4  }
0x55b: {  	[tilespmem:v30+s29+$0x0] =	vst.idx.add.f32.msk $0xffff, v11  }
0x55c: {  	v6 =	vld.idx.msk [tilespmem:v2+s15+$0x1030 ss:$0x1], $0xffff;
	_ =	sdelay $0x2  }
0x55d: {  	v11 =	vld [tilespmem:s9+$0xFFFFFE30];
	_ =	sdelay $0x4  }
0x55e: {  	[tilespmem:v6+s29+$0x0] =	vst.idx.add.f32.msk $0xffff, v11  }
0x55f: {  	v31 =	vadd.s32 $0x2800, v6;
	v11 =	vld [tilespmem:s9+$0xFFFFFEB0];
	_ =	sdelay $0x4  }
0x560: {  	[tilespmem:v31+s29+$0x0] =	vst.idx.add.f32.msk $0xffff, v11  }
0x561: {  	v32 =	vadd.s32 $0x5000, v6;
	v11 =	vld [tilespmem:s9+$0xFFFFFF30];
	_ =	sdelay $0x4  }
0x562: {  	[tilespmem:v32+s29+$0x0] =	vst.idx.add.f32.msk $0xffff, v11  }
0x563: {  	v33 =	vadd.s32 $0x7800, v6;
	v11 =	vld [tilespmem:s9+$0xFFFFFFB0];
	_ =	sdelay $0x4  }
0x564: {  	[tilespmem:v33+s29+$0x0] =	vst.idx.add.f32.msk $0xffff, v11  }
0x565: {  	v34 =	vadd.s32 $0xA000, v6;
	v11 =	vld [tilespmem:s9+$0x30];
	_ =	sdelay $0x4  }
0x566: {  	[tilespmem:v34+s29+$0x0] =	vst.idx.add.f32.msk $0xffff, v11  }
0x567: {  	v35 =	vadd.s32 $0xC800, v6;
	v11 =	vld [tilespmem:s9+$0xB0];
	_ =	sdelay $0x4  }
0x568: {  	[tilespmem:v35+s29+$0x0] =	vst.idx.add.f32.msk $0xffff, v11  }
0x569: {  	v36 =	vadd.s32 $0xF000, v6;
	v11 =	vld [tilespmem:s9+$0x130];
	_ =	sdelay $0x4  }
0x56a: {  	[tilespmem:v36+s29+$0x0] =	vst.idx.add.f32.msk $0xffff, v11  }
0x56b: {  	v6 =	vadd.s32 $0x11800, v6;
	v11 =	vld [tilespmem:s9+$0x1B0];
	_ =	sdelay $0x4  }
0x56c: {  	[tilespmem:v6+s29+$0x0] =	vst.idx.add.f32.msk $0xffff, v11  }
0x56d: {  	v6 =	vld.idx.msk [tilespmem:v2+s15+$0x1040 ss:$0x1], $0xffff;
	_ =	sdelay $0x2  }
0x56e: {  	v11 =	vld [tilespmem:s9+$0xFFFFFE40];
	_ =	sdelay $0x4  }
0x56f: {  	[tilespmem:v6+s29+$0x0] =	vst.idx.add.f32.msk $0xffff, v11  }
0x570: {  	v37 =	vadd.s32 $0x2800, v6;
	v11 =	vld [tilespmem:s9+$0xFFFFFEC0];
	_ =	sdelay $0x4  }
0x571: {  	[tilespmem:v37+s29+$0x0] =	vst.idx.add.f32.msk $0xffff, v11  }
0x572: {  	v38 =	vadd.s32 $0x5000, v6;
	v11 =	vld [tilespmem:s9+$0xFFFFFF40];
	_ =	sdelay $0x4  }
0x573: {  	[tilespmem:v38+s29+$0x0] =	vst.idx.add.f32.msk $0xffff, v11  }
0x574: {  	v39 =	vadd.s32 $0x7800, v6;
	v11 =	vld [tilespmem:s9+$0xFFFFFFC0];
	_ =	sdelay $0x4  }
0x575: {  	[tilespmem:v39+s29+$0x0] =	vst.idx.add.f32.msk $0xffff, v11  }
0x576: {  	v40 =	vadd.s32 $0xA000, v6;
	v11 =	vld [tilespmem:s9+$0x40];
	_ =	sdelay $0x4  }
0x577: {  	[tilespmem:v40+s29+$0x0] =	vst.idx.add.f32.msk $0xffff, v11  }
0x578: {  	v41 =	vadd.s32 $0xC800, v6;
	v11 =	vld [tilespmem:s9+$0xC0];
	_ =	sdelay $0x3  }
0x579: {  	[tilespmem:v10+s29+$0x0] =	vst.idx.add.f32.msk @p1 $0xffff, v9  }
0x57a: {  	[tilespmem:v41+s29+$0x0] =	vst.idx.add.f32.msk $0xffff, v11  }
0x57b: {  	v43 =	vadd.s32 $0xF000, v6;
	v42 =	vld [tilespmem:s9+$0x140]  }
0x57c: {  	v11 =	vld.idx.msk @p1 [tilespmem:v2+s7+$0x1050 ss:$0x1], $0xffff;
	_ =	sdelay $0x2  }
0x57d: {  	v12 =	vld @p1 [tilespmem:s4+$0xFFFFFE50]  }
0x57e: {  	[tilespmem:v43+s29+$0x0] =	vst.idx.add.f32.msk $0xffff, v42  }
0x57f: {  	v6 =	vadd.s32 $0x11800, v6;
	v9 =	vld [tilespmem:s9+$0x1C0];
	_ =	sdelay $0x2  }
0x580: {  	[tilespmem:v11+s29+$0x0] =	vst.idx.add.f32.msk @p1 $0xffff, v12  }
0x581: {  	v10 =	vld @p1 [tilespmem:s4+$0xFFFFFED0]  }
0x582: {  	v12 =	vadd.s32 @p1 $0x2800, v11;
	[tilespmem:v6+s29+$0x0] =	vst.idx.add.f32.msk $0xffff, v9  }
0x583: {  	v6 =	vld.idx.msk [tilespmem:v2+s15+$0x1050 ss:$0x1], $0xffff;
	_ =	sdelay $0x2  }
0x584: {  	v9 =	vld [tilespmem:s9+$0xFFFFFE50]  }
0x585: {  	[tilespmem:v12+s29+$0x0] =	vst.idx.add.f32.msk @p1 $0xffff, v10  }
0x586: {  	v12 =	vadd.s32 @p1 $0x5000, v11;
	v10 =	vld @p1 [tilespmem:s4+$0xFFFFFF50];
	_ =	sdelay $0x2  }
0x587: {  	[tilespmem:v6+s29+$0x0] =	vst.idx.add.f32.msk $0xffff, v9  }
0x588: {  	v13 =	vadd.s32 $0x2800, v6;
	v9 =	vld [tilespmem:s9+$0xFFFFFED0]  }
0x589: {  	[tilespmem:v12+s29+$0x0] =	vst.idx.add.f32.msk @p1 $0xffff, v10  }
0x58a: {  	v12 =	vadd.s32 @p1 $0x7800, v11;
	v10 =	vld @p1 [tilespmem:s4+$0xFFFFFFD0];
	_ =	sdelay $0x2  }
0x58b: {  	[tilespmem:v13+s29+$0x0] =	vst.idx.add.f32.msk $0xffff, v9  }
0x58c: {  	v44 =	vadd.s32 $0x5000, v6;
	v9 =	vld [tilespmem:s9+$0xFFFFFF50]  }
0x58d: {  	[tilespmem:v12+s29+$0x0] =	vst.idx.add.f32.msk @p1 $0xffff, v10  }
0x58e: {  	v12 =	vadd.s32 @p1 $0xA000, v11;
	v10 =	vld @p1 [tilespmem:s4+$0x50];
	_ =	sdelay $0x2  }
0x58f: {  	[tilespmem:v44+s29+$0x0] =	vst.idx.add.f32.msk $0xffff, v9  }
0x590: {  	v45 =	vadd.s32 $0x7800, v6;
	v9 =	vld [tilespmem:s9+$0xFFFFFFD0]  }
0x591: {  	[tilespmem:v12+s29+$0x0] =	vst.idx.add.f32.msk @p1 $0xffff, v10  }
0x592: {  	v12 =	vadd.s32 @p1 $0xC800, v11;
	v10 =	vld @p1 [tilespmem:s4+$0xD0];
	_ =	sdelay $0x2  }
0x593: {  	[tilespmem:v45+s29+$0x0] =	vst.idx.add.f32.msk $0xffff, v9  }
0x594: {  	v46 =	vadd.s32 $0xA000, v6;
	v9 =	vld [tilespmem:s9+$0x50]  }
0x595: {  	[tilespmem:v12+s29+$0x0] =	vst.idx.add.f32.msk @p1 $0xffff, v10  }
0x596: {  	v12 =	vadd.s32 @p1 $0xF000, v11;
	v10 =	vld @p1 [tilespmem:s4+$0x150];
	_ =	sdelay $0x2  }
0x597: {  	[tilespmem:v46+s29+$0x0] =	vst.idx.add.f32.msk $0xffff, v9  }
0x598: {  	v47 =	vadd.s32 $0xC800, v6;
	v9 =	vld [tilespmem:s9+$0xD0]  }
0x599: {  	[tilespmem:v12+s29+$0x0] =	vst.idx.add.f32.msk @p1 $0xffff, v10  }
0x59a: {  	v11 =	vadd.s32 @p1 $0x11800, v11;
	v10 =	vld @p1 [tilespmem:s4+$0x1D0];
	_ =	sdelay $0x2  }
0x59b: {  	[tilespmem:v47+s29+$0x0] =	vst.idx.add.f32.msk $0xffff, v9  }
0x59c: {  	v48 =	vadd.s32 $0xF000, v6;
	v9 =	vld [tilespmem:s9+$0x150]  }
0x59d: {  	[tilespmem:v11+s29+$0x0] =	vst.idx.add.f32.msk @p1 $0xffff, v10  }
0x59e: {  	v10 =	vld.idx.msk @p1 [tilespmem:v2+s7+$0x1060 ss:$0x1], $0xffff;
	_ =	sdelay $0x1  }
0x59f: {  	v11 =	vld @p1 [tilespmem:s4+$0xFFFFFE60]  }
0x5a0: {  	[tilespmem:v48+s29+$0x0] =	vst.idx.add.f32.msk $0xffff, v9  }
0x5a1: {  	v6 =	vadd.s32 $0x11800, v6;
	v9 =	vld [tilespmem:s9+$0x1D0];
	_ =	sdelay $0x3  }
0x5a2: {  	[tilespmem:v10+s29+$0x0] =	vst.idx.add.f32.msk @p1 $0xffff, v11  }
0x5a3: {  	[tilespmem:v6+s29+$0x0] =	vst.idx.add.f32.msk $0xffff, v9  }
0x5a4: {  	v9 =	vld @p1 [tilespmem:s4+$0xFFFFFEE0]  }
0x5a5: {  	v11 =	vadd.s32 @p1 $0x2800, v10;
	v6 =	vld.idx.msk [tilespmem:v2+s15+$0x1060 ss:$0x1], $0xffff;
	_ =	sdelay $0x2  }
0x5a6: {  	v12 =	vld [tilespmem:s9+$0xFFFFFE60];
	_ =	sdelay $0x1  }
0x5a7: {  	[tilespmem:v11+s29+$0x0] =	vst.idx.add.f32.msk @p1 $0xffff, v9  }
0x5a8: {  	v11 =	vadd.s32 @p1 $0x5000, v10;
	v9 =	vld @p1 [tilespmem:s4+$0xFFFFFF60];
	_ =	sdelay $0x1  }
0x5a9: {  	[tilespmem:v6+s29+$0x0] =	vst.idx.add.f32.msk $0xffff, v12  }
0x5aa: {  	v49 =	vadd.s32 $0x2800, v6;
	v12 =	vld [tilespmem:s9+$0xFFFFFEE0];
	_ =	sdelay $0x1  }
0x5ab: {  	[tilespmem:v11+s29+$0x0] =	vst.idx.add.f32.msk @p1 $0xffff, v9  }
0x5ac: {  	v11 =	vadd.s32 @p1 $0x7800, v10;
	v9 =	vld @p1 [tilespmem:s4+$0xFFFFFFE0];
	_ =	sdelay $0x1  }
0x5ad: {  	[tilespmem:v49+s29+$0x0] =	vst.idx.add.f32.msk $0xffff, v12  }
0x5ae: {  	v50 =	vadd.s32 $0x5000, v6;
	v12 =	vld [tilespmem:s9+$0xFFFFFF60];
	_ =	sdelay $0x1  }
0x5af: {  	[tilespmem:v11+s29+$0x0] =	vst.idx.add.f32.msk @p1 $0xffff, v9  }
0x5b0: {  	v11 =	vadd.s32 @p1 $0xA000, v10;
	v9 =	vld @p1 [tilespmem:s4+$0x60];
	_ =	sdelay $0x1  }
0x5b1: {  	[tilespmem:v50+s29+$0x0] =	vst.idx.add.f32.msk $0xffff, v12  }
0x5b2: {  	v51 =	vadd.s32 $0x7800, v6;
	v12 =	vld [tilespmem:s9+$0xFFFFFFE0];
	_ =	sdelay $0x1  }
0x5b3: {  	[tilespmem:v11+s29+$0x0] =	vst.idx.add.f32.msk @p1 $0xffff, v9  }
0x5b4: {  	v11 =	vadd.s32 @p1 $0xC800, v10;
	v9 =	vld @p1 [tilespmem:s4+$0xE0];
	_ =	sdelay $0x1  }
0x5b5: {  	[tilespmem:v51+s29+$0x0] =	vst.idx.add.f32.msk $0xffff, v12  }
0x5b6: {  	v52 =	vadd.s32 $0xA000, v6;
	v12 =	vld [tilespmem:s9+$0x60];
	_ =	sdelay $0x1  }
0x5b7: {  	[tilespmem:v11+s29+$0x0] =	vst.idx.add.f32.msk @p1 $0xffff, v9  }
0x5b8: {  	v11 =	vadd.s32 @p1 $0xF000, v10;
	v9 =	vld @p1 [tilespmem:s4+$0x160];
	_ =	sdelay $0x1  }
0x5b9: {  	[tilespmem:v52+s29+$0x0] =	vst.idx.add.f32.msk $0xffff, v12  }
0x5ba: {  	v53 =	vadd.s32 $0xC800, v6;
	v12 =	vld [tilespmem:s9+$0xE0];
	_ =	sdelay $0x1  }
0x5bb: {  	[tilespmem:v11+s29+$0x0] =	vst.idx.add.f32.msk @p1 $0xffff, v9  }
0x5bc: {  	v10 =	vadd.s32 @p1 $0x11800, v10;
	v9 =	vld @p1 [tilespmem:s4+$0x1E0];
	_ =	sdelay $0x1  }
0x5bd: {  	[tilespmem:v53+s29+$0x0] =	vst.idx.add.f32.msk $0xffff, v12  }
0x5be: {  	v55 =	vadd.s32 $0xF000, v6;
	v54 =	vld [tilespmem:s9+$0x160];
	_ =	sdelay $0x1  }
0x5bf: {  	[tilespmem:v10+s29+$0x0] =	vst.idx.add.f32.msk @p1 $0xffff, v9  }
0x5c0: {  	v10 =	vld.idx.msk @p1 [tilespmem:v2+s7+$0x1070 ss:$0x1], $0xffff  }
0x5c1: {  	v14 =	vld @p2 [tilespmem:s0+$0xFFFFFE70]  }
0x5c2: {  	[tilespmem:v55+s29+$0x0] =	vst.idx.add.f32.msk $0xffff, v54  }
0x5c3: {  	v6 =	vadd.s32 $0x11800, v6;
	v56 =	vld [tilespmem:s9+$0x1E0]  }
0x5c4: {  	s11 =	smov.u32 @p1 s4  }
0x5c5: {  	v12 =	vld @p1 [tilespmem:s11+$0xFFFFFE70];
	v3 =	vpsel p1, v10, v3  }
0x5c6: {  	[tilespmem:v5+s29+$0x0] =	vst.idx.add.f32.msk @p2 $0xffff, v14  }
0x5c7: {  	v13 =	vld @p2 [tilespmem:s0+$0xFFFFFEF0]  }
0x5c8: {  	[tilespmem:v6+s29+$0x0] =	vst.idx.add.f32.msk $0xffff, v56  }
0x5c9: {  	v14 =	vadd.s32 @p2 $0x2800, v5;
	v2 =	vld.idx.msk [tilespmem:v2+s15+$0x1070 ss:$0x1], $0xffff  }
0x5ca: {  	[tilespmem:v3+s29+$0x0] =	vst.idx.add.f32.msk @p1 $0xffff, v12  }
0x5cb: {  	v10 =	vadd.s32 @p1 $0x2800, v3;
	v9 =	vld @p1 [tilespmem:s11+$0xFFFFFEF0]  }
0x5cc: {  	[tilespmem:v8+s29+$0x0] =	vst.idx.add.f32.msk @p3 $0xffff, v7  }
0x5cd: {  	v6 =	vld [tilespmem:s9+$0xFFFFFE70]  }
0x5ce: {  	[tilespmem:v14+s29+$0x0] =	vst.idx.add.f32.msk @p2 $0xffff, v13  }
0x5cf: {  	v13 =	vadd.s32 @p2 $0x5000, v5;
	v11 =	vld @p2 [tilespmem:s0+$0xFFFFFF70]  }
0x5d0: {  	[tilespmem:v10+s29+$0x0] =	vst.idx.add.f32.msk @p1 $0xffff, v9  }
0x5d1: {  	v10 =	vadd.s32 @p1 $0x5000, v3;
	v9 =	vld @p1 [tilespmem:s11+$0xFFFFFF70]  }
0x5d2: {  	[tilespmem:v2+s29+$0x0] =	vst.idx.add.f32.msk $0xffff, v6  }
0x5d3: {  	v57 =	vadd.s32 $0x2800, v2;
	v6 =	vld [tilespmem:s9+$0xFFFFFEF0]  }
0x5d4: {  	[tilespmem:v13+s29+$0x0] =	vst.idx.add.f32.msk @p2 $0xffff, v11  }
0x5d5: {  	v11 =	vld @p2 [tilespmem:s0+$0xFFFFFFF0];
	v12 =	vadd.s32 @p2 $0x7800, v5  }
0x5d6: {  	[tilespmem:v10+s29+$0x0] =	vst.idx.add.f32.msk @p1 $0xffff, v9  }
0x5d7: {  	v10 =	vadd.s32 @p1 $0x7800, v3;
	v9 =	vld @p1 [tilespmem:s11+$0xFFFFFFF0]  }
0x5d8: {  	[tilespmem:v57+s29+$0x0] =	vst.idx.add.f32.msk $0xffff, v6  }
0x5d9: {  	v58 =	vadd.s32 $0x5000, v2;
	v6 =	vld [tilespmem:s9+$0xFFFFFF70]  }
0x5da: {  	[tilespmem:v12+s29+$0x0] =	vst.idx.add.f32.msk @p2 $0xffff, v11  }
0x5db: {  	v13 =	vadd.s32 @p2 $0xA000, v5;
	v12 =	vld @p2 [tilespmem:s0+$0x70]  }
0x5dc: {  	[tilespmem:v10+s29+$0x0] =	vst.idx.add.f32.msk @p1 $0xffff, v9  }
0x5dd: {  	v10 =	vadd.s32 @p1 $0xA000, v3;
	v9 =	vld @p1 [tilespmem:s11+$0x70]  }
0x5de: {  	[tilespmem:v58+s29+$0x0] =	vst.idx.add.f32.msk $0xffff, v6  }
0x5df: {  	v59 =	vadd.s32 $0x7800, v2;
	v6 =	vld [tilespmem:s9+$0xFFFFFFF0]  }
0x5e0: {  	[tilespmem:v13+s29+$0x0] =	vst.idx.add.f32.msk @p2 $0xffff, v12  }
0x5e1: {  	v12 =	vld @p2 [tilespmem:s0+$0xF0]  }
0x5e2: {  	[tilespmem:v10+s29+$0x0] =	vst.idx.add.f32.msk @p1 $0xffff, v9  }
0x5e3: {  	v13 =	vadd.s32 @p2 $0xC800, v5;
	v7 =	vld @p1 [tilespmem:s11+$0xF0]  }
0x5e4: {  	v8 =	vadd.s32 @p1 $0xC800, v3;
	[tilespmem:v59+s29+$0x0] =	vst.idx.add.f32.msk $0xffff, v6  }
0x5e5: {  	v60 =	vadd.s32 $0xA000, v2;
	v6 =	vld [tilespmem:s9+$0x70];
	_ =	sdelay $0x2  }
0x5e6: {  	[tilespmem:v13+s29+$0x0] =	vst.idx.add.f32.msk @p2 $0xffff, v12  }
0x5e7: {  	[tilespmem:v8+s29+$0x0] =	vst.idx.add.f32.msk @p1 $0xffff, v7  }
0x5e8: {  	[tilespmem:v60+s29+$0x0] =	vst.idx.add.f32.msk $0xffff, v6  }
0x5e9: {  	s4 =	smov.u32 @p1 s11;
	v61 =	vadd.s32 $0xC800, v2;
	v6 =	vld [tilespmem:s9+$0xF0]  }
0x5ea: {  	v8 =	vadd.s32 @p1 $0xF000, v3;
	v7 =	vld @p1 [tilespmem:s4+$0x170]  }
0x5eb: {  	v11 =	vadd.s32 @p2 $0xF000, v5;
	v10 =	vld @p2 [tilespmem:s0+$0x170];
	v8 =	vpsel p1, v8, v0  }
0x5ec: {  	v11 =	vpsel p2, v11, v0  }
0x5ed: {  	v12 =	vld @p3 [tilespmem:s3+$0x1F0]  }
0x5ee: {  	[tilespmem:v61+s29+$0x0] =	vst.idx.add.f32.msk $0xffff, v6  }
0x5ef: {  	v62 =	vadd.s32 $0xF000, v2;
	v7 =	vpsel p1, v7, v0;
	v9 =	vld [tilespmem:s9+$0x170]  }
0x5f0: {  	[tilespmem:v8+s29+$0x0] =	vst.idx.add.f32.msk @p1 $0xffff, v7;
	v6 =	vpsel p2, v10, v0  }
0x5f1: {  	s0 =	smov.u32 @p2 s0;
	[tilespmem:v11+s29+$0x0] =	vst.idx.add.f32.msk @p2 $0xffff, v6  }
0x5f2: {  	v4 =	vadd.s32 @p3 $0x11800, v4;
	v5 =	vpsel p2, v5, v0;
	v6 =	vld @p2 [tilespmem:s0+$0x1F0];
	s0 =	smov.u32 @p1 s4  }
0x5f3: {  	v5 =	vadd.s32 @p2 $0x11800, v5;
	v3 =	vpsel p1, v3, v0;
	v7 =	vld @p1 [tilespmem:s0+$0x1F0]  }
0x5f4: {  	v3 =	vadd.s32 @p1 $0x11800, v3;
	[tilespmem:v62+s29+$0x0] =	vst.idx.add.f32.msk $0xffff, v9  }
0x5f5: {  	v2 =	vadd.s32 $0x11800, v2;
	v63 =	vld [tilespmem:s9+$0x1F0]  }
.Ltmp11:
0x5f6: {  	_ = 	snop;
	(pc) =	sbr.rel @p0 .LBB2_22-.Ltmp11, $4  }
0x5f7: {  	[tilespmem:v4+s29+$0x0] =	vst.idx.add.f32.msk @p3 $0xffff, v12  }
0x5f8: {  	[tilespmem:v5+s29+$0x0] =	vst.idx.add.f32.msk @p2 $0xffff, v6  }
0x5f9: {  	[tilespmem:v3+s29+$0x0] =	vst.idx.add.f32.msk @p1 $0xffff, v7  }
0x5fa: {  	[tilespmem:v2+s29+$0x0] =	vst.idx.add.f32.msk $0xffff, v63  }
0x5fb: {  	s0 =	sadd.s32 s10, s14  }
0x5fc: {  	s31 =	simm.s32 $0x0;
	s0 =	smin.u32 s0, $0x9B4  }
0x5fd: {  	s20 =	sadd.s32 $0x1, s20;
	s3 =	sshll.u32 s0, $0x5;
	s0 =	sshll.u32 s0, $0xA  }
.Ltmp12:
0x5fe: {  	s3 =	sadd.s32 s2, s3;
	s0 =	sadd.s32 s6, s0;
	(pc) =	sbr.rel .LBB2_8-.Ltmp12, $4  }
0x5ff: {  	[tilespmem:s25], [sflag:$0x2] =	stream.strided.gather [hbm4b:s3+s22], $0x800, s23, s22, $0x38;
	[tilespmem:$0x1FA80] =	vst v63  }
0x600: {  	s16 =	sadd.s32 $0xFFFFFFE0, s16;
	s18 =	sadd.s32 $0x1000, s18;
	s0 =	sshrl.u32 s0, $0x3  }
0x601: {  	s8 =	sadd.s32 $0x20, s8;
	s19 =	sadd.s32 $0x8000, s19;
	s0 =	sadd.s32 s1, s0  }
0x602: {  	[tilespmem:s26], [sflag:$0x2] =	stream.linear.gather [hbm4b:s0+s31], $0x4000, $0x38;
	[tilespmem:$0x1FA80] =	vst v63  }
.LBB2_11:
.Ltmp13:
0x603: {  	(pc) =	sbr.rel .LBB2_20-.Ltmp13, $2  }
0x604: {  	_ =	sdelay $0x2  }
0x605: {  	s9 =	smov.u32 s11;
	s15 =	simm.s32 $0x0  }
.LBB2_13:
.Ltmp14:
0x606: {  	(pc) =	sbr.rel .LBB2_20-.Ltmp14, $2  }
0x607: {  	_ =	sdelay $0x2  }
0x608: {  	s9 =	smov.u32 s4;
	s4 =	smov.u32 s11;
	s15 =	simm.s32 $0x80  }
.LBB2_15:
.Ltmp15:
0x609: {  	(pc) =	sbr.rel .LBB2_20-.Ltmp15, $2  }
0x60a: {  	_ =	sdelay $0x2  }
0x60b: {  	s0 =	smov.u32 s11;
	s9 =	smov.u32 s17;
	s7 =	simm.s32 $0x80;
	v5 =	vmov v3  }
.LBB2_17:
.Ltmp16:
0x60c: {  	(pc) =	sbr.rel .LBB2_20-.Ltmp16, $3  }
0x60d: {  	_ =	sdelay $0x1  }
0x60e: {  	s0 =	smov.u32 s4;
	s7 =	simm.s32 $0x100  }
0x60f: {  	s4 =	smov.u32 s17;
	s15 =	simm.s32 $0x180;
	s3 =	smov.u32 s11;
	v4 =	vmov v3  }
.LBB2_23:
0x610: {  	_ =	sfence.sel $0x180000  }
0x611: {  	[bflag:$0x0] =	sbarrier.arrive $0xFFFF  }
0x612: {  	_ =	strace $0x90000047  }
0x613: {  	s0 =	stileid.u32;
	[bflag:$0x2] =	sbarrier.arrive $0xFFFF  }
0x614: {  	p0 =	sne.s32 s0, $0x0;
	s0 =	rddreg [dreg:$0x4]  }
0x615: {  	s0 =	sadd.s32 @!p0 $0x100000, s0  }
0x616: {  	[sflag:s0] =	ssyncadd.tile.s32 @!p0 $0x1;
	_ =	shalt  }
.Lfunc_end2:
_tile_overlayer_lowered:
.L_overlay_start_2:
0x617: {  	(tag) =	ssettag $0x2  }
0x618: {  	s0 =	rddreg [dreg:$0x0];
	s2 =	stileid.u32  }
0x619: {  	s1 =	rddreg [dreg:$0x1];
	p0 =	sne.s32 s2, $0x0  }
0x61a: {  	s3 =	rddreg [dreg:$0x2];
	[bflag:$0x3] =	sbarrier.arrive $0xFFFF;
	s2 =	simm.s32 @!p0 $0x1C03  }
0x61b: {  	[timem:s3], [sflag:s2] =	dma.local @!p0 [hbm:s0], s1  }
0x61c: {  	s0 =	simm.s32 @!p0 $0x3  }
0x61d: {  	_ =	swait.ge @!p0 [sflag:s0], s1  }
0x61e: {  	s1 =	ssub.s32 @!p0 $0x0, s1;
	[sflag:s0] =	ssyncset.done @!p0 $0x0  }
0x61f: {  	[sflag:s0] =	ssyncadd.s32 @!p0 s1  }
0x620: {  	[bflag:$0x3] =	sbarrier.arrive $0xFFFF  }
0x621: {  	_ =	shalt  }

</sc_bundles>
